<compile_context>
chip_gen: v7x
topology: tpu7x:2x2x1
jax: 0.10.2.dev20260603
libtpu: 0.0.44.dev20260713+nightly
codegen_flags: <defaults>
</compile_context>

<pallas_src>
import functools

import jax
import jax.numpy as jnp
from jax import lax
from jax.experimental import pallas as pl
from jax.experimental.pallas import tpu as pltpu
from jax.experimental.pallas import tpu_sc as plsc

IN_F = 768
OUT_F = 768
R = 8
E = 64
TOPK = 8
NGRAM = 2
GAMMA = 0.5
TEMP = 1.0
ALPHA = 16.0

AB = 1024
TB = 1024

NW = 32
NC = 2
LANES = 16


def _anchor_z_kernel(x3_ref, la_ref, rh_ref, rd_ref, z_ref, h_scr, ds_scr, s_scr):
    p = pl.program_id(0)
    j = pl.program_id(1)
    sl = pl.ds(j * AB, AB)

    @pl.when(p == 0)
    def _():
        xa = x3_ref[...]
        h = lax.dot_general(xa, rh_ref[...], (((1,), (0,)), ((), ())),
                            preferred_element_type=jnp.float32)
        da = lax.dot_general(xa, la_ref[...], (((1,), (1,)), ((), ())),
                             preferred_element_type=jnp.float32)
        ds = lax.dot_general(da, rd_ref[...], (((1,), (0,)), ((), ())),
                             preferred_element_type=jnp.float32)
        h_scr[sl, :] = h
        ds_scr[sl, :] = ds
        hmax = jnp.max(jnp.abs(h))
        dmax = jnp.max(jnp.abs(ds))

        @pl.when(j == 0)
        def _():
            s_scr[0] = hmax
            s_scr[1] = dmax

        @pl.when(j > 0)
        def _():
            s_scr[0] = jnp.maximum(s_scr[0], hmax)
            s_scr[1] = jnp.maximum(s_scr[1], dmax)

    @pl.when(p == 1)
    def _():
        eps = 1e-6
        c1 = (1.0 - GAMMA) / (jnp.maximum(s_scr[0], eps) * max(TEMP, eps))
        c2 = GAMMA / (jnp.maximum(s_scr[1], eps) * max(TEMP, eps))
        logits = c1 * h_scr[sl, :] + c2 * ds_scr[sl, :]
        m = jnp.max(logits, axis=-1, keepdims=True)
        z_ref[...] = jnp.exp(logits - m)


def _sc_topk(z_hbm, w_hbm, zbuf, wbuf, tbuf):
    wid = lax.axis_index("s") * NC + lax.axis_index("c")
    apw = (2 * 8192 // NGRAM) // NW
    flat = apw * E
    base = wid * flat
    pltpu.sync_copy(z_hbm.at[pl.ds(base, flat)], zbuf)

    def tree_max(vals):
        while len(vals) > 1:
            vals = [jnp.maximum(vals[2 * i], vals[2 * i + 1])
                    for i in range(len(vals) // 2)] + vals[len(vals) & ~1:]
        return vals[0]

    zero = jnp.full((LANES,), 0.0, dtype=jnp.float32)
    lane64 = lax.broadcasted_iota(jnp.int32, (LANES,), 0) * E

    def group(g, carry):
        goff = g * (LANES * E)
        for e in range(E):
            tbuf[e] = plsc.load_gather(zbuf, [lane64 + (goff + e)])
        mk = jnp.full((LANES,), 1.0, dtype=jnp.float32)
        for _ in range(TOPK - 1):
            cand = []
            for c in range(4):
                chunk = []
                for i in range(LANES):
                    a = tbuf[c * LANES + i]
                    chunk.append(jnp.where(a < mk, a, zero))
                cand.append(tree_max(chunk))
            mk = tree_max(cand)
        for e in range(E):
            a = tbuf[e]
            plsc.store_scatter(wbuf, [lane64 + (goff + e)],
                               jnp.where(a >= mk, a, zero))
        return carry

    lax.fori_loop(0, apw // LANES, group, 0)
    pltpu.sync_copy(wbuf, w_hbm.at[pl.ds(base, flat)])


def _out_kernel(xf_ref, w_ref, la_ref, lb_ref, wm_ref, limes_ref, o_ref):
    xb = xf_ref[...]
    xw = lax.dot_general(xb.astype(jnp.bfloat16), w_ref[...].astype(jnp.bfloat16),
                         (((1,), (1,)), ((), ())),
                         preferred_element_type=jnp.float32)
    delta = lax.dot_general(xb, la_ref[...], (((1,), (1,)), ((), ())),
                            preferred_element_type=jnp.float32)
    wm = wm_ref[...]
    s = jnp.maximum(jnp.sum(wm, axis=-1, keepdims=True), 1e-9)
    mix = lax.dot_general(wm, limes_ref[...], (((1,), (0,)), ((), ())),
                          preferred_element_type=jnp.float32)
    p_mix = mix / s
    hbc = TB // NGRAM
    rows = lax.broadcasted_iota(jnp.int32, (TB, hbc), 0) // NGRAM
    cols = lax.broadcasted_iota(jnp.int32, (TB, hbc), 1)
    erep = (rows == cols).astype(jnp.float32)
    p_full = lax.dot_general(erep, p_mix, (((1,), (0,)), ((), ())),
                             preferred_element_type=jnp.float32)
    q = delta * p_full
    lora = lax.dot_general(q, lb_ref[...], (((1,), (1,)), ((), ())),
                           preferred_element_type=jnp.float32)
    o_ref[...] = xw + lora * (ALPHA / R)


def kernel(x, weight, lora_A, lora_B, router_h, router_d, limes):
    Bsz, T, _ = x.shape
    na = (T // NGRAM) * Bsz
    bt = Bsz * T
    x3 = x.reshape(na, NGRAM * IN_F)
    xf = x.reshape(bt, IN_F)

    nb = na // AB
    z_t = pl.pallas_call(
        _anchor_z_kernel,
        grid=(2, nb),
        in_specs=[
            pl.BlockSpec((AB, IN_F),
                         lambda p, j: (jnp.where(p == 0, j, nb - 1), NGRAM - 1)),
            pl.BlockSpec((R, IN_F), lambda p, j: (0, 0)),
            pl.BlockSpec((IN_F, E), lambda p, j: (0, 0)),
            pl.BlockSpec((R, E), lambda p, j: (0, 0)),
        ],
        out_specs=pl.BlockSpec((AB, E), lambda p, j: (j, 0)),
        out_shape=jax.ShapeDtypeStruct((na, E), jnp.float32),
        scratch_shapes=[
            pltpu.VMEM((na, E), jnp.float32),
            pltpu.VMEM((na, E), jnp.float32),
            pltpu.SMEM((2,), jnp.float32),
        ],
    )(x3, lora_A, router_h, router_d)

    apw = na // NW
    sc_topk = functools.partial(
        pl.kernel,
        out_type=jax.ShapeDtypeStruct((na * E,), jnp.float32),
        mesh=plsc.VectorSubcoreMesh(core_axis_name="c", subcore_axis_name="s"),
        compiler_params=pltpu.CompilerParams(needs_layout_passes=False),
        scratch_types=[
            pltpu.VMEM((apw * E,), jnp.float32),
            pltpu.VMEM((apw * E,), jnp.float32),
            pltpu.VMEM((E, LANES), jnp.float32),
        ],
    )(_sc_topk)
    w_t = sc_topk(z_t.reshape(-1)).reshape(na, E)

    out = pl.pallas_call(
        _out_kernel,
        grid=(bt // TB,),
        in_specs=[
            pl.BlockSpec((TB, IN_F), lambda j: (j, 0)),
            pl.BlockSpec((OUT_F, IN_F), lambda j: (0, 0)),
            pl.BlockSpec((R, IN_F), lambda j: (0, 0)),
            pl.BlockSpec((OUT_F, R), lambda j: (0, 0)),
            pl.BlockSpec((TB // NGRAM, E), lambda j: (j, 0)),
            pl.BlockSpec((E, R), lambda j: (0, 0)),
        ],
        out_specs=pl.BlockSpec((TB, OUT_F), lambda j: (j, 0)),
        out_shape=jax.ShapeDtypeStruct((bt, OUT_F), jnp.float32),
    )(xf, weight, lora_A, lora_B, w_t, limes)

    return out.reshape(Bsz, T, OUT_F)

# --- scband reference (transcript-rebuilt; emitter-appended) ---
"""Pipeline reference for scband-lo-rafali-melinear-17325898072230 (READ-ONLY COPY).

The authoritative reference and input builder live on the scoring server;
editing this copy changes nothing except your own understanding.
"""

import jax, jax.numpy as jnp
import numpy as np

IN_F = 768
OUT_F = 768
R = 8
E = 64
TOPK = 8
NGRAM = 2
GAMMA = 0.5
TEMP = 1.0
ALPHA = 16.0
BATCH = 2
SEQ = 8192


def _get_anchor_indices(T, n):
    num_full = T // n
    rem = T % n
    anchors = np.arange(n - 1, num_full * n, n)
    if rem > 0:
        anchors = np.concatenate([anchors, np.array([T - 1])])
    return jnp.asarray(anchors, dtype=jnp.int32)


def _expand_ngram_values(vals, T, n):
    B, Na, D = vals.shape
    num_full = T // n
    rem = T % n
    if rem == 0:
        return jnp.repeat(vals, n, axis=1)
    full = jnp.repeat(vals[:, :num_full, :], n, axis=1)
    last = jnp.broadcast_to(vals[:, -1:, :], (B, rem, D))
    return jnp.concatenate([full, last], axis=1)


def setup_inputs(seed: int = 0):
    key = jax.random.key(seed)
    ks = jax.random.split(key, 7)
    x = jax.random.normal(ks[0], (BATCH, SEQ, IN_F), dtype=jnp.float32)
    weight = jax.random.normal(ks[1], (OUT_F, IN_F), dtype=jnp.float32) * (1.0 / np.sqrt(IN_F))
    lora_A = jax.random.normal(ks[2], (R, IN_F), dtype=jnp.float32) * (1.0 / np.sqrt(IN_F))
    lora_B = jax.random.normal(ks[3], (OUT_F, R), dtype=jnp.float32) * 0.01
    router_h = jax.random.normal(ks[4], (IN_F, E), dtype=jnp.float32) * (1.0 / np.sqrt(IN_F))
    router_d = jax.random.normal(ks[5], (R, E), dtype=jnp.float32) * (1.0 / np.sqrt(R))
    limes = jax.random.normal(ks[6], (E, R), dtype=jnp.float32) * (1.0 / np.sqrt(R))
    return {"x": x, "weight": weight, "lora_A": lora_A, "lora_B": lora_B,
            "router_h": router_h, "router_d": router_d, "limes": limes}


def reference(x, weight, lora_A, lora_B, router_h, router_d, limes):
    eps = 1e-6
    Bsz, T, _ = x.shape
    # n-gram anchor routing: route only the last token of each n-gram group
    anchors = _get_anchor_indices(T, NGRAM)
    x_anchor = x[:, anchors, :]                      # (B, Na, IN_F)
    delta_anchor = x_anchor @ lora_A.T               # (B, Na, R)
    H_slice = x_anchor @ router_h                    # (B, Na, E)
    delta_slice = delta_anchor @ router_d            # (B, Na, E)
    # fused routing softmax (scale-normalized blend of hidden + LoRA-delta logits)
    H_scale = jnp.maximum(jnp.max(jnp.abs(H_slice)), eps)
    d_scale = jnp.maximum(jnp.max(jnp.abs(delta_slice)), eps)
    logits = (1.0 - GAMMA) * (H_slice / H_scale) + GAMMA * (delta_slice / d_scale)
    logits = logits * (1.0 / max(TEMP, eps))
    probs = jax.nn.softmax(logits, axis=-1)          # (B, Na, E)
    # sparse top-k expert mix over LiME vectors
    topk_vals, topk_idx = jax.lax.top_k(probs, TOPK)
    topk_vals = topk_vals / jnp.clip(jnp.sum(topk_vals, axis=-1, keepdims=True), 1e-9)
    selected = limes[topk_idx]                       # (B, Na, K, R) gather
    p_mix = jnp.sum(topk_vals[..., None] * selected, axis=-2)  # (B, Na, R)
    # expand anchor mixes back to every token in the group
    p_full = _expand_ngram_values(p_mix, T, NGRAM)   # (B, T, R)
    # LoRA-FA path: frozen A, per-token expert-mixed rank gating, trainable B
    delta_full = x @ lora_A.T                        # (B, T, R)
    lora_out = ((delta_full * p_full) @ lora_B.T) * (ALPHA / R)
    out = x @ weight.T + lora_out                    # (B, T, OUT_F)
    return out

if __name__ == "__main__":
    import jax
    _d = setup_inputs()
    print(jax.jit(kernel)(*tuple(_d.values())))

</pallas_src>

<mosaic_0001>
#map = affine_map<(d0, d1) -> (0)>
module attributes {stable_mosaic.version = 14 : i64} {
  func.func @_sc_topk(%arg0: i32, %arg1: i32, %arg2: memref<524288xf32, #tpu.memory_space<hbm>>, %arg3: memref<524288xf32, #tpu.memory_space<hbm>>, %arg4: memref<16384xf32, #tpu.memory_space<vmem>>, %arg5: memref<16384xf32, #tpu.memory_space<vmem>>, %arg6: memref<64x16xf32, #tpu.memory_space<vmem>>) attributes {dimension_semantics = [#tpu.dimension_semantics<core_parallel>, #tpu.dimension_semantics<subcore_parallel>], iteration_bounds = array<i64: 2, 16>, scalar_prefetch = 0 : i64, scratch_operands = 3 : i64, tpu.core_type = #tpu.core_type<sc_vector_subcore>, window_params = [{transform_indices = #map}, {transform_indices = #map}]} {
    %mul3A = arith.constant 2 : i32
    %mul3A_0 = arith.muli %arg1, %mul3A : i32
    %add3A = arith.addi %mul3A_0, %arg0 : i32
    %mul3A_1 = arith.constant 16384 : i32
    %mul3A_2 = arith.muli %add3A, %mul3A_1 : i32
    "tpu.region"() ({
      %run_scoped3A = tpu.sem_alloc : memref<!tpu.dma_semaphore, #tpu.memory_space<semaphore_mem>>
      %dma_start3A = tpu.memref_slice %arg2[%mul3A_2] : memref<524288xf32, #tpu.memory_space<hbm>> -> memref<16384xf32, #tpu.memory_space<hbm>>
      %dma_start3A_12 = tpu.memref_slice %arg2[%mul3A_2] : memref<524288xf32, #tpu.memory_space<hbm>> -> memref<16384xf32, #tpu.memory_space<hbm>>
      tpu.enqueue_dma source(%dma_start3A_12 : memref<16384xf32, #tpu.memory_space<hbm>>) target(%arg4 : memref<16384xf32, #tpu.memory_space<vmem>>) target_semaphore(%run_scoped3A : memref<!tpu.dma_semaphore, #tpu.memory_space<semaphore_mem>>)
      %dma_wait3A = tpu.memref_slice %arg2[%mul3A_2] : memref<524288xf32, #tpu.memory_space<hbm>> -> memref<16384xf32, #tpu.memory_space<hbm>>
      %dma_wait3A_13 = tpu.memref_slice %arg2[%mul3A_2] : memref<524288xf32, #tpu.memory_space<hbm>> -> memref<16384xf32, #tpu.memory_space<hbm>>
      tpu.wait_dma2 semaphore(%run_scoped3A : memref<!tpu.dma_semaphore, #tpu.memory_space<semaphore_mem>>) src(%dma_wait3A_13 : memref<16384xf32, #tpu.memory_space<hbm>>) dst(%arg4 : memref<16384xf32, #tpu.memory_space<vmem>>)
      tpu.yield
    }) : () -> ()
    %broadcast_in_dim3A = arith.constant 0.000000e+00 : f32
    %broadcast_in_dim3A_3 = vector.broadcast %broadcast_in_dim3A : f32 to vector<16xf32>
    %iota3A = tpu.iota {dimensions = array<i32: 0>} : vector<16xi32>
    %mul3A_4 = arith.constant 64 : i32
    %mul3A_5 = vector.broadcast %mul3A_4 : i32 to vector<16xi32>
    %mul3A_6 = arith.muli %iota3A, %mul3A_5 : vector<16xi32>
    %scan3A = arith.constant 0 : i32
    %scan3A_7 = arith.constant 0 : i32
    %scan3A_8 = arith.constant 16 : i32
    %scan3A_9 = arith.addi %scan3A_7, %scan3A_8 : i32
    %scan3A_10 = arith.constant 1 : i32
    scf.for %scan3A_12 = %scan3A_7 to %scan3A_9 step %scan3A_10  : i32 {
      %mul3A_13 = arith.constant 1024 : i32
      %mul3A_14 = arith.muli %scan3A_12, %mul3A_13 : i32
      %add3A_15 = arith.constant 0 : i32
      %add3A_16 = arith.addi %mul3A_14, %add3A_15 : i32
      %add3A_17 = vector.broadcast %add3A_16 : i32 to vector<16xi32>
      %add3A_18 = arith.addi %mul3A_6, %add3A_17 : vector<16xi32>
      %gather3A = tpu.vector_load_idx %arg4[%add3A_18] : memref<16384xf32, #tpu.memory_space<vmem>>[vector<16xi32>], vector<16xf32>,
      %swap3A = arith.constant 0 : i32
      %swap3A_19 = arith.index_cast %swap3A : i32 to index
      %swap3A_20 = arith.constant 0 : index
      %swap3A_21 = tpu.vector_load %arg6[%swap3A_19, %swap3A_20] {strides = array<i32>} : memref<64x16xf32, #tpu.memory_space<vmem>>, vector<16xf32>,
      tpu.vector_store %arg6[%swap3A_19, %swap3A_20], %gather3A {strides = array<i32>} : memref<64x16xf32, #tpu.memory_space<vmem>>, vector<16xf32>,
      %add3A_22 = arith.constant 1 : i32
      %add3A_23 = arith.addi %mul3A_14, %add3A_22 : i32
      %add3A_24 = vector.broadcast %add3A_23 : i32 to vector<16xi32>
      %add3A_25 = arith.addi %mul3A_6, %add3A_24 : vector<16xi32>
      %gather3A_26 = tpu.vector_load_idx %arg4[%add3A_25] : memref<16384xf32, #tpu.memory_space<vmem>>[vector<16xi32>], vector<16xf32>,
      %swap3A_27 = arith.constant 1 : i32
      %swap3A_28 = arith.index_cast %swap3A_27 : i32 to index
      %swap3A_29 = arith.constant 0 : index
      %swap3A_30 = tpu.vector_load %arg6[%swap3A_28, %swap3A_29] {strides = array<i32>} : memref<64x16xf32, #tpu.memory_space<vmem>>, vector<16xf32>,
      tpu.vector_store %arg6[%swap3A_28, %swap3A_29], %gather3A_26 {strides = array<i32>} : memref<64x16xf32, #tpu.memory_space<vmem>>, vector<16xf32>,
      %add3A_31 = arith.constant 2 : i32
      %add3A_32 = arith.addi %mul3A_14, %add3A_31 : i32
      %add3A_33 = vector.broadcast %add3A_32 : i32 to vector<16xi32>
      %add3A_34 = arith.addi %mul3A_6, %add3A_33 : vector<16xi32>
      %gather3A_35 = tpu.vector_load_idx %arg4[%add3A_34] : memref<16384xf32, #tpu.memory_space<vmem>>[vector<16xi32>], vector<16xf32>,
      %swap3A_36 = arith.constant 2 : i32
      %swap3A_37 = arith.index_cast %swap3A_36 : i32 to index
      %swap3A_38 = arith.constant 0 : index
      %swap3A_39 = tpu.vector_load %arg6[%swap3A_37, %swap3A_38] {strides = array<i32>} : memref<64x16xf32, #tpu.memory_space<vmem>>, vector<16xf32>,
      tpu.vector_store %arg6[%swap3A_37, %swap3A_38], %gather3A_35 {strides = array<i32>} : memref<64x16xf32, #tpu.memory_space<vmem>>, vector<16xf32>,
      %add3A_40 = arith.constant 3 : i32
      %add3A_41 = arith.addi %mul3A_14, %add3A_40 : i32
      %add3A_42 = vector.broadcast %add3A_41 : i32 to vector<16xi32>
      %add3A_43 = arith.addi %mul3A_6, %add3A_42 : vector<16xi32>
      %gather3A_44 = tpu.vector_load_idx %arg4[%add3A_43] : memref<16384xf32, #tpu.memory_space<vmem>>[vector<16xi32>], vector<16xf32>,
      %swap3A_45 = arith.constant 3 : i32
      %swap3A_46 = arith.index_cast %swap3A_45 : i32 to index
      %swap3A_47 = arith.constant 0 : index
      %swap3A_48 = tpu.vector_load %arg6[%swap3A_46, %swap3A_47] {strides = array<i32>} : memref<64x16xf32, #tpu.memory_space<vmem>>, vector<16xf32>,
      tpu.vector_store %arg6[%swap3A_46, %swap3A_47], %gather3A_44 {strides = array<i32>} : memref<64x16xf32, #tpu.memory_space<vmem>>, vector<16xf32>,
      %add3A_49 = arith.constant 4 : i32
      %add3A_50 = arith.addi %mul3A_14, %add3A_49 : i32
      %add3A_51 = vector.broadcast %add3A_50 : i32 to vector<16xi32>
      %add3A_52 = arith.addi %mul3A_6, %add3A_51 : vector<16xi32>
      %gather3A_53 = tpu.vector_load_idx %arg4[%add3A_52] : memref<16384xf32, #tpu.memory_space<vmem>>[vector<16xi32>], vector<16xf32>,
      %swap3A_54 = arith.constant 4 : i32
      %swap3A_55 = arith.index_cast %swap3A_54 : i32 to index
      %swap3A_56 = arith.constant 0 : index
      %swap3A_57 = tpu.vector_load %arg6[%swap3A_55, %swap3A_56] {strides = array<i32>} : memref<64x16xf32, #tpu.memory_space<vmem>>, vector<16xf32>,
      tpu.vector_store %arg6[%swap3A_55, %swap3A_56], %gather3A_53 {strides = array<i32>} : memref<64x16xf32, #tpu.memory_space<vmem>>, vector<16xf32>,
      %add3A_58 = arith.constant 5 : i32
      %add3A_59 = arith.addi %mul3A_14, %add3A_58 : i32
      %add3A_60 = vector.broadcast %add3A_59 : i32 to vector<16xi32>
      %add3A_61 = arith.addi %mul3A_6, %add3A_60 : vector<16xi32>
      %gather3A_62 = tpu.vector_load_idx %arg4[%add3A_61] : memref<16384xf32, #tpu.memory_space<vmem>>[vector<16xi32>], vector<16xf32>,
      %swap3A_63 = arith.constant 5 : i32
      %swap3A_64 = arith.index_cast %swap3A_63 : i32 to index
      %swap3A_65 = arith.constant 0 : index
      %swap3A_66 = tpu.vector_load %arg6[%swap3A_64, %swap3A_65] {strides = array<i32>} : memref<64x16xf32, #tpu.memory_space<vmem>>, vector<16xf32>,
      tpu.vector_store %arg6[%swap3A_64, %swap3A_65], %gather3A_62 {strides = array<i32>} : memref<64x16xf32, #tpu.memory_space<vmem>>, vector<16xf32>,
      %add3A_67 = arith.constant 6 : i32
      %add3A_68 = arith.addi %mul3A_14, %add3A_67 : i32
      %add3A_69 = vector.broadcast %add3A_68 : i32 to vector<16xi32>
      %add3A_70 = arith.addi %mul3A_6, %add3A_69 : vector<16xi32>
      %gather3A_71 = tpu.vector_load_idx %arg4[%add3A_70] : memref<16384xf32, #tpu.memory_space<vmem>>[vector<16xi32>], vector<16xf32>,
      %swap3A_72 = arith.constant 6 : i32
      %swap3A_73 = arith.index_cast %swap3A_72 : i32 to index
      %swap3A_74 = arith.constant 0 : index
      %swap3A_75 = tpu.vector_load %arg6[%swap3A_73, %swap3A_74] {strides = array<i32>} : memref<64x16xf32, #tpu.memory_space<vmem>>, vector<16xf32>,
      tpu.vector_store %arg6[%swap3A_73, %swap3A_74], %gather3A_71 {strides = array<i32>} : memref<64x16xf32, #tpu.memory_space<vmem>>, vector<16xf32>,
      %add3A_76 = arith.constant 7 : i32
      %add3A_77 = arith.addi %mul3A_14, %add3A_76 : i32
      %add3A_78 = vector.broadcast %add3A_77 : i32 to vector<16xi32>
      %add3A_79 = arith.addi %mul3A_6, %add3A_78 : vector<16xi32>
      %gather3A_80 = tpu.vector_load_idx %arg4[%add3A_79] : memref<16384xf32, #tpu.memory_space<vmem>>[vector<16xi32>], vector<16xf32>,
      %swap3A_81 = arith.constant 7 : i32
      %swap3A_82 = arith.index_cast %swap3A_81 : i32 to index
      %swap3A_83 = arith.constant 0 : index
      %swap3A_84 = tpu.vector_load %arg6[%swap3A_82, %swap3A_83] {strides = array<i32>} : memref<64x16xf32, #tpu.memory_space<vmem>>, vector<16xf32>,
      tpu.vector_store %arg6[%swap3A_82, %swap3A_83], %gather3A_80 {strides = array<i32>} : memref<64x16xf32, #tpu.memory_space<vmem>>, vector<16xf32>,
      %add3A_85 = arith.constant 8 : i32
      %add3A_86 = arith.addi %mul3A_14, %add3A_85 : i32
      %add3A_87 = vector.broadcast %add3A_86 : i32 to vector<16xi32>
      %add3A_88 = arith.addi %mul3A_6, %add3A_87 : vector<16xi32>
      %gather3A_89 = tpu.vector_load_idx %arg4[%add3A_88] : memref<16384xf32, #tpu.memory_space<vmem>>[vector<16xi32>], vector<16xf32>,
      %swap3A_90 = arith.constant 8 : i32
      %swap3A_91 = arith.index_cast %swap3A_90 : i32 to index
      %swap3A_92 = arith.constant 0 : index
      %swap3A_93 = tpu.vector_load %arg6[%swap3A_91, %swap3A_92] {strides = array<i32>} : memref<64x16xf32, #tpu.memory_space<vmem>>, vector<16xf32>,
      tpu.vector_store %arg6[%swap3A_91, %swap3A_92], %gather3A_89 {strides = array<i32>} : memref<64x16xf32, #tpu.memory_space<vmem>>, vector<16xf32>,
      %add3A_94 = arith.constant 9 : i32
      %add3A_95 = arith.addi %mul3A_14, %add3A_94 : i32
      %add3A_96 = vector.broadcast %add3A_95 : i32 to vector<16xi32>
      %add3A_97 = arith.addi %mul3A_6, %add3A_96 : vector<16xi32>
      %gather3A_98 = tpu.vector_load_idx %arg4[%add3A_97] : memref<16384xf32, #tpu.memory_space<vmem>>[vector<16xi32>], vector<16xf32>,
      %swap3A_99 = arith.constant 9 : i32
      %swap3A_100 = arith.index_cast %swap3A_99 : i32 to index
      %swap3A_101 = arith.constant 0 : index
      %swap3A_102 = tpu.vector_load %arg6[%swap3A_100, %swap3A_101] {strides = array<i32>} : memref<64x16xf32, #tpu.memory_space<vmem>>, vector<16xf32>,
      tpu.vector_store %arg6[%swap3A_100, %swap3A_101], %gather3A_98 {strides = array<i32>} : memref<64x16xf32, #tpu.memory_space<vmem>>, vector<16xf32>,
      %add3A_103 = arith.constant 10 : i32
      %add3A_104 = arith.addi %mul3A_14, %add3A_103 : i32
      %add3A_105 = vector.broadcast %add3A_104 : i32 to vector<16xi32>
      %add3A_106 = arith.addi %mul3A_6, %add3A_105 : vector<16xi32>
      %gather3A_107 = tpu.vector_load_idx %arg4[%add3A_106] : memref<16384xf32, #tpu.memory_space<vmem>>[vector<16xi32>], vector<16xf32>,
      %swap3A_108 = arith.constant 10 : i32
      %swap3A_109 = arith.index_cast %swap3A_108 : i32 to index
      %swap3A_110 = arith.constant 0 : index
      %swap3A_111 = tpu.vector_load %arg6[%swap3A_109, %swap3A_110] {strides = array<i32>} : memref<64x16xf32, #tpu.memory_space<vmem>>, vector<16xf32>,
      tpu.vector_store %arg6[%swap3A_109, %swap3A_110], %gather3A_107 {strides = array<i32>} : memref<64x16xf32, #tpu.memory_space<vmem>>, vector<16xf32>,
      %add3A_112 = arith.constant 11 : i32
      %add3A_113 = arith.addi %mul3A_14, %add3A_112 : i32
      %add3A_114 = vector.broadcast %add3A_113 : i32 to vector<16xi32>
      %add3A_115 = arith.addi %mul3A_6, %add3A_114 : vector<16xi32>
      %gather3A_116 = tpu.vector_load_idx %arg4[%add3A_115] : memref<16384xf32, #tpu.memory_space<vmem>>[vector<16xi32>], vector<16xf32>,
      %swap3A_117 = arith.constant 11 : i32
      %swap3A_118 = arith.index_cast %swap3A_117 : i32 to index
      %swap3A_119 = arith.constant 0 : index
      %swap3A_120 = tpu.vector_load %arg6[%swap3A_118, %swap3A_119] {strides = array<i32>} : memref<64x16xf32, #tpu.memory_space<vmem>>, vector<16xf32>,
      tpu.vector_store %arg6[%swap3A_118, %swap3A_119], %gather3A_116 {strides = array<i32>} : memref<64x16xf32, #tpu.memory_space<vmem>>, vector<16xf32>,
      %add3A_121 = arith.constant 12 : i32
      %add3A_122 = arith.addi %mul3A_14, %add3A_121 : i32
      %add3A_123 = vector.broadcast %add3A_122 : i32 to vector<16xi32>
      %add3A_124 = arith.addi %mul3A_6, %add3A_123 : vector<16xi32>
      %gather3A_125 = tpu.vector_load_idx %arg4[%add3A_124] : memref<16384xf32, #tpu.memory_space<vmem>>[vector<16xi32>], vector<16xf32>,
      %swap3A_126 = arith.constant 12 : i32
      %swap3A_127 = arith.index_cast %swap3A_126 : i32 to index
      %swap3A_128 = arith.constant 0 : index
      %swap3A_129 = tpu.vector_load %arg6[%swap3A_127, %swap3A_128] {strides = array<i32>} : memref<64x16xf32, #tpu.memory_space<vmem>>, vector<16xf32>,
      tpu.vector_store %arg6[%swap3A_127, %swap3A_128], %gather3A_125 {strides = array<i32>} : memref<64x16xf32, #tpu.memory_space<vmem>>, vector<16xf32>,
      %add3A_130 = arith.constant 13 : i32
      %add3A_131 = arith.addi %mul3A_14, %add3A_130 : i32
      %add3A_132 = vector.broadcast %add3A_131 : i32 to vector<16xi32>
      %add3A_133 = arith.addi %mul3A_6, %add3A_132 : vector<16xi32>
      %gather3A_134 = tpu.vector_load_idx %arg4[%add3A_133] : memref<16384xf32, #tpu.memory_space<vmem>>[vector<16xi32>], vector<16xf32>,
      %swap3A_135 = arith.constant 13 : i32
      %swap3A_136 = arith.index_cast %swap3A_135 : i32 to index
      %swap3A_137 = arith.constant 0 : index
      %swap3A_138 = tpu.vector_load %arg6[%swap3A_136, %swap3A_137] {strides = array<i32>} : memref<64x16xf32, #tpu.memory_space<vmem>>, vector<16xf32>,
      tpu.vector_store %arg6[%swap3A_136, %swap3A_137], %gather3A_134 {strides = array<i32>} : memref<64x16xf32, #tpu.memory_space<vmem>>, vector<16xf32>,
      %add3A_139 = arith.constant 14 : i32
      %add3A_140 = arith.addi %mul3A_14, %add3A_139 : i32
      %add3A_141 = vector.broadcast %add3A_140 : i32 to vector<16xi32>
      %add3A_142 = arith.addi %mul3A_6, %add3A_141 : vector<16xi32>
      %gather3A_143 = tpu.vector_load_idx %arg4[%add3A_142] : memref<16384xf32, #tpu.memory_space<vmem>>[vector<16xi32>], vector<16xf32>,
      %swap3A_144 = arith.constant 14 : i32
      %swap3A_145 = arith.index_cast %swap3A_144 : i32 to index
      %swap3A_146 = arith.constant 0 : index
      %swap3A_147 = tpu.vector_load %arg6[%swap3A_145, %swap3A_146] {strides = array<i32>} : memref<64x16xf32, #tpu.memory_space<vmem>>, vector<16xf32>,
      tpu.vector_store %arg6[%swap3A_145, %swap3A_146], %gather3A_143 {strides = array<i32>} : memref<64x16xf32, #tpu.memory_space<vmem>>, vector<16xf32>,
      %add3A_148 = arith.constant 15 : i32
      %add3A_149 = arith.addi %mul3A_14, %add3A_148 : i32
      %add3A_150 = vector.broadcast %add3A_149 : i32 to vector<16xi32>
      %add3A_151 = arith.addi %mul3A_6, %add3A_150 : vector<16xi32>
      %gather3A_152 = tpu.vector_load_idx %arg4[%add3A_151] : memref<16384xf32, #tpu.memory_space<vmem>>[vector<16xi32>], vector<16xf32>,
      %swap3A_153 = arith.constant 15 : i32
      %swap3A_154 = arith.index_cast %swap3A_153 : i32 to index
      %swap3A_155 = arith.constant 0 : index
      %swap3A_156 = tpu.vector_load %arg6[%swap3A_154, %swap3A_155] {strides = array<i32>} : memref<64x16xf32, #tpu.memory_space<vmem>>, vector<16xf32>,
      tpu.vector_store %arg6[%swap3A_154, %swap3A_155], %gather3A_152 {strides = array<i32>} : memref<64x16xf32, #tpu.memory_space<vmem>>, vector<16xf32>,
      %add3A_157 = arith.constant 16 : i32
      %add3A_158 = arith.addi %mul3A_14, %add3A_157 : i32
      %add3A_159 = vector.broadcast %add3A_158 : i32 to vector<16xi32>
      %add3A_160 = arith.addi %mul3A_6, %add3A_159 : vector<16xi32>
      %gather3A_161 = tpu.vector_load_idx %arg4[%add3A_160] : memref<16384xf32, #tpu.memory_space<vmem>>[vector<16xi32>], vector<16xf32>,
      %swap3A_162 = arith.constant 16 : i32
      %swap3A_163 = arith.index_cast %swap3A_162 : i32 to index
      %swap3A_164 = arith.constant 0 : index
      %swap3A_165 = tpu.vector_load %arg6[%swap3A_163, %swap3A_164] {strides = array<i32>} : memref<64x16xf32, #tpu.memory_space<vmem>>, vector<16xf32>,
      tpu.vector_store %arg6[%swap3A_163, %swap3A_164], %gather3A_161 {strides = array<i32>} : memref<64x16xf32, #tpu.memory_space<vmem>>, vector<16xf32>,
      %add3A_166 = arith.constant 17 : i32
      %add3A_167 = arith.addi %mul3A_14, %add3A_166 : i32
      %add3A_168 = vector.broadcast %add3A_167 : i32 to vector<16xi32>
      %add3A_169 = arith.addi %mul3A_6, %add3A_168 : vector<16xi32>
      %gather3A_170 = tpu.vector_load_idx %arg4[%add3A_169] : memref<16384xf32, #tpu.memory_space<vmem>>[vector<16xi32>], vector<16xf32>,
      %swap3A_171 = arith.constant 17 : i32
      %swap3A_172 = arith.index_cast %swap3A_171 : i32 to index
      %swap3A_173 = arith.constant 0 : index
      %swap3A_174 = tpu.vector_load %arg6[%swap3A_172, %swap3A_173] {strides = array<i32>} : memref<64x16xf32, #tpu.memory_space<vmem>>, vector<16xf32>,
      tpu.vector_store %arg6[%swap3A_172, %swap3A_173], %gather3A_170 {strides = array<i32>} : memref<64x16xf32, #tpu.memory_space<vmem>>, vector<16xf32>,
      %add3A_175 = arith.constant 18 : i32
      %add3A_176 = arith.addi %mul3A_14, %add3A_175 : i32
      %add3A_177 = vector.broadcast %add3A_176 : i32 to vector<16xi32>
      %add3A_178 = arith.addi %mul3A_6, %add3A_177 : vector<16xi32>
      %gather3A_179 = tpu.vector_load_idx %arg4[%add3A_178] : memref<16384xf32, #tpu.memory_space<vmem>>[vector<16xi32>], vector<16xf32>,
      %swap3A_180 = arith.constant 18 : i32
      %swap3A_181 = arith.index_cast %swap3A_180 : i32 to index
      %swap3A_182 = arith.constant 0 : index
      %swap3A_183 = tpu.vector_load %arg6[%swap3A_181, %swap3A_182] {strides = array<i32>} : memref<64x16xf32, #tpu.memory_space<vmem>>, vector<16xf32>,
      tpu.vector_store %arg6[%swap3A_181, %swap3A_182], %gather3A_179 {strides = array<i32>} : memref<64x16xf32, #tpu.memory_space<vmem>>, vector<16xf32>,
      %add3A_184 = arith.constant 19 : i32
      %add3A_185 = arith.addi %mul3A_14, %add3A_184 : i32
      %add3A_186 = vector.broadcast %add3A_185 : i32 to vector<16xi32>
      %add3A_187 = arith.addi %mul3A_6, %add3A_186 : vector<16xi32>
      %gather3A_188 = tpu.vector_load_idx %arg4[%add3A_187] : memref<16384xf32, #tpu.memory_space<vmem>>[vector<16xi32>], vector<16xf32>,
      %swap3A_189 = arith.constant 19 : i32
      %swap3A_190 = arith.index_cast %swap3A_189 : i32 to index
      %swap3A_191 = arith.constant 0 : index
      %swap3A_192 = tpu.vector_load %arg6[%swap3A_190, %swap3A_191] {strides = array<i32>} : memref<64x16xf32, #tpu.memory_space<vmem>>, vector<16xf32>,
      tpu.vector_store %arg6[%swap3A_190, %swap3A_191], %gather3A_188 {strides = array<i32>} : memref<64x16xf32, #tpu.memory_space<vmem>>, vector<16xf32>,
      %add3A_193 = arith.constant 20 : i32
      %add3A_194 = arith.addi %mul3A_14, %add3A_193 : i32
      %add3A_195 = vector.broadcast %add3A_194 : i32 to vector<16xi32>
      %add3A_196 = arith.addi %mul3A_6, %add3A_195 : vector<16xi32>
      %gather3A_197 = tpu.vector_load_idx %arg4[%add3A_196] : memref<16384xf32, #tpu.memory_space<vmem>>[vector<16xi32>], vector<16xf32>,
      %swap3A_198 = arith.constant 20 : i32
      %swap3A_199 = arith.index_cast %swap3A_198 : i32 to index
      %swap3A_200 = arith.constant 0 : index
      %swap3A_201 = tpu.vector_load %arg6[%swap3A_199, %swap3A_200] {strides = array<i32>} : memref<64x16xf32, #tpu.memory_space<vmem>>, vector<16xf32>,
      tpu.vector_store %arg6[%swap3A_199, %swap3A_200], %gather3A_197 {strides = array<i32>} : memref<64x16xf32, #tpu.memory_space<vmem>>, vector<16xf32>,
      %add3A_202 = arith.constant 21 : i32
      %add3A_203 = arith.addi %mul3A_14, %add3A_202 : i32
      %add3A_204 = vector.broadcast %add3A_203 : i32 to vector<16xi32>
      %add3A_205 = arith.addi %mul3A_6, %add3A_204 : vector<16xi32>
      %gather3A_206 = tpu.vector_load_idx %arg4[%add3A_205] : memref<16384xf32, #tpu.memory_space<vmem>>[vector<16xi32>], vector<16xf32>,
      %swap3A_207 = arith.constant 21 : i32
      %swap3A_208 = arith.index_cast %swap3A_207 : i32 to index
      %swap3A_209 = arith.constant 0 : index
      %swap3A_210 = tpu.vector_load %arg6[%swap3A_208, %swap3A_209] {strides = array<i32>} : memref<64x16xf32, #tpu.memory_space<vmem>>, vector<16xf32>,
      tpu.vector_store %arg6[%swap3A_208, %swap3A_209], %gather3A_206 {strides = array<i32>} : memref<64x16xf32, #tpu.memory_space<vmem>>, vector<16xf32>,
      %add3A_211 = arith.constant 22 : i32
      %add3A_212 = arith.addi %mul3A_14, %add3A_211 : i32
      %add3A_213 = vector.broadcast %add3A_212 : i32 to vector<16xi32>
      %add3A_214 = arith.addi %mul3A_6, %add3A_213 : vector<16xi32>
      %gather3A_215 = tpu.vector_load_idx %arg4[%add3A_214] : memref<16384xf32, #tpu.memory_space<vmem>>[vector<16xi32>], vector<16xf32>,
      %swap3A_216 = arith.constant 22 : i32
      %swap3A_217 = arith.index_cast %swap3A_216 : i32 to index
      %swap3A_218 = arith.constant 0 : index
      %swap3A_219 = tpu.vector_load %arg6[%swap3A_217, %swap3A_218] {strides = array<i32>} : memref<64x16xf32, #tpu.memory_space<vmem>>, vector<16xf32>,
      tpu.vector_store %arg6[%swap3A_217, %swap3A_218], %gather3A_215 {strides = array<i32>} : memref<64x16xf32, #tpu.memory_space<vmem>>, vector<16xf32>,
      %add3A_220 = arith.constant 23 : i32
      %add3A_221 = arith.addi %mul3A_14, %add3A_220 : i32
      %add3A_222 = vector.broadcast %add3A_221 : i32 to vector<16xi32>
      %add3A_223 = arith.addi %mul3A_6, %add3A_222 : vector<16xi32>
      %gather3A_224 = tpu.vector_load_idx %arg4[%add3A_223] : memref<16384xf32, #tpu.memory_space<vmem>>[vector<16xi32>], vector<16xf32>,
      %swap3A_225 = arith.constant 23 : i32
      %swap3A_226 = arith.index_cast %swap3A_225 : i32 to index
      %swap3A_227 = arith.constant 0 : index
      %swap3A_228 = tpu.vector_load %arg6[%swap3A_226, %swap3A_227] {strides = array<i32>} : memref<64x16xf32, #tpu.memory_space<vmem>>, vector<16xf32>,
      tpu.vector_store %arg6[%swap3A_226, %swap3A_227], %gather3A_224 {strides = array<i32>} : memref<64x16xf32, #tpu.memory_space<vmem>>, vector<16xf32>,
      %add3A_229 = arith.constant 24 : i32
      %add3A_230 = arith.addi %mul3A_14, %add3A_229 : i32
      %add3A_231 = vector.broadcast %add3A_230 : i32 to vector<16xi32>
      %add3A_232 = arith.addi %mul3A_6, %add3A_231 : vector<16xi32>
      %gather3A_233 = tpu.vector_load_idx %arg4[%add3A_232] : memref<16384xf32, #tpu.memory_space<vmem>>[vector<16xi32>], vector<16xf32>,
      %swap3A_234 = arith.constant 24 : i32
      %swap3A_235 = arith.index_cast %swap3A_234 : i32 to index
      %swap3A_236 = arith.constant 0 : index
      %swap3A_237 = tpu.vector_load %arg6[%swap3A_235, %swap3A_236] {strides = array<i32>} : memref<64x16xf32, #tpu.memory_space<vmem>>, vector<16xf32>,
      tpu.vector_store %arg6[%swap3A_235, %swap3A_236], %gather3A_233 {strides = array<i32>} : memref<64x16xf32, #tpu.memory_space<vmem>>, vector<16xf32>,
      %add3A_238 = arith.constant 25 : i32
      %add3A_239 = arith.addi %mul3A_14, %add3A_238 : i32
      %add3A_240 = vector.broadcast %add3A_239 : i32 to vector<16xi32>
      %add3A_241 = arith.addi %mul3A_6, %add3A_240 : vector<16xi32>
      %gather3A_242 = tpu.vector_load_idx %arg4[%add3A_241] : memref<16384xf32, #tpu.memory_space<vmem>>[vector<16xi32>], vector<16xf32>,
      %swap3A_243 = arith.constant 25 : i32
      %swap3A_244 = arith.index_cast %swap3A_243 : i32 to index
      %swap3A_245 = arith.constant 0 : index
      %swap3A_246 = tpu.vector_load %arg6[%swap3A_244, %swap3A_245] {strides = array<i32>} : memref<64x16xf32, #tpu.memory_space<vmem>>, vector<16xf32>,
      tpu.vector_store %arg6[%swap3A_244, %swap3A_245], %gather3A_242 {strides = array<i32>} : memref<64x16xf32, #tpu.memory_space<vmem>>, vector<16xf32>,
      %add3A_247 = arith.constant 26 : i32
      %add3A_248 = arith.addi %mul3A_14, %add3A_247 : i32
      %add3A_249 = vector.broadcast %add3A_248 : i32 to vector<16xi32>
      %add3A_250 = arith.addi %mul3A_6, %add3A_249 : vector<16xi32>
      %gather3A_251 = tpu.vector_load_idx %arg4[%add3A_250] : memref<16384xf32, #tpu.memory_space<vmem>>[vector<16xi32>], vector<16xf32>,
      %swap3A_252 = arith.constant 26 : i32
      %swap3A_253 = arith.index_cast %swap3A_252 : i32 to index
      %swap3A_254 = arith.constant 0 : index
      %swap3A_255 = tpu.vector_load %arg6[%swap3A_253, %swap3A_254] {strides = array<i32>} : memref<64x16xf32, #tpu.memory_space<vmem>>, vector<16xf32>,
      tpu.vector_store %arg6[%swap3A_253, %swap3A_254], %gather3A_251 {strides = array<i32>} : memref<64x16xf32, #tpu.memory_space<vmem>>, vector<16xf32>,
      %add3A_256 = arith.constant 27 : i32
      %add3A_257 = arith.addi %mul3A_14, %add3A_256 : i32
      %add3A_258 = vector.broadcast %add3A_257 : i32 to vector<16xi32>
      %add3A_259 = arith.addi %mul3A_6, %add3A_258 : vector<16xi32>
      %gather3A_260 = tpu.vector_load_idx %arg4[%add3A_259] : memref<16384xf32, #tpu.memory_space<vmem>>[vector<16xi32>], vector<16xf32>,
      %swap3A_261 = arith.constant 27 : i32
      %swap3A_262 = arith.index_cast %swap3A_261 : i32 to index
      %swap3A_263 = arith.constant 0 : index
      %swap3A_264 = tpu.vector_load %arg6[%swap3A_262, %swap3A_263] {strides = array<i32>} : memref<64x16xf32, #tpu.memory_space<vmem>>, vector<16xf32>,
      tpu.vector_store %arg6[%swap3A_262, %swap3A_263], %gather3A_260 {strides = array<i32>} : memref<64x16xf32, #tpu.memory_space<vmem>>, vector<16xf32>,
      %add3A_265 = arith.constant 28 : i32
      %add3A_266 = arith.addi %mul3A_14, %add3A_265 : i32
      %add3A_267 = vector.broadcast %add3A_266 : i32 to vector<16xi32>
      %add3A_268 = arith.addi %mul3A_6, %add3A_267 : vector<16xi32>
      %gather3A_269 = tpu.vector_load_idx %arg4[%add3A_268] : memref<16384xf32, #tpu.memory_space<vmem>>[vector<16xi32>], vector<16xf32>,
      %swap3A_270 = arith.constant 28 : i32
      %swap3A_271 = arith.index_cast %swap3A_270 : i32 to index
      %swap3A_272 = arith.constant 0 : index
      %swap3A_273 = tpu.vector_load %arg6[%swap3A_271, %swap3A_272] {strides = array<i32>} : memref<64x16xf32, #tpu.memory_space<vmem>>, vector<16xf32>,
      tpu.vector_store %arg6[%swap3A_271, %swap3A_272], %gather3A_269 {strides = array<i32>} : memref<64x16xf32, #tpu.memory_space<vmem>>, vector<16xf32>,
      %add3A_274 = arith.constant 29 : i32
      %add3A_275 = arith.addi %mul3A_14, %add3A_274 : i32
      %add3A_276 = vector.broadcast %add3A_275 : i32 to vector<16xi32>
      %add3A_277 = arith.addi %mul3A_6, %add3A_276 : vector<16xi32>
      %gather3A_278 = tpu.vector_load_idx %arg4[%add3A_277] : memref<16384xf32, #tpu.memory_space<vmem>>[vector<16xi32>], vector<16xf32>,
      %swap3A_279 = arith.constant 29 : i32
      %swap3A_280 = arith.index_cast %swap3A_279 : i32 to index
      %swap3A_281 = arith.constant 0 : index
      %swap3A_282 = tpu.vector_load %arg6[%swap3A_280, %swap3A_281] {strides = array<i32>} : memref<64x16xf32, #tpu.memory_space<vmem>>, vector<16xf32>,
      tpu.vector_store %arg6[%swap3A_280, %swap3A_281], %gather3A_278 {strides = array<i32>} : memref<64x16xf32, #tpu.memory_space<vmem>>, vector<16xf32>,
      %add3A_283 = arith.constant 30 : i32
      %add3A_284 = arith.addi %mul3A_14, %add3A_283 : i32
      %add3A_285 = vector.broadcast %add3A_284 : i32 to vector<16xi32>
      %add3A_286 = arith.addi %mul3A_6, %add3A_285 : vector<16xi32>
      %gather3A_287 = tpu.vector_load_idx %arg4[%add3A_286] : memref<16384xf32, #tpu.memory_space<vmem>>[vector<16xi32>], vector<16xf32>,
      %swap3A_288 = arith.constant 30 : i32
      %swap3A_289 = arith.index_cast %swap3A_288 : i32 to index
      %swap3A_290 = arith.constant 0 : index
      %swap3A_291 = tpu.vector_load %arg6[%swap3A_289, %swap3A_290] {strides = array<i32>} : memref<64x16xf32, #tpu.memory_space<vmem>>, vector<16xf32>,
      tpu.vector_store %arg6[%swap3A_289, %swap3A_290], %gather3A_287 {strides = array<i32>} : memref<64x16xf32, #tpu.memory_space<vmem>>, vector<16xf32>,
      %add3A_292 = arith.constant 31 : i32
      %add3A_293 = arith.addi %mul3A_14, %add3A_292 : i32
      %add3A_294 = vector.broadcast %add3A_293 : i32 to vector<16xi32>
      %add3A_295 = arith.addi %mul3A_6, %add3A_294 : vector<16xi32>
      %gather3A_296 = tpu.vector_load_idx %arg4[%add3A_295] : memref<16384xf32, #tpu.memory_space<vmem>>[vector<16xi32>], vector<16xf32>,
      %swap3A_297 = arith.constant 31 : i32
      %swap3A_298 = arith.index_cast %swap3A_297 : i32 to index
      %swap3A_299 = arith.constant 0 : index
      %swap3A_300 = tpu.vector_load %arg6[%swap3A_298, %swap3A_299] {strides = array<i32>} : memref<64x16xf32, #tpu.memory_space<vmem>>, vector<16xf32>,
      tpu.vector_store %arg6[%swap3A_298, %swap3A_299], %gather3A_296 {strides = array<i32>} : memref<64x16xf32, #tpu.memory_space<vmem>>, vector<16xf32>,
      %add3A_301 = arith.constant 32 : i32
      %add3A_302 = arith.addi %mul3A_14, %add3A_301 : i32
      %add3A_303 = vector.broadcast %add3A_302 : i32 to vector<16xi32>
      %add3A_304 = arith.addi %mul3A_6, %add3A_303 : vector<16xi32>
      %gather3A_305 = tpu.vector_load_idx %arg4[%add3A_304] : memref<16384xf32, #tpu.memory_space<vmem>>[vector<16xi32>], vector<16xf32>,
      %swap3A_306 = arith.constant 32 : i32
      %swap3A_307 = arith.index_cast %swap3A_306 : i32 to index
      %swap3A_308 = arith.constant 0 : index
      %swap3A_309 = tpu.vector_load %arg6[%swap3A_307, %swap3A_308] {strides = array<i32>} : memref<64x16xf32, #tpu.memory_space<vmem>>, vector<16xf32>,
      tpu.vector_store %arg6[%swap3A_307, %swap3A_308], %gather3A_305 {strides = array<i32>} : memref<64x16xf32, #tpu.memory_space<vmem>>, vector<16xf32>,
      %add3A_310 = arith.constant 33 : i32
      %add3A_311 = arith.addi %mul3A_14, %add3A_310 : i32
      %add3A_312 = vector.broadcast %add3A_311 : i32 to vector<16xi32>
      %add3A_313 = arith.addi %mul3A_6, %add3A_312 : vector<16xi32>
      %gather3A_314 = tpu.vector_load_idx %arg4[%add3A_313] : memref<16384xf32, #tpu.memory_space<vmem>>[vector<16xi32>], vector<16xf32>,
      %swap3A_315 = arith.constant 33 : i32
      %swap3A_316 = arith.index_cast %swap3A_315 : i32 to index
      %swap3A_317 = arith.constant 0 : index
      %swap3A_318 = tpu.vector_load %arg6[%swap3A_316, %swap3A_317] {strides = array<i32>} : memref<64x16xf32, #tpu.memory_space<vmem>>, vector<16xf32>,
      tpu.vector_store %arg6[%swap3A_316, %swap3A_317], %gather3A_314 {strides = array<i32>} : memref<64x16xf32, #tpu.memory_space<vmem>>, vector<16xf32>,
      %add3A_319 = arith.constant 34 : i32
      %add3A_320 = arith.addi %mul3A_14, %add3A_319 : i32
      %add3A_321 = vector.broadcast %add3A_320 : i32 to vector<16xi32>
      %add3A_322 = arith.addi %mul3A_6, %add3A_321 : vector<16xi32>
      %gather3A_323 = tpu.vector_load_idx %arg4[%add3A_322] : memref<16384xf32, #tpu.memory_space<vmem>>[vector<16xi32>], vector<16xf32>,
      %swap3A_324 = arith.constant 34 : i32
      %swap3A_325 = arith.index_cast %swap3A_324 : i32 to index
      %swap3A_326 = arith.constant 0 : index
      %swap3A_327 = tpu.vector_load %arg6[%swap3A_325, %swap3A_326] {strides = array<i32>} : memref<64x16xf32, #tpu.memory_space<vmem>>, vector<16xf32>,
      tpu.vector_store %arg6[%swap3A_325, %swap3A_326], %gather3A_323 {strides = array<i32>} : memref<64x16xf32, #tpu.memory_space<vmem>>, vector<16xf32>,
      %add3A_328 = arith.constant 35 : i32
      %add3A_329 = arith.addi %mul3A_14, %add3A_328 : i32
      %add3A_330 = vector.broadcast %add3A_329 : i32 to vector<16xi32>
      %add3A_331 = arith.addi %mul3A_6, %add3A_330 : vector<16xi32>
      %gather3A_332 = tpu.vector_load_idx %arg4[%add3A_331] : memref<16384xf32, #tpu.memory_space<vmem>>[vector<16xi32>], vector<16xf32>,
      %swap3A_333 = arith.constant 35 : i32
      %swap3A_334 = arith.index_cast %swap3A_333 : i32 to index
      %swap3A_335 = arith.constant 0 : index
      %swap3A_336 = tpu.vector_load %arg6[%swap3A_334, %swap3A_335] {strides = array<i32>} : memref<64x16xf32, #tpu.memory_space<vmem>>, vector<16xf32>,
      tpu.vector_store %arg6[%swap3A_334, %swap3A_335], %gather3A_332 {strides = array<i32>} : memref<64x16xf32, #tpu.memory_space<vmem>>, vector<16xf32>,
      %add3A_337 = arith.constant 36 : i32
      %add3A_338 = arith.addi %mul3A_14, %add3A_337 : i32
      %add3A_339 = vector.broadcast %add3A_338 : i32 to vector<16xi32>
      %add3A_340 = arith.addi %mul3A_6, %add3A_339 : vector<16xi32>
      %gather3A_341 = tpu.vector_load_idx %arg4[%add3A_340] : memref<16384xf32, #tpu.memory_space<vmem>>[vector<16xi32>], vector<16xf32>,
      %swap3A_342 = arith.constant 36 : i32
      %swap3A_343 = arith.index_cast %swap3A_342 : i32 to index
      %swap3A_344 = arith.constant 0 : index
      %swap3A_345 = tpu.vector_load %arg6[%swap3A_343, %swap3A_344] {strides = array<i32>} : memref<64x16xf32, #tpu.memory_space<vmem>>, vector<16xf32>,
      tpu.vector_store %arg6[%swap3A_343, %swap3A_344], %gather3A_341 {strides = array<i32>} : memref<64x16xf32, #tpu.memory_space<vmem>>, vector<16xf32>,
      %add3A_346 = arith.constant 37 : i32
      %add3A_347 = arith.addi %mul3A_14, %add3A_346 : i32
      %add3A_348 = vector.broadcast %add3A_347 : i32 to vector<16xi32>
      %add3A_349 = arith.addi %mul3A_6, %add3A_348 : vector<16xi32>
      %gather3A_350 = tpu.vector_load_idx %arg4[%add3A_349] : memref<16384xf32, #tpu.memory_space<vmem>>[vector<16xi32>], vector<16xf32>,
      %swap3A_351 = arith.constant 37 : i32
      %swap3A_352 = arith.index_cast %swap3A_351 : i32 to index
      %swap3A_353 = arith.constant 0 : index
      %swap3A_354 = tpu.vector_load %arg6[%swap3A_352, %swap3A_353] {strides = array<i32>} : memref<64x16xf32, #tpu.memory_space<vmem>>, vector<16xf32>,
      tpu.vector_store %arg6[%swap3A_352, %swap3A_353], %gather3A_350 {strides = array<i32>} : memref<64x16xf32, #tpu.memory_space<vmem>>, vector<16xf32>,
      %add3A_355 = arith.constant 38 : i32
      %add3A_356 = arith.addi %mul3A_14, %add3A_355 : i32
      %add3A_357 = vector.broadcast %add3A_356 : i32 to vector<16xi32>
      %add3A_358 = arith.addi %mul3A_6, %add3A_357 : vector<16xi32>
      %gather3A_359 = tpu.vector_load_idx %arg4[%add3A_358] : memref<16384xf32, #tpu.memory_space<vmem>>[vector<16xi32>], vector<16xf32>,
      %swap3A_360 = arith.constant 38 : i32
      %swap3A_361 = arith.index_cast %swap3A_360 : i32 to index
      %swap3A_362 = arith.constant 0 : index
      %swap3A_363 = tpu.vector_load %arg6[%swap3A_361, %swap3A_362] {strides = array<i32>} : memref<64x16xf32, #tpu.memory_space<vmem>>, vector<16xf32>,
      tpu.vector_store %arg6[%swap3A_361, %swap3A_362], %gather3A_359 {strides = array<i32>} : memref<64x16xf32, #tpu.memory_space<vmem>>, vector<16xf32>,
      %add3A_364 = arith.constant 39 : i32
      %add3A_365 = arith.addi %mul3A_14, %add3A_364 : i32
      %add3A_366 = vector.broadcast %add3A_365 : i32 to vector<16xi32>
      %add3A_367 = arith.addi %mul3A_6, %add3A_366 : vector<16xi32>
      %gather3A_368 = tpu.vector_load_idx %arg4[%add3A_367] : memref<16384xf32, #tpu.memory_space<vmem>>[vector<16xi32>], vector<16xf32>,
      %swap3A_369 = arith.constant 39 : i32
      %swap3A_370 = arith.index_cast %swap3A_369 : i32 to index
      %swap3A_371 = arith.constant 0 : index
      %swap3A_372 = tpu.vector_load %arg6[%swap3A_370, %swap3A_371] {strides = array<i32>} : memref<64x16xf32, #tpu.memory_space<vmem>>, vector<16xf32>,
      tpu.vector_store %arg6[%swap3A_370, %swap3A_371], %gather3A_368 {strides = array<i32>} : memref<64x16xf32, #tpu.memory_space<vmem>>, vector<16xf32>,
      %add3A_373 = arith.constant 40 : i32
      %add3A_374 = arith.addi %mul3A_14, %add3A_373 : i32
      %add3A_375 = vector.broadcast %add3A_374 : i32 to vector<16xi32>
      %add3A_376 = arith.addi %mul3A_6, %add3A_375 : vector<16xi32>
      %gather3A_377 = tpu.vector_load_idx %arg4[%add3A_376] : memref<16384xf32, #tpu.memory_space<vmem>>[vector<16xi32>], vector<16xf32>,
      %swap3A_378 = arith.constant 40 : i32
      %swap3A_379 = arith.index_cast %swap3A_378 : i32 to index
      %swap3A_380 = arith.constant 0 : index
      %swap3A_381 = tpu.vector_load %arg6[%swap3A_379, %swap3A_380] {strides = array<i32>} : memref<64x16xf32, #tpu.memory_space<vmem>>, vector<16xf32>,
      tpu.vector_store %arg6[%swap3A_379, %swap3A_380], %gather3A_377 {strides = array<i32>} : memref<64x16xf32, #tpu.memory_space<vmem>>, vector<16xf32>,
      %add3A_382 = arith.constant 41 : i32
      %add3A_383 = arith.addi %mul3A_14, %add3A_382 : i32
      %add3A_384 = vector.broadcast %add3A_383 : i32 to vector<16xi32>
      %add3A_385 = arith.addi %mul3A_6, %add3A_384 : vector<16xi32>
      %gather3A_386 = tpu.vector_load_idx %arg4[%add3A_385] : memref<16384xf32, #tpu.memory_space<vmem>>[vector<16xi32>], vector<16xf32>,
      %swap3A_387 = arith.constant 41 : i32
      %swap3A_388 = arith.index_cast %swap3A_387 : i32 to index
      %swap3A_389 = arith.constant 0 : index
      %swap3A_390 = tpu.vector_load %arg6[%swap3A_388, %swap3A_389] {strides = array<i32>} : memref<64x16xf32, #tpu.memory_space<vmem>>, vector<16xf32>,
      tpu.vector_store %arg6[%swap3A_388, %swap3A_389], %gather3A_386 {strides = array<i32>} : memref<64x16xf32, #tpu.memory_space<vmem>>, vector<16xf32>,
      %add3A_391 = arith.constant 42 : i32
      %add3A_392 = arith.addi %mul3A_14, %add3A_391 : i32
      %add3A_393 = vector.broadcast %add3A_392 : i32 to vector<16xi32>
      %add3A_394 = arith.addi %mul3A_6, %add3A_393 : vector<16xi32>
      %gather3A_395 = tpu.vector_load_idx %arg4[%add3A_394] : memref<16384xf32, #tpu.memory_space<vmem>>[vector<16xi32>], vector<16xf32>,
      %swap3A_396 = arith.constant 42 : i32
      %swap3A_397 = arith.index_cast %swap3A_396 : i32 to index
      %swap3A_398 = arith.constant 0 : index
      %swap3A_399 = tpu.vector_load %arg6[%swap3A_397, %swap3A_398] {strides = array<i32>} : memref<64x16xf32, #tpu.memory_space<vmem>>, vector<16xf32>,
      tpu.vector_store %arg6[%swap3A_397, %swap3A_398], %gather3A_395 {strides = array<i32>} : memref<64x16xf32, #tpu.memory_space<vmem>>, vector<16xf32>,
      %add3A_400 = arith.constant 43 : i32
      %add3A_401 = arith.addi %mul3A_14, %add3A_400 : i32
      %add3A_402 = vector.broadcast %add3A_401 : i32 to vector<16xi32>
      %add3A_403 = arith.addi %mul3A_6, %add3A_402 : vector<16xi32>
      %gather3A_404 = tpu.vector_load_idx %arg4[%add3A_403] : memref<16384xf32, #tpu.memory_space<vmem>>[vector<16xi32>], vector<16xf32>,
      %swap3A_405 = arith.constant 43 : i32
      %swap3A_406 = arith.index_cast %swap3A_405 : i32 to index
      %swap3A_407 = arith.constant 0 : index
      %swap3A_408 = tpu.vector_load %arg6[%swap3A_406, %swap3A_407] {strides = array<i32>} : memref<64x16xf32, #tpu.memory_space<vmem>>, vector<16xf32>,
      tpu.vector_store %arg6[%swap3A_406, %swap3A_407], %gather3A_404 {strides = array<i32>} : memref<64x16xf32, #tpu.memory_space<vmem>>, vector<16xf32>,
      %add3A_409 = arith.constant 44 : i32
      %add3A_410 = arith.addi %mul3A_14, %add3A_409 : i32
      %add3A_411 = vector.broadcast %add3A_410 : i32 to vector<16xi32>
      %add3A_412 = arith.addi %mul3A_6, %add3A_411 : vector<16xi32>
      %gather3A_413 = tpu.vector_load_idx %arg4[%add3A_412] : memref<16384xf32, #tpu.memory_space<vmem>>[vector<16xi32>], vector<16xf32>,
      %swap3A_414 = arith.constant 44 : i32
      %swap3A_415 = arith.index_cast %swap3A_414 : i32 to index
      %swap3A_416 = arith.constant 0 : index
      %swap3A_417 = tpu.vector_load %arg6[%swap3A_415, %swap3A_416] {strides = array<i32>} : memref<64x16xf32, #tpu.memory_space<vmem>>, vector<16xf32>,
      tpu.vector_store %arg6[%swap3A_415, %swap3A_416], %gather3A_413 {strides = array<i32>} : memref<64x16xf32, #tpu.memory_space<vmem>>, vector<16xf32>,
      %add3A_418 = arith.constant 45 : i32
      %add3A_419 = arith.addi %mul3A_14, %add3A_418 : i32
      %add3A_420 = vector.broadcast %add3A_419 : i32 to vector<16xi32>
      %add3A_421 = arith.addi %mul3A_6, %add3A_420 : vector<16xi32>
      %gather3A_422 = tpu.vector_load_idx %arg4[%add3A_421] : memref<16384xf32, #tpu.memory_space<vmem>>[vector<16xi32>], vector<16xf32>,
      %swap3A_423 = arith.constant 45 : i32
      %swap3A_424 = arith.index_cast %swap3A_423 : i32 to index
      %swap3A_425 = arith.constant 0 : index
      %swap3A_426 = tpu.vector_load %arg6[%swap3A_424, %swap3A_425] {strides = array<i32>} : memref<64x16xf32, #tpu.memory_space<vmem>>, vector<16xf32>,
      tpu.vector_store %arg6[%swap3A_424, %swap3A_425], %gather3A_422 {strides = array<i32>} : memref<64x16xf32, #tpu.memory_space<vmem>>, vector<16xf32>,
      %add3A_427 = arith.constant 46 : i32
      %add3A_428 = arith.addi %mul3A_14, %add3A_427 : i32
      %add3A_429 = vector.broadcast %add3A_428 : i32 to vector<16xi32>
      %add3A_430 = arith.addi %mul3A_6, %add3A_429 : vector<16xi32>
      %gather3A_431 = tpu.vector_load_idx %arg4[%add3A_430] : memref<16384xf32, #tpu.memory_space<vmem>>[vector<16xi32>], vector<16xf32>,
      %swap3A_432 = arith.constant 46 : i32
      %swap3A_433 = arith.index_cast %swap3A_432 : i32 to index
      %swap3A_434 = arith.constant 0 : index
      %swap3A_435 = tpu.vector_load %arg6[%swap3A_433, %swap3A_434] {strides = array<i32>} : memref<64x16xf32, #tpu.memory_space<vmem>>, vector<16xf32>,
      tpu.vector_store %arg6[%swap3A_433, %swap3A_434], %gather3A_431 {strides = array<i32>} : memref<64x16xf32, #tpu.memory_space<vmem>>, vector<16xf32>,
      %add3A_436 = arith.constant 47 : i32
      %add3A_437 = arith.addi %mul3A_14, %add3A_436 : i32
      %add3A_438 = vector.broadcast %add3A_437 : i32 to vector<16xi32>
      %add3A_439 = arith.addi %mul3A_6, %add3A_438 : vector<16xi32>
      %gather3A_440 = tpu.vector_load_idx %arg4[%add3A_439] : memref<16384xf32, #tpu.memory_space<vmem>>[vector<16xi32>], vector<16xf32>,
      %swap3A_441 = arith.constant 47 : i32
      %swap3A_442 = arith.index_cast %swap3A_441 : i32 to index
      %swap3A_443 = arith.constant 0 : index
      %swap3A_444 = tpu.vector_load %arg6[%swap3A_442, %swap3A_443] {strides = array<i32>} : memref<64x16xf32, #tpu.memory_space<vmem>>, vector<16xf32>,
      tpu.vector_store %arg6[%swap3A_442, %swap3A_443], %gather3A_440 {strides = array<i32>} : memref<64x16xf32, #tpu.memory_space<vmem>>, vector<16xf32>,
      %add3A_445 = arith.constant 48 : i32
      %add3A_446 = arith.addi %mul3A_14, %add3A_445 : i32
      %add3A_447 = vector.broadcast %add3A_446 : i32 to vector<16xi32>
      %add3A_448 = arith.addi %mul3A_6, %add3A_447 : vector<16xi32>
      %gather3A_449 = tpu.vector_load_idx %arg4[%add3A_448] : memref<16384xf32, #tpu.memory_space<vmem>>[vector<16xi32>], vector<16xf32>,
      %swap3A_450 = arith.constant 48 : i32
      %swap3A_451 = arith.index_cast %swap3A_450 : i32 to index
      %swap3A_452 = arith.constant 0 : index
      %swap3A_453 = tpu.vector_load %arg6[%swap3A_451, %swap3A_452] {strides = array<i32>} : memref<64x16xf32, #tpu.memory_space<vmem>>, vector<16xf32>,
      tpu.vector_store %arg6[%swap3A_451, %swap3A_452], %gather3A_449 {strides = array<i32>} : memref<64x16xf32, #tpu.memory_space<vmem>>, vector<16xf32>,
      %add3A_454 = arith.constant 49 : i32
      %add3A_455 = arith.addi %mul3A_14, %add3A_454 : i32
      %add3A_456 = vector.broadcast %add3A_455 : i32 to vector<16xi32>
      %add3A_457 = arith.addi %mul3A_6, %add3A_456 : vector<16xi32>
      %gather3A_458 = tpu.vector_load_idx %arg4[%add3A_457] : memref<16384xf32, #tpu.memory_space<vmem>>[vector<16xi32>], vector<16xf32>,
      %swap3A_459 = arith.constant 49 : i32
      %swap3A_460 = arith.index_cast %swap3A_459 : i32 to index
      %swap3A_461 = arith.constant 0 : index
      %swap3A_462 = tpu.vector_load %arg6[%swap3A_460, %swap3A_461] {strides = array<i32>} : memref<64x16xf32, #tpu.memory_space<vmem>>, vector<16xf32>,
      tpu.vector_store %arg6[%swap3A_460, %swap3A_461], %gather3A_458 {strides = array<i32>} : memref<64x16xf32, #tpu.memory_space<vmem>>, vector<16xf32>,
      %add3A_463 = arith.constant 50 : i32
      %add3A_464 = arith.addi %mul3A_14, %add3A_463 : i32
      %add3A_465 = vector.broadcast %add3A_464 : i32 to vector<16xi32>
      %add3A_466 = arith.addi %mul3A_6, %add3A_465 : vector<16xi32>
      %gather3A_467 = tpu.vector_load_idx %arg4[%add3A_466] : memref<16384xf32, #tpu.memory_space<vmem>>[vector<16xi32>], vector<16xf32>,
      %swap3A_468 = arith.constant 50 : i32
      %swap3A_469 = arith.index_cast %swap3A_468 : i32 to index
      %swap3A_470 = arith.constant 0 : index
      %swap3A_471 = tpu.vector_load %arg6[%swap3A_469, %swap3A_470] {strides = array<i32>} : memref<64x16xf32, #tpu.memory_space<vmem>>, vector<16xf32>,
      tpu.vector_store %arg6[%swap3A_469, %swap3A_470], %gather3A_467 {strides = array<i32>} : memref<64x16xf32, #tpu.memory_space<vmem>>, vector<16xf32>,
      %add3A_472 = arith.constant 51 : i32
      %add3A_473 = arith.addi %mul3A_14, %add3A_472 : i32
      %add3A_474 = vector.broadcast %add3A_473 : i32 to vector<16xi32>
      %add3A_475 = arith.addi %mul3A_6, %add3A_474 : vector<16xi32>
      %gather3A_476 = tpu.vector_load_idx %arg4[%add3A_475] : memref<16384xf32, #tpu.memory_space<vmem>>[vector<16xi32>], vector<16xf32>,
      %swap3A_477 = arith.constant 51 : i32
      %swap3A_478 = arith.index_cast %swap3A_477 : i32 to index
      %swap3A_479 = arith.constant 0 : index
      %swap3A_480 = tpu.vector_load %arg6[%swap3A_478, %swap3A_479] {strides = array<i32>} : memref<64x16xf32, #tpu.memory_space<vmem>>, vector<16xf32>,
      tpu.vector_store %arg6[%swap3A_478, %swap3A_479], %gather3A_476 {strides = array<i32>} : memref<64x16xf32, #tpu.memory_space<vmem>>, vector<16xf32>,
      %add3A_481 = arith.constant 52 : i32
      %add3A_482 = arith.addi %mul3A_14, %add3A_481 : i32
      %add3A_483 = vector.broadcast %add3A_482 : i32 to vector<16xi32>
      %add3A_484 = arith.addi %mul3A_6, %add3A_483 : vector<16xi32>
      %gather3A_485 = tpu.vector_load_idx %arg4[%add3A_484] : memref<16384xf32, #tpu.memory_space<vmem>>[vector<16xi32>], vector<16xf32>,
      %swap3A_486 = arith.constant 52 : i32
      %swap3A_487 = arith.index_cast %swap3A_486 : i32 to index
      %swap3A_488 = arith.constant 0 : index
      %swap3A_489 = tpu.vector_load %arg6[%swap3A_487, %swap3A_488] {strides = array<i32>} : memref<64x16xf32, #tpu.memory_space<vmem>>, vector<16xf32>,
      tpu.vector_store %arg6[%swap3A_487, %swap3A_488], %gather3A_485 {strides = array<i32>} : memref<64x16xf32, #tpu.memory_space<vmem>>, vector<16xf32>,
      %add3A_490 = arith.constant 53 : i32
      %add3A_491 = arith.addi %mul3A_14, %add3A_490 : i32
      %add3A_492 = vector.broadcast %add3A_491 : i32 to vector<16xi32>
      %add3A_493 = arith.addi %mul3A_6, %add3A_492 : vector<16xi32>
      %gather3A_494 = tpu.vector_load_idx %arg4[%add3A_493] : memref<16384xf32, #tpu.memory_space<vmem>>[vector<16xi32>], vector<16xf32>,
      %swap3A_495 = arith.constant 53 : i32
      %swap3A_496 = arith.index_cast %swap3A_495 : i32 to index
      %swap3A_497 = arith.constant 0 : index
      %swap3A_498 = tpu.vector_load %arg6[%swap3A_496, %swap3A_497] {strides = array<i32>} : memref<64x16xf32, #tpu.memory_space<vmem>>, vector<16xf32>,
      tpu.vector_store %arg6[%swap3A_496, %swap3A_497], %gather3A_494 {strides = array<i32>} : memref<64x16xf32, #tpu.memory_space<vmem>>, vector<16xf32>,
      %add3A_499 = arith.constant 54 : i32
      %add3A_500 = arith.addi %mul3A_14, %add3A_499 : i32
      %add3A_501 = vector.broadcast %add3A_500 : i32 to vector<16xi32>
      %add3A_502 = arith.addi %mul3A_6, %add3A_501 : vector<16xi32>
      %gather3A_503 = tpu.vector_load_idx %arg4[%add3A_502] : memref<16384xf32, #tpu.memory_space<vmem>>[vector<16xi32>], vector<16xf32>,
      %swap3A_504 = arith.constant 54 : i32
      %swap3A_505 = arith.index_cast %swap3A_504 : i32 to index
      %swap3A_506 = arith.constant 0 : index
      %swap3A_507 = tpu.vector_load %arg6[%swap3A_505, %swap3A_506] {strides = array<i32>} : memref<64x16xf32, #tpu.memory_space<vmem>>, vector<16xf32>,
      tpu.vector_store %arg6[%swap3A_505, %swap3A_506], %gather3A_503 {strides = array<i32>} : memref<64x16xf32, #tpu.memory_space<vmem>>, vector<16xf32>,
      %add3A_508 = arith.constant 55 : i32
      %add3A_509 = arith.addi %mul3A_14, %add3A_508 : i32
      %add3A_510 = vector.broadcast %add3A_509 : i32 to vector<16xi32>
      %add3A_511 = arith.addi %mul3A_6, %add3A_510 : vector<16xi32>
      %gather3A_512 = tpu.vector_load_idx %arg4[%add3A_511] : memref<16384xf32, #tpu.memory_space<vmem>>[vector<16xi32>], vector<16xf32>,
      %swap3A_513 = arith.constant 55 : i32
      %swap3A_514 = arith.index_cast %swap3A_513 : i32 to index
      %swap3A_515 = arith.constant 0 : index
      %swap3A_516 = tpu.vector_load %arg6[%swap3A_514, %swap3A_515] {strides = array<i32>} : memref<64x16xf32, #tpu.memory_space<vmem>>, vector<16xf32>,
      tpu.vector_store %arg6[%swap3A_514, %swap3A_515], %gather3A_512 {strides = array<i32>} : memref<64x16xf32, #tpu.memory_space<vmem>>, vector<16xf32>,
      %add3A_517 = arith.constant 56 : i32
      %add3A_518 = arith.addi %mul3A_14, %add3A_517 : i32
      %add3A_519 = vector.broadcast %add3A_518 : i32 to vector<16xi32>
      %add3A_520 = arith.addi %mul3A_6, %add3A_519 : vector<16xi32>
      %gather3A_521 = tpu.vector_load_idx %arg4[%add3A_520] : memref<16384xf32, #tpu.memory_space<vmem>>[vector<16xi32>], vector<16xf32>,
      %swap3A_522 = arith.constant 56 : i32
      %swap3A_523 = arith.index_cast %swap3A_522 : i32 to index
      %swap3A_524 = arith.constant 0 : index
      %swap3A_525 = tpu.vector_load %arg6[%swap3A_523, %swap3A_524] {strides = array<i32>} : memref<64x16xf32, #tpu.memory_space<vmem>>, vector<16xf32>,
      tpu.vector_store %arg6[%swap3A_523, %swap3A_524], %gather3A_521 {strides = array<i32>} : memref<64x16xf32, #tpu.memory_space<vmem>>, vector<16xf32>,
      %add3A_526 = arith.constant 57 : i32
      %add3A_527 = arith.addi %mul3A_14, %add3A_526 : i32
      %add3A_528 = vector.broadcast %add3A_527 : i32 to vector<16xi32>
      %add3A_529 = arith.addi %mul3A_6, %add3A_528 : vector<16xi32>
      %gather3A_530 = tpu.vector_load_idx %arg4[%add3A_529] : memref<16384xf32, #tpu.memory_space<vmem>>[vector<16xi32>], vector<16xf32>,
      %swap3A_531 = arith.constant 57 : i32
      %swap3A_532 = arith.index_cast %swap3A_531 : i32 to index
      %swap3A_533 = arith.constant 0 : index
      %swap3A_534 = tpu.vector_load %arg6[%swap3A_532, %swap3A_533] {strides = array<i32>} : memref<64x16xf32, #tpu.memory_space<vmem>>, vector<16xf32>,
      tpu.vector_store %arg6[%swap3A_532, %swap3A_533], %gather3A_530 {strides = array<i32>} : memref<64x16xf32, #tpu.memory_space<vmem>>, vector<16xf32>,
      %add3A_535 = arith.constant 58 : i32
      %add3A_536 = arith.addi %mul3A_14, %add3A_535 : i32
      %add3A_537 = vector.broadcast %add3A_536 : i32 to vector<16xi32>
      %add3A_538 = arith.addi %mul3A_6, %add3A_537 : vector<16xi32>
      %gather3A_539 = tpu.vector_load_idx %arg4[%add3A_538] : memref<16384xf32, #tpu.memory_space<vmem>>[vector<16xi32>], vector<16xf32>,
      %swap3A_540 = arith.constant 58 : i32
      %swap3A_541 = arith.index_cast %swap3A_540 : i32 to index
      %swap3A_542 = arith.constant 0 : index
      %swap3A_543 = tpu.vector_load %arg6[%swap3A_541, %swap3A_542] {strides = array<i32>} : memref<64x16xf32, #tpu.memory_space<vmem>>, vector<16xf32>,
      tpu.vector_store %arg6[%swap3A_541, %swap3A_542], %gather3A_539 {strides = array<i32>} : memref<64x16xf32, #tpu.memory_space<vmem>>, vector<16xf32>,
      %add3A_544 = arith.constant 59 : i32
      %add3A_545 = arith.addi %mul3A_14, %add3A_544 : i32
      %add3A_546 = vector.broadcast %add3A_545 : i32 to vector<16xi32>
      %add3A_547 = arith.addi %mul3A_6, %add3A_546 : vector<16xi32>
      %gather3A_548 = tpu.vector_load_idx %arg4[%add3A_547] : memref<16384xf32, #tpu.memory_space<vmem>>[vector<16xi32>], vector<16xf32>,
      %swap3A_549 = arith.constant 59 : i32
      %swap3A_550 = arith.index_cast %swap3A_549 : i32 to index
      %swap3A_551 = arith.constant 0 : index
      %swap3A_552 = tpu.vector_load %arg6[%swap3A_550, %swap3A_551] {strides = array<i32>} : memref<64x16xf32, #tpu.memory_space<vmem>>, vector<16xf32>,
      tpu.vector_store %arg6[%swap3A_550, %swap3A_551], %gather3A_548 {strides = array<i32>} : memref<64x16xf32, #tpu.memory_space<vmem>>, vector<16xf32>,
      %add3A_553 = arith.constant 60 : i32
      %add3A_554 = arith.addi %mul3A_14, %add3A_553 : i32
      %add3A_555 = vector.broadcast %add3A_554 : i32 to vector<16xi32>
      %add3A_556 = arith.addi %mul3A_6, %add3A_555 : vector<16xi32>
      %gather3A_557 = tpu.vector_load_idx %arg4[%add3A_556] : memref<16384xf32, #tpu.memory_space<vmem>>[vector<16xi32>], vector<16xf32>,
      %swap3A_558 = arith.constant 60 : i32
      %swap3A_559 = arith.index_cast %swap3A_558 : i32 to index
      %swap3A_560 = arith.constant 0 : index
      %swap3A_561 = tpu.vector_load %arg6[%swap3A_559, %swap3A_560] {strides = array<i32>} : memref<64x16xf32, #tpu.memory_space<vmem>>, vector<16xf32>,
      tpu.vector_store %arg6[%swap3A_559, %swap3A_560], %gather3A_557 {strides = array<i32>} : memref<64x16xf32, #tpu.memory_space<vmem>>, vector<16xf32>,
      %add3A_562 = arith.constant 61 : i32
      %add3A_563 = arith.addi %mul3A_14, %add3A_562 : i32
      %add3A_564 = vector.broadcast %add3A_563 : i32 to vector<16xi32>
      %add3A_565 = arith.addi %mul3A_6, %add3A_564 : vector<16xi32>
      %gather3A_566 = tpu.vector_load_idx %arg4[%add3A_565] : memref<16384xf32, #tpu.memory_space<vmem>>[vector<16xi32>], vector<16xf32>,
      %swap3A_567 = arith.constant 61 : i32
      %swap3A_568 = arith.index_cast %swap3A_567 : i32 to index
      %swap3A_569 = arith.constant 0 : index
      %swap3A_570 = tpu.vector_load %arg6[%swap3A_568, %swap3A_569] {strides = array<i32>} : memref<64x16xf32, #tpu.memory_space<vmem>>, vector<16xf32>,
      tpu.vector_store %arg6[%swap3A_568, %swap3A_569], %gather3A_566 {strides = array<i32>} : memref<64x16xf32, #tpu.memory_space<vmem>>, vector<16xf32>,
      %add3A_571 = arith.constant 62 : i32
      %add3A_572 = arith.addi %mul3A_14, %add3A_571 : i32
      %add3A_573 = vector.broadcast %add3A_572 : i32 to vector<16xi32>
      %add3A_574 = arith.addi %mul3A_6, %add3A_573 : vector<16xi32>
      %gather3A_575 = tpu.vector_load_idx %arg4[%add3A_574] : memref<16384xf32, #tpu.memory_space<vmem>>[vector<16xi32>], vector<16xf32>,
      %swap3A_576 = arith.constant 62 : i32
      %swap3A_577 = arith.index_cast %swap3A_576 : i32 to index
      %swap3A_578 = arith.constant 0 : index
      %swap3A_579 = tpu.vector_load %arg6[%swap3A_577, %swap3A_578] {strides = array<i32>} : memref<64x16xf32, #tpu.memory_space<vmem>>, vector<16xf32>,
      tpu.vector_store %arg6[%swap3A_577, %swap3A_578], %gather3A_575 {strides = array<i32>} : memref<64x16xf32, #tpu.memory_space<vmem>>, vector<16xf32>,
      %add3A_580 = arith.constant 63 : i32
      %add3A_581 = arith.addi %mul3A_14, %add3A_580 : i32
      %add3A_582 = vector.broadcast %add3A_581 : i32 to vector<16xi32>
      %add3A_583 = arith.addi %mul3A_6, %add3A_582 : vector<16xi32>
      %gather3A_584 = tpu.vector_load_idx %arg4[%add3A_583] : memref<16384xf32, #tpu.memory_space<vmem>>[vector<16xi32>], vector<16xf32>,
      %swap3A_585 = arith.constant 63 : i32
      %swap3A_586 = arith.index_cast %swap3A_585 : i32 to index
      %swap3A_587 = arith.constant 0 : index
      %swap3A_588 = tpu.vector_load %arg6[%swap3A_586, %swap3A_587] {strides = array<i32>} : memref<64x16xf32, #tpu.memory_space<vmem>>, vector<16xf32>,
      tpu.vector_store %arg6[%swap3A_586, %swap3A_587], %gather3A_584 {strides = array<i32>} : memref<64x16xf32, #tpu.memory_space<vmem>>, vector<16xf32>,
      %broadcast_in_dim3A_589 = arith.constant 1.000000e+00 : f32
      %broadcast_in_dim3A_590 = vector.broadcast %broadcast_in_dim3A_589 : f32 to vector<16xf32>
      %get3A = arith.constant 0 : i32
      %get3A_591 = arith.index_cast %get3A : i32 to index
      %get3A_592 = arith.constant 0 : index
      %get3A_593 = tpu.vector_load %arg6[%get3A_591, %get3A_592] {strides = array<i32>} : memref<64x16xf32, #tpu.memory_space<vmem>>, vector<16xf32>,
      %lt3A = arith.cmpf olt, %get3A_593, %broadcast_in_dim3A_590 : vector<16xf32>
      %select_n3A = arith.select %lt3A, %get3A_593, %broadcast_in_dim3A_3 : vector<16xi1>, vector<16xf32>
      %get3A_594 = arith.constant 1 : i32
      %get3A_595 = arith.index_cast %get3A_594 : i32 to index
      %get3A_596 = arith.constant 0 : index
      %get3A_597 = tpu.vector_load %arg6[%get3A_595, %get3A_596] {strides = array<i32>} : memref<64x16xf32, #tpu.memory_space<vmem>>, vector<16xf32>,
      %lt3A_598 = arith.cmpf olt, %get3A_597, %broadcast_in_dim3A_590 : vector<16xf32>
      %select_n3A_599 = arith.select %lt3A_598, %get3A_597, %broadcast_in_dim3A_3 : vector<16xi1>, vector<16xf32>
      %get3A_600 = arith.constant 2 : i32
      %get3A_601 = arith.index_cast %get3A_600 : i32 to index
      %get3A_602 = arith.constant 0 : index
      %get3A_603 = tpu.vector_load %arg6[%get3A_601, %get3A_602] {strides = array<i32>} : memref<64x16xf32, #tpu.memory_space<vmem>>, vector<16xf32>,
      %lt3A_604 = arith.cmpf olt, %get3A_603, %broadcast_in_dim3A_590 : vector<16xf32>
      %select_n3A_605 = arith.select %lt3A_604, %get3A_603, %broadcast_in_dim3A_3 : vector<16xi1>, vector<16xf32>
      %get3A_606 = arith.constant 3 : i32
      %get3A_607 = arith.index_cast %get3A_606 : i32 to index
      %get3A_608 = arith.constant 0 : index
      %get3A_609 = tpu.vector_load %arg6[%get3A_607, %get3A_608] {strides = array<i32>} : memref<64x16xf32, #tpu.memory_space<vmem>>, vector<16xf32>,
      %lt3A_610 = arith.cmpf olt, %get3A_609, %broadcast_in_dim3A_590 : vector<16xf32>
      %select_n3A_611 = arith.select %lt3A_610, %get3A_609, %broadcast_in_dim3A_3 : vector<16xi1>, vector<16xf32>
      %get3A_612 = arith.constant 4 : i32
      %get3A_613 = arith.index_cast %get3A_612 : i32 to index
      %get3A_614 = arith.constant 0 : index
      %get3A_615 = tpu.vector_load %arg6[%get3A_613, %get3A_614] {strides = array<i32>} : memref<64x16xf32, #tpu.memory_space<vmem>>, vector<16xf32>,
      %lt3A_616 = arith.cmpf olt, %get3A_615, %broadcast_in_dim3A_590 : vector<16xf32>
      %select_n3A_617 = arith.select %lt3A_616, %get3A_615, %broadcast_in_dim3A_3 : vector<16xi1>, vector<16xf32>
      %get3A_618 = arith.constant 5 : i32
      %get3A_619 = arith.index_cast %get3A_618 : i32 to index
      %get3A_620 = arith.constant 0 : index
      %get3A_621 = tpu.vector_load %arg6[%get3A_619, %get3A_620] {strides = array<i32>} : memref<64x16xf32, #tpu.memory_space<vmem>>, vector<16xf32>,
      %lt3A_622 = arith.cmpf olt, %get3A_621, %broadcast_in_dim3A_590 : vector<16xf32>
      %select_n3A_623 = arith.select %lt3A_622, %get3A_621, %broadcast_in_dim3A_3 : vector<16xi1>, vector<16xf32>
      %get3A_624 = arith.constant 6 : i32
      %get3A_625 = arith.index_cast %get3A_624 : i32 to index
      %get3A_626 = arith.constant 0 : index
      %get3A_627 = tpu.vector_load %arg6[%get3A_625, %get3A_626] {strides = array<i32>} : memref<64x16xf32, #tpu.memory_space<vmem>>, vector<16xf32>,
      %lt3A_628 = arith.cmpf olt, %get3A_627, %broadcast_in_dim3A_590 : vector<16xf32>
      %select_n3A_629 = arith.select %lt3A_628, %get3A_627, %broadcast_in_dim3A_3 : vector<16xi1>, vector<16xf32>
      %get3A_630 = arith.constant 7 : i32
      %get3A_631 = arith.index_cast %get3A_630 : i32 to index
      %get3A_632 = arith.constant 0 : index
      %get3A_633 = tpu.vector_load %arg6[%get3A_631, %get3A_632] {strides = array<i32>} : memref<64x16xf32, #tpu.memory_space<vmem>>, vector<16xf32>,
      %lt3A_634 = arith.cmpf olt, %get3A_633, %broadcast_in_dim3A_590 : vector<16xf32>
      %select_n3A_635 = arith.select %lt3A_634, %get3A_633, %broadcast_in_dim3A_3 : vector<16xi1>, vector<16xf32>
      %get3A_636 = arith.constant 8 : i32
      %get3A_637 = arith.index_cast %get3A_636 : i32 to index
      %get3A_638 = arith.constant 0 : index
      %get3A_639 = tpu.vector_load %arg6[%get3A_637, %get3A_638] {strides = array<i32>} : memref<64x16xf32, #tpu.memory_space<vmem>>, vector<16xf32>,
      %lt3A_640 = arith.cmpf olt, %get3A_639, %broadcast_in_dim3A_590 : vector<16xf32>
      %select_n3A_641 = arith.select %lt3A_640, %get3A_639, %broadcast_in_dim3A_3 : vector<16xi1>, vector<16xf32>
      %get3A_642 = arith.constant 9 : i32
      %get3A_643 = arith.index_cast %get3A_642 : i32 to index
      %get3A_644 = arith.constant 0 : index
      %get3A_645 = tpu.vector_load %arg6[%get3A_643, %get3A_644] {strides = array<i32>} : memref<64x16xf32, #tpu.memory_space<vmem>>, vector<16xf32>,
      %lt3A_646 = arith.cmpf olt, %get3A_645, %broadcast_in_dim3A_590 : vector<16xf32>
      %select_n3A_647 = arith.select %lt3A_646, %get3A_645, %broadcast_in_dim3A_3 : vector<16xi1>, vector<16xf32>
      %get3A_648 = arith.constant 10 : i32
      %get3A_649 = arith.index_cast %get3A_648 : i32 to index
      %get3A_650 = arith.constant 0 : index
      %get3A_651 = tpu.vector_load %arg6[%get3A_649, %get3A_650] {strides = array<i32>} : memref<64x16xf32, #tpu.memory_space<vmem>>, vector<16xf32>,
      %lt3A_652 = arith.cmpf olt, %get3A_651, %broadcast_in_dim3A_590 : vector<16xf32>
      %select_n3A_653 = arith.select %lt3A_652, %get3A_651, %broadcast_in_dim3A_3 : vector<16xi1>, vector<16xf32>
      %get3A_654 = arith.constant 11 : i32
      %get3A_655 = arith.index_cast %get3A_654 : i32 to index
      %get3A_656 = arith.constant 0 : index
      %get3A_657 = tpu.vector_load %arg6[%get3A_655, %get3A_656] {strides = array<i32>} : memref<64x16xf32, #tpu.memory_space<vmem>>, vector<16xf32>,
      %lt3A_658 = arith.cmpf olt, %get3A_657, %broadcast_in_dim3A_590 : vector<16xf32>
      %select_n3A_659 = arith.select %lt3A_658, %get3A_657, %broadcast_in_dim3A_3 : vector<16xi1>, vector<16xf32>
      %get3A_660 = arith.constant 12 : i32
      %get3A_661 = arith.index_cast %get3A_660 : i32 to index
      %get3A_662 = arith.constant 0 : index
      %get3A_663 = tpu.vector_load %arg6[%get3A_661, %get3A_662] {strides = array<i32>} : memref<64x16xf32, #tpu.memory_space<vmem>>, vector<16xf32>,
      %lt3A_664 = arith.cmpf olt, %get3A_663, %broadcast_in_dim3A_590 : vector<16xf32>
      %select_n3A_665 = arith.select %lt3A_664, %get3A_663, %broadcast_in_dim3A_3 : vector<16xi1>, vector<16xf32>
      %get3A_666 = arith.constant 13 : i32
      %get3A_667 = arith.index_cast %get3A_666 : i32 to index
      %get3A_668 = arith.constant 0 : index
      %get3A_669 = tpu.vector_load %arg6[%get3A_667, %get3A_668] {strides = array<i32>} : memref<64x16xf32, #tpu.memory_space<vmem>>, vector<16xf32>,
      %lt3A_670 = arith.cmpf olt, %get3A_669, %broadcast_in_dim3A_590 : vector<16xf32>
      %select_n3A_671 = arith.select %lt3A_670, %get3A_669, %broadcast_in_dim3A_3 : vector<16xi1>, vector<16xf32>
      %get3A_672 = arith.constant 14 : i32
      %get3A_673 = arith.index_cast %get3A_672 : i32 to index
      %get3A_674 = arith.constant 0 : index
      %get3A_675 = tpu.vector_load %arg6[%get3A_673, %get3A_674] {strides = array<i32>} : memref<64x16xf32, #tpu.memory_space<vmem>>, vector<16xf32>,
      %lt3A_676 = arith.cmpf olt, %get3A_675, %broadcast_in_dim3A_590 : vector<16xf32>
      %select_n3A_677 = arith.select %lt3A_676, %get3A_675, %broadcast_in_dim3A_3 : vector<16xi1>, vector<16xf32>
      %get3A_678 = arith.constant 15 : i32
      %get3A_679 = arith.index_cast %get3A_678 : i32 to index
      %get3A_680 = arith.constant 0 : index
      %get3A_681 = tpu.vector_load %arg6[%get3A_679, %get3A_680] {strides = array<i32>} : memref<64x16xf32, #tpu.memory_space<vmem>>, vector<16xf32>,
      %lt3A_682 = arith.cmpf olt, %get3A_681, %broadcast_in_dim3A_590 : vector<16xf32>
      %select_n3A_683 = arith.select %lt3A_682, %get3A_681, %broadcast_in_dim3A_3 : vector<16xi1>, vector<16xf32>
      %max3A = arith.maximumf %select_n3A, %select_n3A_599 : vector<16xf32>
      %max3A_684 = arith.maximumf %select_n3A_605, %select_n3A_611 : vector<16xf32>
      %max3A_685 = arith.maximumf %select_n3A_617, %select_n3A_623 : vector<16xf32>
      %max3A_686 = arith.maximumf %select_n3A_629, %select_n3A_635 : vector<16xf32>
      %max3A_687 = arith.maximumf %select_n3A_641, %select_n3A_647 : vector<16xf32>
      %max3A_688 = arith.maximumf %select_n3A_653, %select_n3A_659 : vector<16xf32>
      %max3A_689 = arith.maximumf %select_n3A_665, %select_n3A_671 : vector<16xf32>
      %max3A_690 = arith.maximumf %select_n3A_677, %select_n3A_683 : vector<16xf32>
      %max3A_691 = arith.maximumf %max3A, %max3A_684 : vector<16xf32>
      %max3A_692 = arith.maximumf %max3A_685, %max3A_686 : vector<16xf32>
      %max3A_693 = arith.maximumf %max3A_687, %max3A_688 : vector<16xf32>
      %max3A_694 = arith.maximumf %max3A_689, %max3A_690 : vector<16xf32>
      %max3A_695 = arith.maximumf %max3A_691, %max3A_692 : vector<16xf32>
      %max3A_696 = arith.maximumf %max3A_693, %max3A_694 : vector<16xf32>
      %max3A_697 = arith.maximumf %max3A_695, %max3A_696 : vector<16xf32>
      %get3A_698 = arith.constant 16 : i32
      %get3A_699 = arith.index_cast %get3A_698 : i32 to index
      %get3A_700 = arith.constant 0 : index
      %get3A_701 = tpu.vector_load %arg6[%get3A_699, %get3A_700] {strides = array<i32>} : memref<64x16xf32, #tpu.memory_space<vmem>>, vector<16xf32>,
      %lt3A_702 = arith.cmpf olt, %get3A_701, %broadcast_in_dim3A_590 : vector<16xf32>
      %select_n3A_703 = arith.select %lt3A_702, %get3A_701, %broadcast_in_dim3A_3 : vector<16xi1>, vector<16xf32>
      %get3A_704 = arith.constant 17 : i32
      %get3A_705 = arith.index_cast %get3A_704 : i32 to index
      %get3A_706 = arith.constant 0 : index
      %get3A_707 = tpu.vector_load %arg6[%get3A_705, %get3A_706] {strides = array<i32>} : memref<64x16xf32, #tpu.memory_space<vmem>>, vector<16xf32>,
      %lt3A_708 = arith.cmpf olt, %get3A_707, %broadcast_in_dim3A_590 : vector<16xf32>
      %select_n3A_709 = arith.select %lt3A_708, %get3A_707, %broadcast_in_dim3A_3 : vector<16xi1>, vector<16xf32>
      %get3A_710 = arith.constant 18 : i32
      %get3A_711 = arith.index_cast %get3A_710 : i32 to index
      %get3A_712 = arith.constant 0 : index
      %get3A_713 = tpu.vector_load %arg6[%get3A_711, %get3A_712] {strides = array<i32>} : memref<64x16xf32, #tpu.memory_space<vmem>>, vector<16xf32>,
      %lt3A_714 = arith.cmpf olt, %get3A_713, %broadcast_in_dim3A_590 : vector<16xf32>
      %select_n3A_715 = arith.select %lt3A_714, %get3A_713, %broadcast_in_dim3A_3 : vector<16xi1>, vector<16xf32>
      %get3A_716 = arith.constant 19 : i32
      %get3A_717 = arith.index_cast %get3A_716 : i32 to index
      %get3A_718 = arith.constant 0 : index
      %get3A_719 = tpu.vector_load %arg6[%get3A_717, %get3A_718] {strides = array<i32>} : memref<64x16xf32, #tpu.memory_space<vmem>>, vector<16xf32>,
      %lt3A_720 = arith.cmpf olt, %get3A_719, %broadcast_in_dim3A_590 : vector<16xf32>
      %select_n3A_721 = arith.select %lt3A_720, %get3A_719, %broadcast_in_dim3A_3 : vector<16xi1>, vector<16xf32>
      %get3A_722 = arith.constant 20 : i32
      %get3A_723 = arith.index_cast %get3A_722 : i32 to index
      %get3A_724 = arith.constant 0 : index
      %get3A_725 = tpu.vector_load %arg6[%get3A_723, %get3A_724] {strides = array<i32>} : memref<64x16xf32, #tpu.memory_space<vmem>>, vector<16xf32>,
      %lt3A_726 = arith.cmpf olt, %get3A_725, %broadcast_in_dim3A_590 : vector<16xf32>
      %select_n3A_727 = arith.select %lt3A_726, %get3A_725, %broadcast_in_dim3A_3 : vector<16xi1>, vector<16xf32>
      %get3A_728 = arith.constant 21 : i32
      %get3A_729 = arith.index_cast %get3A_728 : i32 to index
      %get3A_730 = arith.constant 0 : index
      %get3A_731 = tpu.vector_load %arg6[%get3A_729, %get3A_730] {strides = array<i32>} : memref<64x16xf32, #tpu.memory_space<vmem>>, vector<16xf32>,
      %lt3A_732 = arith.cmpf olt, %get3A_731, %broadcast_in_dim3A_590 : vector<16xf32>
      %select_n3A_733 = arith.select %lt3A_732, %get3A_731, %broadcast_in_dim3A_3 : vector<16xi1>, vector<16xf32>
      %get3A_734 = arith.constant 22 : i32
      %get3A_735 = arith.index_cast %get3A_734 : i32 to index
      %get3A_736 = arith.constant 0 : index
      %get3A_737 = tpu.vector_load %arg6[%get3A_735, %get3A_736] {strides = array<i32>} : memref<64x16xf32, #tpu.memory_space<vmem>>, vector<16xf32>,
      %lt3A_738 = arith.cmpf olt, %get3A_737, %broadcast_in_dim3A_590 : vector<16xf32>
      %select_n3A_739 = arith.select %lt3A_738, %get3A_737, %broadcast_in_dim3A_3 : vector<16xi1>, vector<16xf32>
      %get3A_740 = arith.constant 23 : i32
      %get3A_741 = arith.index_cast %get3A_740 : i32 to index
      %get3A_742 = arith.constant 0 : index
      %get3A_743 = tpu.vector_load %arg6[%get3A_741, %get3A_742] {strides = array<i32>} : memref<64x16xf32, #tpu.memory_space<vmem>>, vector<16xf32>,
      %lt3A_744 = arith.cmpf olt, %get3A_743, %broadcast_in_dim3A_590 : vector<16xf32>
      %select_n3A_745 = arith.select %lt3A_744, %get3A_743, %broadcast_in_dim3A_3 : vector<16xi1>, vector<16xf32>
      %get3A_746 = arith.constant 24 : i32
      %get3A_747 = arith.index_cast %get3A_746 : i32 to index
      %get3A_748 = arith.constant 0 : index
      %get3A_749 = tpu.vector_load %arg6[%get3A_747, %get3A_748] {strides = array<i32>} : memref<64x16xf32, #tpu.memory_space<vmem>>, vector<16xf32>,
      %lt3A_750 = arith.cmpf olt, %get3A_749, %broadcast_in_dim3A_590 : vector<16xf32>
      %select_n3A_751 = arith.select %lt3A_750, %get3A_749, %broadcast_in_dim3A_3 : vector<16xi1>, vector<16xf32>
      %get3A_752 = arith.constant 25 : i32
      %get3A_753 = arith.index_cast %get3A_752 : i32 to index
      %get3A_754 = arith.constant 0 : index
      %get3A_755 = tpu.vector_load %arg6[%get3A_753, %get3A_754] {strides = array<i32>} : memref<64x16xf32, #tpu.memory_space<vmem>>, vector<16xf32>,
      %lt3A_756 = arith.cmpf olt, %get3A_755, %broadcast_in_dim3A_590 : vector<16xf32>
      %select_n3A_757 = arith.select %lt3A_756, %get3A_755, %broadcast_in_dim3A_3 : vector<16xi1>, vector<16xf32>
      %get3A_758 = arith.constant 26 : i32
      %get3A_759 = arith.index_cast %get3A_758 : i32 to index
      %get3A_760 = arith.constant 0 : index
      %get3A_761 = tpu.vector_load %arg6[%get3A_759, %get3A_760] {strides = array<i32>} : memref<64x16xf32, #tpu.memory_space<vmem>>, vector<16xf32>,
      %lt3A_762 = arith.cmpf olt, %get3A_761, %broadcast_in_dim3A_590 : vector<16xf32>
      %select_n3A_763 = arith.select %lt3A_762, %get3A_761, %broadcast_in_dim3A_3 : vector<16xi1>, vector<16xf32>
      %get3A_764 = arith.constant 27 : i32
      %get3A_765 = arith.index_cast %get3A_764 : i32 to index
      %get3A_766 = arith.constant 0 : index
      %get3A_767 = tpu.vector_load %arg6[%get3A_765, %get3A_766] {strides = array<i32>} : memref<64x16xf32, #tpu.memory_space<vmem>>, vector<16xf32>,
      %lt3A_768 = arith.cmpf olt, %get3A_767, %broadcast_in_dim3A_590 : vector<16xf32>
      %select_n3A_769 = arith.select %lt3A_768, %get3A_767, %broadcast_in_dim3A_3 : vector<16xi1>, vector<16xf32>
      %get3A_770 = arith.constant 28 : i32
      %get3A_771 = arith.index_cast %get3A_770 : i32 to index
      %get3A_772 = arith.constant 0 : index
      %get3A_773 = tpu.vector_load %arg6[%get3A_771, %get3A_772] {strides = array<i32>} : memref<64x16xf32, #tpu.memory_space<vmem>>, vector<16xf32>,
      %lt3A_774 = arith.cmpf olt, %get3A_773, %broadcast_in_dim3A_590 : vector<16xf32>
      %select_n3A_775 = arith.select %lt3A_774, %get3A_773, %broadcast_in_dim3A_3 : vector<16xi1>, vector<16xf32>
      %get3A_776 = arith.constant 29 : i32
      %get3A_777 = arith.index_cast %get3A_776 : i32 to index
      %get3A_778 = arith.constant 0 : index
      %get3A_779 = tpu.vector_load %arg6[%get3A_777, %get3A_778] {strides = array<i32>} : memref<64x16xf32, #tpu.memory_space<vmem>>, vector<16xf32>,
      %lt3A_780 = arith.cmpf olt, %get3A_779, %broadcast_in_dim3A_590 : vector<16xf32>
      %select_n3A_781 = arith.select %lt3A_780, %get3A_779, %broadcast_in_dim3A_3 : vector<16xi1>, vector<16xf32>
      %get3A_782 = arith.constant 30 : i32
      %get3A_783 = arith.index_cast %get3A_782 : i32 to index
      %get3A_784 = arith.constant 0 : index
      %get3A_785 = tpu.vector_load %arg6[%get3A_783, %get3A_784] {strides = array<i32>} : memref<64x16xf32, #tpu.memory_space<vmem>>, vector<16xf32>,
      %lt3A_786 = arith.cmpf olt, %get3A_785, %broadcast_in_dim3A_590 : vector<16xf32>
      %select_n3A_787 = arith.select %lt3A_786, %get3A_785, %broadcast_in_dim3A_3 : vector<16xi1>, vector<16xf32>
      %get3A_788 = arith.constant 31 : i32
      %get3A_789 = arith.index_cast %get3A_788 : i32 to index
      %get3A_790 = arith.constant 0 : index
      %get3A_791 = tpu.vector_load %arg6[%get3A_789, %get3A_790] {strides = array<i32>} : memref<64x16xf32, #tpu.memory_space<vmem>>, vector<16xf32>,
      %lt3A_792 = arith.cmpf olt, %get3A_791, %broadcast_in_dim3A_590 : vector<16xf32>
      %select_n3A_793 = arith.select %lt3A_792, %get3A_791, %broadcast_in_dim3A_3 : vector<16xi1>, vector<16xf32>
      %max3A_794 = arith.maximumf %select_n3A_703, %select_n3A_709 : vector<16xf32>
      %max3A_795 = arith.maximumf %select_n3A_715, %select_n3A_721 : vector<16xf32>
      %max3A_796 = arith.maximumf %select_n3A_727, %select_n3A_733 : vector<16xf32>
      %max3A_797 = arith.maximumf %select_n3A_739, %select_n3A_745 : vector<16xf32>
      %max3A_798 = arith.maximumf %select_n3A_751, %select_n3A_757 : vector<16xf32>
      %max3A_799 = arith.maximumf %select_n3A_763, %select_n3A_769 : vector<16xf32>
      %max3A_800 = arith.maximumf %select_n3A_775, %select_n3A_781 : vector<16xf32>
      %max3A_801 = arith.maximumf %select_n3A_787, %select_n3A_793 : vector<16xf32>
      %max3A_802 = arith.maximumf %max3A_794, %max3A_795 : vector<16xf32>
      %max3A_803 = arith.maximumf %max3A_796, %max3A_797 : vector<16xf32>
      %max3A_804 = arith.maximumf %max3A_798, %max3A_799 : vector<16xf32>
      %max3A_805 = arith.maximumf %max3A_800, %max3A_801 : vector<16xf32>
      %max3A_806 = arith.maximumf %max3A_802, %max3A_803 : vector<16xf32>
      %max3A_807 = arith.maximumf %max3A_804, %max3A_805 : vector<16xf32>
      %max3A_808 = arith.maximumf %max3A_806, %max3A_807 : vector<16xf32>
      %get3A_809 = arith.constant 32 : i32
      %get3A_810 = arith.index_cast %get3A_809 : i32 to index
      %get3A_811 = arith.constant 0 : index
      %get3A_812 = tpu.vector_load %arg6[%get3A_810, %get3A_811] {strides = array<i32>} : memref<64x16xf32, #tpu.memory_space<vmem>>, vector<16xf32>,
      %lt3A_813 = arith.cmpf olt, %get3A_812, %broadcast_in_dim3A_590 : vector<16xf32>
      %select_n3A_814 = arith.select %lt3A_813, %get3A_812, %broadcast_in_dim3A_3 : vector<16xi1>, vector<16xf32>
      %get3A_815 = arith.constant 33 : i32
      %get3A_816 = arith.index_cast %get3A_815 : i32 to index
      %get3A_817 = arith.constant 0 : index
      %get3A_818 = tpu.vector_load %arg6[%get3A_816, %get3A_817] {strides = array<i32>} : memref<64x16xf32, #tpu.memory_space<vmem>>, vector<16xf32>,
      %lt3A_819 = arith.cmpf olt, %get3A_818, %broadcast_in_dim3A_590 : vector<16xf32>
      %select_n3A_820 = arith.select %lt3A_819, %get3A_818, %broadcast_in_dim3A_3 : vector<16xi1>, vector<16xf32>
      %get3A_821 = arith.constant 34 : i32
      %get3A_822 = arith.index_cast %get3A_821 : i32 to index
      %get3A_823 = arith.constant 0 : index
      %get3A_824 = tpu.vector_load %arg6[%get3A_822, %get3A_823] {strides = array<i32>} : memref<64x16xf32, #tpu.memory_space<vmem>>, vector<16xf32>,
      %lt3A_825 = arith.cmpf olt, %get3A_824, %broadcast_in_dim3A_590 : vector<16xf32>
      %select_n3A_826 = arith.select %lt3A_825, %get3A_824, %broadcast_in_dim3A_3 : vector<16xi1>, vector<16xf32>
      %get3A_827 = arith.constant 35 : i32
      %get3A_828 = arith.index_cast %get3A_827 : i32 to index
      %get3A_829 = arith.constant 0 : index
      %get3A_830 = tpu.vector_load %arg6[%get3A_828, %get3A_829] {strides = array<i32>} : memref<64x16xf32, #tpu.memory_space<vmem>>, vector<16xf32>,
      %lt3A_831 = arith.cmpf olt, %get3A_830, %broadcast_in_dim3A_590 : vector<16xf32>
      %select_n3A_832 = arith.select %lt3A_831, %get3A_830, %broadcast_in_dim3A_3 : vector<16xi1>, vector<16xf32>
      %get3A_833 = arith.constant 36 : i32
      %get3A_834 = arith.index_cast %get3A_833 : i32 to index
      %get3A_835 = arith.constant 0 : index
      %get3A_836 = tpu.vector_load %arg6[%get3A_834, %get3A_835] {strides = array<i32>} : memref<64x16xf32, #tpu.memory_space<vmem>>, vector<16xf32>,
      %lt3A_837 = arith.cmpf olt, %get3A_836, %broadcast_in_dim3A_590 : vector<16xf32>
      %select_n3A_838 = arith.select %lt3A_837, %get3A_836, %broadcast_in_dim3A_3 : vector<16xi1>, vector<16xf32>
      %get3A_839 = arith.constant 37 : i32
      %get3A_840 = arith.index_cast %get3A_839 : i32 to index
      %get3A_841 = arith.constant 0 : index
      %get3A_842 = tpu.vector_load %arg6[%get3A_840, %get3A_841] {strides = array<i32>} : memref<64x16xf32, #tpu.memory_space<vmem>>, vector<16xf32>,
      %lt3A_843 = arith.cmpf olt, %get3A_842, %broadcast_in_dim3A_590 : vector<16xf32>
      %select_n3A_844 = arith.select %lt3A_843, %get3A_842, %broadcast_in_dim3A_3 : vector<16xi1>, vector<16xf32>
      %get3A_845 = arith.constant 38 : i32
      %get3A_846 = arith.index_cast %get3A_845 : i32 to index
      %get3A_847 = arith.constant 0 : index
      %get3A_848 = tpu.vector_load %arg6[%get3A_846, %get3A_847] {strides = array<i32>} : memref<64x16xf32, #tpu.memory_space<vmem>>, vector<16xf32>,
      %lt3A_849 = arith.cmpf olt, %get3A_848, %broadcast_in_dim3A_590 : vector<16xf32>
      %select_n3A_850 = arith.select %lt3A_849, %get3A_848, %broadcast_in_dim3A_3 : vector<16xi1>, vector<16xf32>
      %get3A_851 = arith.constant 39 : i32
      %get3A_852 = arith.index_cast %get3A_851 : i32 to index
      %get3A_853 = arith.constant 0 : index
      %get3A_854 = tpu.vector_load %arg6[%get3A_852, %get3A_853] {strides = array<i32>} : memref<64x16xf32, #tpu.memory_space<vmem>>, vector<16xf32>,
      %lt3A_855 = arith.cmpf olt, %get3A_854, %broadcast_in_dim3A_590 : vector<16xf32>
      %select_n3A_856 = arith.select %lt3A_855, %get3A_854, %broadcast_in_dim3A_3 : vector<16xi1>, vector<16xf32>
      %get3A_857 = arith.constant 40 : i32
      %get3A_858 = arith.index_cast %get3A_857 : i32 to index
      %get3A_859 = arith.constant 0 : index
      %get3A_860 = tpu.vector_load %arg6[%get3A_858, %get3A_859] {strides = array<i32>} : memref<64x16xf32, #tpu.memory_space<vmem>>, vector<16xf32>,
      %lt3A_861 = arith.cmpf olt, %get3A_860, %broadcast_in_dim3A_590 : vector<16xf32>
      %select_n3A_862 = arith.select %lt3A_861, %get3A_860, %broadcast_in_dim3A_3 : vector<16xi1>, vector<16xf32>
      %get3A_863 = arith.constant 41 : i32
      %get3A_864 = arith.index_cast %get3A_863 : i32 to index
      %get3A_865 = arith.constant 0 : index
      %get3A_866 = tpu.vector_load %arg6[%get3A_864, %get3A_865] {strides = array<i32>} : memref<64x16xf32, #tpu.memory_space<vmem>>, vector<16xf32>,
      %lt3A_867 = arith.cmpf olt, %get3A_866, %broadcast_in_dim3A_590 : vector<16xf32>
      %select_n3A_868 = arith.select %lt3A_867, %get3A_866, %broadcast_in_dim3A_3 : vector<16xi1>, vector<16xf32>
      %get3A_869 = arith.constant 42 : i32
      %get3A_870 = arith.index_cast %get3A_869 : i32 to index
      %get3A_871 = arith.constant 0 : index
      %get3A_872 = tpu.vector_load %arg6[%get3A_870, %get3A_871] {strides = array<i32>} : memref<64x16xf32, #tpu.memory_space<vmem>>, vector<16xf32>,
      %lt3A_873 = arith.cmpf olt, %get3A_872, %broadcast_in_dim3A_590 : vector<16xf32>
      %select_n3A_874 = arith.select %lt3A_873, %get3A_872, %broadcast_in_dim3A_3 : vector<16xi1>, vector<16xf32>
      %get3A_875 = arith.constant 43 : i32
      %get3A_876 = arith.index_cast %get3A_875 : i32 to index
      %get3A_877 = arith.constant 0 : index
      %get3A_878 = tpu.vector_load %arg6[%get3A_876, %get3A_877] {strides = array<i32>} : memref<64x16xf32, #tpu.memory_space<vmem>>, vector<16xf32>,
      %lt3A_879 = arith.cmpf olt, %get3A_878, %broadcast_in_dim3A_590 : vector<16xf32>
      %select_n3A_880 = arith.select %lt3A_879, %get3A_878, %broadcast_in_dim3A_3 : vector<16xi1>, vector<16xf32>
      %get3A_881 = arith.constant 44 : i32
      %get3A_882 = arith.index_cast %get3A_881 : i32 to index
      %get3A_883 = arith.constant 0 : index
      %get3A_884 = tpu.vector_load %arg6[%get3A_882, %get3A_883] {strides = array<i32>} : memref<64x16xf32, #tpu.memory_space<vmem>>, vector<16xf32>,
      %lt3A_885 = arith.cmpf olt, %get3A_884, %broadcast_in_dim3A_590 : vector<16xf32>
      %select_n3A_886 = arith.select %lt3A_885, %get3A_884, %broadcast_in_dim3A_3 : vector<16xi1>, vector<16xf32>
      %get3A_887 = arith.constant 45 : i32
      %get3A_888 = arith.index_cast %get3A_887 : i32 to index
      %get3A_889 = arith.constant 0 : index
      %get3A_890 = tpu.vector_load %arg6[%get3A_888, %get3A_889] {strides = array<i32>} : memref<64x16xf32, #tpu.memory_space<vmem>>, vector<16xf32>,
      %lt3A_891 = arith.cmpf olt, %get3A_890, %broadcast_in_dim3A_590 : vector<16xf32>
      %select_n3A_892 = arith.select %lt3A_891, %get3A_890, %broadcast_in_dim3A_3 : vector<16xi1>, vector<16xf32>
      %get3A_893 = arith.constant 46 : i32
      %get3A_894 = arith.index_cast %get3A_893 : i32 to index
      %get3A_895 = arith.constant 0 : index
      %get3A_896 = tpu.vector_load %arg6[%get3A_894, %get3A_895] {strides = array<i32>} : memref<64x16xf32, #tpu.memory_space<vmem>>, vector<16xf32>,
      %lt3A_897 = arith.cmpf olt, %get3A_896, %broadcast_in_dim3A_590 : vector<16xf32>
      %select_n3A_898 = arith.select %lt3A_897, %get3A_896, %broadcast_in_dim3A_3 : vector<16xi1>, vector<16xf32>
      %get3A_899 = arith.constant 47 : i32
      %get3A_900 = arith.index_cast %get3A_899 : i32 to index
      %get3A_901 = arith.constant 0 : index
      %get3A_902 = tpu.vector_load %arg6[%get3A_900, %get3A_901] {strides = array<i32>} : memref<64x16xf32, #tpu.memory_space<vmem>>, vector<16xf32>,
      %lt3A_903 = arith.cmpf olt, %get3A_902, %broadcast_in_dim3A_590 : vector<16xf32>
      %select_n3A_904 = arith.select %lt3A_903, %get3A_902, %broadcast_in_dim3A_3 : vector<16xi1>, vector<16xf32>
      %max3A_905 = arith.maximumf %select_n3A_814, %select_n3A_820 : vector<16xf32>
      %max3A_906 = arith.maximumf %select_n3A_826, %select_n3A_832 : vector<16xf32>
      %max3A_907 = arith.maximumf %select_n3A_838, %select_n3A_844 : vector<16xf32>
      %max3A_908 = arith.maximumf %select_n3A_850, %select_n3A_856 : vector<16xf32>
      %max3A_909 = arith.maximumf %select_n3A_862, %select_n3A_868 : vector<16xf32>
      %max3A_910 = arith.maximumf %select_n3A_874, %select_n3A_880 : vector<16xf32>
      %max3A_911 = arith.maximumf %select_n3A_886, %select_n3A_892 : vector<16xf32>
      %max3A_912 = arith.maximumf %select_n3A_898, %select_n3A_904 : vector<16xf32>
      %max3A_913 = arith.maximumf %max3A_905, %max3A_906 : vector<16xf32>
      %max3A_914 = arith.maximumf %max3A_907, %max3A_908 : vector<16xf32>
      %max3A_915 = arith.maximumf %max3A_909, %max3A_910 : vector<16xf32>
      %max3A_916 = arith.maximumf %max3A_911, %max3A_912 : vector<16xf32>
      %max3A_917 = arith.maximumf %max3A_913, %max3A_914 : vector<16xf32>
      %max3A_918 = arith.maximumf %max3A_915, %max3A_916 : vector<16xf32>
      %max3A_919 = arith.maximumf %max3A_917, %max3A_918 : vector<16xf32>
      %get3A_920 = arith.constant 48 : i32
      %get3A_921 = arith.index_cast %get3A_920 : i32 to index
      %get3A_922 = arith.constant 0 : index
      %get3A_923 = tpu.vector_load %arg6[%get3A_921, %get3A_922] {strides = array<i32>} : memref<64x16xf32, #tpu.memory_space<vmem>>, vector<16xf32>,
      %lt3A_924 = arith.cmpf olt, %get3A_923, %broadcast_in_dim3A_590 : vector<16xf32>
      %select_n3A_925 = arith.select %lt3A_924, %get3A_923, %broadcast_in_dim3A_3 : vector<16xi1>, vector<16xf32>
      %get3A_926 = arith.constant 49 : i32
      %get3A_927 = arith.index_cast %get3A_926 : i32 to index
      %get3A_928 = arith.constant 0 : index
      %get3A_929 = tpu.vector_load %arg6[%get3A_927, %get3A_928] {strides = array<i32>} : memref<64x16xf32, #tpu.memory_space<vmem>>, vector<16xf32>,
      %lt3A_930 = arith.cmpf olt, %get3A_929, %broadcast_in_dim3A_590 : vector<16xf32>
      %select_n3A_931 = arith.select %lt3A_930, %get3A_929, %broadcast_in_dim3A_3 : vector<16xi1>, vector<16xf32>
      %get3A_932 = arith.constant 50 : i32
      %get3A_933 = arith.index_cast %get3A_932 : i32 to index
      %get3A_934 = arith.constant 0 : index
      %get3A_935 = tpu.vector_load %arg6[%get3A_933, %get3A_934] {strides = array<i32>} : memref<64x16xf32, #tpu.memory_space<vmem>>, vector<16xf32>,
      %lt3A_936 = arith.cmpf olt, %get3A_935, %broadcast_in_dim3A_590 : vector<16xf32>
      %select_n3A_937 = arith.select %lt3A_936, %get3A_935, %broadcast_in_dim3A_3 : vector<16xi1>, vector<16xf32>
      %get3A_938 = arith.constant 51 : i32
      %get3A_939 = arith.index_cast %get3A_938 : i32 to index
      %get3A_940 = arith.constant 0 : index
      %get3A_941 = tpu.vector_load %arg6[%get3A_939, %get3A_940] {strides = array<i32>} : memref<64x16xf32, #tpu.memory_space<vmem>>, vector<16xf32>,
      %lt3A_942 = arith.cmpf olt, %get3A_941, %broadcast_in_dim3A_590 : vector<16xf32>
      %select_n3A_943 = arith.select %lt3A_942, %get3A_941, %broadcast_in_dim3A_3 : vector<16xi1>, vector<16xf32>
      %get3A_944 = arith.constant 52 : i32
      %get3A_945 = arith.index_cast %get3A_944 : i32 to index
      %get3A_946 = arith.constant 0 : index
      %get3A_947 = tpu.vector_load %arg6[%get3A_945, %get3A_946] {strides = array<i32>} : memref<64x16xf32, #tpu.memory_space<vmem>>, vector<16xf32>,
      %lt3A_948 = arith.cmpf olt, %get3A_947, %broadcast_in_dim3A_590 : vector<16xf32>
      %select_n3A_949 = arith.select %lt3A_948, %get3A_947, %broadcast_in_dim3A_3 : vector<16xi1>, vector<16xf32>
      %get3A_950 = arith.constant 53 : i32
      %get3A_951 = arith.index_cast %get3A_950 : i32 to index
      %get3A_952 = arith.constant 0 : index
      %get3A_953 = tpu.vector_load %arg6[%get3A_951, %get3A_952] {strides = array<i32>} : memref<64x16xf32, #tpu.memory_space<vmem>>, vector<16xf32>,
      %lt3A_954 = arith.cmpf olt, %get3A_953, %broadcast_in_dim3A_590 : vector<16xf32>
      %select_n3A_955 = arith.select %lt3A_954, %get3A_953, %broadcast_in_dim3A_3 : vector<16xi1>, vector<16xf32>
      %get3A_956 = arith.constant 54 : i32
      %get3A_957 = arith.index_cast %get3A_956 : i32 to index
      %get3A_958 = arith.constant 0 : index
      %get3A_959 = tpu.vector_load %arg6[%get3A_957, %get3A_958] {strides = array<i32>} : memref<64x16xf32, #tpu.memory_space<vmem>>, vector<16xf32>,
      %lt3A_960 = arith.cmpf olt, %get3A_959, %broadcast_in_dim3A_590 : vector<16xf32>
      %select_n3A_961 = arith.select %lt3A_960, %get3A_959, %broadcast_in_dim3A_3 : vector<16xi1>, vector<16xf32>
      %get3A_962 = arith.constant 55 : i32
      %get3A_963 = arith.index_cast %get3A_962 : i32 to index
      %get3A_964 = arith.constant 0 : index
      %get3A_965 = tpu.vector_load %arg6[%get3A_963, %get3A_964] {strides = array<i32>} : memref<64x16xf32, #tpu.memory_space<vmem>>, vector<16xf32>,
      %lt3A_966 = arith.cmpf olt, %get3A_965, %broadcast_in_dim3A_590 : vector<16xf32>
      %select_n3A_967 = arith.select %lt3A_966, %get3A_965, %broadcast_in_dim3A_3 : vector<16xi1>, vector<16xf32>
      %get3A_968 = arith.constant 56 : i32
      %get3A_969 = arith.index_cast %get3A_968 : i32 to index
      %get3A_970 = arith.constant 0 : index
      %get3A_971 = tpu.vector_load %arg6[%get3A_969, %get3A_970] {strides = array<i32>} : memref<64x16xf32, #tpu.memory_space<vmem>>, vector<16xf32>,
      %lt3A_972 = arith.cmpf olt, %get3A_971, %broadcast_in_dim3A_590 : vector<16xf32>
      %select_n3A_973 = arith.select %lt3A_972, %get3A_971, %broadcast_in_dim3A_3 : vector<16xi1>, vector<16xf32>
      %get3A_974 = arith.constant 57 : i32
      %get3A_975 = arith.index_cast %get3A_974 : i32 to index
      %get3A_976 = arith.constant 0 : index
      %get3A_977 = tpu.vector_load %arg6[%get3A_975, %get3A_976] {strides = array<i32>} : memref<64x16xf32, #tpu.memory_space<vmem>>, vector<16xf32>,
      %lt3A_978 = arith.cmpf olt, %get3A_977, %broadcast_in_dim3A_590 : vector<16xf32>
      %select_n3A_979 = arith.select %lt3A_978, %get3A_977, %broadcast_in_dim3A_3 : vector<16xi1>, vector<16xf32>
      %get3A_980 = arith.constant 58 : i32
      %get3A_981 = arith.index_cast %get3A_980 : i32 to index
      %get3A_982 = arith.constant 0 : index
      %get3A_983 = tpu.vector_load %arg6[%get3A_981, %get3A_982] {strides = array<i32>} : memref<64x16xf32, #tpu.memory_space<vmem>>, vector<16xf32>,
      %lt3A_984 = arith.cmpf olt, %get3A_983, %broadcast_in_dim3A_590 : vector<16xf32>
      %select_n3A_985 = arith.select %lt3A_984, %get3A_983, %broadcast_in_dim3A_3 : vector<16xi1>, vector<16xf32>
      %get3A_986 = arith.constant 59 : i32
      %get3A_987 = arith.index_cast %get3A_986 : i32 to index
      %get3A_988 = arith.constant 0 : index
      %get3A_989 = tpu.vector_load %arg6[%get3A_987, %get3A_988] {strides = array<i32>} : memref<64x16xf32, #tpu.memory_space<vmem>>, vector<16xf32>,
      %lt3A_990 = arith.cmpf olt, %get3A_989, %broadcast_in_dim3A_590 : vector<16xf32>
      %select_n3A_991 = arith.select %lt3A_990, %get3A_989, %broadcast_in_dim3A_3 : vector<16xi1>, vector<16xf32>
      %get3A_992 = arith.constant 60 : i32
      %get3A_993 = arith.index_cast %get3A_992 : i32 to index
      %get3A_994 = arith.constant 0 : index
      %get3A_995 = tpu.vector_load %arg6[%get3A_993, %get3A_994] {strides = array<i32>} : memref<64x16xf32, #tpu.memory_space<vmem>>, vector<16xf32>,
      %lt3A_996 = arith.cmpf olt, %get3A_995, %broadcast_in_dim3A_590 : vector<16xf32>
      %select_n3A_997 = arith.select %lt3A_996, %get3A_995, %broadcast_in_dim3A_3 : vector<16xi1>, vector<16xf32>
      %get3A_998 = arith.constant 61 : i32
      %get3A_999 = arith.index_cast %get3A_998 : i32 to index
      %get3A_1000 = arith.constant 0 : index
      %get3A_1001 = tpu.vector_load %arg6[%get3A_999, %get3A_1000] {strides = array<i32>} : memref<64x16xf32, #tpu.memory_space<vmem>>, vector<16xf32>,
      %lt3A_1002 = arith.cmpf olt, %get3A_1001, %broadcast_in_dim3A_590 : vector<16xf32>
      %select_n3A_1003 = arith.select %lt3A_1002, %get3A_1001, %broadcast_in_dim3A_3 : vector<16xi1>, vector<16xf32>
      %get3A_1004 = arith.constant 62 : i32
      %get3A_1005 = arith.index_cast %get3A_1004 : i32 to index
      %get3A_1006 = arith.constant 0 : index
      %get3A_1007 = tpu.vector_load %arg6[%get3A_1005, %get3A_1006] {strides = array<i32>} : memref<64x16xf32, #tpu.memory_space<vmem>>, vector<16xf32>,
      %lt3A_1008 = arith.cmpf olt, %get3A_1007, %broadcast_in_dim3A_590 : vector<16xf32>
      %select_n3A_1009 = arith.select %lt3A_1008, %get3A_1007, %broadcast_in_dim3A_3 : vector<16xi1>, vector<16xf32>
      %get3A_1010 = arith.constant 63 : i32
      %get3A_1011 = arith.index_cast %get3A_1010 : i32 to index
      %get3A_1012 = arith.constant 0 : index
      %get3A_1013 = tpu.vector_load %arg6[%get3A_1011, %get3A_1012] {strides = array<i32>} : memref<64x16xf32, #tpu.memory_space<vmem>>, vector<16xf32>,
      %lt3A_1014 = arith.cmpf olt, %get3A_1013, %broadcast_in_dim3A_590 : vector<16xf32>
      %select_n3A_1015 = arith.select %lt3A_1014, %get3A_1013, %broadcast_in_dim3A_3 : vector<16xi1>, vector<16xf32>
      %max3A_1016 = arith.maximumf %select_n3A_925, %select_n3A_931 : vector<16xf32>
      %max3A_1017 = arith.maximumf %select_n3A_937, %select_n3A_943 : vector<16xf32>
      %max3A_1018 = arith.maximumf %select_n3A_949, %select_n3A_955 : vector<16xf32>
      %max3A_1019 = arith.maximumf %select_n3A_961, %select_n3A_967 : vector<16xf32>
      %max3A_1020 = arith.maximumf %select_n3A_973, %select_n3A_979 : vector<16xf32>
      %max3A_1021 = arith.maximumf %select_n3A_985, %select_n3A_991 : vector<16xf32>
      %max3A_1022 = arith.maximumf %select_n3A_997, %select_n3A_1003 : vector<16xf32>
      %max3A_1023 = arith.maximumf %select_n3A_1009, %select_n3A_1015 : vector<16xf32>
      %max3A_1024 = arith.maximumf %max3A_1016, %max3A_1017 : vector<16xf32>
      %max3A_1025 = arith.maximumf %max3A_1018, %max3A_1019 : vector<16xf32>
      %max3A_1026 = arith.maximumf %max3A_1020, %max3A_1021 : vector<16xf32>
      %max3A_1027 = arith.maximumf %max3A_1022, %max3A_1023 : vector<16xf32>
      %max3A_1028 = arith.maximumf %max3A_1024, %max3A_1025 : vector<16xf32>
      %max3A_1029 = arith.maximumf %max3A_1026, %max3A_1027 : vector<16xf32>
      %max3A_1030 = arith.maximumf %max3A_1028, %max3A_1029 : vector<16xf32>
      %max3A_1031 = arith.maximumf %max3A_697, %max3A_808 : vector<16xf32>
      %max3A_1032 = arith.maximumf %max3A_919, %max3A_1030 : vector<16xf32>
      %max3A_1033 = arith.maximumf %max3A_1031, %max3A_1032 : vector<16xf32>
      %get3A_1034 = arith.constant 0 : i32
      %get3A_1035 = arith.index_cast %get3A_1034 : i32 to index
      %get3A_1036 = arith.constant 0 : index
      %get3A_1037 = tpu.vector_load %arg6[%get3A_1035, %get3A_1036] {strides = array<i32>} : memref<64x16xf32, #tpu.memory_space<vmem>>, vector<16xf32>,
      %lt3A_1038 = arith.cmpf olt, %get3A_1037, %max3A_1033 : vector<16xf32>
      %select_n3A_1039 = arith.select %lt3A_1038, %get3A_1037, %broadcast_in_dim3A_3 : vector<16xi1>, vector<16xf32>
      %get3A_1040 = arith.constant 1 : i32
      %get3A_1041 = arith.index_cast %get3A_1040 : i32 to index
      %get3A_1042 = arith.constant 0 : index
      %get3A_1043 = tpu.vector_load %arg6[%get3A_1041, %get3A_1042] {strides = array<i32>} : memref<64x16xf32, #tpu.memory_space<vmem>>, vector<16xf32>,
      %lt3A_1044 = arith.cmpf olt, %get3A_1043, %max3A_1033 : vector<16xf32>
      %select_n3A_1045 = arith.select %lt3A_1044, %get3A_1043, %broadcast_in_dim3A_3 : vector<16xi1>, vector<16xf32>
      %get3A_1046 = arith.constant 2 : i32
      %get3A_1047 = arith.index_cast %get3A_1046 : i32 to index
      %get3A_1048 = arith.constant 0 : index
      %get3A_1049 = tpu.vector_load %arg6[%get3A_1047, %get3A_1048] {strides = array<i32>} : memref<64x16xf32, #tpu.memory_space<vmem>>, vector<16xf32>,
      %lt3A_1050 = arith.cmpf olt, %get3A_1049, %max3A_1033 : vector<16xf32>
      %select_n3A_1051 = arith.select %lt3A_1050, %get3A_1049, %broadcast_in_dim3A_3 : vector<16xi1>, vector<16xf32>
      %get3A_1052 = arith.constant 3 : i32
      %get3A_1053 = arith.index_cast %get3A_1052 : i32 to index
      %get3A_1054 = arith.constant 0 : index
      %get3A_1055 = tpu.vector_load %arg6[%get3A_1053, %get3A_1054] {strides = array<i32>} : memref<64x16xf32, #tpu.memory_space<vmem>>, vector<16xf32>,
      %lt3A_1056 = arith.cmpf olt, %get3A_1055, %max3A_1033 : vector<16xf32>
      %select_n3A_1057 = arith.select %lt3A_1056, %get3A_1055, %broadcast_in_dim3A_3 : vector<16xi1>, vector<16xf32>
      %get3A_1058 = arith.constant 4 : i32
      %get3A_1059 = arith.index_cast %get3A_1058 : i32 to index
      %get3A_1060 = arith.constant 0 : index
      %get3A_1061 = tpu.vector_load %arg6[%get3A_1059, %get3A_1060] {strides = array<i32>} : memref<64x16xf32, #tpu.memory_space<vmem>>, vector<16xf32>,
      %lt3A_1062 = arith.cmpf olt, %get3A_1061, %max3A_1033 : vector<16xf32>
      %select_n3A_1063 = arith.select %lt3A_1062, %get3A_1061, %broadcast_in_dim3A_3 : vector<16xi1>, vector<16xf32>
      %get3A_1064 = arith.constant 5 : i32
      %get3A_1065 = arith.index_cast %get3A_1064 : i32 to index
      %get3A_1066 = arith.constant 0 : index
      %get3A_1067 = tpu.vector_load %arg6[%get3A_1065, %get3A_1066] {strides = array<i32>} : memref<64x16xf32, #tpu.memory_space<vmem>>, vector<16xf32>,
      %lt3A_1068 = arith.cmpf olt, %get3A_1067, %max3A_1033 : vector<16xf32>
      %select_n3A_1069 = arith.select %lt3A_1068, %get3A_1067, %broadcast_in_dim3A_3 : vector<16xi1>, vector<16xf32>
      %get3A_1070 = arith.constant 6 : i32
      %get3A_1071 = arith.index_cast %get3A_1070 : i32 to index
      %get3A_1072 = arith.constant 0 : index
      %get3A_1073 = tpu.vector_load %arg6[%get3A_1071, %get3A_1072] {strides = array<i32>} : memref<64x16xf32, #tpu.memory_space<vmem>>, vector<16xf32>,
      %lt3A_1074 = arith.cmpf olt, %get3A_1073, %max3A_1033 : vector<16xf32>
      %select_n3A_1075 = arith.select %lt3A_1074, %get3A_1073, %broadcast_in_dim3A_3 : vector<16xi1>, vector<16xf32>
      %get3A_1076 = arith.constant 7 : i32
      %get3A_1077 = arith.index_cast %get3A_1076 : i32 to index
      %get3A_1078 = arith.constant 0 : index
      %get3A_1079 = tpu.vector_load %arg6[%get3A_1077, %get3A_1078] {strides = array<i32>} : memref<64x16xf32, #tpu.memory_space<vmem>>, vector<16xf32>,
      %lt3A_1080 = arith.cmpf olt, %get3A_1079, %max3A_1033 : vector<16xf32>
      %select_n3A_1081 = arith.select %lt3A_1080, %get3A_1079, %broadcast_in_dim3A_3 : vector<16xi1>, vector<16xf32>
      %get3A_1082 = arith.constant 8 : i32
      %get3A_1083 = arith.index_cast %get3A_1082 : i32 to index
      %get3A_1084 = arith.constant 0 : index
      %get3A_1085 = tpu.vector_load %arg6[%get3A_1083, %get3A_1084] {strides = array<i32>} : memref<64x16xf32, #tpu.memory_space<vmem>>, vector<16xf32>,
      %lt3A_1086 = arith.cmpf olt, %get3A_1085, %max3A_1033 : vector<16xf32>
      %select_n3A_1087 = arith.select %lt3A_1086, %get3A_1085, %broadcast_in_dim3A_3 : vector<16xi1>, vector<16xf32>
      %get3A_1088 = arith.constant 9 : i32
      %get3A_1089 = arith.index_cast %get3A_1088 : i32 to index
      %get3A_1090 = arith.constant 0 : index
      %get3A_1091 = tpu.vector_load %arg6[%get3A_1089, %get3A_1090] {strides = array<i32>} : memref<64x16xf32, #tpu.memory_space<vmem>>, vector<16xf32>,
      %lt3A_1092 = arith.cmpf olt, %get3A_1091, %max3A_1033 : vector<16xf32>
      %select_n3A_1093 = arith.select %lt3A_1092, %get3A_1091, %broadcast_in_dim3A_3 : vector<16xi1>, vector<16xf32>
      %get3A_1094 = arith.constant 10 : i32
      %get3A_1095 = arith.index_cast %get3A_1094 : i32 to index
      %get3A_1096 = arith.constant 0 : index
      %get3A_1097 = tpu.vector_load %arg6[%get3A_1095, %get3A_1096] {strides = array<i32>} : memref<64x16xf32, #tpu.memory_space<vmem>>, vector<16xf32>,
      %lt3A_1098 = arith.cmpf olt, %get3A_1097, %max3A_1033 : vector<16xf32>
      %select_n3A_1099 = arith.select %lt3A_1098, %get3A_1097, %broadcast_in_dim3A_3 : vector<16xi1>, vector<16xf32>
      %get3A_1100 = arith.constant 11 : i32
      %get3A_1101 = arith.index_cast %get3A_1100 : i32 to index
      %get3A_1102 = arith.constant 0 : index
      %get3A_1103 = tpu.vector_load %arg6[%get3A_1101, %get3A_1102] {strides = array<i32>} : memref<64x16xf32, #tpu.memory_space<vmem>>, vector<16xf32>,
      %lt3A_1104 = arith.cmpf olt, %get3A_1103, %max3A_1033 : vector<16xf32>
      %select_n3A_1105 = arith.select %lt3A_1104, %get3A_1103, %broadcast_in_dim3A_3 : vector<16xi1>, vector<16xf32>
      %get3A_1106 = arith.constant 12 : i32
      %get3A_1107 = arith.index_cast %get3A_1106 : i32 to index
      %get3A_1108 = arith.constant 0 : index
      %get3A_1109 = tpu.vector_load %arg6[%get3A_1107, %get3A_1108] {strides = array<i32>} : memref<64x16xf32, #tpu.memory_space<vmem>>, vector<16xf32>,
      %lt3A_1110 = arith.cmpf olt, %get3A_1109, %max3A_1033 : vector<16xf32>
      %select_n3A_1111 = arith.select %lt3A_1110, %get3A_1109, %broadcast_in_dim3A_3 : vector<16xi1>, vector<16xf32>
      %get3A_1112 = arith.constant 13 : i32
      %get3A_1113 = arith.index_cast %get3A_1112 : i32 to index
      %get3A_1114 = arith.constant 0 : index
      %get3A_1115 = tpu.vector_load %arg6[%get3A_1113, %get3A_1114] {strides = array<i32>} : memref<64x16xf32, #tpu.memory_space<vmem>>, vector<16xf32>,
      %lt3A_1116 = arith.cmpf olt, %get3A_1115, %max3A_1033 : vector<16xf32>
      %select_n3A_1117 = arith.select %lt3A_1116, %get3A_1115, %broadcast_in_dim3A_3 : vector<16xi1>, vector<16xf32>
      %get3A_1118 = arith.constant 14 : i32
      %get3A_1119 = arith.index_cast %get3A_1118 : i32 to index
      %get3A_1120 = arith.constant 0 : index
      %get3A_1121 = tpu.vector_load %arg6[%get3A_1119, %get3A_1120] {strides = array<i32>} : memref<64x16xf32, #tpu.memory_space<vmem>>, vector<16xf32>,
      %lt3A_1122 = arith.cmpf olt, %get3A_1121, %max3A_1033 : vector<16xf32>
      %select_n3A_1123 = arith.select %lt3A_1122, %get3A_1121, %broadcast_in_dim3A_3 : vector<16xi1>, vector<16xf32>
      %get3A_1124 = arith.constant 15 : i32
      %get3A_1125 = arith.index_cast %get3A_1124 : i32 to index
      %get3A_1126 = arith.constant 0 : index
      %get3A_1127 = tpu.vector_load %arg6[%get3A_1125, %get3A_1126] {strides = array<i32>} : memref<64x16xf32, #tpu.memory_space<vmem>>, vector<16xf32>,
      %lt3A_1128 = arith.cmpf olt, %get3A_1127, %max3A_1033 : vector<16xf32>
      %select_n3A_1129 = arith.select %lt3A_1128, %get3A_1127, %broadcast_in_dim3A_3 : vector<16xi1>, vector<16xf32>
      %max3A_1130 = arith.maximumf %select_n3A_1039, %select_n3A_1045 : vector<16xf32>
      %max3A_1131 = arith.maximumf %select_n3A_1051, %select_n3A_1057 : vector<16xf32>
      %max3A_1132 = arith.maximumf %select_n3A_1063, %select_n3A_1069 : vector<16xf32>
      %max3A_1133 = arith.maximumf %select_n3A_1075, %select_n3A_1081 : vector<16xf32>
      %max3A_1134 = arith.maximumf %select_n3A_1087, %select_n3A_1093 : vector<16xf32>
      %max3A_1135 = arith.maximumf %select_n3A_1099, %select_n3A_1105 : vector<16xf32>
      %max3A_1136 = arith.maximumf %select_n3A_1111, %select_n3A_1117 : vector<16xf32>
      %max3A_1137 = arith.maximumf %select_n3A_1123, %select_n3A_1129 : vector<16xf32>
      %max3A_1138 = arith.maximumf %max3A_1130, %max3A_1131 : vector<16xf32>
      %max3A_1139 = arith.maximumf %max3A_1132, %max3A_1133 : vector<16xf32>
      %max3A_1140 = arith.maximumf %max3A_1134, %max3A_1135 : vector<16xf32>
      %max3A_1141 = arith.maximumf %max3A_1136, %max3A_1137 : vector<16xf32>
      %max3A_1142 = arith.maximumf %max3A_1138, %max3A_1139 : vector<16xf32>
      %max3A_1143 = arith.maximumf %max3A_1140, %max3A_1141 : vector<16xf32>
      %max3A_1144 = arith.maximumf %max3A_1142, %max3A_1143 : vector<16xf32>
      %get3A_1145 = arith.constant 16 : i32
      %get3A_1146 = arith.index_cast %get3A_1145 : i32 to index
      %get3A_1147 = arith.constant 0 : index
      %get3A_1148 = tpu.vector_load %arg6[%get3A_1146, %get3A_1147] {strides = array<i32>} : memref<64x16xf32, #tpu.memory_space<vmem>>, vector<16xf32>,
      %lt3A_1149 = arith.cmpf olt, %get3A_1148, %max3A_1033 : vector<16xf32>
      %select_n3A_1150 = arith.select %lt3A_1149, %get3A_1148, %broadcast_in_dim3A_3 : vector<16xi1>, vector<16xf32>
      %get3A_1151 = arith.constant 17 : i32
      %get3A_1152 = arith.index_cast %get3A_1151 : i32 to index
      %get3A_1153 = arith.constant 0 : index
      %get3A_1154 = tpu.vector_load %arg6[%get3A_1152, %get3A_1153] {strides = array<i32>} : memref<64x16xf32, #tpu.memory_space<vmem>>, vector<16xf32>,
      %lt3A_1155 = arith.cmpf olt, %get3A_1154, %max3A_1033 : vector<16xf32>
      %select_n3A_1156 = arith.select %lt3A_1155, %get3A_1154, %broadcast_in_dim3A_3 : vector<16xi1>, vector<16xf32>
      %get3A_1157 = arith.constant 18 : i32
      %get3A_1158 = arith.index_cast %get3A_1157 : i32 to index
      %get3A_1159 = arith.constant 0 : index
      %get3A_1160 = tpu.vector_load %arg6[%get3A_1158, %get3A_1159] {strides = array<i32>} : memref<64x16xf32, #tpu.memory_space<vmem>>, vector<16xf32>,
      %lt3A_1161 = arith.cmpf olt, %get3A_1160, %max3A_1033 : vector<16xf32>
      %select_n3A_1162 = arith.select %lt3A_1161, %get3A_1160, %broadcast_in_dim3A_3 : vector<16xi1>, vector<16xf32>
      %get3A_1163 = arith.constant 19 : i32
      %get3A_1164 = arith.index_cast %get3A_1163 : i32 to index
      %get3A_1165 = arith.constant 0 : index
      %get3A_1166 = tpu.vector_load %arg6[%get3A_1164, %get3A_1165] {strides = array<i32>} : memref<64x16xf32, #tpu.memory_space<vmem>>, vector<16xf32>,
      %lt3A_1167 = arith.cmpf olt, %get3A_1166, %max3A_1033 : vector<16xf32>
      %select_n3A_1168 = arith.select %lt3A_1167, %get3A_1166, %broadcast_in_dim3A_3 : vector<16xi1>, vector<16xf32>
      %get3A_1169 = arith.constant 20 : i32
      %get3A_1170 = arith.index_cast %get3A_1169 : i32 to index
      %get3A_1171 = arith.constant 0 : index
      %get3A_1172 = tpu.vector_load %arg6[%get3A_1170, %get3A_1171] {strides = array<i32>} : memref<64x16xf32, #tpu.memory_space<vmem>>, vector<16xf32>,
      %lt3A_1173 = arith.cmpf olt, %get3A_1172, %max3A_1033 : vector<16xf32>
      %select_n3A_1174 = arith.select %lt3A_1173, %get3A_1172, %broadcast_in_dim3A_3 : vector<16xi1>, vector<16xf32>
      %get3A_1175 = arith.constant 21 : i32
      %get3A_1176 = arith.index_cast %get3A_1175 : i32 to index
      %get3A_1177 = arith.constant 0 : index
      %get3A_1178 = tpu.vector_load %arg6[%get3A_1176, %get3A_1177] {strides = array<i32>} : memref<64x16xf32, #tpu.memory_space<vmem>>, vector<16xf32>,
      %lt3A_1179 = arith.cmpf olt, %get3A_1178, %max3A_1033 : vector<16xf32>
      %select_n3A_1180 = arith.select %lt3A_1179, %get3A_1178, %broadcast_in_dim3A_3 : vector<16xi1>, vector<16xf32>
      %get3A_1181 = arith.constant 22 : i32
      %get3A_1182 = arith.index_cast %get3A_1181 : i32 to index
      %get3A_1183 = arith.constant 0 : index
      %get3A_1184 = tpu.vector_load %arg6[%get3A_1182, %get3A_1183] {strides = array<i32>} : memref<64x16xf32, #tpu.memory_space<vmem>>, vector<16xf32>,
      %lt3A_1185 = arith.cmpf olt, %get3A_1184, %max3A_1033 : vector<16xf32>
      %select_n3A_1186 = arith.select %lt3A_1185, %get3A_1184, %broadcast_in_dim3A_3 : vector<16xi1>, vector<16xf32>
      %get3A_1187 = arith.constant 23 : i32
      %get3A_1188 = arith.index_cast %get3A_1187 : i32 to index
      %get3A_1189 = arith.constant 0 : index
      %get3A_1190 = tpu.vector_load %arg6[%get3A_1188, %get3A_1189] {strides = array<i32>} : memref<64x16xf32, #tpu.memory_space<vmem>>, vector<16xf32>,
      %lt3A_1191 = arith.cmpf olt, %get3A_1190, %max3A_1033 : vector<16xf32>
      %select_n3A_1192 = arith.select %lt3A_1191, %get3A_1190, %broadcast_in_dim3A_3 : vector<16xi1>, vector<16xf32>
      %get3A_1193 = arith.constant 24 : i32
      %get3A_1194 = arith.index_cast %get3A_1193 : i32 to index
      %get3A_1195 = arith.constant 0 : index
      %get3A_1196 = tpu.vector_load %arg6[%get3A_1194, %get3A_1195] {strides = array<i32>} : memref<64x16xf32, #tpu.memory_space<vmem>>, vector<16xf32>,
      %lt3A_1197 = arith.cmpf olt, %get3A_1196, %max3A_1033 : vector<16xf32>
      %select_n3A_1198 = arith.select %lt3A_1197, %get3A_1196, %broadcast_in_dim3A_3 : vector<16xi1>, vector<16xf32>
      %get3A_1199 = arith.constant 25 : i32
      %get3A_1200 = arith.index_cast %get3A_1199 : i32 to index
      %get3A_1201 = arith.constant 0 : index
      %get3A_1202 = tpu.vector_load %arg6[%get3A_1200, %get3A_1201] {strides = array<i32>} : memref<64x16xf32, #tpu.memory_space<vmem>>, vector<16xf32>,
      %lt3A_1203 = arith.cmpf olt, %get3A_1202, %max3A_1033 : vector<16xf32>
      %select_n3A_1204 = arith.select %lt3A_1203, %get3A_1202, %broadcast_in_dim3A_3 : vector<16xi1>, vector<16xf32>
      %get3A_1205 = arith.constant 26 : i32
      %get3A_1206 = arith.index_cast %get3A_1205 : i32 to index
      %get3A_1207 = arith.constant 0 : index
      %get3A_1208 = tpu.vector_load %arg6[%get3A_1206, %get3A_1207] {strides = array<i32>} : memref<64x16xf32, #tpu.memory_space<vmem>>, vector<16xf32>,
      %lt3A_1209 = arith.cmpf olt, %get3A_1208, %max3A_1033 : vector<16xf32>
      %select_n3A_1210 = arith.select %lt3A_1209, %get3A_1208, %broadcast_in_dim3A_3 : vector<16xi1>, vector<16xf32>
      %get3A_1211 = arith.constant 27 : i32
      %get3A_1212 = arith.index_cast %get3A_1211 : i32 to index
      %get3A_1213 = arith.constant 0 : index
      %get3A_1214 = tpu.vector_load %arg6[%get3A_1212, %get3A_1213] {strides = array<i32>} : memref<64x16xf32, #tpu.memory_space<vmem>>, vector<16xf32>,
      %lt3A_1215 = arith.cmpf olt, %get3A_1214, %max3A_1033 : vector<16xf32>
      %select_n3A_1216 = arith.select %lt3A_1215, %get3A_1214, %broadcast_in_dim3A_3 : vector<16xi1>, vector<16xf32>
      %get3A_1217 = arith.constant 28 : i32
      %get3A_1218 = arith.index_cast %get3A_1217 : i32 to index
      %get3A_1219 = arith.constant 0 : index
      %get3A_1220 = tpu.vector_load %arg6[%get3A_1218, %get3A_1219] {strides = array<i32>} : memref<64x16xf32, #tpu.memory_space<vmem>>, vector<16xf32>,
      %lt3A_1221 = arith.cmpf olt, %get3A_1220, %max3A_1033 : vector<16xf32>
      %select_n3A_1222 = arith.select %lt3A_1221, %get3A_1220, %broadcast_in_dim3A_3 : vector<16xi1>, vector<16xf32>
      %get3A_1223 = arith.constant 29 : i32
      %get3A_1224 = arith.index_cast %get3A_1223 : i32 to index
      %get3A_1225 = arith.constant 0 : index
      %get3A_1226 = tpu.vector_load %arg6[%get3A_1224, %get3A_1225] {strides = array<i32>} : memref<64x16xf32, #tpu.memory_space<vmem>>, vector<16xf32>,
      %lt3A_1227 = arith.cmpf olt, %get3A_1226, %max3A_1033 : vector<16xf32>
      %select_n3A_1228 = arith.select %lt3A_1227, %get3A_1226, %broadcast_in_dim3A_3 : vector<16xi1>, vector<16xf32>
      %get3A_1229 = arith.constant 30 : i32
      %get3A_1230 = arith.index_cast %get3A_1229 : i32 to index
      %get3A_1231 = arith.constant 0 : index
      %get3A_1232 = tpu.vector_load %arg6[%get3A_1230, %get3A_1231] {strides = array<i32>} : memref<64x16xf32, #tpu.memory_space<vmem>>, vector<16xf32>,
      %lt3A_1233 = arith.cmpf olt, %get3A_1232, %max3A_1033 : vector<16xf32>
      %select_n3A_1234 = arith.select %lt3A_1233, %get3A_1232, %broadcast_in_dim3A_3 : vector<16xi1>, vector<16xf32>
      %get3A_1235 = arith.constant 31 : i32
      %get3A_1236 = arith.index_cast %get3A_1235 : i32 to index
      %get3A_1237 = arith.constant 0 : index
      %get3A_1238 = tpu.vector_load %arg6[%get3A_1236, %get3A_1237] {strides = array<i32>} : memref<64x16xf32, #tpu.memory_space<vmem>>, vector<16xf32>,
      %lt3A_1239 = arith.cmpf olt, %get3A_1238, %max3A_1033 : vector<16xf32>
      %select_n3A_1240 = arith.select %lt3A_1239, %get3A_1238, %broadcast_in_dim3A_3 : vector<16xi1>, vector<16xf32>
      %max3A_1241 = arith.maximumf %select_n3A_1150, %select_n3A_1156 : vector<16xf32>
      %max3A_1242 = arith.maximumf %select_n3A_1162, %select_n3A_1168 : vector<16xf32>
      %max3A_1243 = arith.maximumf %select_n3A_1174, %select_n3A_1180 : vector<16xf32>
      %max3A_1244 = arith.maximumf %select_n3A_1186, %select_n3A_1192 : vector<16xf32>
      %max3A_1245 = arith.maximumf %select_n3A_1198, %select_n3A_1204 : vector<16xf32>
      %max3A_1246 = arith.maximumf %select_n3A_1210, %select_n3A_1216 : vector<16xf32>
      %max3A_1247 = arith.maximumf %select_n3A_1222, %select_n3A_1228 : vector<16xf32>
      %max3A_1248 = arith.maximumf %select_n3A_1234, %select_n3A_1240 : vector<16xf32>
      %max3A_1249 = arith.maximumf %max3A_1241, %max3A_1242 : vector<16xf32>
      %max3A_1250 = arith.maximumf %max3A_1243, %max3A_1244 : vector<16xf32>
      %max3A_1251 = arith.maximumf %max3A_1245, %max3A_1246 : vector<16xf32>
      %max3A_1252 = arith.maximumf %max3A_1247, %max3A_1248 : vector<16xf32>
      %max3A_1253 = arith.maximumf %max3A_1249, %max3A_1250 : vector<16xf32>
      %max3A_1254 = arith.maximumf %max3A_1251, %max3A_1252 : vector<16xf32>
      %max3A_1255 = arith.maximumf %max3A_1253, %max3A_1254 : vector<16xf32>
      %get3A_1256 = arith.constant 32 : i32
      %get3A_1257 = arith.index_cast %get3A_1256 : i32 to index
      %get3A_1258 = arith.constant 0 : index
      %get3A_1259 = tpu.vector_load %arg6[%get3A_1257, %get3A_1258] {strides = array<i32>} : memref<64x16xf32, #tpu.memory_space<vmem>>, vector<16xf32>,
      %lt3A_1260 = arith.cmpf olt, %get3A_1259, %max3A_1033 : vector<16xf32>
      %select_n3A_1261 = arith.select %lt3A_1260, %get3A_1259, %broadcast_in_dim3A_3 : vector<16xi1>, vector<16xf32>
      %get3A_1262 = arith.constant 33 : i32
      %get3A_1263 = arith.index_cast %get3A_1262 : i32 to index
      %get3A_1264 = arith.constant 0 : index
      %get3A_1265 = tpu.vector_load %arg6[%get3A_1263, %get3A_1264] {strides = array<i32>} : memref<64x16xf32, #tpu.memory_space<vmem>>, vector<16xf32>,
      %lt3A_1266 = arith.cmpf olt, %get3A_1265, %max3A_1033 : vector<16xf32>
      %select_n3A_1267 = arith.select %lt3A_1266, %get3A_1265, %broadcast_in_dim3A_3 : vector<16xi1>, vector<16xf32>
      %get3A_1268 = arith.constant 34 : i32
      %get3A_1269 = arith.index_cast %get3A_1268 : i32 to index
      %get3A_1270 = arith.constant 0 : index
      %get3A_1271 = tpu.vector_load %arg6[%get3A_1269, %get3A_1270] {strides = array<i32>} : memref<64x16xf32, #tpu.memory_space<vmem>>, vector<16xf32>,
      %lt3A_1272 = arith.cmpf olt, %get3A_1271, %max3A_1033 : vector<16xf32>
      %select_n3A_1273 = arith.select %lt3A_1272, %get3A_1271, %broadcast_in_dim3A_3 : vector<16xi1>, vector<16xf32>
      %get3A_1274 = arith.constant 35 : i32
      %get3A_1275 = arith.index_cast %get3A_1274 : i32 to index
      %get3A_1276 = arith.constant 0 : index
      %get3A_1277 = tpu.vector_load %arg6[%get3A_1275, %get3A_1276] {strides = array<i32>} : memref<64x16xf32, #tpu.memory_space<vmem>>, vector<16xf32>,
      %lt3A_1278 = arith.cmpf olt, %get3A_1277, %max3A_1033 : vector<16xf32>
      %select_n3A_1279 = arith.select %lt3A_1278, %get3A_1277, %broadcast_in_dim3A_3 : vector<16xi1>, vector<16xf32>
      %get3A_1280 = arith.constant 36 : i32
      %get3A_1281 = arith.index_cast %get3A_1280 : i32 to index
      %get3A_1282 = arith.constant 0 : index
      %get3A_1283 = tpu.vector_load %arg6[%get3A_1281, %get3A_1282] {strides = array<i32>} : memref<64x16xf32, #tpu.memory_space<vmem>>, vector<16xf32>,
      %lt3A_1284 = arith.cmpf olt, %get3A_1283, %max3A_1033 : vector<16xf32>
      %select_n3A_1285 = arith.select %lt3A_1284, %get3A_1283, %broadcast_in_dim3A_3 : vector<16xi1>, vector<16xf32>
      %get3A_1286 = arith.constant 37 : i32
      %get3A_1287 = arith.index_cast %get3A_1286 : i32 to index
      %get3A_1288 = arith.constant 0 : index
      %get3A_1289 = tpu.vector_load %arg6[%get3A_1287, %get3A_1288] {strides = array<i32>} : memref<64x16xf32, #tpu.memory_space<vmem>>, vector<16xf32>,
      %lt3A_1290 = arith.cmpf olt, %get3A_1289, %max3A_1033 : vector<16xf32>
      %select_n3A_1291 = arith.select %lt3A_1290, %get3A_1289, %broadcast_in_dim3A_3 : vector<16xi1>, vector<16xf32>
      %get3A_1292 = arith.constant 38 : i32
      %get3A_1293 = arith.index_cast %get3A_1292 : i32 to index
      %get3A_1294 = arith.constant 0 : index
      %get3A_1295 = tpu.vector_load %arg6[%get3A_1293, %get3A_1294] {strides = array<i32>} : memref<64x16xf32, #tpu.memory_space<vmem>>, vector<16xf32>,
      %lt3A_1296 = arith.cmpf olt, %get3A_1295, %max3A_1033 : vector<16xf32>
      %select_n3A_1297 = arith.select %lt3A_1296, %get3A_1295, %broadcast_in_dim3A_3 : vector<16xi1>, vector<16xf32>
      %get3A_1298 = arith.constant 39 : i32
      %get3A_1299 = arith.index_cast %get3A_1298 : i32 to index
      %get3A_1300 = arith.constant 0 : index
      %get3A_1301 = tpu.vector_load %arg6[%get3A_1299, %get3A_1300] {strides = array<i32>} : memref<64x16xf32, #tpu.memory_space<vmem>>, vector<16xf32>,
      %lt3A_1302 = arith.cmpf olt, %get3A_1301, %max3A_1033 : vector<16xf32>
      %select_n3A_1303 = arith.select %lt3A_1302, %get3A_1301, %broadcast_in_dim3A_3 : vector<16xi1>, vector<16xf32>
      %get3A_1304 = arith.constant 40 : i32
      %get3A_1305 = arith.index_cast %get3A_1304 : i32 to index
      %get3A_1306 = arith.constant 0 : index
      %get3A_1307 = tpu.vector_load %arg6[%get3A_1305, %get3A_1306] {strides = array<i32>} : memref<64x16xf32, #tpu.memory_space<vmem>>, vector<16xf32>,
      %lt3A_1308 = arith.cmpf olt, %get3A_1307, %max3A_1033 : vector<16xf32>
      %select_n3A_1309 = arith.select %lt3A_1308, %get3A_1307, %broadcast_in_dim3A_3 : vector<16xi1>, vector<16xf32>
      %get3A_1310 = arith.constant 41 : i32
      %get3A_1311 = arith.index_cast %get3A_1310 : i32 to index
      %get3A_1312 = arith.constant 0 : index
      %get3A_1313 = tpu.vector_load %arg6[%get3A_1311, %get3A_1312] {strides = array<i32>} : memref<64x16xf32, #tpu.memory_space<vmem>>, vector<16xf32>,
      %lt3A_1314 = arith.cmpf olt, %get3A_1313, %max3A_1033 : vector<16xf32>
      %select_n3A_1315 = arith.select %lt3A_1314, %get3A_1313, %broadcast_in_dim3A_3 : vector<16xi1>, vector<16xf32>
      %get3A_1316 = arith.constant 42 : i32
      %get3A_1317 = arith.index_cast %get3A_1316 : i32 to index
      %get3A_1318 = arith.constant 0 : index
      %get3A_1319 = tpu.vector_load %arg6[%get3A_1317, %get3A_1318] {strides = array<i32>} : memref<64x16xf32, #tpu.memory_space<vmem>>, vector<16xf32>,
      %lt3A_1320 = arith.cmpf olt, %get3A_1319, %max3A_1033 : vector<16xf32>
      %select_n3A_1321 = arith.select %lt3A_1320, %get3A_1319, %broadcast_in_dim3A_3 : vector<16xi1>, vector<16xf32>
      %get3A_1322 = arith.constant 43 : i32
      %get3A_1323 = arith.index_cast %get3A_1322 : i32 to index
      %get3A_1324 = arith.constant 0 : index
      %get3A_1325 = tpu.vector_load %arg6[%get3A_1323, %get3A_1324] {strides = array<i32>} : memref<64x16xf32, #tpu.memory_space<vmem>>, vector<16xf32>,
      %lt3A_1326 = arith.cmpf olt, %get3A_1325, %max3A_1033 : vector<16xf32>
      %select_n3A_1327 = arith.select %lt3A_1326, %get3A_1325, %broadcast_in_dim3A_3 : vector<16xi1>, vector<16xf32>
      %get3A_1328 = arith.constant 44 : i32
      %get3A_1329 = arith.index_cast %get3A_1328 : i32 to index
      %get3A_1330 = arith.constant 0 : index
      %get3A_1331 = tpu.vector_load %arg6[%get3A_1329, %get3A_1330] {strides = array<i32>} : memref<64x16xf32, #tpu.memory_space<vmem>>, vector<16xf32>,
      %lt3A_1332 = arith.cmpf olt, %get3A_1331, %max3A_1033 : vector<16xf32>
      %select_n3A_1333 = arith.select %lt3A_1332, %get3A_1331, %broadcast_in_dim3A_3 : vector<16xi1>, vector<16xf32>
      %get3A_1334 = arith.constant 45 : i32
      %get3A_1335 = arith.index_cast %get3A_1334 : i32 to index
      %get3A_1336 = arith.constant 0 : index
      %get3A_1337 = tpu.vector_load %arg6[%get3A_1335, %get3A_1336] {strides = array<i32>} : memref<64x16xf32, #tpu.memory_space<vmem>>, vector<16xf32>,
      %lt3A_1338 = arith.cmpf olt, %get3A_1337, %max3A_1033 : vector<16xf32>
      %select_n3A_1339 = arith.select %lt3A_1338, %get3A_1337, %broadcast_in_dim3A_3 : vector<16xi1>, vector<16xf32>
      %get3A_1340 = arith.constant 46 : i32
      %get3A_1341 = arith.index_cast %get3A_1340 : i32 to index
      %get3A_1342 = arith.constant 0 : index
      %get3A_1343 = tpu.vector_load %arg6[%get3A_1341, %get3A_1342] {strides = array<i32>} : memref<64x16xf32, #tpu.memory_space<vmem>>, vector<16xf32>,
      %lt3A_1344 = arith.cmpf olt, %get3A_1343, %max3A_1033 : vector<16xf32>
      %select_n3A_1345 = arith.select %lt3A_1344, %get3A_1343, %broadcast_in_dim3A_3 : vector<16xi1>, vector<16xf32>
      %get3A_1346 = arith.constant 47 : i32
      %get3A_1347 = arith.index_cast %get3A_1346 : i32 to index
      %get3A_1348 = arith.constant 0 : index
      %get3A_1349 = tpu.vector_load %arg6[%get3A_1347, %get3A_1348] {strides = array<i32>} : memref<64x16xf32, #tpu.memory_space<vmem>>, vector<16xf32>,
      %lt3A_1350 = arith.cmpf olt, %get3A_1349, %max3A_1033 : vector<16xf32>
      %select_n3A_1351 = arith.select %lt3A_1350, %get3A_1349, %broadcast_in_dim3A_3 : vector<16xi1>, vector<16xf32>
      %max3A_1352 = arith.maximumf %select_n3A_1261, %select_n3A_1267 : vector<16xf32>
      %max3A_1353 = arith.maximumf %select_n3A_1273, %select_n3A_1279 : vector<16xf32>
      %max3A_1354 = arith.maximumf %select_n3A_1285, %select_n3A_1291 : vector<16xf32>
      %max3A_1355 = arith.maximumf %select_n3A_1297, %select_n3A_1303 : vector<16xf32>
      %max3A_1356 = arith.maximumf %select_n3A_1309, %select_n3A_1315 : vector<16xf32>
      %max3A_1357 = arith.maximumf %select_n3A_1321, %select_n3A_1327 : vector<16xf32>
      %max3A_1358 = arith.maximumf %select_n3A_1333, %select_n3A_1339 : vector<16xf32>
      %max3A_1359 = arith.maximumf %select_n3A_1345, %select_n3A_1351 : vector<16xf32>
      %max3A_1360 = arith.maximumf %max3A_1352, %max3A_1353 : vector<16xf32>
      %max3A_1361 = arith.maximumf %max3A_1354, %max3A_1355 : vector<16xf32>
      %max3A_1362 = arith.maximumf %max3A_1356, %max3A_1357 : vector<16xf32>
      %max3A_1363 = arith.maximumf %max3A_1358, %max3A_1359 : vector<16xf32>
      %max3A_1364 = arith.maximumf %max3A_1360, %max3A_1361 : vector<16xf32>
      %max3A_1365 = arith.maximumf %max3A_1362, %max3A_1363 : vector<16xf32>
      %max3A_1366 = arith.maximumf %max3A_1364, %max3A_1365 : vector<16xf32>
      %get3A_1367 = arith.constant 48 : i32
      %get3A_1368 = arith.index_cast %get3A_1367 : i32 to index
      %get3A_1369 = arith.constant 0 : index
      %get3A_1370 = tpu.vector_load %arg6[%get3A_1368, %get3A_1369] {strides = array<i32>} : memref<64x16xf32, #tpu.memory_space<vmem>>, vector<16xf32>,
      %lt3A_1371 = arith.cmpf olt, %get3A_1370, %max3A_1033 : vector<16xf32>
      %select_n3A_1372 = arith.select %lt3A_1371, %get3A_1370, %broadcast_in_dim3A_3 : vector<16xi1>, vector<16xf32>
      %get3A_1373 = arith.constant 49 : i32
      %get3A_1374 = arith.index_cast %get3A_1373 : i32 to index
      %get3A_1375 = arith.constant 0 : index
      %get3A_1376 = tpu.vector_load %arg6[%get3A_1374, %get3A_1375] {strides = array<i32>} : memref<64x16xf32, #tpu.memory_space<vmem>>, vector<16xf32>,
      %lt3A_1377 = arith.cmpf olt, %get3A_1376, %max3A_1033 : vector<16xf32>
      %select_n3A_1378 = arith.select %lt3A_1377, %get3A_1376, %broadcast_in_dim3A_3 : vector<16xi1>, vector<16xf32>
      %get3A_1379 = arith.constant 50 : i32
      %get3A_1380 = arith.index_cast %get3A_1379 : i32 to index
      %get3A_1381 = arith.constant 0 : index
      %get3A_1382 = tpu.vector_load %arg6[%get3A_1380, %get3A_1381] {strides = array<i32>} : memref<64x16xf32, #tpu.memory_space<vmem>>, vector<16xf32>,
      %lt3A_1383 = arith.cmpf olt, %get3A_1382, %max3A_1033 : vector<16xf32>
      %select_n3A_1384 = arith.select %lt3A_1383, %get3A_1382, %broadcast_in_dim3A_3 : vector<16xi1>, vector<16xf32>
      %get3A_1385 = arith.constant 51 : i32
      %get3A_1386 = arith.index_cast %get3A_1385 : i32 to index
      %get3A_1387 = arith.constant 0 : index
      %get3A_1388 = tpu.vector_load %arg6[%get3A_1386, %get3A_1387] {strides = array<i32>} : memref<64x16xf32, #tpu.memory_space<vmem>>, vector<16xf32>,
      %lt3A_1389 = arith.cmpf olt, %get3A_1388, %max3A_1033 : vector<16xf32>
      %select_n3A_1390 = arith.select %lt3A_1389, %get3A_1388, %broadcast_in_dim3A_3 : vector<16xi1>, vector<16xf32>
      %get3A_1391 = arith.constant 52 : i32
      %get3A_1392 = arith.index_cast %get3A_1391 : i32 to index
      %get3A_1393 = arith.constant 0 : index
      %get3A_1394 = tpu.vector_load %arg6[%get3A_1392, %get3A_1393] {strides = array<i32>} : memref<64x16xf32, #tpu.memory_space<vmem>>, vector<16xf32>,
      %lt3A_1395 = arith.cmpf olt, %get3A_1394, %max3A_1033 : vector<16xf32>
      %select_n3A_1396 = arith.select %lt3A_1395, %get3A_1394, %broadcast_in_dim3A_3 : vector<16xi1>, vector<16xf32>
      %get3A_1397 = arith.constant 53 : i32
      %get3A_1398 = arith.index_cast %get3A_1397 : i32 to index
      %get3A_1399 = arith.constant 0 : index
      %get3A_1400 = tpu.vector_load %arg6[%get3A_1398, %get3A_1399] {strides = array<i32>} : memref<64x16xf32, #tpu.memory_space<vmem>>, vector<16xf32>,
      %lt3A_1401 = arith.cmpf olt, %get3A_1400, %max3A_1033 : vector<16xf32>
      %select_n3A_1402 = arith.select %lt3A_1401, %get3A_1400, %broadcast_in_dim3A_3 : vector<16xi1>, vector<16xf32>
      %get3A_1403 = arith.constant 54 : i32
      %get3A_1404 = arith.index_cast %get3A_1403 : i32 to index
      %get3A_1405 = arith.constant 0 : index
      %get3A_1406 = tpu.vector_load %arg6[%get3A_1404, %get3A_1405] {strides = array<i32>} : memref<64x16xf32, #tpu.memory_space<vmem>>, vector<16xf32>,
      %lt3A_1407 = arith.cmpf olt, %get3A_1406, %max3A_1033 : vector<16xf32>
      %select_n3A_1408 = arith.select %lt3A_1407, %get3A_1406, %broadcast_in_dim3A_3 : vector<16xi1>, vector<16xf32>
      %get3A_1409 = arith.constant 55 : i32
      %get3A_1410 = arith.index_cast %get3A_1409 : i32 to index
      %get3A_1411 = arith.constant 0 : index
      %get3A_1412 = tpu.vector_load %arg6[%get3A_1410, %get3A_1411] {strides = array<i32>} : memref<64x16xf32, #tpu.memory_space<vmem>>, vector<16xf32>,
      %lt3A_1413 = arith.cmpf olt, %get3A_1412, %max3A_1033 : vector<16xf32>
      %select_n3A_1414 = arith.select %lt3A_1413, %get3A_1412, %broadcast_in_dim3A_3 : vector<16xi1>, vector<16xf32>
      %get3A_1415 = arith.constant 56 : i32
      %get3A_1416 = arith.index_cast %get3A_1415 : i32 to index
      %get3A_1417 = arith.constant 0 : index
      %get3A_1418 = tpu.vector_load %arg6[%get3A_1416, %get3A_1417] {strides = array<i32>} : memref<64x16xf32, #tpu.memory_space<vmem>>, vector<16xf32>,
      %lt3A_1419 = arith.cmpf olt, %get3A_1418, %max3A_1033 : vector<16xf32>
      %select_n3A_1420 = arith.select %lt3A_1419, %get3A_1418, %broadcast_in_dim3A_3 : vector<16xi1>, vector<16xf32>
      %get3A_1421 = arith.constant 57 : i32
      %get3A_1422 = arith.index_cast %get3A_1421 : i32 to index
      %get3A_1423 = arith.constant 0 : index
      %get3A_1424 = tpu.vector_load %arg6[%get3A_1422, %get3A_1423] {strides = array<i32>} : memref<64x16xf32, #tpu.memory_space<vmem>>, vector<16xf32>,
      %lt3A_1425 = arith.cmpf olt, %get3A_1424, %max3A_1033 : vector<16xf32>
      %select_n3A_1426 = arith.select %lt3A_1425, %get3A_1424, %broadcast_in_dim3A_3 : vector<16xi1>, vector<16xf32>
      %get3A_1427 = arith.constant 58 : i32
      %get3A_1428 = arith.index_cast %get3A_1427 : i32 to index
      %get3A_1429 = arith.constant 0 : index
      %get3A_1430 = tpu.vector_load %arg6[%get3A_1428, %get3A_1429] {strides = array<i32>} : memref<64x16xf32, #tpu.memory_space<vmem>>, vector<16xf32>,
      %lt3A_1431 = arith.cmpf olt, %get3A_1430, %max3A_1033 : vector<16xf32>
      %select_n3A_1432 = arith.select %lt3A_1431, %get3A_1430, %broadcast_in_dim3A_3 : vector<16xi1>, vector<16xf32>
      %get3A_1433 = arith.constant 59 : i32
      %get3A_1434 = arith.index_cast %get3A_1433 : i32 to index
      %get3A_1435 = arith.constant 0 : index
      %get3A_1436 = tpu.vector_load %arg6[%get3A_1434, %get3A_1435] {strides = array<i32>} : memref<64x16xf32, #tpu.memory_space<vmem>>, vector<16xf32>,
      %lt3A_1437 = arith.cmpf olt, %get3A_1436, %max3A_1033 : vector<16xf32>
      %select_n3A_1438 = arith.select %lt3A_1437, %get3A_1436, %broadcast_in_dim3A_3 : vector<16xi1>, vector<16xf32>
      %get3A_1439 = arith.constant 60 : i32
      %get3A_1440 = arith.index_cast %get3A_1439 : i32 to index
      %get3A_1441 = arith.constant 0 : index
      %get3A_1442 = tpu.vector_load %arg6[%get3A_1440, %get3A_1441] {strides = array<i32>} : memref<64x16xf32, #tpu.memory_space<vmem>>, vector<16xf32>,
      %lt3A_1443 = arith.cmpf olt, %get3A_1442, %max3A_1033 : vector<16xf32>
      %select_n3A_1444 = arith.select %lt3A_1443, %get3A_1442, %broadcast_in_dim3A_3 : vector<16xi1>, vector<16xf32>
      %get3A_1445 = arith.constant 61 : i32
      %get3A_1446 = arith.index_cast %get3A_1445 : i32 to index
      %get3A_1447 = arith.constant 0 : index
      %get3A_1448 = tpu.vector_load %arg6[%get3A_1446, %get3A_1447] {strides = array<i32>} : memref<64x16xf32, #tpu.memory_space<vmem>>, vector<16xf32>,
      %lt3A_1449 = arith.cmpf olt, %get3A_1448, %max3A_1033 : vector<16xf32>
      %select_n3A_1450 = arith.select %lt3A_1449, %get3A_1448, %broadcast_in_dim3A_3 : vector<16xi1>, vector<16xf32>
      %get3A_1451 = arith.constant 62 : i32
      %get3A_1452 = arith.index_cast %get3A_1451 : i32 to index
      %get3A_1453 = arith.constant 0 : index
      %get3A_1454 = tpu.vector_load %arg6[%get3A_1452, %get3A_1453] {strides = array<i32>} : memref<64x16xf32, #tpu.memory_space<vmem>>, vector<16xf32>,
      %lt3A_1455 = arith.cmpf olt, %get3A_1454, %max3A_1033 : vector<16xf32>
      %select_n3A_1456 = arith.select %lt3A_1455, %get3A_1454, %broadcast_in_dim3A_3 : vector<16xi1>, vector<16xf32>
      %get3A_1457 = arith.constant 63 : i32
      %get3A_1458 = arith.index_cast %get3A_1457 : i32 to index
      %get3A_1459 = arith.constant 0 : index
      %get3A_1460 = tpu.vector_load %arg6[%get3A_1458, %get3A_1459] {strides = array<i32>} : memref<64x16xf32, #tpu.memory_space<vmem>>, vector<16xf32>,
      %lt3A_1461 = arith.cmpf olt, %get3A_1460, %max3A_1033 : vector<16xf32>
      %select_n3A_1462 = arith.select %lt3A_1461, %get3A_1460, %broadcast_in_dim3A_3 : vector<16xi1>, vector<16xf32>
      %max3A_1463 = arith.maximumf %select_n3A_1372, %select_n3A_1378 : vector<16xf32>
      %max3A_1464 = arith.maximumf %select_n3A_1384, %select_n3A_1390 : vector<16xf32>
      %max3A_1465 = arith.maximumf %select_n3A_1396, %select_n3A_1402 : vector<16xf32>
      %max3A_1466 = arith.maximumf %select_n3A_1408, %select_n3A_1414 : vector<16xf32>
      %max3A_1467 = arith.maximumf %select_n3A_1420, %select_n3A_1426 : vector<16xf32>
      %max3A_1468 = arith.maximumf %select_n3A_1432, %select_n3A_1438 : vector<16xf32>
      %max3A_1469 = arith.maximumf %select_n3A_1444, %select_n3A_1450 : vector<16xf32>
      %max3A_1470 = arith.maximumf %select_n3A_1456, %select_n3A_1462 : vector<16xf32>
      %max3A_1471 = arith.maximumf %max3A_1463, %max3A_1464 : vector<16xf32>
      %max3A_1472 = arith.maximumf %max3A_1465, %max3A_1466 : vector<16xf32>
      %max3A_1473 = arith.maximumf %max3A_1467, %max3A_1468 : vector<16xf32>
      %max3A_1474 = arith.maximumf %max3A_1469, %max3A_1470 : vector<16xf32>
      %max3A_1475 = arith.maximumf %max3A_1471, %max3A_1472 : vector<16xf32>
      %max3A_1476 = arith.maximumf %max3A_1473, %max3A_1474 : vector<16xf32>
      %max3A_1477 = arith.maximumf %max3A_1475, %max3A_1476 : vector<16xf32>
      %max3A_1478 = arith.maximumf %max3A_1144, %max3A_1255 : vector<16xf32>
      %max3A_1479 = arith.maximumf %max3A_1366, %max3A_1477 : vector<16xf32>
      %max3A_1480 = arith.maximumf %max3A_1478, %max3A_1479 : vector<16xf32>
      %get3A_1481 = arith.constant 0 : i32
      %get3A_1482 = arith.index_cast %get3A_1481 : i32 to index
      %get3A_1483 = arith.constant 0 : index
      %get3A_1484 = tpu.vector_load %arg6[%get3A_1482, %get3A_1483] {strides = array<i32>} : memref<64x16xf32, #tpu.memory_space<vmem>>, vector<16xf32>,
      %lt3A_1485 = arith.cmpf olt, %get3A_1484, %max3A_1480 : vector<16xf32>
      %select_n3A_1486 = arith.select %lt3A_1485, %get3A_1484, %broadcast_in_dim3A_3 : vector<16xi1>, vector<16xf32>
      %get3A_1487 = arith.constant 1 : i32
      %get3A_1488 = arith.index_cast %get3A_1487 : i32 to index
      %get3A_1489 = arith.constant 0 : index
      %get3A_1490 = tpu.vector_load %arg6[%get3A_1488, %get3A_1489] {strides = array<i32>} : memref<64x16xf32, #tpu.memory_space<vmem>>, vector<16xf32>,
      %lt3A_1491 = arith.cmpf olt, %get3A_1490, %max3A_1480 : vector<16xf32>
      %select_n3A_1492 = arith.select %lt3A_1491, %get3A_1490, %broadcast_in_dim3A_3 : vector<16xi1>, vector<16xf32>
      %get3A_1493 = arith.constant 2 : i32
      %get3A_1494 = arith.index_cast %get3A_1493 : i32 to index
      %get3A_1495 = arith.constant 0 : index
      %get3A_1496 = tpu.vector_load %arg6[%get3A_1494, %get3A_1495] {strides = array<i32>} : memref<64x16xf32, #tpu.memory_space<vmem>>, vector<16xf32>,
      %lt3A_1497 = arith.cmpf olt, %get3A_1496, %max3A_1480 : vector<16xf32>
      %select_n3A_1498 = arith.select %lt3A_1497, %get3A_1496, %broadcast_in_dim3A_3 : vector<16xi1>, vector<16xf32>
      %get3A_1499 = arith.constant 3 : i32
      %get3A_1500 = arith.index_cast %get3A_1499 : i32 to index
      %get3A_1501 = arith.constant 0 : index
      %get3A_1502 = tpu.vector_load %arg6[%get3A_1500, %get3A_1501] {strides = array<i32>} : memref<64x16xf32, #tpu.memory_space<vmem>>, vector<16xf32>,
      %lt3A_1503 = arith.cmpf olt, %get3A_1502, %max3A_1480 : vector<16xf32>
      %select_n3A_1504 = arith.select %lt3A_1503, %get3A_1502, %broadcast_in_dim3A_3 : vector<16xi1>, vector<16xf32>
      %get3A_1505 = arith.constant 4 : i32
      %get3A_1506 = arith.index_cast %get3A_1505 : i32 to index
      %get3A_1507 = arith.constant 0 : index
      %get3A_1508 = tpu.vector_load %arg6[%get3A_1506, %get3A_1507] {strides = array<i32>} : memref<64x16xf32, #tpu.memory_space<vmem>>, vector<16xf32>,
      %lt3A_1509 = arith.cmpf olt, %get3A_1508, %max3A_1480 : vector<16xf32>
      %select_n3A_1510 = arith.select %lt3A_1509, %get3A_1508, %broadcast_in_dim3A_3 : vector<16xi1>, vector<16xf32>
      %get3A_1511 = arith.constant 5 : i32
      %get3A_1512 = arith.index_cast %get3A_1511 : i32 to index
      %get3A_1513 = arith.constant 0 : index
      %get3A_1514 = tpu.vector_load %arg6[%get3A_1512, %get3A_1513] {strides = array<i32>} : memref<64x16xf32, #tpu.memory_space<vmem>>, vector<16xf32>,
      %lt3A_1515 = arith.cmpf olt, %get3A_1514, %max3A_1480 : vector<16xf32>
      %select_n3A_1516 = arith.select %lt3A_1515, %get3A_1514, %broadcast_in_dim3A_3 : vector<16xi1>, vector<16xf32>
      %get3A_1517 = arith.constant 6 : i32
      %get3A_1518 = arith.index_cast %get3A_1517 : i32 to index
      %get3A_1519 = arith.constant 0 : index
      %get3A_1520 = tpu.vector_load %arg6[%get3A_1518, %get3A_1519] {strides = array<i32>} : memref<64x16xf32, #tpu.memory_space<vmem>>, vector<16xf32>,
      %lt3A_1521 = arith.cmpf olt, %get3A_1520, %max3A_1480 : vector<16xf32>
      %select_n3A_1522 = arith.select %lt3A_1521, %get3A_1520, %broadcast_in_dim3A_3 : vector<16xi1>, vector<16xf32>
      %get3A_1523 = arith.constant 7 : i32
      %get3A_1524 = arith.index_cast %get3A_1523 : i32 to index
      %get3A_1525 = arith.constant 0 : index
      %get3A_1526 = tpu.vector_load %arg6[%get3A_1524, %get3A_1525] {strides = array<i32>} : memref<64x16xf32, #tpu.memory_space<vmem>>, vector<16xf32>,
      %lt3A_1527 = arith.cmpf olt, %get3A_1526, %max3A_1480 : vector<16xf32>
      %select_n3A_1528 = arith.select %lt3A_1527, %get3A_1526, %broadcast_in_dim3A_3 : vector<16xi1>, vector<16xf32>
      %get3A_1529 = arith.constant 8 : i32
      %get3A_1530 = arith.index_cast %get3A_1529 : i32 to index
      %get3A_1531 = arith.constant 0 : index
      %get3A_1532 = tpu.vector_load %arg6[%get3A_1530, %get3A_1531] {strides = array<i32>} : memref<64x16xf32, #tpu.memory_space<vmem>>, vector<16xf32>,
      %lt3A_1533 = arith.cmpf olt, %get3A_1532, %max3A_1480 : vector<16xf32>
      %select_n3A_1534 = arith.select %lt3A_1533, %get3A_1532, %broadcast_in_dim3A_3 : vector<16xi1>, vector<16xf32>
      %get3A_1535 = arith.constant 9 : i32
      %get3A_1536 = arith.index_cast %get3A_1535 : i32 to index
      %get3A_1537 = arith.constant 0 : index
      %get3A_1538 = tpu.vector_load %arg6[%get3A_1536, %get3A_1537] {strides = array<i32>} : memref<64x16xf32, #tpu.memory_space<vmem>>, vector<16xf32>,
      %lt3A_1539 = arith.cmpf olt, %get3A_1538, %max3A_1480 : vector<16xf32>
      %select_n3A_1540 = arith.select %lt3A_1539, %get3A_1538, %broadcast_in_dim3A_3 : vector<16xi1>, vector<16xf32>
      %get3A_1541 = arith.constant 10 : i32
      %get3A_1542 = arith.index_cast %get3A_1541 : i32 to index
      %get3A_1543 = arith.constant 0 : index
      %get3A_1544 = tpu.vector_load %arg6[%get3A_1542, %get3A_1543] {strides = array<i32>} : memref<64x16xf32, #tpu.memory_space<vmem>>, vector<16xf32>,
      %lt3A_1545 = arith.cmpf olt, %get3A_1544, %max3A_1480 : vector<16xf32>
      %select_n3A_1546 = arith.select %lt3A_1545, %get3A_1544, %broadcast_in_dim3A_3 : vector<16xi1>, vector<16xf32>
      %get3A_1547 = arith.constant 11 : i32
      %get3A_1548 = arith.index_cast %get3A_1547 : i32 to index
      %get3A_1549 = arith.constant 0 : index
      %get3A_1550 = tpu.vector_load %arg6[%get3A_1548, %get3A_1549] {strides = array<i32>} : memref<64x16xf32, #tpu.memory_space<vmem>>, vector<16xf32>,
      %lt3A_1551 = arith.cmpf olt, %get3A_1550, %max3A_1480 : vector<16xf32>
      %select_n3A_1552 = arith.select %lt3A_1551, %get3A_1550, %broadcast_in_dim3A_3 : vector<16xi1>, vector<16xf32>
      %get3A_1553 = arith.constant 12 : i32
      %get3A_1554 = arith.index_cast %get3A_1553 : i32 to index
      %get3A_1555 = arith.constant 0 : index
      %get3A_1556 = tpu.vector_load %arg6[%get3A_1554, %get3A_1555] {strides = array<i32>} : memref<64x16xf32, #tpu.memory_space<vmem>>, vector<16xf32>,
      %lt3A_1557 = arith.cmpf olt, %get3A_1556, %max3A_1480 : vector<16xf32>
      %select_n3A_1558 = arith.select %lt3A_1557, %get3A_1556, %broadcast_in_dim3A_3 : vector<16xi1>, vector<16xf32>
      %get3A_1559 = arith.constant 13 : i32
      %get3A_1560 = arith.index_cast %get3A_1559 : i32 to index
      %get3A_1561 = arith.constant 0 : index
      %get3A_1562 = tpu.vector_load %arg6[%get3A_1560, %get3A_1561] {strides = array<i32>} : memref<64x16xf32, #tpu.memory_space<vmem>>, vector<16xf32>,
      %lt3A_1563 = arith.cmpf olt, %get3A_1562, %max3A_1480 : vector<16xf32>
      %select_n3A_1564 = arith.select %lt3A_1563, %get3A_1562, %broadcast_in_dim3A_3 : vector<16xi1>, vector<16xf32>
      %get3A_1565 = arith.constant 14 : i32
      %get3A_1566 = arith.index_cast %get3A_1565 : i32 to index
      %get3A_1567 = arith.constant 0 : index
      %get3A_1568 = tpu.vector_load %arg6[%get3A_1566, %get3A_1567] {strides = array<i32>} : memref<64x16xf32, #tpu.memory_space<vmem>>, vector<16xf32>,
      %lt3A_1569 = arith.cmpf olt, %get3A_1568, %max3A_1480 : vector<16xf32>
      %select_n3A_1570 = arith.select %lt3A_1569, %get3A_1568, %broadcast_in_dim3A_3 : vector<16xi1>, vector<16xf32>
      %get3A_1571 = arith.constant 15 : i32
      %get3A_1572 = arith.index_cast %get3A_1571 : i32 to index
      %get3A_1573 = arith.constant 0 : index
      %get3A_1574 = tpu.vector_load %arg6[%get3A_1572, %get3A_1573] {strides = array<i32>} : memref<64x16xf32, #tpu.memory_space<vmem>>, vector<16xf32>,
      %lt3A_1575 = arith.cmpf olt, %get3A_1574, %max3A_1480 : vector<16xf32>
      %select_n3A_1576 = arith.select %lt3A_1575, %get3A_1574, %broadcast_in_dim3A_3 : vector<16xi1>, vector<16xf32>
      %max3A_1577 = arith.maximumf %select_n3A_1486, %select_n3A_1492 : vector<16xf32>
      %max3A_1578 = arith.maximumf %select_n3A_1498, %select_n3A_1504 : vector<16xf32>
      %max3A_1579 = arith.maximumf %select_n3A_1510, %select_n3A_1516 : vector<16xf32>
      %max3A_1580 = arith.maximumf %select_n3A_1522, %select_n3A_1528 : vector<16xf32>
      %max3A_1581 = arith.maximumf %select_n3A_1534, %select_n3A_1540 : vector<16xf32>
      %max3A_1582 = arith.maximumf %select_n3A_1546, %select_n3A_1552 : vector<16xf32>
      %max3A_1583 = arith.maximumf %select_n3A_1558, %select_n3A_1564 : vector<16xf32>
      %max3A_1584 = arith.maximumf %select_n3A_1570, %select_n3A_1576 : vector<16xf32>
      %max3A_1585 = arith.maximumf %max3A_1577, %max3A_1578 : vector<16xf32>
      %max3A_1586 = arith.maximumf %max3A_1579, %max3A_1580 : vector<16xf32>
      %max3A_1587 = arith.maximumf %max3A_1581, %max3A_1582 : vector<16xf32>
      %max3A_1588 = arith.maximumf %max3A_1583, %max3A_1584 : vector<16xf32>
      %max3A_1589 = arith.maximumf %max3A_1585, %max3A_1586 : vector<16xf32>
      %max3A_1590 = arith.maximumf %max3A_1587, %max3A_1588 : vector<16xf32>
      %max3A_1591 = arith.maximumf %max3A_1589, %max3A_1590 : vector<16xf32>
      %get3A_1592 = arith.constant 16 : i32
      %get3A_1593 = arith.index_cast %get3A_1592 : i32 to index
      %get3A_1594 = arith.constant 0 : index
      %get3A_1595 = tpu.vector_load %arg6[%get3A_1593, %get3A_1594] {strides = array<i32>} : memref<64x16xf32, #tpu.memory_space<vmem>>, vector<16xf32>,
      %lt3A_1596 = arith.cmpf olt, %get3A_1595, %max3A_1480 : vector<16xf32>
      %select_n3A_1597 = arith.select %lt3A_1596, %get3A_1595, %broadcast_in_dim3A_3 : vector<16xi1>, vector<16xf32>
      %get3A_1598 = arith.constant 17 : i32
      %get3A_1599 = arith.index_cast %get3A_1598 : i32 to index
      %get3A_1600 = arith.constant 0 : index
      %get3A_1601 = tpu.vector_load %arg6[%get3A_1599, %get3A_1600] {strides = array<i32>} : memref<64x16xf32, #tpu.memory_space<vmem>>, vector<16xf32>,
      %lt3A_1602 = arith.cmpf olt, %get3A_1601, %max3A_1480 : vector<16xf32>
      %select_n3A_1603 = arith.select %lt3A_1602, %get3A_1601, %broadcast_in_dim3A_3 : vector<16xi1>, vector<16xf32>
      %get3A_1604 = arith.constant 18 : i32
      %get3A_1605 = arith.index_cast %get3A_1604 : i32 to index
      %get3A_1606 = arith.constant 0 : index
      %get3A_1607 = tpu.vector_load %arg6[%get3A_1605, %get3A_1606] {strides = array<i32>} : memref<64x16xf32, #tpu.memory_space<vmem>>, vector<16xf32>,
      %lt3A_1608 = arith.cmpf olt, %get3A_1607, %max3A_1480 : vector<16xf32>
      %select_n3A_1609 = arith.select %lt3A_1608, %get3A_1607, %broadcast_in_dim3A_3 : vector<16xi1>, vector<16xf32>
      %get3A_1610 = arith.constant 19 : i32
      %get3A_1611 = arith.index_cast %get3A_1610 : i32 to index
      %get3A_1612 = arith.constant 0 : index
      %get3A_1613 = tpu.vector_load %arg6[%get3A_1611, %get3A_1612] {strides = array<i32>} : memref<64x16xf32, #tpu.memory_space<vmem>>, vector<16xf32>,
      %lt3A_1614 = arith.cmpf olt, %get3A_1613, %max3A_1480 : vector<16xf32>
      %select_n3A_1615 = arith.select %lt3A_1614, %get3A_1613, %broadcast_in_dim3A_3 : vector<16xi1>, vector<16xf32>
      %get3A_1616 = arith.constant 20 : i32
      %get3A_1617 = arith.index_cast %get3A_1616 : i32 to index
      %get3A_1618 = arith.constant 0 : index
      %get3A_1619 = tpu.vector_load %arg6[%get3A_1617, %get3A_1618] {strides = array<i32>} : memref<64x16xf32, #tpu.memory_space<vmem>>, vector<16xf32>,
      %lt3A_1620 = arith.cmpf olt, %get3A_1619, %max3A_1480 : vector<16xf32>
      %select_n3A_1621 = arith.select %lt3A_1620, %get3A_1619, %broadcast_in_dim3A_3 : vector<16xi1>, vector<16xf32>
      %get3A_1622 = arith.constant 21 : i32
      %get3A_1623 = arith.index_cast %get3A_1622 : i32 to index
      %get3A_1624 = arith.constant 0 : index
      %get3A_1625 = tpu.vector_load %arg6[%get3A_1623, %get3A_1624] {strides = array<i32>} : memref<64x16xf32, #tpu.memory_space<vmem>>, vector<16xf32>,
      %lt3A_1626 = arith.cmpf olt, %get3A_1625, %max3A_1480 : vector<16xf32>
      %select_n3A_1627 = arith.select %lt3A_1626, %get3A_1625, %broadcast_in_dim3A_3 : vector<16xi1>, vector<16xf32>
      %get3A_1628 = arith.constant 22 : i32
      %get3A_1629 = arith.index_cast %get3A_1628 : i32 to index
      %get3A_1630 = arith.constant 0 : index
      %get3A_1631 = tpu.vector_load %arg6[%get3A_1629, %get3A_1630] {strides = array<i32>} : memref<64x16xf32, #tpu.memory_space<vmem>>, vector<16xf32>,
      %lt3A_1632 = arith.cmpf olt, %get3A_1631, %max3A_1480 : vector<16xf32>
      %select_n3A_1633 = arith.select %lt3A_1632, %get3A_1631, %broadcast_in_dim3A_3 : vector<16xi1>, vector<16xf32>
      %get3A_1634 = arith.constant 23 : i32
      %get3A_1635 = arith.index_cast %get3A_1634 : i32 to index
      %get3A_1636 = arith.constant 0 : index
      %get3A_1637 = tpu.vector_load %arg6[%get3A_1635, %get3A_1636] {strides = array<i32>} : memref<64x16xf32, #tpu.memory_space<vmem>>, vector<16xf32>,
      %lt3A_1638 = arith.cmpf olt, %get3A_1637, %max3A_1480 : vector<16xf32>
      %select_n3A_1639 = arith.select %lt3A_1638, %get3A_1637, %broadcast_in_dim3A_3 : vector<16xi1>, vector<16xf32>
      %get3A_1640 = arith.constant 24 : i32
      %get3A_1641 = arith.index_cast %get3A_1640 : i32 to index
      %get3A_1642 = arith.constant 0 : index
      %get3A_1643 = tpu.vector_load %arg6[%get3A_1641, %get3A_1642] {strides = array<i32>} : memref<64x16xf32, #tpu.memory_space<vmem>>, vector<16xf32>,
      %lt3A_1644 = arith.cmpf olt, %get3A_1643, %max3A_1480 : vector<16xf32>
      %select_n3A_1645 = arith.select %lt3A_1644, %get3A_1643, %broadcast_in_dim3A_3 : vector<16xi1>, vector<16xf32>
      %get3A_1646 = arith.constant 25 : i32
      %get3A_1647 = arith.index_cast %get3A_1646 : i32 to index
      %get3A_1648 = arith.constant 0 : index
      %get3A_1649 = tpu.vector_load %arg6[%get3A_1647, %get3A_1648] {strides = array<i32>} : memref<64x16xf32, #tpu.memory_space<vmem>>, vector<16xf32>,
      %lt3A_1650 = arith.cmpf olt, %get3A_1649, %max3A_1480 : vector<16xf32>
      %select_n3A_1651 = arith.select %lt3A_1650, %get3A_1649, %broadcast_in_dim3A_3 : vector<16xi1>, vector<16xf32>
      %get3A_1652 = arith.constant 26 : i32
      %get3A_1653 = arith.index_cast %get3A_1652 : i32 to index
      %get3A_1654 = arith.constant 0 : index
      %get3A_1655 = tpu.vector_load %arg6[%get3A_1653, %get3A_1654] {strides = array<i32>} : memref<64x16xf32, #tpu.memory_space<vmem>>, vector<16xf32>,
      %lt3A_1656 = arith.cmpf olt, %get3A_1655, %max3A_1480 : vector<16xf32>
      %select_n3A_1657 = arith.select %lt3A_1656, %get3A_1655, %broadcast_in_dim3A_3 : vector<16xi1>, vector<16xf32>
      %get3A_1658 = arith.constant 27 : i32
      %get3A_1659 = arith.index_cast %get3A_1658 : i32 to index
      %get3A_1660 = arith.constant 0 : index
      %get3A_1661 = tpu.vector_load %arg6[%get3A_1659, %get3A_1660] {strides = array<i32>} : memref<64x16xf32, #tpu.memory_space<vmem>>, vector<16xf32>,
      %lt3A_1662 = arith.cmpf olt, %get3A_1661, %max3A_1480 : vector<16xf32>
      %select_n3A_1663 = arith.select %lt3A_1662, %get3A_1661, %broadcast_in_dim3A_3 : vector<16xi1>, vector<16xf32>
      %get3A_1664 = arith.constant 28 : i32
      %get3A_1665 = arith.index_cast %get3A_1664 : i32 to index
      %get3A_1666 = arith.constant 0 : index
      %get3A_1667 = tpu.vector_load %arg6[%get3A_1665, %get3A_1666] {strides = array<i32>} : memref<64x16xf32, #tpu.memory_space<vmem>>, vector<16xf32>,
      %lt3A_1668 = arith.cmpf olt, %get3A_1667, %max3A_1480 : vector<16xf32>
      %select_n3A_1669 = arith.select %lt3A_1668, %get3A_1667, %broadcast_in_dim3A_3 : vector<16xi1>, vector<16xf32>
      %get3A_1670 = arith.constant 29 : i32
      %get3A_1671 = arith.index_cast %get3A_1670 : i32 to index
      %get3A_1672 = arith.constant 0 : index
      %get3A_1673 = tpu.vector_load %arg6[%get3A_1671, %get3A_1672] {strides = array<i32>} : memref<64x16xf32, #tpu.memory_space<vmem>>, vector<16xf32>,
      %lt3A_1674 = arith.cmpf olt, %get3A_1673, %max3A_1480 : vector<16xf32>
      %select_n3A_1675 = arith.select %lt3A_1674, %get3A_1673, %broadcast_in_dim3A_3 : vector<16xi1>, vector<16xf32>
      %get3A_1676 = arith.constant 30 : i32
      %get3A_1677 = arith.index_cast %get3A_1676 : i32 to index
      %get3A_1678 = arith.constant 0 : index
      %get3A_1679 = tpu.vector_load %arg6[%get3A_1677, %get3A_1678] {strides = array<i32>} : memref<64x16xf32, #tpu.memory_space<vmem>>, vector<16xf32>,
      %lt3A_1680 = arith.cmpf olt, %get3A_1679, %max3A_1480 : vector<16xf32>
      %select_n3A_1681 = arith.select %lt3A_1680, %get3A_1679, %broadcast_in_dim3A_3 : vector<16xi1>, vector<16xf32>
      %get3A_1682 = arith.constant 31 : i32
      %get3A_1683 = arith.index_cast %get3A_1682 : i32 to index
      %get3A_1684 = arith.constant 0 : index
      %get3A_1685 = tpu.vector_load %arg6[%get3A_1683, %get3A_1684] {strides = array<i32>} : memref<64x16xf32, #tpu.memory_space<vmem>>, vector<16xf32>,
      %lt3A_1686 = arith.cmpf olt, %get3A_1685, %max3A_1480 : vector<16xf32>
      %select_n3A_1687 = arith.select %lt3A_1686, %get3A_1685, %broadcast_in_dim3A_3 : vector<16xi1>, vector<16xf32>
      %max3A_1688 = arith.maximumf %select_n3A_1597, %select_n3A_1603 : vector<16xf32>
      %max3A_1689 = arith.maximumf %select_n3A_1609, %select_n3A_1615 : vector<16xf32>
      %max3A_1690 = arith.maximumf %select_n3A_1621, %select_n3A_1627 : vector<16xf32>
      %max3A_1691 = arith.maximumf %select_n3A_1633, %select_n3A_1639 : vector<16xf32>
      %max3A_1692 = arith.maximumf %select_n3A_1645, %select_n3A_1651 : vector<16xf32>
      %max3A_1693 = arith.maximumf %select_n3A_1657, %select_n3A_1663 : vector<16xf32>
      %max3A_1694 = arith.maximumf %select_n3A_1669, %select_n3A_1675 : vector<16xf32>
      %max3A_1695 = arith.maximumf %select_n3A_1681, %select_n3A_1687 : vector<16xf32>
      %max3A_1696 = arith.maximumf %max3A_1688, %max3A_1689 : vector<16xf32>
      %max3A_1697 = arith.maximumf %max3A_1690, %max3A_1691 : vector<16xf32>
      %max3A_1698 = arith.maximumf %max3A_1692, %max3A_1693 : vector<16xf32>
      %max3A_1699 = arith.maximumf %max3A_1694, %max3A_1695 : vector<16xf32>
      %max3A_1700 = arith.maximumf %max3A_1696, %max3A_1697 : vector<16xf32>
      %max3A_1701 = arith.maximumf %max3A_1698, %max3A_1699 : vector<16xf32>
      %max3A_1702 = arith.maximumf %max3A_1700, %max3A_1701 : vector<16xf32>
      %get3A_1703 = arith.constant 32 : i32
      %get3A_1704 = arith.index_cast %get3A_1703 : i32 to index
      %get3A_1705 = arith.constant 0 : index
      %get3A_1706 = tpu.vector_load %arg6[%get3A_1704, %get3A_1705] {strides = array<i32>} : memref<64x16xf32, #tpu.memory_space<vmem>>, vector<16xf32>,
      %lt3A_1707 = arith.cmpf olt, %get3A_1706, %max3A_1480 : vector<16xf32>
      %select_n3A_1708 = arith.select %lt3A_1707, %get3A_1706, %broadcast_in_dim3A_3 : vector<16xi1>, vector<16xf32>
      %get3A_1709 = arith.constant 33 : i32
      %get3A_1710 = arith.index_cast %get3A_1709 : i32 to index
      %get3A_1711 = arith.constant 0 : index
      %get3A_1712 = tpu.vector_load %arg6[%get3A_1710, %get3A_1711] {strides = array<i32>} : memref<64x16xf32, #tpu.memory_space<vmem>>, vector<16xf32>,
      %lt3A_1713 = arith.cmpf olt, %get3A_1712, %max3A_1480 : vector<16xf32>
      %select_n3A_1714 = arith.select %lt3A_1713, %get3A_1712, %broadcast_in_dim3A_3 : vector<16xi1>, vector<16xf32>
      %get3A_1715 = arith.constant 34 : i32
      %get3A_1716 = arith.index_cast %get3A_1715 : i32 to index
      %get3A_1717 = arith.constant 0 : index
      %get3A_1718 = tpu.vector_load %arg6[%get3A_1716, %get3A_1717] {strides = array<i32>} : memref<64x16xf32, #tpu.memory_space<vmem>>, vector<16xf32>,
      %lt3A_1719 = arith.cmpf olt, %get3A_1718, %max3A_1480 : vector<16xf32>
      %select_n3A_1720 = arith.select %lt3A_1719, %get3A_1718, %broadcast_in_dim3A_3 : vector<16xi1>, vector<16xf32>
      %get3A_1721 = arith.constant 35 : i32
      %get3A_1722 = arith.index_cast %get3A_1721 : i32 to index
      %get3A_1723 = arith.constant 0 : index
      %get3A_1724 = tpu.vector_load %arg6[%get3A_1722, %get3A_1723] {strides = array<i32>} : memref<64x16xf32, #tpu.memory_space<vmem>>, vector<16xf32>,
      %lt3A_1725 = arith.cmpf olt, %get3A_1724, %max3A_1480 : vector<16xf32>
      %select_n3A_1726 = arith.select %lt3A_1725, %get3A_1724, %broadcast_in_dim3A_3 : vector<16xi1>, vector<16xf32>
      %get3A_1727 = arith.constant 36 : i32
      %get3A_1728 = arith.index_cast %get3A_1727 : i32 to index
      %get3A_1729 = arith.constant 0 : index
      %get3A_1730 = tpu.vector_load %arg6[%get3A_1728, %get3A_1729] {strides = array<i32>} : memref<64x16xf32, #tpu.memory_space<vmem>>, vector<16xf32>,
      %lt3A_1731 = arith.cmpf olt, %get3A_1730, %max3A_1480 : vector<16xf32>
      %select_n3A_1732 = arith.select %lt3A_1731, %get3A_1730, %broadcast_in_dim3A_3 : vector<16xi1>, vector<16xf32>
      %get3A_1733 = arith.constant 37 : i32
      %get3A_1734 = arith.index_cast %get3A_1733 : i32 to index
      %get3A_1735 = arith.constant 0 : index
      %get3A_1736 = tpu.vector_load %arg6[%get3A_1734, %get3A_1735] {strides = array<i32>} : memref<64x16xf32, #tpu.memory_space<vmem>>, vector<16xf32>,
      %lt3A_1737 = arith.cmpf olt, %get3A_1736, %max3A_1480 : vector<16xf32>
      %select_n3A_1738 = arith.select %lt3A_1737, %get3A_1736, %broadcast_in_dim3A_3 : vector<16xi1>, vector<16xf32>
      %get3A_1739 = arith.constant 38 : i32
      %get3A_1740 = arith.index_cast %get3A_1739 : i32 to index
      %get3A_1741 = arith.constant 0 : index
      %get3A_1742 = tpu.vector_load %arg6[%get3A_1740, %get3A_1741] {strides = array<i32>} : memref<64x16xf32, #tpu.memory_space<vmem>>, vector<16xf32>,
      %lt3A_1743 = arith.cmpf olt, %get3A_1742, %max3A_1480 : vector<16xf32>
      %select_n3A_1744 = arith.select %lt3A_1743, %get3A_1742, %broadcast_in_dim3A_3 : vector<16xi1>, vector<16xf32>
      %get3A_1745 = arith.constant 39 : i32
      %get3A_1746 = arith.index_cast %get3A_1745 : i32 to index
      %get3A_1747 = arith.constant 0 : index
      %get3A_1748 = tpu.vector_load %arg6[%get3A_1746, %get3A_1747] {strides = array<i32>} : memref<64x16xf32, #tpu.memory_space<vmem>>, vector<16xf32>,
      %lt3A_1749 = arith.cmpf olt, %get3A_1748, %max3A_1480 : vector<16xf32>
      %select_n3A_1750 = arith.select %lt3A_1749, %get3A_1748, %broadcast_in_dim3A_3 : vector<16xi1>, vector<16xf32>
      %get3A_1751 = arith.constant 40 : i32
      %get3A_1752 = arith.index_cast %get3A_1751 : i32 to index
      %get3A_1753 = arith.constant 0 : index
      %get3A_1754 = tpu.vector_load %arg6[%get3A_1752, %get3A_1753] {strides = array<i32>} : memref<64x16xf32, #tpu.memory_space<vmem>>, vector<16xf32>,
      %lt3A_1755 = arith.cmpf olt, %get3A_1754, %max3A_1480 : vector<16xf32>
      %select_n3A_1756 = arith.select %lt3A_1755, %get3A_1754, %broadcast_in_dim3A_3 : vector<16xi1>, vector<16xf32>
      %get3A_1757 = arith.constant 41 : i32
      %get3A_1758 = arith.index_cast %get3A_1757 : i32 to index
      %get3A_1759 = arith.constant 0 : index
      %get3A_1760 = tpu.vector_load %arg6[%get3A_1758, %get3A_1759] {strides = array<i32>} : memref<64x16xf32, #tpu.memory_space<vmem>>, vector<16xf32>,
      %lt3A_1761 = arith.cmpf olt, %get3A_1760, %max3A_1480 : vector<16xf32>
      %select_n3A_1762 = arith.select %lt3A_1761, %get3A_1760, %broadcast_in_dim3A_3 : vector<16xi1>, vector<16xf32>
      %get3A_1763 = arith.constant 42 : i32
      %get3A_1764 = arith.index_cast %get3A_1763 : i32 to index
      %get3A_1765 = arith.constant 0 : index
      %get3A_1766 = tpu.vector_load %arg6[%get3A_1764, %get3A_1765] {strides = array<i32>} : memref<64x16xf32, #tpu.memory_space<vmem>>, vector<16xf32>,
      %lt3A_1767 = arith.cmpf olt, %get3A_1766, %max3A_1480 : vector<16xf32>
      %select_n3A_1768 = arith.select %lt3A_1767, %get3A_1766, %broadcast_in_dim3A_3 : vector<16xi1>, vector<16xf32>
      %get3A_1769 = arith.constant 43 : i32
      %get3A_1770 = arith.index_cast %get3A_1769 : i32 to index
      %get3A_1771 = arith.constant 0 : index
      %get3A_1772 = tpu.vector_load %arg6[%get3A_1770, %get3A_1771] {strides = array<i32>} : memref<64x16xf32, #tpu.memory_space<vmem>>, vector<16xf32>,
      %lt3A_1773 = arith.cmpf olt, %get3A_1772, %max3A_1480 : vector<16xf32>
      %select_n3A_1774 = arith.select %lt3A_1773, %get3A_1772, %broadcast_in_dim3A_3 : vector<16xi1>, vector<16xf32>
      %get3A_1775 = arith.constant 44 : i32
      %get3A_1776 = arith.index_cast %get3A_1775 : i32 to index
      %get3A_1777 = arith.constant 0 : index
      %get3A_1778 = tpu.vector_load %arg6[%get3A_1776, %get3A_1777] {strides = array<i32>} : memref<64x16xf32, #tpu.memory_space<vmem>>, vector<16xf32>,
      %lt3A_1779 = arith.cmpf olt, %get3A_1778, %max3A_1480 : vector<16xf32>
      %select_n3A_1780 = arith.select %lt3A_1779, %get3A_1778, %broadcast_in_dim3A_3 : vector<16xi1>, vector<16xf32>
      %get3A_1781 = arith.constant 45 : i32
      %get3A_1782 = arith.index_cast %get3A_1781 : i32 to index
      %get3A_1783 = arith.constant 0 : index
      %get3A_1784 = tpu.vector_load %arg6[%get3A_1782, %get3A_1783] {strides = array<i32>} : memref<64x16xf32, #tpu.memory_space<vmem>>, vector<16xf32>,
      %lt3A_1785 = arith.cmpf olt, %get3A_1784, %max3A_1480 : vector<16xf32>
      %select_n3A_1786 = arith.select %lt3A_1785, %get3A_1784, %broadcast_in_dim3A_3 : vector<16xi1>, vector<16xf32>
      %get3A_1787 = arith.constant 46 : i32
      %get3A_1788 = arith.index_cast %get3A_1787 : i32 to index
      %get3A_1789 = arith.constant 0 : index
      %get3A_1790 = tpu.vector_load %arg6[%get3A_1788, %get3A_1789] {strides = array<i32>} : memref<64x16xf32, #tpu.memory_space<vmem>>, vector<16xf32>,
      %lt3A_1791 = arith.cmpf olt, %get3A_1790, %max3A_1480 : vector<16xf32>
      %select_n3A_1792 = arith.select %lt3A_1791, %get3A_1790, %broadcast_in_dim3A_3 : vector<16xi1>, vector<16xf32>
      %get3A_1793 = arith.constant 47 : i32
      %get3A_1794 = arith.index_cast %get3A_1793 : i32 to index
      %get3A_1795 = arith.constant 0 : index
      %get3A_1796 = tpu.vector_load %arg6[%get3A_1794, %get3A_1795] {strides = array<i32>} : memref<64x16xf32, #tpu.memory_space<vmem>>, vector<16xf32>,
      %lt3A_1797 = arith.cmpf olt, %get3A_1796, %max3A_1480 : vector<16xf32>
      %select_n3A_1798 = arith.select %lt3A_1797, %get3A_1796, %broadcast_in_dim3A_3 : vector<16xi1>, vector<16xf32>
      %max3A_1799 = arith.maximumf %select_n3A_1708, %select_n3A_1714 : vector<16xf32>
      %max3A_1800 = arith.maximumf %select_n3A_1720, %select_n3A_1726 : vector<16xf32>
      %max3A_1801 = arith.maximumf %select_n3A_1732, %select_n3A_1738 : vector<16xf32>
      %max3A_1802 = arith.maximumf %select_n3A_1744, %select_n3A_1750 : vector<16xf32>
      %max3A_1803 = arith.maximumf %select_n3A_1756, %select_n3A_1762 : vector<16xf32>
      %max3A_1804 = arith.maximumf %select_n3A_1768, %select_n3A_1774 : vector<16xf32>
      %max3A_1805 = arith.maximumf %select_n3A_1780, %select_n3A_1786 : vector<16xf32>
      %max3A_1806 = arith.maximumf %select_n3A_1792, %select_n3A_1798 : vector<16xf32>
      %max3A_1807 = arith.maximumf %max3A_1799, %max3A_1800 : vector<16xf32>
      %max3A_1808 = arith.maximumf %max3A_1801, %max3A_1802 : vector<16xf32>
      %max3A_1809 = arith.maximumf %max3A_1803, %max3A_1804 : vector<16xf32>
      %max3A_1810 = arith.maximumf %max3A_1805, %max3A_1806 : vector<16xf32>
      %max3A_1811 = arith.maximumf %max3A_1807, %max3A_1808 : vector<16xf32>
      %max3A_1812 = arith.maximumf %max3A_1809, %max3A_1810 : vector<16xf32>
      %max3A_1813 = arith.maximumf %max3A_1811, %max3A_1812 : vector<16xf32>
      %get3A_1814 = arith.constant 48 : i32
      %get3A_1815 = arith.index_cast %get3A_1814 : i32 to index
      %get3A_1816 = arith.constant 0 : index
      %get3A_1817 = tpu.vector_load %arg6[%get3A_1815, %get3A_1816] {strides = array<i32>} : memref<64x16xf32, #tpu.memory_space<vmem>>, vector<16xf32>,
      %lt3A_1818 = arith.cmpf olt, %get3A_1817, %max3A_1480 : vector<16xf32>
      %select_n3A_1819 = arith.select %lt3A_1818, %get3A_1817, %broadcast_in_dim3A_3 : vector<16xi1>, vector<16xf32>
      %get3A_1820 = arith.constant 49 : i32
      %get3A_1821 = arith.index_cast %get3A_1820 : i32 to index
      %get3A_1822 = arith.constant 0 : index
      %get3A_1823 = tpu.vector_load %arg6[%get3A_1821, %get3A_1822] {strides = array<i32>} : memref<64x16xf32, #tpu.memory_space<vmem>>, vector<16xf32>,
      %lt3A_1824 = arith.cmpf olt, %get3A_1823, %max3A_1480 : vector<16xf32>
      %select_n3A_1825 = arith.select %lt3A_1824, %get3A_1823, %broadcast_in_dim3A_3 : vector<16xi1>, vector<16xf32>
      %get3A_1826 = arith.constant 50 : i32
      %get3A_1827 = arith.index_cast %get3A_1826 : i32 to index
      %get3A_1828 = arith.constant 0 : index
      %get3A_1829 = tpu.vector_load %arg6[%get3A_1827, %get3A_1828] {strides = array<i32>} : memref<64x16xf32, #tpu.memory_space<vmem>>, vector<16xf32>,
      %lt3A_1830 = arith.cmpf olt, %get3A_1829, %max3A_1480 : vector<16xf32>
      %select_n3A_1831 = arith.select %lt3A_1830, %get3A_1829, %broadcast_in_dim3A_3 : vector<16xi1>, vector<16xf32>
      %get3A_1832 = arith.constant 51 : i32
      %get3A_1833 = arith.index_cast %get3A_1832 : i32 to index
      %get3A_1834 = arith.constant 0 : index
      %get3A_1835 = tpu.vector_load %arg6[%get3A_1833, %get3A_1834] {strides = array<i32>} : memref<64x16xf32, #tpu.memory_space<vmem>>, vector<16xf32>,
      %lt3A_1836 = arith.cmpf olt, %get3A_1835, %max3A_1480 : vector<16xf32>
      %select_n3A_1837 = arith.select %lt3A_1836, %get3A_1835, %broadcast_in_dim3A_3 : vector<16xi1>, vector<16xf32>
      %get3A_1838 = arith.constant 52 : i32
      %get3A_1839 = arith.index_cast %get3A_1838 : i32 to index
      %get3A_1840 = arith.constant 0 : index
      %get3A_1841 = tpu.vector_load %arg6[%get3A_1839, %get3A_1840] {strides = array<i32>} : memref<64x16xf32, #tpu.memory_space<vmem>>, vector<16xf32>,
      %lt3A_1842 = arith.cmpf olt, %get3A_1841, %max3A_1480 : vector<16xf32>
      %select_n3A_1843 = arith.select %lt3A_1842, %get3A_1841, %broadcast_in_dim3A_3 : vector<16xi1>, vector<16xf32>
      %get3A_1844 = arith.constant 53 : i32
      %get3A_1845 = arith.index_cast %get3A_1844 : i32 to index
      %get3A_1846 = arith.constant 0 : index
      %get3A_1847 = tpu.vector_load %arg6[%get3A_1845, %get3A_1846] {strides = array<i32>} : memref<64x16xf32, #tpu.memory_space<vmem>>, vector<16xf32>,
      %lt3A_1848 = arith.cmpf olt, %get3A_1847, %max3A_1480 : vector<16xf32>
      %select_n3A_1849 = arith.select %lt3A_1848, %get3A_1847, %broadcast_in_dim3A_3 : vector<16xi1>, vector<16xf32>
      %get3A_1850 = arith.constant 54 : i32
      %get3A_1851 = arith.index_cast %get3A_1850 : i32 to index
      %get3A_1852 = arith.constant 0 : index
      %get3A_1853 = tpu.vector_load %arg6[%get3A_1851, %get3A_1852] {strides = array<i32>} : memref<64x16xf32, #tpu.memory_space<vmem>>, vector<16xf32>,
      %lt3A_1854 = arith.cmpf olt, %get3A_1853, %max3A_1480 : vector<16xf32>
      %select_n3A_1855 = arith.select %lt3A_1854, %get3A_1853, %broadcast_in_dim3A_3 : vector<16xi1>, vector<16xf32>
      %get3A_1856 = arith.constant 55 : i32
      %get3A_1857 = arith.index_cast %get3A_1856 : i32 to index
      %get3A_1858 = arith.constant 0 : index
      %get3A_1859 = tpu.vector_load %arg6[%get3A_1857, %get3A_1858] {strides = array<i32>} : memref<64x16xf32, #tpu.memory_space<vmem>>, vector<16xf32>,
      %lt3A_1860 = arith.cmpf olt, %get3A_1859, %max3A_1480 : vector<16xf32>
      %select_n3A_1861 = arith.select %lt3A_1860, %get3A_1859, %broadcast_in_dim3A_3 : vector<16xi1>, vector<16xf32>
      %get3A_1862 = arith.constant 56 : i32
      %get3A_1863 = arith.index_cast %get3A_1862 : i32 to index
      %get3A_1864 = arith.constant 0 : index
      %get3A_1865 = tpu.vector_load %arg6[%get3A_1863, %get3A_1864] {strides = array<i32>} : memref<64x16xf32, #tpu.memory_space<vmem>>, vector<16xf32>,
      %lt3A_1866 = arith.cmpf olt, %get3A_1865, %max3A_1480 : vector<16xf32>
      %select_n3A_1867 = arith.select %lt3A_1866, %get3A_1865, %broadcast_in_dim3A_3 : vector<16xi1>, vector<16xf32>
      %get3A_1868 = arith.constant 57 : i32
      %get3A_1869 = arith.index_cast %get3A_1868 : i32 to index
      %get3A_1870 = arith.constant 0 : index
      %get3A_1871 = tpu.vector_load %arg6[%get3A_1869, %get3A_1870] {strides = array<i32>} : memref<64x16xf32, #tpu.memory_space<vmem>>, vector<16xf32>,
      %lt3A_1872 = arith.cmpf olt, %get3A_1871, %max3A_1480 : vector<16xf32>
      %select_n3A_1873 = arith.select %lt3A_1872, %get3A_1871, %broadcast_in_dim3A_3 : vector<16xi1>, vector<16xf32>
      %get3A_1874 = arith.constant 58 : i32
      %get3A_1875 = arith.index_cast %get3A_1874 : i32 to index
      %get3A_1876 = arith.constant 0 : index
      %get3A_1877 = tpu.vector_load %arg6[%get3A_1875, %get3A_1876] {strides = array<i32>} : memref<64x16xf32, #tpu.memory_space<vmem>>, vector<16xf32>,
      %lt3A_1878 = arith.cmpf olt, %get3A_1877, %max3A_1480 : vector<16xf32>
      %select_n3A_1879 = arith.select %lt3A_1878, %get3A_1877, %broadcast_in_dim3A_3 : vector<16xi1>, vector<16xf32>
      %get3A_1880 = arith.constant 59 : i32
      %get3A_1881 = arith.index_cast %get3A_1880 : i32 to index
      %get3A_1882 = arith.constant 0 : index
      %get3A_1883 = tpu.vector_load %arg6[%get3A_1881, %get3A_1882] {strides = array<i32>} : memref<64x16xf32, #tpu.memory_space<vmem>>, vector<16xf32>,
      %lt3A_1884 = arith.cmpf olt, %get3A_1883, %max3A_1480 : vector<16xf32>
      %select_n3A_1885 = arith.select %lt3A_1884, %get3A_1883, %broadcast_in_dim3A_3 : vector<16xi1>, vector<16xf32>
      %get3A_1886 = arith.constant 60 : i32
      %get3A_1887 = arith.index_cast %get3A_1886 : i32 to index
      %get3A_1888 = arith.constant 0 : index
      %get3A_1889 = tpu.vector_load %arg6[%get3A_1887, %get3A_1888] {strides = array<i32>} : memref<64x16xf32, #tpu.memory_space<vmem>>, vector<16xf32>,
      %lt3A_1890 = arith.cmpf olt, %get3A_1889, %max3A_1480 : vector<16xf32>
      %select_n3A_1891 = arith.select %lt3A_1890, %get3A_1889, %broadcast_in_dim3A_3 : vector<16xi1>, vector<16xf32>
      %get3A_1892 = arith.constant 61 : i32
      %get3A_1893 = arith.index_cast %get3A_1892 : i32 to index
      %get3A_1894 = arith.constant 0 : index
      %get3A_1895 = tpu.vector_load %arg6[%get3A_1893, %get3A_1894] {strides = array<i32>} : memref<64x16xf32, #tpu.memory_space<vmem>>, vector<16xf32>,
      %lt3A_1896 = arith.cmpf olt, %get3A_1895, %max3A_1480 : vector<16xf32>
      %select_n3A_1897 = arith.select %lt3A_1896, %get3A_1895, %broadcast_in_dim3A_3 : vector<16xi1>, vector<16xf32>
      %get3A_1898 = arith.constant 62 : i32
      %get3A_1899 = arith.index_cast %get3A_1898 : i32 to index
      %get3A_1900 = arith.constant 0 : index
      %get3A_1901 = tpu.vector_load %arg6[%get3A_1899, %get3A_1900] {strides = array<i32>} : memref<64x16xf32, #tpu.memory_space<vmem>>, vector<16xf32>,
      %lt3A_1902 = arith.cmpf olt, %get3A_1901, %max3A_1480 : vector<16xf32>
      %select_n3A_1903 = arith.select %lt3A_1902, %get3A_1901, %broadcast_in_dim3A_3 : vector<16xi1>, vector<16xf32>
      %get3A_1904 = arith.constant 63 : i32
      %get3A_1905 = arith.index_cast %get3A_1904 : i32 to index
      %get3A_1906 = arith.constant 0 : index
      %get3A_1907 = tpu.vector_load %arg6[%get3A_1905, %get3A_1906] {strides = array<i32>} : memref<64x16xf32, #tpu.memory_space<vmem>>, vector<16xf32>,
      %lt3A_1908 = arith.cmpf olt, %get3A_1907, %max3A_1480 : vector<16xf32>
      %select_n3A_1909 = arith.select %lt3A_1908, %get3A_1907, %broadcast_in_dim3A_3 : vector<16xi1>, vector<16xf32>
      %max3A_1910 = arith.maximumf %select_n3A_1819, %select_n3A_1825 : vector<16xf32>
      %max3A_1911 = arith.maximumf %select_n3A_1831, %select_n3A_1837 : vector<16xf32>
      %max3A_1912 = arith.maximumf %select_n3A_1843, %select_n3A_1849 : vector<16xf32>
      %max3A_1913 = arith.maximumf %select_n3A_1855, %select_n3A_1861 : vector<16xf32>
      %max3A_1914 = arith.maximumf %select_n3A_1867, %select_n3A_1873 : vector<16xf32>
      %max3A_1915 = arith.maximumf %select_n3A_1879, %select_n3A_1885 : vector<16xf32>
      %max3A_1916 = arith.maximumf %select_n3A_1891, %select_n3A_1897 : vector<16xf32>
      %max3A_1917 = arith.maximumf %select_n3A_1903, %select_n3A_1909 : vector<16xf32>
      %max3A_1918 = arith.maximumf %max3A_1910, %max3A_1911 : vector<16xf32>
      %max3A_1919 = arith.maximumf %max3A_1912, %max3A_1913 : vector<16xf32>
      %max3A_1920 = arith.maximumf %max3A_1914, %max3A_1915 : vector<16xf32>
      %max3A_1921 = arith.maximumf %max3A_1916, %max3A_1917 : vector<16xf32>
      %max3A_1922 = arith.maximumf %max3A_1918, %max3A_1919 : vector<16xf32>
      %max3A_1923 = arith.maximumf %max3A_1920, %max3A_1921 : vector<16xf32>
      %max3A_1924 = arith.maximumf %max3A_1922, %max3A_1923 : vector<16xf32>
      %max3A_1925 = arith.maximumf %max3A_1591, %max3A_1702 : vector<16xf32>
      %max3A_1926 = arith.maximumf %max3A_1813, %max3A_1924 : vector<16xf32>
      %max3A_1927 = arith.maximumf %max3A_1925, %max3A_1926 : vector<16xf32>
      %get3A_1928 = arith.constant 0 : i32
      %get3A_1929 = arith.index_cast %get3A_1928 : i32 to index
      %get3A_1930 = arith.constant 0 : index
      %get3A_1931 = tpu.vector_load %arg6[%get3A_1929, %get3A_1930] {strides = array<i32>} : memref<64x16xf32, #tpu.memory_space<vmem>>, vector<16xf32>,
      %lt3A_1932 = arith.cmpf olt, %get3A_1931, %max3A_1927 : vector<16xf32>
      %select_n3A_1933 = arith.select %lt3A_1932, %get3A_1931, %broadcast_in_dim3A_3 : vector<16xi1>, vector<16xf32>
      %get3A_1934 = arith.constant 1 : i32
      %get3A_1935 = arith.index_cast %get3A_1934 : i32 to index
      %get3A_1936 = arith.constant 0 : index
      %get3A_1937 = tpu.vector_load %arg6[%get3A_1935, %get3A_1936] {strides = array<i32>} : memref<64x16xf32, #tpu.memory_space<vmem>>, vector<16xf32>,
      %lt3A_1938 = arith.cmpf olt, %get3A_1937, %max3A_1927 : vector<16xf32>
      %select_n3A_1939 = arith.select %lt3A_1938, %get3A_1937, %broadcast_in_dim3A_3 : vector<16xi1>, vector<16xf32>
      %get3A_1940 = arith.constant 2 : i32
      %get3A_1941 = arith.index_cast %get3A_1940 : i32 to index
      %get3A_1942 = arith.constant 0 : index
      %get3A_1943 = tpu.vector_load %arg6[%get3A_1941, %get3A_1942] {strides = array<i32>} : memref<64x16xf32, #tpu.memory_space<vmem>>, vector<16xf32>,
      %lt3A_1944 = arith.cmpf olt, %get3A_1943, %max3A_1927 : vector<16xf32>
      %select_n3A_1945 = arith.select %lt3A_1944, %get3A_1943, %broadcast_in_dim3A_3 : vector<16xi1>, vector<16xf32>
      %get3A_1946 = arith.constant 3 : i32
      %get3A_1947 = arith.index_cast %get3A_1946 : i32 to index
      %get3A_1948 = arith.constant 0 : index
      %get3A_1949 = tpu.vector_load %arg6[%get3A_1947, %get3A_1948] {strides = array<i32>} : memref<64x16xf32, #tpu.memory_space<vmem>>, vector<16xf32>,
      %lt3A_1950 = arith.cmpf olt, %get3A_1949, %max3A_1927 : vector<16xf32>
      %select_n3A_1951 = arith.select %lt3A_1950, %get3A_1949, %broadcast_in_dim3A_3 : vector<16xi1>, vector<16xf32>
      %get3A_1952 = arith.constant 4 : i32
      %get3A_1953 = arith.index_cast %get3A_1952 : i32 to index
      %get3A_1954 = arith.constant 0 : index
      %get3A_1955 = tpu.vector_load %arg6[%get3A_1953, %get3A_1954] {strides = array<i32>} : memref<64x16xf32, #tpu.memory_space<vmem>>, vector<16xf32>,
      %lt3A_1956 = arith.cmpf olt, %get3A_1955, %max3A_1927 : vector<16xf32>
      %select_n3A_1957 = arith.select %lt3A_1956, %get3A_1955, %broadcast_in_dim3A_3 : vector<16xi1>, vector<16xf32>
      %get3A_1958 = arith.constant 5 : i32
      %get3A_1959 = arith.index_cast %get3A_1958 : i32 to index
      %get3A_1960 = arith.constant 0 : index
      %get3A_1961 = tpu.vector_load %arg6[%get3A_1959, %get3A_1960] {strides = array<i32>} : memref<64x16xf32, #tpu.memory_space<vmem>>, vector<16xf32>,
      %lt3A_1962 = arith.cmpf olt, %get3A_1961, %max3A_1927 : vector<16xf32>
      %select_n3A_1963 = arith.select %lt3A_1962, %get3A_1961, %broadcast_in_dim3A_3 : vector<16xi1>, vector<16xf32>
      %get3A_1964 = arith.constant 6 : i32
      %get3A_1965 = arith.index_cast %get3A_1964 : i32 to index
      %get3A_1966 = arith.constant 0 : index
      %get3A_1967 = tpu.vector_load %arg6[%get3A_1965, %get3A_1966] {strides = array<i32>} : memref<64x16xf32, #tpu.memory_space<vmem>>, vector<16xf32>,
      %lt3A_1968 = arith.cmpf olt, %get3A_1967, %max3A_1927 : vector<16xf32>
      %select_n3A_1969 = arith.select %lt3A_1968, %get3A_1967, %broadcast_in_dim3A_3 : vector<16xi1>, vector<16xf32>
      %get3A_1970 = arith.constant 7 : i32
      %get3A_1971 = arith.index_cast %get3A_1970 : i32 to index
      %get3A_1972 = arith.constant 0 : index
      %get3A_1973 = tpu.vector_load %arg6[%get3A_1971, %get3A_1972] {strides = array<i32>} : memref<64x16xf32, #tpu.memory_space<vmem>>, vector<16xf32>,
      %lt3A_1974 = arith.cmpf olt, %get3A_1973, %max3A_1927 : vector<16xf32>
      %select_n3A_1975 = arith.select %lt3A_1974, %get3A_1973, %broadcast_in_dim3A_3 : vector<16xi1>, vector<16xf32>
      %get3A_1976 = arith.constant 8 : i32
      %get3A_1977 = arith.index_cast %get3A_1976 : i32 to index
      %get3A_1978 = arith.constant 0 : index
      %get3A_1979 = tpu.vector_load %arg6[%get3A_1977, %get3A_1978] {strides = array<i32>} : memref<64x16xf32, #tpu.memory_space<vmem>>, vector<16xf32>,
      %lt3A_1980 = arith.cmpf olt, %get3A_1979, %max3A_1927 : vector<16xf32>
      %select_n3A_1981 = arith.select %lt3A_1980, %get3A_1979, %broadcast_in_dim3A_3 : vector<16xi1>, vector<16xf32>
      %get3A_1982 = arith.constant 9 : i32
      %get3A_1983 = arith.index_cast %get3A_1982 : i32 to index
      %get3A_1984 = arith.constant 0 : index
      %get3A_1985 = tpu.vector_load %arg6[%get3A_1983, %get3A_1984] {strides = array<i32>} : memref<64x16xf32, #tpu.memory_space<vmem>>, vector<16xf32>,
      %lt3A_1986 = arith.cmpf olt, %get3A_1985, %max3A_1927 : vector<16xf32>
      %select_n3A_1987 = arith.select %lt3A_1986, %get3A_1985, %broadcast_in_dim3A_3 : vector<16xi1>, vector<16xf32>
      %get3A_1988 = arith.constant 10 : i32
      %get3A_1989 = arith.index_cast %get3A_1988 : i32 to index
      %get3A_1990 = arith.constant 0 : index
      %get3A_1991 = tpu.vector_load %arg6[%get3A_1989, %get3A_1990] {strides = array<i32>} : memref<64x16xf32, #tpu.memory_space<vmem>>, vector<16xf32>,
      %lt3A_1992 = arith.cmpf olt, %get3A_1991, %max3A_1927 : vector<16xf32>
      %select_n3A_1993 = arith.select %lt3A_1992, %get3A_1991, %broadcast_in_dim3A_3 : vector<16xi1>, vector<16xf32>
      %get3A_1994 = arith.constant 11 : i32
      %get3A_1995 = arith.index_cast %get3A_1994 : i32 to index
      %get3A_1996 = arith.constant 0 : index
      %get3A_1997 = tpu.vector_load %arg6[%get3A_1995, %get3A_1996] {strides = array<i32>} : memref<64x16xf32, #tpu.memory_space<vmem>>, vector<16xf32>,
      %lt3A_1998 = arith.cmpf olt, %get3A_1997, %max3A_1927 : vector<16xf32>
      %select_n3A_1999 = arith.select %lt3A_1998, %get3A_1997, %broadcast_in_dim3A_3 : vector<16xi1>, vector<16xf32>
      %get3A_2000 = arith.constant 12 : i32
      %get3A_2001 = arith.index_cast %get3A_2000 : i32 to index
      %get3A_2002 = arith.constant 0 : index
      %get3A_2003 = tpu.vector_load %arg6[%get3A_2001, %get3A_2002] {strides = array<i32>} : memref<64x16xf32, #tpu.memory_space<vmem>>, vector<16xf32>,
      %lt3A_2004 = arith.cmpf olt, %get3A_2003, %max3A_1927 : vector<16xf32>
      %select_n3A_2005 = arith.select %lt3A_2004, %get3A_2003, %broadcast_in_dim3A_3 : vector<16xi1>, vector<16xf32>
      %get3A_2006 = arith.constant 13 : i32
      %get3A_2007 = arith.index_cast %get3A_2006 : i32 to index
      %get3A_2008 = arith.constant 0 : index
      %get3A_2009 = tpu.vector_load %arg6[%get3A_2007, %get3A_2008] {strides = array<i32>} : memref<64x16xf32, #tpu.memory_space<vmem>>, vector<16xf32>,
      %lt3A_2010 = arith.cmpf olt, %get3A_2009, %max3A_1927 : vector<16xf32>
      %select_n3A_2011 = arith.select %lt3A_2010, %get3A_2009, %broadcast_in_dim3A_3 : vector<16xi1>, vector<16xf32>
      %get3A_2012 = arith.constant 14 : i32
      %get3A_2013 = arith.index_cast %get3A_2012 : i32 to index
      %get3A_2014 = arith.constant 0 : index
      %get3A_2015 = tpu.vector_load %arg6[%get3A_2013, %get3A_2014] {strides = array<i32>} : memref<64x16xf32, #tpu.memory_space<vmem>>, vector<16xf32>,
      %lt3A_2016 = arith.cmpf olt, %get3A_2015, %max3A_1927 : vector<16xf32>
      %select_n3A_2017 = arith.select %lt3A_2016, %get3A_2015, %broadcast_in_dim3A_3 : vector<16xi1>, vector<16xf32>
      %get3A_2018 = arith.constant 15 : i32
      %get3A_2019 = arith.index_cast %get3A_2018 : i32 to index
      %get3A_2020 = arith.constant 0 : index
      %get3A_2021 = tpu.vector_load %arg6[%get3A_2019, %get3A_2020] {strides = array<i32>} : memref<64x16xf32, #tpu.memory_space<vmem>>, vector<16xf32>,
      %lt3A_2022 = arith.cmpf olt, %get3A_2021, %max3A_1927 : vector<16xf32>
      %select_n3A_2023 = arith.select %lt3A_2022, %get3A_2021, %broadcast_in_dim3A_3 : vector<16xi1>, vector<16xf32>
      %max3A_2024 = arith.maximumf %select_n3A_1933, %select_n3A_1939 : vector<16xf32>
      %max3A_2025 = arith.maximumf %select_n3A_1945, %select_n3A_1951 : vector<16xf32>
      %max3A_2026 = arith.maximumf %select_n3A_1957, %select_n3A_1963 : vector<16xf32>
      %max3A_2027 = arith.maximumf %select_n3A_1969, %select_n3A_1975 : vector<16xf32>
      %max3A_2028 = arith.maximumf %select_n3A_1981, %select_n3A_1987 : vector<16xf32>
      %max3A_2029 = arith.maximumf %select_n3A_1993, %select_n3A_1999 : vector<16xf32>
      %max3A_2030 = arith.maximumf %select_n3A_2005, %select_n3A_2011 : vector<16xf32>
      %max3A_2031 = arith.maximumf %select_n3A_2017, %select_n3A_2023 : vector<16xf32>
      %max3A_2032 = arith.maximumf %max3A_2024, %max3A_2025 : vector<16xf32>
      %max3A_2033 = arith.maximumf %max3A_2026, %max3A_2027 : vector<16xf32>
      %max3A_2034 = arith.maximumf %max3A_2028, %max3A_2029 : vector<16xf32>
      %max3A_2035 = arith.maximumf %max3A_2030, %max3A_2031 : vector<16xf32>
      %max3A_2036 = arith.maximumf %max3A_2032, %max3A_2033 : vector<16xf32>
      %max3A_2037 = arith.maximumf %max3A_2034, %max3A_2035 : vector<16xf32>
      %max3A_2038 = arith.maximumf %max3A_2036, %max3A_2037 : vector<16xf32>
      %get3A_2039 = arith.constant 16 : i32
      %get3A_2040 = arith.index_cast %get3A_2039 : i32 to index
      %get3A_2041 = arith.constant 0 : index
      %get3A_2042 = tpu.vector_load %arg6[%get3A_2040, %get3A_2041] {strides = array<i32>} : memref<64x16xf32, #tpu.memory_space<vmem>>, vector<16xf32>,
      %lt3A_2043 = arith.cmpf olt, %get3A_2042, %max3A_1927 : vector<16xf32>
      %select_n3A_2044 = arith.select %lt3A_2043, %get3A_2042, %broadcast_in_dim3A_3 : vector<16xi1>, vector<16xf32>
      %get3A_2045 = arith.constant 17 : i32
      %get3A_2046 = arith.index_cast %get3A_2045 : i32 to index
      %get3A_2047 = arith.constant 0 : index
      %get3A_2048 = tpu.vector_load %arg6[%get3A_2046, %get3A_2047] {strides = array<i32>} : memref<64x16xf32, #tpu.memory_space<vmem>>, vector<16xf32>,
      %lt3A_2049 = arith.cmpf olt, %get3A_2048, %max3A_1927 : vector<16xf32>
      %select_n3A_2050 = arith.select %lt3A_2049, %get3A_2048, %broadcast_in_dim3A_3 : vector<16xi1>, vector<16xf32>
      %get3A_2051 = arith.constant 18 : i32
      %get3A_2052 = arith.index_cast %get3A_2051 : i32 to index
      %get3A_2053 = arith.constant 0 : index
      %get3A_2054 = tpu.vector_load %arg6[%get3A_2052, %get3A_2053] {strides = array<i32>} : memref<64x16xf32, #tpu.memory_space<vmem>>, vector<16xf32>,
      %lt3A_2055 = arith.cmpf olt, %get3A_2054, %max3A_1927 : vector<16xf32>
      %select_n3A_2056 = arith.select %lt3A_2055, %get3A_2054, %broadcast_in_dim3A_3 : vector<16xi1>, vector<16xf32>
      %get3A_2057 = arith.constant 19 : i32
      %get3A_2058 = arith.index_cast %get3A_2057 : i32 to index
      %get3A_2059 = arith.constant 0 : index
      %get3A_2060 = tpu.vector_load %arg6[%get3A_2058, %get3A_2059] {strides = array<i32>} : memref<64x16xf32, #tpu.memory_space<vmem>>, vector<16xf32>,
      %lt3A_2061 = arith.cmpf olt, %get3A_2060, %max3A_1927 : vector<16xf32>
      %select_n3A_2062 = arith.select %lt3A_2061, %get3A_2060, %broadcast_in_dim3A_3 : vector<16xi1>, vector<16xf32>
      %get3A_2063 = arith.constant 20 : i32
      %get3A_2064 = arith.index_cast %get3A_2063 : i32 to index
      %get3A_2065 = arith.constant 0 : index
      %get3A_2066 = tpu.vector_load %arg6[%get3A_2064, %get3A_2065] {strides = array<i32>} : memref<64x16xf32, #tpu.memory_space<vmem>>, vector<16xf32>,
      %lt3A_2067 = arith.cmpf olt, %get3A_2066, %max3A_1927 : vector<16xf32>
      %select_n3A_2068 = arith.select %lt3A_2067, %get3A_2066, %broadcast_in_dim3A_3 : vector<16xi1>, vector<16xf32>
      %get3A_2069 = arith.constant 21 : i32
      %get3A_2070 = arith.index_cast %get3A_2069 : i32 to index
      %get3A_2071 = arith.constant 0 : index
      %get3A_2072 = tpu.vector_load %arg6[%get3A_2070, %get3A_2071] {strides = array<i32>} : memref<64x16xf32, #tpu.memory_space<vmem>>, vector<16xf32>,
      %lt3A_2073 = arith.cmpf olt, %get3A_2072, %max3A_1927 : vector<16xf32>
      %select_n3A_2074 = arith.select %lt3A_2073, %get3A_2072, %broadcast_in_dim3A_3 : vector<16xi1>, vector<16xf32>
      %get3A_2075 = arith.constant 22 : i32
      %get3A_2076 = arith.index_cast %get3A_2075 : i32 to index
      %get3A_2077 = arith.constant 0 : index
      %get3A_2078 = tpu.vector_load %arg6[%get3A_2076, %get3A_2077] {strides = array<i32>} : memref<64x16xf32, #tpu.memory_space<vmem>>, vector<16xf32>,
      %lt3A_2079 = arith.cmpf olt, %get3A_2078, %max3A_1927 : vector<16xf32>
      %select_n3A_2080 = arith.select %lt3A_2079, %get3A_2078, %broadcast_in_dim3A_3 : vector<16xi1>, vector<16xf32>
      %get3A_2081 = arith.constant 23 : i32
      %get3A_2082 = arith.index_cast %get3A_2081 : i32 to index
      %get3A_2083 = arith.constant 0 : index
      %get3A_2084 = tpu.vector_load %arg6[%get3A_2082, %get3A_2083] {strides = array<i32>} : memref<64x16xf32, #tpu.memory_space<vmem>>, vector<16xf32>,
      %lt3A_2085 = arith.cmpf olt, %get3A_2084, %max3A_1927 : vector<16xf32>
      %select_n3A_2086 = arith.select %lt3A_2085, %get3A_2084, %broadcast_in_dim3A_3 : vector<16xi1>, vector<16xf32>
      %get3A_2087 = arith.constant 24 : i32
      %get3A_2088 = arith.index_cast %get3A_2087 : i32 to index
      %get3A_2089 = arith.constant 0 : index
      %get3A_2090 = tpu.vector_load %arg6[%get3A_2088, %get3A_2089] {strides = array<i32>} : memref<64x16xf32, #tpu.memory_space<vmem>>, vector<16xf32>,
      %lt3A_2091 = arith.cmpf olt, %get3A_2090, %max3A_1927 : vector<16xf32>
      %select_n3A_2092 = arith.select %lt3A_2091, %get3A_2090, %broadcast_in_dim3A_3 : vector<16xi1>, vector<16xf32>
      %get3A_2093 = arith.constant 25 : i32
      %get3A_2094 = arith.index_cast %get3A_2093 : i32 to index
      %get3A_2095 = arith.constant 0 : index
      %get3A_2096 = tpu.vector_load %arg6[%get3A_2094, %get3A_2095] {strides = array<i32>} : memref<64x16xf32, #tpu.memory_space<vmem>>, vector<16xf32>,
      %lt3A_2097 = arith.cmpf olt, %get3A_2096, %max3A_1927 : vector<16xf32>
      %select_n3A_2098 = arith.select %lt3A_2097, %get3A_2096, %broadcast_in_dim3A_3 : vector<16xi1>, vector<16xf32>
      %get3A_2099 = arith.constant 26 : i32
      %get3A_2100 = arith.index_cast %get3A_2099 : i32 to index
      %get3A_2101 = arith.constant 0 : index
      %get3A_2102 = tpu.vector_load %arg6[%get3A_2100, %get3A_2101] {strides = array<i32>} : memref<64x16xf32, #tpu.memory_space<vmem>>, vector<16xf32>,
      %lt3A_2103 = arith.cmpf olt, %get3A_2102, %max3A_1927 : vector<16xf32>
      %select_n3A_2104 = arith.select %lt3A_2103, %get3A_2102, %broadcast_in_dim3A_3 : vector<16xi1>, vector<16xf32>
      %get3A_2105 = arith.constant 27 : i32
      %get3A_2106 = arith.index_cast %get3A_2105 : i32 to index
      %get3A_2107 = arith.constant 0 : index
      %get3A_2108 = tpu.vector_load %arg6[%get3A_2106, %get3A_2107] {strides = array<i32>} : memref<64x16xf32, #tpu.memory_space<vmem>>, vector<16xf32>,
      %lt3A_2109 = arith.cmpf olt, %get3A_2108, %max3A_1927 : vector<16xf32>
      %select_n3A_2110 = arith.select %lt3A_2109, %get3A_2108, %broadcast_in_dim3A_3 : vector<16xi1>, vector<16xf32>
      %get3A_2111 = arith.constant 28 : i32
      %get3A_2112 = arith.index_cast %get3A_2111 : i32 to index
      %get3A_2113 = arith.constant 0 : index
      %get3A_2114 = tpu.vector_load %arg6[%get3A_2112, %get3A_2113] {strides = array<i32>} : memref<64x16xf32, #tpu.memory_space<vmem>>, vector<16xf32>,
      %lt3A_2115 = arith.cmpf olt, %get3A_2114, %max3A_1927 : vector<16xf32>
      %select_n3A_2116 = arith.select %lt3A_2115, %get3A_2114, %broadcast_in_dim3A_3 : vector<16xi1>, vector<16xf32>
      %get3A_2117 = arith.constant 29 : i32
      %get3A_2118 = arith.index_cast %get3A_2117 : i32 to index
      %get3A_2119 = arith.constant 0 : index
      %get3A_2120 = tpu.vector_load %arg6[%get3A_2118, %get3A_2119] {strides = array<i32>} : memref<64x16xf32, #tpu.memory_space<vmem>>, vector<16xf32>,
      %lt3A_2121 = arith.cmpf olt, %get3A_2120, %max3A_1927 : vector<16xf32>
      %select_n3A_2122 = arith.select %lt3A_2121, %get3A_2120, %broadcast_in_dim3A_3 : vector<16xi1>, vector<16xf32>
      %get3A_2123 = arith.constant 30 : i32
      %get3A_2124 = arith.index_cast %get3A_2123 : i32 to index
      %get3A_2125 = arith.constant 0 : index
      %get3A_2126 = tpu.vector_load %arg6[%get3A_2124, %get3A_2125] {strides = array<i32>} : memref<64x16xf32, #tpu.memory_space<vmem>>, vector<16xf32>,
      %lt3A_2127 = arith.cmpf olt, %get3A_2126, %max3A_1927 : vector<16xf32>
      %select_n3A_2128 = arith.select %lt3A_2127, %get3A_2126, %broadcast_in_dim3A_3 : vector<16xi1>, vector<16xf32>
      %get3A_2129 = arith.constant 31 : i32
      %get3A_2130 = arith.index_cast %get3A_2129 : i32 to index
      %get3A_2131 = arith.constant 0 : index
      %get3A_2132 = tpu.vector_load %arg6[%get3A_2130, %get3A_2131] {strides = array<i32>} : memref<64x16xf32, #tpu.memory_space<vmem>>, vector<16xf32>,
      %lt3A_2133 = arith.cmpf olt, %get3A_2132, %max3A_1927 : vector<16xf32>
      %select_n3A_2134 = arith.select %lt3A_2133, %get3A_2132, %broadcast_in_dim3A_3 : vector<16xi1>, vector<16xf32>
      %max3A_2135 = arith.maximumf %select_n3A_2044, %select_n3A_2050 : vector<16xf32>
      %max3A_2136 = arith.maximumf %select_n3A_2056, %select_n3A_2062 : vector<16xf32>
      %max3A_2137 = arith.maximumf %select_n3A_2068, %select_n3A_2074 : vector<16xf32>
      %max3A_2138 = arith.maximumf %select_n3A_2080, %select_n3A_2086 : vector<16xf32>
      %max3A_2139 = arith.maximumf %select_n3A_2092, %select_n3A_2098 : vector<16xf32>
      %max3A_2140 = arith.maximumf %select_n3A_2104, %select_n3A_2110 : vector<16xf32>
      %max3A_2141 = arith.maximumf %select_n3A_2116, %select_n3A_2122 : vector<16xf32>
      %max3A_2142 = arith.maximumf %select_n3A_2128, %select_n3A_2134 : vector<16xf32>
      %max3A_2143 = arith.maximumf %max3A_2135, %max3A_2136 : vector<16xf32>
      %max3A_2144 = arith.maximumf %max3A_2137, %max3A_2138 : vector<16xf32>
      %max3A_2145 = arith.maximumf %max3A_2139, %max3A_2140 : vector<16xf32>
      %max3A_2146 = arith.maximumf %max3A_2141, %max3A_2142 : vector<16xf32>
      %max3A_2147 = arith.maximumf %max3A_2143, %max3A_2144 : vector<16xf32>
      %max3A_2148 = arith.maximumf %max3A_2145, %max3A_2146 : vector<16xf32>
      %max3A_2149 = arith.maximumf %max3A_2147, %max3A_2148 : vector<16xf32>
      %get3A_2150 = arith.constant 32 : i32
      %get3A_2151 = arith.index_cast %get3A_2150 : i32 to index
      %get3A_2152 = arith.constant 0 : index
      %get3A_2153 = tpu.vector_load %arg6[%get3A_2151, %get3A_2152] {strides = array<i32>} : memref<64x16xf32, #tpu.memory_space<vmem>>, vector<16xf32>,
      %lt3A_2154 = arith.cmpf olt, %get3A_2153, %max3A_1927 : vector<16xf32>
      %select_n3A_2155 = arith.select %lt3A_2154, %get3A_2153, %broadcast_in_dim3A_3 : vector<16xi1>, vector<16xf32>
      %get3A_2156 = arith.constant 33 : i32
      %get3A_2157 = arith.index_cast %get3A_2156 : i32 to index
      %get3A_2158 = arith.constant 0 : index
      %get3A_2159 = tpu.vector_load %arg6[%get3A_2157, %get3A_2158] {strides = array<i32>} : memref<64x16xf32, #tpu.memory_space<vmem>>, vector<16xf32>,
      %lt3A_2160 = arith.cmpf olt, %get3A_2159, %max3A_1927 : vector<16xf32>
      %select_n3A_2161 = arith.select %lt3A_2160, %get3A_2159, %broadcast_in_dim3A_3 : vector<16xi1>, vector<16xf32>
      %get3A_2162 = arith.constant 34 : i32
      %get3A_2163 = arith.index_cast %get3A_2162 : i32 to index
      %get3A_2164 = arith.constant 0 : index
      %get3A_2165 = tpu.vector_load %arg6[%get3A_2163, %get3A_2164] {strides = array<i32>} : memref<64x16xf32, #tpu.memory_space<vmem>>, vector<16xf32>,
      %lt3A_2166 = arith.cmpf olt, %get3A_2165, %max3A_1927 : vector<16xf32>
      %select_n3A_2167 = arith.select %lt3A_2166, %get3A_2165, %broadcast_in_dim3A_3 : vector<16xi1>, vector<16xf32>
      %get3A_2168 = arith.constant 35 : i32
      %get3A_2169 = arith.index_cast %get3A_2168 : i32 to index
      %get3A_2170 = arith.constant 0 : index
      %get3A_2171 = tpu.vector_load %arg6[%get3A_2169, %get3A_2170] {strides = array<i32>} : memref<64x16xf32, #tpu.memory_space<vmem>>, vector<16xf32>,
      %lt3A_2172 = arith.cmpf olt, %get3A_2171, %max3A_1927 : vector<16xf32>
      %select_n3A_2173 = arith.select %lt3A_2172, %get3A_2171, %broadcast_in_dim3A_3 : vector<16xi1>, vector<16xf32>
      %get3A_2174 = arith.constant 36 : i32
      %get3A_2175 = arith.index_cast %get3A_2174 : i32 to index
      %get3A_2176 = arith.constant 0 : index
      %get3A_2177 = tpu.vector_load %arg6[%get3A_2175, %get3A_2176] {strides = array<i32>} : memref<64x16xf32, #tpu.memory_space<vmem>>, vector<16xf32>,
      %lt3A_2178 = arith.cmpf olt, %get3A_2177, %max3A_1927 : vector<16xf32>
      %select_n3A_2179 = arith.select %lt3A_2178, %get3A_2177, %broadcast_in_dim3A_3 : vector<16xi1>, vector<16xf32>
      %get3A_2180 = arith.constant 37 : i32
      %get3A_2181 = arith.index_cast %get3A_2180 : i32 to index
      %get3A_2182 = arith.constant 0 : index
      %get3A_2183 = tpu.vector_load %arg6[%get3A_2181, %get3A_2182] {strides = array<i32>} : memref<64x16xf32, #tpu.memory_space<vmem>>, vector<16xf32>,
      %lt3A_2184 = arith.cmpf olt, %get3A_2183, %max3A_1927 : vector<16xf32>
      %select_n3A_2185 = arith.select %lt3A_2184, %get3A_2183, %broadcast_in_dim3A_3 : vector<16xi1>, vector<16xf32>
      %get3A_2186 = arith.constant 38 : i32
      %get3A_2187 = arith.index_cast %get3A_2186 : i32 to index
      %get3A_2188 = arith.constant 0 : index
      %get3A_2189 = tpu.vector_load %arg6[%get3A_2187, %get3A_2188] {strides = array<i32>} : memref<64x16xf32, #tpu.memory_space<vmem>>, vector<16xf32>,
      %lt3A_2190 = arith.cmpf olt, %get3A_2189, %max3A_1927 : vector<16xf32>
      %select_n3A_2191 = arith.select %lt3A_2190, %get3A_2189, %broadcast_in_dim3A_3 : vector<16xi1>, vector<16xf32>
      %get3A_2192 = arith.constant 39 : i32
      %get3A_2193 = arith.index_cast %get3A_2192 : i32 to index
      %get3A_2194 = arith.constant 0 : index
      %get3A_2195 = tpu.vector_load %arg6[%get3A_2193, %get3A_2194] {strides = array<i32>} : memref<64x16xf32, #tpu.memory_space<vmem>>, vector<16xf32>,
      %lt3A_2196 = arith.cmpf olt, %get3A_2195, %max3A_1927 : vector<16xf32>
      %select_n3A_2197 = arith.select %lt3A_2196, %get3A_2195, %broadcast_in_dim3A_3 : vector<16xi1>, vector<16xf32>
      %get3A_2198 = arith.constant 40 : i32
      %get3A_2199 = arith.index_cast %get3A_2198 : i32 to index
      %get3A_2200 = arith.constant 0 : index
      %get3A_2201 = tpu.vector_load %arg6[%get3A_2199, %get3A_2200] {strides = array<i32>} : memref<64x16xf32, #tpu.memory_space<vmem>>, vector<16xf32>,
      %lt3A_2202 = arith.cmpf olt, %get3A_2201, %max3A_1927 : vector<16xf32>
      %select_n3A_2203 = arith.select %lt3A_2202, %get3A_2201, %broadcast_in_dim3A_3 : vector<16xi1>, vector<16xf32>
      %get3A_2204 = arith.constant 41 : i32
      %get3A_2205 = arith.index_cast %get3A_2204 : i32 to index
      %get3A_2206 = arith.constant 0 : index
      %get3A_2207 = tpu.vector_load %arg6[%get3A_2205, %get3A_2206] {strides = array<i32>} : memref<64x16xf32, #tpu.memory_space<vmem>>, vector<16xf32>,
      %lt3A_2208 = arith.cmpf olt, %get3A_2207, %max3A_1927 : vector<16xf32>
      %select_n3A_2209 = arith.select %lt3A_2208, %get3A_2207, %broadcast_in_dim3A_3 : vector<16xi1>, vector<16xf32>
      %get3A_2210 = arith.constant 42 : i32
      %get3A_2211 = arith.index_cast %get3A_2210 : i32 to index
      %get3A_2212 = arith.constant 0 : index
      %get3A_2213 = tpu.vector_load %arg6[%get3A_2211, %get3A_2212] {strides = array<i32>} : memref<64x16xf32, #tpu.memory_space<vmem>>, vector<16xf32>,
      %lt3A_2214 = arith.cmpf olt, %get3A_2213, %max3A_1927 : vector<16xf32>
      %select_n3A_2215 = arith.select %lt3A_2214, %get3A_2213, %broadcast_in_dim3A_3 : vector<16xi1>, vector<16xf32>
      %get3A_2216 = arith.constant 43 : i32
      %get3A_2217 = arith.index_cast %get3A_2216 : i32 to index
      %get3A_2218 = arith.constant 0 : index
      %get3A_2219 = tpu.vector_load %arg6[%get3A_2217, %get3A_2218] {strides = array<i32>} : memref<64x16xf32, #tpu.memory_space<vmem>>, vector<16xf32>,
      %lt3A_2220 = arith.cmpf olt, %get3A_2219, %max3A_1927 : vector<16xf32>
      %select_n3A_2221 = arith.select %lt3A_2220, %get3A_2219, %broadcast_in_dim3A_3 : vector<16xi1>, vector<16xf32>
      %get3A_2222 = arith.constant 44 : i32
      %get3A_2223 = arith.index_cast %get3A_2222 : i32 to index
      %get3A_2224 = arith.constant 0 : index
      %get3A_2225 = tpu.vector_load %arg6[%get3A_2223, %get3A_2224] {strides = array<i32>} : memref<64x16xf32, #tpu.memory_space<vmem>>, vector<16xf32>,
      %lt3A_2226 = arith.cmpf olt, %get3A_2225, %max3A_1927 : vector<16xf32>
      %select_n3A_2227 = arith.select %lt3A_2226, %get3A_2225, %broadcast_in_dim3A_3 : vector<16xi1>, vector<16xf32>
      %get3A_2228 = arith.constant 45 : i32
      %get3A_2229 = arith.index_cast %get3A_2228 : i32 to index
      %get3A_2230 = arith.constant 0 : index
      %get3A_2231 = tpu.vector_load %arg6[%get3A_2229, %get3A_2230] {strides = array<i32>} : memref<64x16xf32, #tpu.memory_space<vmem>>, vector<16xf32>,
      %lt3A_2232 = arith.cmpf olt, %get3A_2231, %max3A_1927 : vector<16xf32>
      %select_n3A_2233 = arith.select %lt3A_2232, %get3A_2231, %broadcast_in_dim3A_3 : vector<16xi1>, vector<16xf32>
      %get3A_2234 = arith.constant 46 : i32
      %get3A_2235 = arith.index_cast %get3A_2234 : i32 to index
      %get3A_2236 = arith.constant 0 : index
      %get3A_2237 = tpu.vector_load %arg6[%get3A_2235, %get3A_2236] {strides = array<i32>} : memref<64x16xf32, #tpu.memory_space<vmem>>, vector<16xf32>,
      %lt3A_2238 = arith.cmpf olt, %get3A_2237, %max3A_1927 : vector<16xf32>
      %select_n3A_2239 = arith.select %lt3A_2238, %get3A_2237, %broadcast_in_dim3A_3 : vector<16xi1>, vector<16xf32>
      %get3A_2240 = arith.constant 47 : i32
      %get3A_2241 = arith.index_cast %get3A_2240 : i32 to index
      %get3A_2242 = arith.constant 0 : index
      %get3A_2243 = tpu.vector_load %arg6[%get3A_2241, %get3A_2242] {strides = array<i32>} : memref<64x16xf32, #tpu.memory_space<vmem>>, vector<16xf32>,
      %lt3A_2244 = arith.cmpf olt, %get3A_2243, %max3A_1927 : vector<16xf32>
      %select_n3A_2245 = arith.select %lt3A_2244, %get3A_2243, %broadcast_in_dim3A_3 : vector<16xi1>, vector<16xf32>
      %max3A_2246 = arith.maximumf %select_n3A_2155, %select_n3A_2161 : vector<16xf32>
      %max3A_2247 = arith.maximumf %select_n3A_2167, %select_n3A_2173 : vector<16xf32>
      %max3A_2248 = arith.maximumf %select_n3A_2179, %select_n3A_2185 : vector<16xf32>
      %max3A_2249 = arith.maximumf %select_n3A_2191, %select_n3A_2197 : vector<16xf32>
      %max3A_2250 = arith.maximumf %select_n3A_2203, %select_n3A_2209 : vector<16xf32>
      %max3A_2251 = arith.maximumf %select_n3A_2215, %select_n3A_2221 : vector<16xf32>
      %max3A_2252 = arith.maximumf %select_n3A_2227, %select_n3A_2233 : vector<16xf32>
      %max3A_2253 = arith.maximumf %select_n3A_2239, %select_n3A_2245 : vector<16xf32>
      %max3A_2254 = arith.maximumf %max3A_2246, %max3A_2247 : vector<16xf32>
      %max3A_2255 = arith.maximumf %max3A_2248, %max3A_2249 : vector<16xf32>
      %max3A_2256 = arith.maximumf %max3A_2250, %max3A_2251 : vector<16xf32>
      %max3A_2257 = arith.maximumf %max3A_2252, %max3A_2253 : vector<16xf32>
      %max3A_2258 = arith.maximumf %max3A_2254, %max3A_2255 : vector<16xf32>
      %max3A_2259 = arith.maximumf %max3A_2256, %max3A_2257 : vector<16xf32>
      %max3A_2260 = arith.maximumf %max3A_2258, %max3A_2259 : vector<16xf32>
      %get3A_2261 = arith.constant 48 : i32
      %get3A_2262 = arith.index_cast %get3A_2261 : i32 to index
      %get3A_2263 = arith.constant 0 : index
      %get3A_2264 = tpu.vector_load %arg6[%get3A_2262, %get3A_2263] {strides = array<i32>} : memref<64x16xf32, #tpu.memory_space<vmem>>, vector<16xf32>,
      %lt3A_2265 = arith.cmpf olt, %get3A_2264, %max3A_1927 : vector<16xf32>
      %select_n3A_2266 = arith.select %lt3A_2265, %get3A_2264, %broadcast_in_dim3A_3 : vector<16xi1>, vector<16xf32>
      %get3A_2267 = arith.constant 49 : i32
      %get3A_2268 = arith.index_cast %get3A_2267 : i32 to index
      %get3A_2269 = arith.constant 0 : index
      %get3A_2270 = tpu.vector_load %arg6[%get3A_2268, %get3A_2269] {strides = array<i32>} : memref<64x16xf32, #tpu.memory_space<vmem>>, vector<16xf32>,
      %lt3A_2271 = arith.cmpf olt, %get3A_2270, %max3A_1927 : vector<16xf32>
      %select_n3A_2272 = arith.select %lt3A_2271, %get3A_2270, %broadcast_in_dim3A_3 : vector<16xi1>, vector<16xf32>
      %get3A_2273 = arith.constant 50 : i32
      %get3A_2274 = arith.index_cast %get3A_2273 : i32 to index
      %get3A_2275 = arith.constant 0 : index
      %get3A_2276 = tpu.vector_load %arg6[%get3A_2274, %get3A_2275] {strides = array<i32>} : memref<64x16xf32, #tpu.memory_space<vmem>>, vector<16xf32>,
      %lt3A_2277 = arith.cmpf olt, %get3A_2276, %max3A_1927 : vector<16xf32>
      %select_n3A_2278 = arith.select %lt3A_2277, %get3A_2276, %broadcast_in_dim3A_3 : vector<16xi1>, vector<16xf32>
      %get3A_2279 = arith.constant 51 : i32
      %get3A_2280 = arith.index_cast %get3A_2279 : i32 to index
      %get3A_2281 = arith.constant 0 : index
      %get3A_2282 = tpu.vector_load %arg6[%get3A_2280, %get3A_2281] {strides = array<i32>} : memref<64x16xf32, #tpu.memory_space<vmem>>, vector<16xf32>,
      %lt3A_2283 = arith.cmpf olt, %get3A_2282, %max3A_1927 : vector<16xf32>
      %select_n3A_2284 = arith.select %lt3A_2283, %get3A_2282, %broadcast_in_dim3A_3 : vector<16xi1>, vector<16xf32>
      %get3A_2285 = arith.constant 52 : i32
      %get3A_2286 = arith.index_cast %get3A_2285 : i32 to index
      %get3A_2287 = arith.constant 0 : index
      %get3A_2288 = tpu.vector_load %arg6[%get3A_2286, %get3A_2287] {strides = array<i32>} : memref<64x16xf32, #tpu.memory_space<vmem>>, vector<16xf32>,
      %lt3A_2289 = arith.cmpf olt, %get3A_2288, %max3A_1927 : vector<16xf32>
      %select_n3A_2290 = arith.select %lt3A_2289, %get3A_2288, %broadcast_in_dim3A_3 : vector<16xi1>, vector<16xf32>
      %get3A_2291 = arith.constant 53 : i32
      %get3A_2292 = arith.index_cast %get3A_2291 : i32 to index
      %get3A_2293 = arith.constant 0 : index
      %get3A_2294 = tpu.vector_load %arg6[%get3A_2292, %get3A_2293] {strides = array<i32>} : memref<64x16xf32, #tpu.memory_space<vmem>>, vector<16xf32>,
      %lt3A_2295 = arith.cmpf olt, %get3A_2294, %max3A_1927 : vector<16xf32>
      %select_n3A_2296 = arith.select %lt3A_2295, %get3A_2294, %broadcast_in_dim3A_3 : vector<16xi1>, vector<16xf32>
      %get3A_2297 = arith.constant 54 : i32
      %get3A_2298 = arith.index_cast %get3A_2297 : i32 to index
      %get3A_2299 = arith.constant 0 : index
      %get3A_2300 = tpu.vector_load %arg6[%get3A_2298, %get3A_2299] {strides = array<i32>} : memref<64x16xf32, #tpu.memory_space<vmem>>, vector<16xf32>,
      %lt3A_2301 = arith.cmpf olt, %get3A_2300, %max3A_1927 : vector<16xf32>
      %select_n3A_2302 = arith.select %lt3A_2301, %get3A_2300, %broadcast_in_dim3A_3 : vector<16xi1>, vector<16xf32>
      %get3A_2303 = arith.constant 55 : i32
      %get3A_2304 = arith.index_cast %get3A_2303 : i32 to index
      %get3A_2305 = arith.constant 0 : index
      %get3A_2306 = tpu.vector_load %arg6[%get3A_2304, %get3A_2305] {strides = array<i32>} : memref<64x16xf32, #tpu.memory_space<vmem>>, vector<16xf32>,
      %lt3A_2307 = arith.cmpf olt, %get3A_2306, %max3A_1927 : vector<16xf32>
      %select_n3A_2308 = arith.select %lt3A_2307, %get3A_2306, %broadcast_in_dim3A_3 : vector<16xi1>, vector<16xf32>
      %get3A_2309 = arith.constant 56 : i32
      %get3A_2310 = arith.index_cast %get3A_2309 : i32 to index
      %get3A_2311 = arith.constant 0 : index
      %get3A_2312 = tpu.vector_load %arg6[%get3A_2310, %get3A_2311] {strides = array<i32>} : memref<64x16xf32, #tpu.memory_space<vmem>>, vector<16xf32>,
      %lt3A_2313 = arith.cmpf olt, %get3A_2312, %max3A_1927 : vector<16xf32>
      %select_n3A_2314 = arith.select %lt3A_2313, %get3A_2312, %broadcast_in_dim3A_3 : vector<16xi1>, vector<16xf32>
      %get3A_2315 = arith.constant 57 : i32
      %get3A_2316 = arith.index_cast %get3A_2315 : i32 to index
      %get3A_2317 = arith.constant 0 : index
      %get3A_2318 = tpu.vector_load %arg6[%get3A_2316, %get3A_2317] {strides = array<i32>} : memref<64x16xf32, #tpu.memory_space<vmem>>, vector<16xf32>,
      %lt3A_2319 = arith.cmpf olt, %get3A_2318, %max3A_1927 : vector<16xf32>
      %select_n3A_2320 = arith.select %lt3A_2319, %get3A_2318, %broadcast_in_dim3A_3 : vector<16xi1>, vector<16xf32>
      %get3A_2321 = arith.constant 58 : i32
      %get3A_2322 = arith.index_cast %get3A_2321 : i32 to index
      %get3A_2323 = arith.constant 0 : index
      %get3A_2324 = tpu.vector_load %arg6[%get3A_2322, %get3A_2323] {strides = array<i32>} : memref<64x16xf32, #tpu.memory_space<vmem>>, vector<16xf32>,
      %lt3A_2325 = arith.cmpf olt, %get3A_2324, %max3A_1927 : vector<16xf32>
      %select_n3A_2326 = arith.select %lt3A_2325, %get3A_2324, %broadcast_in_dim3A_3 : vector<16xi1>, vector<16xf32>
      %get3A_2327 = arith.constant 59 : i32
      %get3A_2328 = arith.index_cast %get3A_2327 : i32 to index
      %get3A_2329 = arith.constant 0 : index
      %get3A_2330 = tpu.vector_load %arg6[%get3A_2328, %get3A_2329] {strides = array<i32>} : memref<64x16xf32, #tpu.memory_space<vmem>>, vector<16xf32>,
      %lt3A_2331 = arith.cmpf olt, %get3A_2330, %max3A_1927 : vector<16xf32>
      %select_n3A_2332 = arith.select %lt3A_2331, %get3A_2330, %broadcast_in_dim3A_3 : vector<16xi1>, vector<16xf32>
      %get3A_2333 = arith.constant 60 : i32
      %get3A_2334 = arith.index_cast %get3A_2333 : i32 to index
      %get3A_2335 = arith.constant 0 : index
      %get3A_2336 = tpu.vector_load %arg6[%get3A_2334, %get3A_2335] {strides = array<i32>} : memref<64x16xf32, #tpu.memory_space<vmem>>, vector<16xf32>,
      %lt3A_2337 = arith.cmpf olt, %get3A_2336, %max3A_1927 : vector<16xf32>
      %select_n3A_2338 = arith.select %lt3A_2337, %get3A_2336, %broadcast_in_dim3A_3 : vector<16xi1>, vector<16xf32>
      %get3A_2339 = arith.constant 61 : i32
      %get3A_2340 = arith.index_cast %get3A_2339 : i32 to index
      %get3A_2341 = arith.constant 0 : index
      %get3A_2342 = tpu.vector_load %arg6[%get3A_2340, %get3A_2341] {strides = array<i32>} : memref<64x16xf32, #tpu.memory_space<vmem>>, vector<16xf32>,
      %lt3A_2343 = arith.cmpf olt, %get3A_2342, %max3A_1927 : vector<16xf32>
      %select_n3A_2344 = arith.select %lt3A_2343, %get3A_2342, %broadcast_in_dim3A_3 : vector<16xi1>, vector<16xf32>
      %get3A_2345 = arith.constant 62 : i32
      %get3A_2346 = arith.index_cast %get3A_2345 : i32 to index
      %get3A_2347 = arith.constant 0 : index
      %get3A_2348 = tpu.vector_load %arg6[%get3A_2346, %get3A_2347] {strides = array<i32>} : memref<64x16xf32, #tpu.memory_space<vmem>>, vector<16xf32>,
      %lt3A_2349 = arith.cmpf olt, %get3A_2348, %max3A_1927 : vector<16xf32>
      %select_n3A_2350 = arith.select %lt3A_2349, %get3A_2348, %broadcast_in_dim3A_3 : vector<16xi1>, vector<16xf32>
      %get3A_2351 = arith.constant 63 : i32
      %get3A_2352 = arith.index_cast %get3A_2351 : i32 to index
      %get3A_2353 = arith.constant 0 : index
      %get3A_2354 = tpu.vector_load %arg6[%get3A_2352, %get3A_2353] {strides = array<i32>} : memref<64x16xf32, #tpu.memory_space<vmem>>, vector<16xf32>,
      %lt3A_2355 = arith.cmpf olt, %get3A_2354, %max3A_1927 : vector<16xf32>
      %select_n3A_2356 = arith.select %lt3A_2355, %get3A_2354, %broadcast_in_dim3A_3 : vector<16xi1>, vector<16xf32>
      %max3A_2357 = arith.maximumf %select_n3A_2266, %select_n3A_2272 : vector<16xf32>
      %max3A_2358 = arith.maximumf %select_n3A_2278, %select_n3A_2284 : vector<16xf32>
      %max3A_2359 = arith.maximumf %select_n3A_2290, %select_n3A_2296 : vector<16xf32>
      %max3A_2360 = arith.maximumf %select_n3A_2302, %select_n3A_2308 : vector<16xf32>
      %max3A_2361 = arith.maximumf %select_n3A_2314, %select_n3A_2320 : vector<16xf32>
      %max3A_2362 = arith.maximumf %select_n3A_2326, %select_n3A_2332 : vector<16xf32>
      %max3A_2363 = arith.maximumf %select_n3A_2338, %select_n3A_2344 : vector<16xf32>
      %max3A_2364 = arith.maximumf %select_n3A_2350, %select_n3A_2356 : vector<16xf32>
      %max3A_2365 = arith.maximumf %max3A_2357, %max3A_2358 : vector<16xf32>
      %max3A_2366 = arith.maximumf %max3A_2359, %max3A_2360 : vector<16xf32>
      %max3A_2367 = arith.maximumf %max3A_2361, %max3A_2362 : vector<16xf32>
      %max3A_2368 = arith.maximumf %max3A_2363, %max3A_2364 : vector<16xf32>
      %max3A_2369 = arith.maximumf %max3A_2365, %max3A_2366 : vector<16xf32>
      %max3A_2370 = arith.maximumf %max3A_2367, %max3A_2368 : vector<16xf32>
      %max3A_2371 = arith.maximumf %max3A_2369, %max3A_2370 : vector<16xf32>
      %max3A_2372 = arith.maximumf %max3A_2038, %max3A_2149 : vector<16xf32>
      %max3A_2373 = arith.maximumf %max3A_2260, %max3A_2371 : vector<16xf32>
      %max3A_2374 = arith.maximumf %max3A_2372, %max3A_2373 : vector<16xf32>
      %get3A_2375 = arith.constant 0 : i32
      %get3A_2376 = arith.index_cast %get3A_2375 : i32 to index
      %get3A_2377 = arith.constant 0 : index
      %get3A_2378 = tpu.vector_load %arg6[%get3A_2376, %get3A_2377] {strides = array<i32>} : memref<64x16xf32, #tpu.memory_space<vmem>>, vector<16xf32>,
      %lt3A_2379 = arith.cmpf olt, %get3A_2378, %max3A_2374 : vector<16xf32>
      %select_n3A_2380 = arith.select %lt3A_2379, %get3A_2378, %broadcast_in_dim3A_3 : vector<16xi1>, vector<16xf32>
      %get3A_2381 = arith.constant 1 : i32
      %get3A_2382 = arith.index_cast %get3A_2381 : i32 to index
      %get3A_2383 = arith.constant 0 : index
      %get3A_2384 = tpu.vector_load %arg6[%get3A_2382, %get3A_2383] {strides = array<i32>} : memref<64x16xf32, #tpu.memory_space<vmem>>, vector<16xf32>,
      %lt3A_2385 = arith.cmpf olt, %get3A_2384, %max3A_2374 : vector<16xf32>
      %select_n3A_2386 = arith.select %lt3A_2385, %get3A_2384, %broadcast_in_dim3A_3 : vector<16xi1>, vector<16xf32>
      %get3A_2387 = arith.constant 2 : i32
      %get3A_2388 = arith.index_cast %get3A_2387 : i32 to index
      %get3A_2389 = arith.constant 0 : index
      %get3A_2390 = tpu.vector_load %arg6[%get3A_2388, %get3A_2389] {strides = array<i32>} : memref<64x16xf32, #tpu.memory_space<vmem>>, vector<16xf32>,
      %lt3A_2391 = arith.cmpf olt, %get3A_2390, %max3A_2374 : vector<16xf32>
      %select_n3A_2392 = arith.select %lt3A_2391, %get3A_2390, %broadcast_in_dim3A_3 : vector<16xi1>, vector<16xf32>
      %get3A_2393 = arith.constant 3 : i32
      %get3A_2394 = arith.index_cast %get3A_2393 : i32 to index
      %get3A_2395 = arith.constant 0 : index
      %get3A_2396 = tpu.vector_load %arg6[%get3A_2394, %get3A_2395] {strides = array<i32>} : memref<64x16xf32, #tpu.memory_space<vmem>>, vector<16xf32>,
      %lt3A_2397 = arith.cmpf olt, %get3A_2396, %max3A_2374 : vector<16xf32>
      %select_n3A_2398 = arith.select %lt3A_2397, %get3A_2396, %broadcast_in_dim3A_3 : vector<16xi1>, vector<16xf32>
      %get3A_2399 = arith.constant 4 : i32
      %get3A_2400 = arith.index_cast %get3A_2399 : i32 to index
      %get3A_2401 = arith.constant 0 : index
      %get3A_2402 = tpu.vector_load %arg6[%get3A_2400, %get3A_2401] {strides = array<i32>} : memref<64x16xf32, #tpu.memory_space<vmem>>, vector<16xf32>,
      %lt3A_2403 = arith.cmpf olt, %get3A_2402, %max3A_2374 : vector<16xf32>
      %select_n3A_2404 = arith.select %lt3A_2403, %get3A_2402, %broadcast_in_dim3A_3 : vector<16xi1>, vector<16xf32>
      %get3A_2405 = arith.constant 5 : i32
      %get3A_2406 = arith.index_cast %get3A_2405 : i32 to index
      %get3A_2407 = arith.constant 0 : index
      %get3A_2408 = tpu.vector_load %arg6[%get3A_2406, %get3A_2407] {strides = array<i32>} : memref<64x16xf32, #tpu.memory_space<vmem>>, vector<16xf32>,
      %lt3A_2409 = arith.cmpf olt, %get3A_2408, %max3A_2374 : vector<16xf32>
      %select_n3A_2410 = arith.select %lt3A_2409, %get3A_2408, %broadcast_in_dim3A_3 : vector<16xi1>, vector<16xf32>
      %get3A_2411 = arith.constant 6 : i32
      %get3A_2412 = arith.index_cast %get3A_2411 : i32 to index
      %get3A_2413 = arith.constant 0 : index
      %get3A_2414 = tpu.vector_load %arg6[%get3A_2412, %get3A_2413] {strides = array<i32>} : memref<64x16xf32, #tpu.memory_space<vmem>>, vector<16xf32>,
      %lt3A_2415 = arith.cmpf olt, %get3A_2414, %max3A_2374 : vector<16xf32>
      %select_n3A_2416 = arith.select %lt3A_2415, %get3A_2414, %broadcast_in_dim3A_3 : vector<16xi1>, vector<16xf32>
      %get3A_2417 = arith.constant 7 : i32
      %get3A_2418 = arith.index_cast %get3A_2417 : i32 to index
      %get3A_2419 = arith.constant 0 : index
      %get3A_2420 = tpu.vector_load %arg6[%get3A_2418, %get3A_2419] {strides = array<i32>} : memref<64x16xf32, #tpu.memory_space<vmem>>, vector<16xf32>,
      %lt3A_2421 = arith.cmpf olt, %get3A_2420, %max3A_2374 : vector<16xf32>
      %select_n3A_2422 = arith.select %lt3A_2421, %get3A_2420, %broadcast_in_dim3A_3 : vector<16xi1>, vector<16xf32>
      %get3A_2423 = arith.constant 8 : i32
      %get3A_2424 = arith.index_cast %get3A_2423 : i32 to index
      %get3A_2425 = arith.constant 0 : index
      %get3A_2426 = tpu.vector_load %arg6[%get3A_2424, %get3A_2425] {strides = array<i32>} : memref<64x16xf32, #tpu.memory_space<vmem>>, vector<16xf32>,
      %lt3A_2427 = arith.cmpf olt, %get3A_2426, %max3A_2374 : vector<16xf32>
      %select_n3A_2428 = arith.select %lt3A_2427, %get3A_2426, %broadcast_in_dim3A_3 : vector<16xi1>, vector<16xf32>
      %get3A_2429 = arith.constant 9 : i32
      %get3A_2430 = arith.index_cast %get3A_2429 : i32 to index
      %get3A_2431 = arith.constant 0 : index
      %get3A_2432 = tpu.vector_load %arg6[%get3A_2430, %get3A_2431] {strides = array<i32>} : memref<64x16xf32, #tpu.memory_space<vmem>>, vector<16xf32>,
      %lt3A_2433 = arith.cmpf olt, %get3A_2432, %max3A_2374 : vector<16xf32>
      %select_n3A_2434 = arith.select %lt3A_2433, %get3A_2432, %broadcast_in_dim3A_3 : vector<16xi1>, vector<16xf32>
      %get3A_2435 = arith.constant 10 : i32
      %get3A_2436 = arith.index_cast %get3A_2435 : i32 to index
      %get3A_2437 = arith.constant 0 : index
      %get3A_2438 = tpu.vector_load %arg6[%get3A_2436, %get3A_2437] {strides = array<i32>} : memref<64x16xf32, #tpu.memory_space<vmem>>, vector<16xf32>,
      %lt3A_2439 = arith.cmpf olt, %get3A_2438, %max3A_2374 : vector<16xf32>
      %select_n3A_2440 = arith.select %lt3A_2439, %get3A_2438, %broadcast_in_dim3A_3 : vector<16xi1>, vector<16xf32>
      %get3A_2441 = arith.constant 11 : i32
      %get3A_2442 = arith.index_cast %get3A_2441 : i32 to index
      %get3A_2443 = arith.constant 0 : index
      %get3A_2444 = tpu.vector_load %arg6[%get3A_2442, %get3A_2443] {strides = array<i32>} : memref<64x16xf32, #tpu.memory_space<vmem>>, vector<16xf32>,
      %lt3A_2445 = arith.cmpf olt, %get3A_2444, %max3A_2374 : vector<16xf32>
      %select_n3A_2446 = arith.select %lt3A_2445, %get3A_2444, %broadcast_in_dim3A_3 : vector<16xi1>, vector<16xf32>
      %get3A_2447 = arith.constant 12 : i32
      %get3A_2448 = arith.index_cast %get3A_2447 : i32 to index
      %get3A_2449 = arith.constant 0 : index
      %get3A_2450 = tpu.vector_load %arg6[%get3A_2448, %get3A_2449] {strides = array<i32>} : memref<64x16xf32, #tpu.memory_space<vmem>>, vector<16xf32>,
      %lt3A_2451 = arith.cmpf olt, %get3A_2450, %max3A_2374 : vector<16xf32>
      %select_n3A_2452 = arith.select %lt3A_2451, %get3A_2450, %broadcast_in_dim3A_3 : vector<16xi1>, vector<16xf32>
      %get3A_2453 = arith.constant 13 : i32
      %get3A_2454 = arith.index_cast %get3A_2453 : i32 to index
      %get3A_2455 = arith.constant 0 : index
      %get3A_2456 = tpu.vector_load %arg6[%get3A_2454, %get3A_2455] {strides = array<i32>} : memref<64x16xf32, #tpu.memory_space<vmem>>, vector<16xf32>,
      %lt3A_2457 = arith.cmpf olt, %get3A_2456, %max3A_2374 : vector<16xf32>
      %select_n3A_2458 = arith.select %lt3A_2457, %get3A_2456, %broadcast_in_dim3A_3 : vector<16xi1>, vector<16xf32>
      %get3A_2459 = arith.constant 14 : i32
      %get3A_2460 = arith.index_cast %get3A_2459 : i32 to index
      %get3A_2461 = arith.constant 0 : index
      %get3A_2462 = tpu.vector_load %arg6[%get3A_2460, %get3A_2461] {strides = array<i32>} : memref<64x16xf32, #tpu.memory_space<vmem>>, vector<16xf32>,
      %lt3A_2463 = arith.cmpf olt, %get3A_2462, %max3A_2374 : vector<16xf32>
      %select_n3A_2464 = arith.select %lt3A_2463, %get3A_2462, %broadcast_in_dim3A_3 : vector<16xi1>, vector<16xf32>
      %get3A_2465 = arith.constant 15 : i32
      %get3A_2466 = arith.index_cast %get3A_2465 : i32 to index
      %get3A_2467 = arith.constant 0 : index
      %get3A_2468 = tpu.vector_load %arg6[%get3A_2466, %get3A_2467] {strides = array<i32>} : memref<64x16xf32, #tpu.memory_space<vmem>>, vector<16xf32>,
      %lt3A_2469 = arith.cmpf olt, %get3A_2468, %max3A_2374 : vector<16xf32>
      %select_n3A_2470 = arith.select %lt3A_2469, %get3A_2468, %broadcast_in_dim3A_3 : vector<16xi1>, vector<16xf32>
      %max3A_2471 = arith.maximumf %select_n3A_2380, %select_n3A_2386 : vector<16xf32>
      %max3A_2472 = arith.maximumf %select_n3A_2392, %select_n3A_2398 : vector<16xf32>
      %max3A_2473 = arith.maximumf %select_n3A_2404, %select_n3A_2410 : vector<16xf32>
      %max3A_2474 = arith.maximumf %select_n3A_2416, %select_n3A_2422 : vector<16xf32>
      %max3A_2475 = arith.maximumf %select_n3A_2428, %select_n3A_2434 : vector<16xf32>
      %max3A_2476 = arith.maximumf %select_n3A_2440, %select_n3A_2446 : vector<16xf32>
      %max3A_2477 = arith.maximumf %select_n3A_2452, %select_n3A_2458 : vector<16xf32>
      %max3A_2478 = arith.maximumf %select_n3A_2464, %select_n3A_2470 : vector<16xf32>
      %max3A_2479 = arith.maximumf %max3A_2471, %max3A_2472 : vector<16xf32>
      %max3A_2480 = arith.maximumf %max3A_2473, %max3A_2474 : vector<16xf32>
      %max3A_2481 = arith.maximumf %max3A_2475, %max3A_2476 : vector<16xf32>
      %max3A_2482 = arith.maximumf %max3A_2477, %max3A_2478 : vector<16xf32>
      %max3A_2483 = arith.maximumf %max3A_2479, %max3A_2480 : vector<16xf32>
      %max3A_2484 = arith.maximumf %max3A_2481, %max3A_2482 : vector<16xf32>
      %max3A_2485 = arith.maximumf %max3A_2483, %max3A_2484 : vector<16xf32>
      %get3A_2486 = arith.constant 16 : i32
      %get3A_2487 = arith.index_cast %get3A_2486 : i32 to index
      %get3A_2488 = arith.constant 0 : index
      %get3A_2489 = tpu.vector_load %arg6[%get3A_2487, %get3A_2488] {strides = array<i32>} : memref<64x16xf32, #tpu.memory_space<vmem>>, vector<16xf32>,
      %lt3A_2490 = arith.cmpf olt, %get3A_2489, %max3A_2374 : vector<16xf32>
      %select_n3A_2491 = arith.select %lt3A_2490, %get3A_2489, %broadcast_in_dim3A_3 : vector<16xi1>, vector<16xf32>
      %get3A_2492 = arith.constant 17 : i32
      %get3A_2493 = arith.index_cast %get3A_2492 : i32 to index
      %get3A_2494 = arith.constant 0 : index
      %get3A_2495 = tpu.vector_load %arg6[%get3A_2493, %get3A_2494] {strides = array<i32>} : memref<64x16xf32, #tpu.memory_space<vmem>>, vector<16xf32>,
      %lt3A_2496 = arith.cmpf olt, %get3A_2495, %max3A_2374 : vector<16xf32>
      %select_n3A_2497 = arith.select %lt3A_2496, %get3A_2495, %broadcast_in_dim3A_3 : vector<16xi1>, vector<16xf32>
      %get3A_2498 = arith.constant 18 : i32
      %get3A_2499 = arith.index_cast %get3A_2498 : i32 to index
      %get3A_2500 = arith.constant 0 : index
      %get3A_2501 = tpu.vector_load %arg6[%get3A_2499, %get3A_2500] {strides = array<i32>} : memref<64x16xf32, #tpu.memory_space<vmem>>, vector<16xf32>,
      %lt3A_2502 = arith.cmpf olt, %get3A_2501, %max3A_2374 : vector<16xf32>
      %select_n3A_2503 = arith.select %lt3A_2502, %get3A_2501, %broadcast_in_dim3A_3 : vector<16xi1>, vector<16xf32>
      %get3A_2504 = arith.constant 19 : i32
      %get3A_2505 = arith.index_cast %get3A_2504 : i32 to index
      %get3A_2506 = arith.constant 0 : index
      %get3A_2507 = tpu.vector_load %arg6[%get3A_2505, %get3A_2506] {strides = array<i32>} : memref<64x16xf32, #tpu.memory_space<vmem>>, vector<16xf32>,
      %lt3A_2508 = arith.cmpf olt, %get3A_2507, %max3A_2374 : vector<16xf32>
      %select_n3A_2509 = arith.select %lt3A_2508, %get3A_2507, %broadcast_in_dim3A_3 : vector<16xi1>, vector<16xf32>
      %get3A_2510 = arith.constant 20 : i32
      %get3A_2511 = arith.index_cast %get3A_2510 : i32 to index
      %get3A_2512 = arith.constant 0 : index
      %get3A_2513 = tpu.vector_load %arg6[%get3A_2511, %get3A_2512] {strides = array<i32>} : memref<64x16xf32, #tpu.memory_space<vmem>>, vector<16xf32>,
      %lt3A_2514 = arith.cmpf olt, %get3A_2513, %max3A_2374 : vector<16xf32>
      %select_n3A_2515 = arith.select %lt3A_2514, %get3A_2513, %broadcast_in_dim3A_3 : vector<16xi1>, vector<16xf32>
      %get3A_2516 = arith.constant 21 : i32
      %get3A_2517 = arith.index_cast %get3A_2516 : i32 to index
      %get3A_2518 = arith.constant 0 : index
      %get3A_2519 = tpu.vector_load %arg6[%get3A_2517, %get3A_2518] {strides = array<i32>} : memref<64x16xf32, #tpu.memory_space<vmem>>, vector<16xf32>,
      %lt3A_2520 = arith.cmpf olt, %get3A_2519, %max3A_2374 : vector<16xf32>
      %select_n3A_2521 = arith.select %lt3A_2520, %get3A_2519, %broadcast_in_dim3A_3 : vector<16xi1>, vector<16xf32>
      %get3A_2522 = arith.constant 22 : i32
      %get3A_2523 = arith.index_cast %get3A_2522 : i32 to index
      %get3A_2524 = arith.constant 0 : index
      %get3A_2525 = tpu.vector_load %arg6[%get3A_2523, %get3A_2524] {strides = array<i32>} : memref<64x16xf32, #tpu.memory_space<vmem>>, vector<16xf32>,
      %lt3A_2526 = arith.cmpf olt, %get3A_2525, %max3A_2374 : vector<16xf32>
      %select_n3A_2527 = arith.select %lt3A_2526, %get3A_2525, %broadcast_in_dim3A_3 : vector<16xi1>, vector<16xf32>
      %get3A_2528 = arith.constant 23 : i32
      %get3A_2529 = arith.index_cast %get3A_2528 : i32 to index
      %get3A_2530 = arith.constant 0 : index
      %get3A_2531 = tpu.vector_load %arg6[%get3A_2529, %get3A_2530] {strides = array<i32>} : memref<64x16xf32, #tpu.memory_space<vmem>>, vector<16xf32>,
      %lt3A_2532 = arith.cmpf olt, %get3A_2531, %max3A_2374 : vector<16xf32>
      %select_n3A_2533 = arith.select %lt3A_2532, %get3A_2531, %broadcast_in_dim3A_3 : vector<16xi1>, vector<16xf32>
      %get3A_2534 = arith.constant 24 : i32
      %get3A_2535 = arith.index_cast %get3A_2534 : i32 to index
      %get3A_2536 = arith.constant 0 : index
      %get3A_2537 = tpu.vector_load %arg6[%get3A_2535, %get3A_2536] {strides = array<i32>} : memref<64x16xf32, #tpu.memory_space<vmem>>, vector<16xf32>,
      %lt3A_2538 = arith.cmpf olt, %get3A_2537, %max3A_2374 : vector<16xf32>
      %select_n3A_2539 = arith.select %lt3A_2538, %get3A_2537, %broadcast_in_dim3A_3 : vector<16xi1>, vector<16xf32>
      %get3A_2540 = arith.constant 25 : i32
      %get3A_2541 = arith.index_cast %get3A_2540 : i32 to index
      %get3A_2542 = arith.constant 0 : index
      %get3A_2543 = tpu.vector_load %arg6[%get3A_2541, %get3A_2542] {strides = array<i32>} : memref<64x16xf32, #tpu.memory_space<vmem>>, vector<16xf32>,
      %lt3A_2544 = arith.cmpf olt, %get3A_2543, %max3A_2374 : vector<16xf32>
      %select_n3A_2545 = arith.select %lt3A_2544, %get3A_2543, %broadcast_in_dim3A_3 : vector<16xi1>, vector<16xf32>
      %get3A_2546 = arith.constant 26 : i32
      %get3A_2547 = arith.index_cast %get3A_2546 : i32 to index
      %get3A_2548 = arith.constant 0 : index
      %get3A_2549 = tpu.vector_load %arg6[%get3A_2547, %get3A_2548] {strides = array<i32>} : memref<64x16xf32, #tpu.memory_space<vmem>>, vector<16xf32>,
      %lt3A_2550 = arith.cmpf olt, %get3A_2549, %max3A_2374 : vector<16xf32>
      %select_n3A_2551 = arith.select %lt3A_2550, %get3A_2549, %broadcast_in_dim3A_3 : vector<16xi1>, vector<16xf32>
      %get3A_2552 = arith.constant 27 : i32
      %get3A_2553 = arith.index_cast %get3A_2552 : i32 to index
      %get3A_2554 = arith.constant 0 : index
      %get3A_2555 = tpu.vector_load %arg6[%get3A_2553, %get3A_2554] {strides = array<i32>} : memref<64x16xf32, #tpu.memory_space<vmem>>, vector<16xf32>,
      %lt3A_2556 = arith.cmpf olt, %get3A_2555, %max3A_2374 : vector<16xf32>
      %select_n3A_2557 = arith.select %lt3A_2556, %get3A_2555, %broadcast_in_dim3A_3 : vector<16xi1>, vector<16xf32>
      %get3A_2558 = arith.constant 28 : i32
      %get3A_2559 = arith.index_cast %get3A_2558 : i32 to index
      %get3A_2560 = arith.constant 0 : index
      %get3A_2561 = tpu.vector_load %arg6[%get3A_2559, %get3A_2560] {strides = array<i32>} : memref<64x16xf32, #tpu.memory_space<vmem>>, vector<16xf32>,
      %lt3A_2562 = arith.cmpf olt, %get3A_2561, %max3A_2374 : vector<16xf32>
      %select_n3A_2563 = arith.select %lt3A_2562, %get3A_2561, %broadcast_in_dim3A_3 : vector<16xi1>, vector<16xf32>
      %get3A_2564 = arith.constant 29 : i32
      %get3A_2565 = arith.index_cast %get3A_2564 : i32 to index
      %get3A_2566 = arith.constant 0 : index
      %get3A_2567 = tpu.vector_load %arg6[%get3A_2565, %get3A_2566] {strides = array<i32>} : memref<64x16xf32, #tpu.memory_space<vmem>>, vector<16xf32>,
      %lt3A_2568 = arith.cmpf olt, %get3A_2567, %max3A_2374 : vector<16xf32>
      %select_n3A_2569 = arith.select %lt3A_2568, %get3A_2567, %broadcast_in_dim3A_3 : vector<16xi1>, vector<16xf32>
      %get3A_2570 = arith.constant 30 : i32
      %get3A_2571 = arith.index_cast %get3A_2570 : i32 to index
      %get3A_2572 = arith.constant 0 : index
      %get3A_2573 = tpu.vector_load %arg6[%get3A_2571, %get3A_2572] {strides = array<i32>} : memref<64x16xf32, #tpu.memory_space<vmem>>, vector<16xf32>,
      %lt3A_2574 = arith.cmpf olt, %get3A_2573, %max3A_2374 : vector<16xf32>
      %select_n3A_2575 = arith.select %lt3A_2574, %get3A_2573, %broadcast_in_dim3A_3 : vector<16xi1>, vector<16xf32>
      %get3A_2576 = arith.constant 31 : i32
      %get3A_2577 = arith.index_cast %get3A_2576 : i32 to index
      %get3A_2578 = arith.constant 0 : index
      %get3A_2579 = tpu.vector_load %arg6[%get3A_2577, %get3A_2578] {strides = array<i32>} : memref<64x16xf32, #tpu.memory_space<vmem>>, vector<16xf32>,
      %lt3A_2580 = arith.cmpf olt, %get3A_2579, %max3A_2374 : vector<16xf32>
      %select_n3A_2581 = arith.select %lt3A_2580, %get3A_2579, %broadcast_in_dim3A_3 : vector<16xi1>, vector<16xf32>
      %max3A_2582 = arith.maximumf %select_n3A_2491, %select_n3A_2497 : vector<16xf32>
      %max3A_2583 = arith.maximumf %select_n3A_2503, %select_n3A_2509 : vector<16xf32>
      %max3A_2584 = arith.maximumf %select_n3A_2515, %select_n3A_2521 : vector<16xf32>
      %max3A_2585 = arith.maximumf %select_n3A_2527, %select_n3A_2533 : vector<16xf32>
      %max3A_2586 = arith.maximumf %select_n3A_2539, %select_n3A_2545 : vector<16xf32>
      %max3A_2587 = arith.maximumf %select_n3A_2551, %select_n3A_2557 : vector<16xf32>
      %max3A_2588 = arith.maximumf %select_n3A_2563, %select_n3A_2569 : vector<16xf32>
      %max3A_2589 = arith.maximumf %select_n3A_2575, %select_n3A_2581 : vector<16xf32>
      %max3A_2590 = arith.maximumf %max3A_2582, %max3A_2583 : vector<16xf32>
      %max3A_2591 = arith.maximumf %max3A_2584, %max3A_2585 : vector<16xf32>
      %max3A_2592 = arith.maximumf %max3A_2586, %max3A_2587 : vector<16xf32>
      %max3A_2593 = arith.maximumf %max3A_2588, %max3A_2589 : vector<16xf32>
      %max3A_2594 = arith.maximumf %max3A_2590, %max3A_2591 : vector<16xf32>
      %max3A_2595 = arith.maximumf %max3A_2592, %max3A_2593 : vector<16xf32>
      %max3A_2596 = arith.maximumf %max3A_2594, %max3A_2595 : vector<16xf32>
      %get3A_2597 = arith.constant 32 : i32
      %get3A_2598 = arith.index_cast %get3A_2597 : i32 to index
      %get3A_2599 = arith.constant 0 : index
      %get3A_2600 = tpu.vector_load %arg6[%get3A_2598, %get3A_2599] {strides = array<i32>} : memref<64x16xf32, #tpu.memory_space<vmem>>, vector<16xf32>,
      %lt3A_2601 = arith.cmpf olt, %get3A_2600, %max3A_2374 : vector<16xf32>
      %select_n3A_2602 = arith.select %lt3A_2601, %get3A_2600, %broadcast_in_dim3A_3 : vector<16xi1>, vector<16xf32>
      %get3A_2603 = arith.constant 33 : i32
      %get3A_2604 = arith.index_cast %get3A_2603 : i32 to index
      %get3A_2605 = arith.constant 0 : index
      %get3A_2606 = tpu.vector_load %arg6[%get3A_2604, %get3A_2605] {strides = array<i32>} : memref<64x16xf32, #tpu.memory_space<vmem>>, vector<16xf32>,
      %lt3A_2607 = arith.cmpf olt, %get3A_2606, %max3A_2374 : vector<16xf32>
      %select_n3A_2608 = arith.select %lt3A_2607, %get3A_2606, %broadcast_in_dim3A_3 : vector<16xi1>, vector<16xf32>
      %get3A_2609 = arith.constant 34 : i32
      %get3A_2610 = arith.index_cast %get3A_2609 : i32 to index
      %get3A_2611 = arith.constant 0 : index
      %get3A_2612 = tpu.vector_load %arg6[%get3A_2610, %get3A_2611] {strides = array<i32>} : memref<64x16xf32, #tpu.memory_space<vmem>>, vector<16xf32>,
      %lt3A_2613 = arith.cmpf olt, %get3A_2612, %max3A_2374 : vector<16xf32>
      %select_n3A_2614 = arith.select %lt3A_2613, %get3A_2612, %broadcast_in_dim3A_3 : vector<16xi1>, vector<16xf32>
      %get3A_2615 = arith.constant 35 : i32
      %get3A_2616 = arith.index_cast %get3A_2615 : i32 to index
      %get3A_2617 = arith.constant 0 : index
      %get3A_2618 = tpu.vector_load %arg6[%get3A_2616, %get3A_2617] {strides = array<i32>} : memref<64x16xf32, #tpu.memory_space<vmem>>, vector<16xf32>,
      %lt3A_2619 = arith.cmpf olt, %get3A_2618, %max3A_2374 : vector<16xf32>
      %select_n3A_2620 = arith.select %lt3A_2619, %get3A_2618, %broadcast_in_dim3A_3 : vector<16xi1>, vector<16xf32>
      %get3A_2621 = arith.constant 36 : i32
      %get3A_2622 = arith.index_cast %get3A_2621 : i32 to index
      %get3A_2623 = arith.constant 0 : index
      %get3A_2624 = tpu.vector_load %arg6[%get3A_2622, %get3A_2623] {strides = array<i32>} : memref<64x16xf32, #tpu.memory_space<vmem>>, vector<16xf32>,
      %lt3A_2625 = arith.cmpf olt, %get3A_2624, %max3A_2374 : vector<16xf32>
      %select_n3A_2626 = arith.select %lt3A_2625, %get3A_2624, %broadcast_in_dim3A_3 : vector<16xi1>, vector<16xf32>
      %get3A_2627 = arith.constant 37 : i32
      %get3A_2628 = arith.index_cast %get3A_2627 : i32 to index
      %get3A_2629 = arith.constant 0 : index
      %get3A_2630 = tpu.vector_load %arg6[%get3A_2628, %get3A_2629] {strides = array<i32>} : memref<64x16xf32, #tpu.memory_space<vmem>>, vector<16xf32>,
      %lt3A_2631 = arith.cmpf olt, %get3A_2630, %max3A_2374 : vector<16xf32>
      %select_n3A_2632 = arith.select %lt3A_2631, %get3A_2630, %broadcast_in_dim3A_3 : vector<16xi1>, vector<16xf32>
      %get3A_2633 = arith.constant 38 : i32
      %get3A_2634 = arith.index_cast %get3A_2633 : i32 to index
      %get3A_2635 = arith.constant 0 : index
      %get3A_2636 = tpu.vector_load %arg6[%get3A_2634, %get3A_2635] {strides = array<i32>} : memref<64x16xf32, #tpu.memory_space<vmem>>, vector<16xf32>,
      %lt3A_2637 = arith.cmpf olt, %get3A_2636, %max3A_2374 : vector<16xf32>
      %select_n3A_2638 = arith.select %lt3A_2637, %get3A_2636, %broadcast_in_dim3A_3 : vector<16xi1>, vector<16xf32>
      %get3A_2639 = arith.constant 39 : i32
      %get3A_2640 = arith.index_cast %get3A_2639 : i32 to index
      %get3A_2641 = arith.constant 0 : index
      %get3A_2642 = tpu.vector_load %arg6[%get3A_2640, %get3A_2641] {strides = array<i32>} : memref<64x16xf32, #tpu.memory_space<vmem>>, vector<16xf32>,
      %lt3A_2643 = arith.cmpf olt, %get3A_2642, %max3A_2374 : vector<16xf32>
      %select_n3A_2644 = arith.select %lt3A_2643, %get3A_2642, %broadcast_in_dim3A_3 : vector<16xi1>, vector<16xf32>
      %get3A_2645 = arith.constant 40 : i32
      %get3A_2646 = arith.index_cast %get3A_2645 : i32 to index
      %get3A_2647 = arith.constant 0 : index
      %get3A_2648 = tpu.vector_load %arg6[%get3A_2646, %get3A_2647] {strides = array<i32>} : memref<64x16xf32, #tpu.memory_space<vmem>>, vector<16xf32>,
      %lt3A_2649 = arith.cmpf olt, %get3A_2648, %max3A_2374 : vector<16xf32>
      %select_n3A_2650 = arith.select %lt3A_2649, %get3A_2648, %broadcast_in_dim3A_3 : vector<16xi1>, vector<16xf32>
      %get3A_2651 = arith.constant 41 : i32
      %get3A_2652 = arith.index_cast %get3A_2651 : i32 to index
      %get3A_2653 = arith.constant 0 : index
      %get3A_2654 = tpu.vector_load %arg6[%get3A_2652, %get3A_2653] {strides = array<i32>} : memref<64x16xf32, #tpu.memory_space<vmem>>, vector<16xf32>,
      %lt3A_2655 = arith.cmpf olt, %get3A_2654, %max3A_2374 : vector<16xf32>
      %select_n3A_2656 = arith.select %lt3A_2655, %get3A_2654, %broadcast_in_dim3A_3 : vector<16xi1>, vector<16xf32>
      %get3A_2657 = arith.constant 42 : i32
      %get3A_2658 = arith.index_cast %get3A_2657 : i32 to index
      %get3A_2659 = arith.constant 0 : index
      %get3A_2660 = tpu.vector_load %arg6[%get3A_2658, %get3A_2659] {strides = array<i32>} : memref<64x16xf32, #tpu.memory_space<vmem>>, vector<16xf32>,
      %lt3A_2661 = arith.cmpf olt, %get3A_2660, %max3A_2374 : vector<16xf32>
      %select_n3A_2662 = arith.select %lt3A_2661, %get3A_2660, %broadcast_in_dim3A_3 : vector<16xi1>, vector<16xf32>
      %get3A_2663 = arith.constant 43 : i32
      %get3A_2664 = arith.index_cast %get3A_2663 : i32 to index
      %get3A_2665 = arith.constant 0 : index
      %get3A_2666 = tpu.vector_load %arg6[%get3A_2664, %get3A_2665] {strides = array<i32>} : memref<64x16xf32, #tpu.memory_space<vmem>>, vector<16xf32>,
      %lt3A_2667 = arith.cmpf olt, %get3A_2666, %max3A_2374 : vector<16xf32>
      %select_n3A_2668 = arith.select %lt3A_2667, %get3A_2666, %broadcast_in_dim3A_3 : vector<16xi1>, vector<16xf32>
      %get3A_2669 = arith.constant 44 : i32
      %get3A_2670 = arith.index_cast %get3A_2669 : i32 to index
      %get3A_2671 = arith.constant 0 : index
      %get3A_2672 = tpu.vector_load %arg6[%get3A_2670, %get3A_2671] {strides = array<i32>} : memref<64x16xf32, #tpu.memory_space<vmem>>, vector<16xf32>,
      %lt3A_2673 = arith.cmpf olt, %get3A_2672, %max3A_2374 : vector<16xf32>
      %select_n3A_2674 = arith.select %lt3A_2673, %get3A_2672, %broadcast_in_dim3A_3 : vector<16xi1>, vector<16xf32>
      %get3A_2675 = arith.constant 45 : i32
      %get3A_2676 = arith.index_cast %get3A_2675 : i32 to index
      %get3A_2677 = arith.constant 0 : index
      %get3A_2678 = tpu.vector_load %arg6[%get3A_2676, %get3A_2677] {strides = array<i32>} : memref<64x16xf32, #tpu.memory_space<vmem>>, vector<16xf32>,
      %lt3A_2679 = arith.cmpf olt, %get3A_2678, %max3A_2374 : vector<16xf32>
      %select_n3A_2680 = arith.select %lt3A_2679, %get3A_2678, %broadcast_in_dim3A_3 : vector<16xi1>, vector<16xf32>
      %get3A_2681 = arith.constant 46 : i32
      %get3A_2682 = arith.index_cast %get3A_2681 : i32 to index
      %get3A_2683 = arith.constant 0 : index
      %get3A_2684 = tpu.vector_load %arg6[%get3A_2682, %get3A_2683] {strides = array<i32>} : memref<64x16xf32, #tpu.memory_space<vmem>>, vector<16xf32>,
      %lt3A_2685 = arith.cmpf olt, %get3A_2684, %max3A_2374 : vector<16xf32>
      %select_n3A_2686 = arith.select %lt3A_2685, %get3A_2684, %broadcast_in_dim3A_3 : vector<16xi1>, vector<16xf32>
      %get3A_2687 = arith.constant 47 : i32
      %get3A_2688 = arith.index_cast %get3A_2687 : i32 to index
      %get3A_2689 = arith.constant 0 : index
      %get3A_2690 = tpu.vector_load %arg6[%get3A_2688, %get3A_2689] {strides = array<i32>} : memref<64x16xf32, #tpu.memory_space<vmem>>, vector<16xf32>,
      %lt3A_2691 = arith.cmpf olt, %get3A_2690, %max3A_2374 : vector<16xf32>
      %select_n3A_2692 = arith.select %lt3A_2691, %get3A_2690, %broadcast_in_dim3A_3 : vector<16xi1>, vector<16xf32>
      %max3A_2693 = arith.maximumf %select_n3A_2602, %select_n3A_2608 : vector<16xf32>
      %max3A_2694 = arith.maximumf %select_n3A_2614, %select_n3A_2620 : vector<16xf32>
      %max3A_2695 = arith.maximumf %select_n3A_2626, %select_n3A_2632 : vector<16xf32>
      %max3A_2696 = arith.maximumf %select_n3A_2638, %select_n3A_2644 : vector<16xf32>
      %max3A_2697 = arith.maximumf %select_n3A_2650, %select_n3A_2656 : vector<16xf32>
      %max3A_2698 = arith.maximumf %select_n3A_2662, %select_n3A_2668 : vector<16xf32>
      %max3A_2699 = arith.maximumf %select_n3A_2674, %select_n3A_2680 : vector<16xf32>
      %max3A_2700 = arith.maximumf %select_n3A_2686, %select_n3A_2692 : vector<16xf32>
      %max3A_2701 = arith.maximumf %max3A_2693, %max3A_2694 : vector<16xf32>
      %max3A_2702 = arith.maximumf %max3A_2695, %max3A_2696 : vector<16xf32>
      %max3A_2703 = arith.maximumf %max3A_2697, %max3A_2698 : vector<16xf32>
      %max3A_2704 = arith.maximumf %max3A_2699, %max3A_2700 : vector<16xf32>
      %max3A_2705 = arith.maximumf %max3A_2701, %max3A_2702 : vector<16xf32>
      %max3A_2706 = arith.maximumf %max3A_2703, %max3A_2704 : vector<16xf32>
      %max3A_2707 = arith.maximumf %max3A_2705, %max3A_2706 : vector<16xf32>
      %get3A_2708 = arith.constant 48 : i32
      %get3A_2709 = arith.index_cast %get3A_2708 : i32 to index
      %get3A_2710 = arith.constant 0 : index
      %get3A_2711 = tpu.vector_load %arg6[%get3A_2709, %get3A_2710] {strides = array<i32>} : memref<64x16xf32, #tpu.memory_space<vmem>>, vector<16xf32>,
      %lt3A_2712 = arith.cmpf olt, %get3A_2711, %max3A_2374 : vector<16xf32>
      %select_n3A_2713 = arith.select %lt3A_2712, %get3A_2711, %broadcast_in_dim3A_3 : vector<16xi1>, vector<16xf32>
      %get3A_2714 = arith.constant 49 : i32
      %get3A_2715 = arith.index_cast %get3A_2714 : i32 to index
      %get3A_2716 = arith.constant 0 : index
      %get3A_2717 = tpu.vector_load %arg6[%get3A_2715, %get3A_2716] {strides = array<i32>} : memref<64x16xf32, #tpu.memory_space<vmem>>, vector<16xf32>,
      %lt3A_2718 = arith.cmpf olt, %get3A_2717, %max3A_2374 : vector<16xf32>
      %select_n3A_2719 = arith.select %lt3A_2718, %get3A_2717, %broadcast_in_dim3A_3 : vector<16xi1>, vector<16xf32>
      %get3A_2720 = arith.constant 50 : i32
      %get3A_2721 = arith.index_cast %get3A_2720 : i32 to index
      %get3A_2722 = arith.constant 0 : index
      %get3A_2723 = tpu.vector_load %arg6[%get3A_2721, %get3A_2722] {strides = array<i32>} : memref<64x16xf32, #tpu.memory_space<vmem>>, vector<16xf32>,
      %lt3A_2724 = arith.cmpf olt, %get3A_2723, %max3A_2374 : vector<16xf32>
      %select_n3A_2725 = arith.select %lt3A_2724, %get3A_2723, %broadcast_in_dim3A_3 : vector<16xi1>, vector<16xf32>
      %get3A_2726 = arith.constant 51 : i32
      %get3A_2727 = arith.index_cast %get3A_2726 : i32 to index
      %get3A_2728 = arith.constant 0 : index
      %get3A_2729 = tpu.vector_load %arg6[%get3A_2727, %get3A_2728] {strides = array<i32>} : memref<64x16xf32, #tpu.memory_space<vmem>>, vector<16xf32>,
      %lt3A_2730 = arith.cmpf olt, %get3A_2729, %max3A_2374 : vector<16xf32>
      %select_n3A_2731 = arith.select %lt3A_2730, %get3A_2729, %broadcast_in_dim3A_3 : vector<16xi1>, vector<16xf32>
      %get3A_2732 = arith.constant 52 : i32
      %get3A_2733 = arith.index_cast %get3A_2732 : i32 to index
      %get3A_2734 = arith.constant 0 : index
      %get3A_2735 = tpu.vector_load %arg6[%get3A_2733, %get3A_2734] {strides = array<i32>} : memref<64x16xf32, #tpu.memory_space<vmem>>, vector<16xf32>,
      %lt3A_2736 = arith.cmpf olt, %get3A_2735, %max3A_2374 : vector<16xf32>
      %select_n3A_2737 = arith.select %lt3A_2736, %get3A_2735, %broadcast_in_dim3A_3 : vector<16xi1>, vector<16xf32>
      %get3A_2738 = arith.constant 53 : i32
      %get3A_2739 = arith.index_cast %get3A_2738 : i32 to index
      %get3A_2740 = arith.constant 0 : index
      %get3A_2741 = tpu.vector_load %arg6[%get3A_2739, %get3A_2740] {strides = array<i32>} : memref<64x16xf32, #tpu.memory_space<vmem>>, vector<16xf32>,
      %lt3A_2742 = arith.cmpf olt, %get3A_2741, %max3A_2374 : vector<16xf32>
      %select_n3A_2743 = arith.select %lt3A_2742, %get3A_2741, %broadcast_in_dim3A_3 : vector<16xi1>, vector<16xf32>
      %get3A_2744 = arith.constant 54 : i32
      %get3A_2745 = arith.index_cast %get3A_2744 : i32 to index
      %get3A_2746 = arith.constant 0 : index
      %get3A_2747 = tpu.vector_load %arg6[%get3A_2745, %get3A_2746] {strides = array<i32>} : memref<64x16xf32, #tpu.memory_space<vmem>>, vector<16xf32>,
      %lt3A_2748 = arith.cmpf olt, %get3A_2747, %max3A_2374 : vector<16xf32>
      %select_n3A_2749 = arith.select %lt3A_2748, %get3A_2747, %broadcast_in_dim3A_3 : vector<16xi1>, vector<16xf32>
      %get3A_2750 = arith.constant 55 : i32
      %get3A_2751 = arith.index_cast %get3A_2750 : i32 to index
      %get3A_2752 = arith.constant 0 : index
      %get3A_2753 = tpu.vector_load %arg6[%get3A_2751, %get3A_2752] {strides = array<i32>} : memref<64x16xf32, #tpu.memory_space<vmem>>, vector<16xf32>,
      %lt3A_2754 = arith.cmpf olt, %get3A_2753, %max3A_2374 : vector<16xf32>
      %select_n3A_2755 = arith.select %lt3A_2754, %get3A_2753, %broadcast_in_dim3A_3 : vector<16xi1>, vector<16xf32>
      %get3A_2756 = arith.constant 56 : i32
      %get3A_2757 = arith.index_cast %get3A_2756 : i32 to index
      %get3A_2758 = arith.constant 0 : index
      %get3A_2759 = tpu.vector_load %arg6[%get3A_2757, %get3A_2758] {strides = array<i32>} : memref<64x16xf32, #tpu.memory_space<vmem>>, vector<16xf32>,
      %lt3A_2760 = arith.cmpf olt, %get3A_2759, %max3A_2374 : vector<16xf32>
      %select_n3A_2761 = arith.select %lt3A_2760, %get3A_2759, %broadcast_in_dim3A_3 : vector<16xi1>, vector<16xf32>
      %get3A_2762 = arith.constant 57 : i32
      %get3A_2763 = arith.index_cast %get3A_2762 : i32 to index
      %get3A_2764 = arith.constant 0 : index
      %get3A_2765 = tpu.vector_load %arg6[%get3A_2763, %get3A_2764] {strides = array<i32>} : memref<64x16xf32, #tpu.memory_space<vmem>>, vector<16xf32>,
      %lt3A_2766 = arith.cmpf olt, %get3A_2765, %max3A_2374 : vector<16xf32>
      %select_n3A_2767 = arith.select %lt3A_2766, %get3A_2765, %broadcast_in_dim3A_3 : vector<16xi1>, vector<16xf32>
      %get3A_2768 = arith.constant 58 : i32
      %get3A_2769 = arith.index_cast %get3A_2768 : i32 to index
      %get3A_2770 = arith.constant 0 : index
      %get3A_2771 = tpu.vector_load %arg6[%get3A_2769, %get3A_2770] {strides = array<i32>} : memref<64x16xf32, #tpu.memory_space<vmem>>, vector<16xf32>,
      %lt3A_2772 = arith.cmpf olt, %get3A_2771, %max3A_2374 : vector<16xf32>
      %select_n3A_2773 = arith.select %lt3A_2772, %get3A_2771, %broadcast_in_dim3A_3 : vector<16xi1>, vector<16xf32>
      %get3A_2774 = arith.constant 59 : i32
      %get3A_2775 = arith.index_cast %get3A_2774 : i32 to index
      %get3A_2776 = arith.constant 0 : index
      %get3A_2777 = tpu.vector_load %arg6[%get3A_2775, %get3A_2776] {strides = array<i32>} : memref<64x16xf32, #tpu.memory_space<vmem>>, vector<16xf32>,
      %lt3A_2778 = arith.cmpf olt, %get3A_2777, %max3A_2374 : vector<16xf32>
      %select_n3A_2779 = arith.select %lt3A_2778, %get3A_2777, %broadcast_in_dim3A_3 : vector<16xi1>, vector<16xf32>
      %get3A_2780 = arith.constant 60 : i32
      %get3A_2781 = arith.index_cast %get3A_2780 : i32 to index
      %get3A_2782 = arith.constant 0 : index
      %get3A_2783 = tpu.vector_load %arg6[%get3A_2781, %get3A_2782] {strides = array<i32>} : memref<64x16xf32, #tpu.memory_space<vmem>>, vector<16xf32>,
      %lt3A_2784 = arith.cmpf olt, %get3A_2783, %max3A_2374 : vector<16xf32>
      %select_n3A_2785 = arith.select %lt3A_2784, %get3A_2783, %broadcast_in_dim3A_3 : vector<16xi1>, vector<16xf32>
      %get3A_2786 = arith.constant 61 : i32
      %get3A_2787 = arith.index_cast %get3A_2786 : i32 to index
      %get3A_2788 = arith.constant 0 : index
      %get3A_2789 = tpu.vector_load %arg6[%get3A_2787, %get3A_2788] {strides = array<i32>} : memref<64x16xf32, #tpu.memory_space<vmem>>, vector<16xf32>,
      %lt3A_2790 = arith.cmpf olt, %get3A_2789, %max3A_2374 : vector<16xf32>
      %select_n3A_2791 = arith.select %lt3A_2790, %get3A_2789, %broadcast_in_dim3A_3 : vector<16xi1>, vector<16xf32>
      %get3A_2792 = arith.constant 62 : i32
      %get3A_2793 = arith.index_cast %get3A_2792 : i32 to index
      %get3A_2794 = arith.constant 0 : index
      %get3A_2795 = tpu.vector_load %arg6[%get3A_2793, %get3A_2794] {strides = array<i32>} : memref<64x16xf32, #tpu.memory_space<vmem>>, vector<16xf32>,
      %lt3A_2796 = arith.cmpf olt, %get3A_2795, %max3A_2374 : vector<16xf32>
      %select_n3A_2797 = arith.select %lt3A_2796, %get3A_2795, %broadcast_in_dim3A_3 : vector<16xi1>, vector<16xf32>
      %get3A_2798 = arith.constant 63 : i32
      %get3A_2799 = arith.index_cast %get3A_2798 : i32 to index
      %get3A_2800 = arith.constant 0 : index
      %get3A_2801 = tpu.vector_load %arg6[%get3A_2799, %get3A_2800] {strides = array<i32>} : memref<64x16xf32, #tpu.memory_space<vmem>>, vector<16xf32>,
      %lt3A_2802 = arith.cmpf olt, %get3A_2801, %max3A_2374 : vector<16xf32>
      %select_n3A_2803 = arith.select %lt3A_2802, %get3A_2801, %broadcast_in_dim3A_3 : vector<16xi1>, vector<16xf32>
      %max3A_2804 = arith.maximumf %select_n3A_2713, %select_n3A_2719 : vector<16xf32>
      %max3A_2805 = arith.maximumf %select_n3A_2725, %select_n3A_2731 : vector<16xf32>
      %max3A_2806 = arith.maximumf %select_n3A_2737, %select_n3A_2743 : vector<16xf32>
      %max3A_2807 = arith.maximumf %select_n3A_2749, %select_n3A_2755 : vector<16xf32>
      %max3A_2808 = arith.maximumf %select_n3A_2761, %select_n3A_2767 : vector<16xf32>
      %max3A_2809 = arith.maximumf %select_n3A_2773, %select_n3A_2779 : vector<16xf32>
      %max3A_2810 = arith.maximumf %select_n3A_2785, %select_n3A_2791 : vector<16xf32>
      %max3A_2811 = arith.maximumf %select_n3A_2797, %select_n3A_2803 : vector<16xf32>
      %max3A_2812 = arith.maximumf %max3A_2804, %max3A_2805 : vector<16xf32>
      %max3A_2813 = arith.maximumf %max3A_2806, %max3A_2807 : vector<16xf32>
      %max3A_2814 = arith.maximumf %max3A_2808, %max3A_2809 : vector<16xf32>
      %max3A_2815 = arith.maximumf %max3A_2810, %max3A_2811 : vector<16xf32>
      %max3A_2816 = arith.maximumf %max3A_2812, %max3A_2813 : vector<16xf32>
      %max3A_2817 = arith.maximumf %max3A_2814, %max3A_2815 : vector<16xf32>
      %max3A_2818 = arith.maximumf %max3A_2816, %max3A_2817 : vector<16xf32>
      %max3A_2819 = arith.maximumf %max3A_2485, %max3A_2596 : vector<16xf32>
      %max3A_2820 = arith.maximumf %max3A_2707, %max3A_2818 : vector<16xf32>
      %max3A_2821 = arith.maximumf %max3A_2819, %max3A_2820 : vector<16xf32>
      %get3A_2822 = arith.constant 0 : i32
      %get3A_2823 = arith.index_cast %get3A_2822 : i32 to index
      %get3A_2824 = arith.constant 0 : index
      %get3A_2825 = tpu.vector_load %arg6[%get3A_2823, %get3A_2824] {strides = array<i32>} : memref<64x16xf32, #tpu.memory_space<vmem>>, vector<16xf32>,
      %lt3A_2826 = arith.cmpf olt, %get3A_2825, %max3A_2821 : vector<16xf32>
      %select_n3A_2827 = arith.select %lt3A_2826, %get3A_2825, %broadcast_in_dim3A_3 : vector<16xi1>, vector<16xf32>
      %get3A_2828 = arith.constant 1 : i32
      %get3A_2829 = arith.index_cast %get3A_2828 : i32 to index
      %get3A_2830 = arith.constant 0 : index
      %get3A_2831 = tpu.vector_load %arg6[%get3A_2829, %get3A_2830] {strides = array<i32>} : memref<64x16xf32, #tpu.memory_space<vmem>>, vector<16xf32>,
      %lt3A_2832 = arith.cmpf olt, %get3A_2831, %max3A_2821 : vector<16xf32>
      %select_n3A_2833 = arith.select %lt3A_2832, %get3A_2831, %broadcast_in_dim3A_3 : vector<16xi1>, vector<16xf32>
      %get3A_2834 = arith.constant 2 : i32
      %get3A_2835 = arith.index_cast %get3A_2834 : i32 to index
      %get3A_2836 = arith.constant 0 : index
      %get3A_2837 = tpu.vector_load %arg6[%get3A_2835, %get3A_2836] {strides = array<i32>} : memref<64x16xf32, #tpu.memory_space<vmem>>, vector<16xf32>,
      %lt3A_2838 = arith.cmpf olt, %get3A_2837, %max3A_2821 : vector<16xf32>
      %select_n3A_2839 = arith.select %lt3A_2838, %get3A_2837, %broadcast_in_dim3A_3 : vector<16xi1>, vector<16xf32>
      %get3A_2840 = arith.constant 3 : i32
      %get3A_2841 = arith.index_cast %get3A_2840 : i32 to index
      %get3A_2842 = arith.constant 0 : index
      %get3A_2843 = tpu.vector_load %arg6[%get3A_2841, %get3A_2842] {strides = array<i32>} : memref<64x16xf32, #tpu.memory_space<vmem>>, vector<16xf32>,
      %lt3A_2844 = arith.cmpf olt, %get3A_2843, %max3A_2821 : vector<16xf32>
      %select_n3A_2845 = arith.select %lt3A_2844, %get3A_2843, %broadcast_in_dim3A_3 : vector<16xi1>, vector<16xf32>
      %get3A_2846 = arith.constant 4 : i32
      %get3A_2847 = arith.index_cast %get3A_2846 : i32 to index
      %get3A_2848 = arith.constant 0 : index
      %get3A_2849 = tpu.vector_load %arg6[%get3A_2847, %get3A_2848] {strides = array<i32>} : memref<64x16xf32, #tpu.memory_space<vmem>>, vector<16xf32>,
      %lt3A_2850 = arith.cmpf olt, %get3A_2849, %max3A_2821 : vector<16xf32>
      %select_n3A_2851 = arith.select %lt3A_2850, %get3A_2849, %broadcast_in_dim3A_3 : vector<16xi1>, vector<16xf32>
      %get3A_2852 = arith.constant 5 : i32
      %get3A_2853 = arith.index_cast %get3A_2852 : i32 to index
      %get3A_2854 = arith.constant 0 : index
      %get3A_2855 = tpu.vector_load %arg6[%get3A_2853, %get3A_2854] {strides = array<i32>} : memref<64x16xf32, #tpu.memory_space<vmem>>, vector<16xf32>,
      %lt3A_2856 = arith.cmpf olt, %get3A_2855, %max3A_2821 : vector<16xf32>
      %select_n3A_2857 = arith.select %lt3A_2856, %get3A_2855, %broadcast_in_dim3A_3 : vector<16xi1>, vector<16xf32>
      %get3A_2858 = arith.constant 6 : i32
      %get3A_2859 = arith.index_cast %get3A_2858 : i32 to index
      %get3A_2860 = arith.constant 0 : index
      %get3A_2861 = tpu.vector_load %arg6[%get3A_2859, %get3A_2860] {strides = array<i32>} : memref<64x16xf32, #tpu.memory_space<vmem>>, vector<16xf32>,
      %lt3A_2862 = arith.cmpf olt, %get3A_2861, %max3A_2821 : vector<16xf32>
      %select_n3A_2863 = arith.select %lt3A_2862, %get3A_2861, %broadcast_in_dim3A_3 : vector<16xi1>, vector<16xf32>
      %get3A_2864 = arith.constant 7 : i32
      %get3A_2865 = arith.index_cast %get3A_2864 : i32 to index
      %get3A_2866 = arith.constant 0 : index
      %get3A_2867 = tpu.vector_load %arg6[%get3A_2865, %get3A_2866] {strides = array<i32>} : memref<64x16xf32, #tpu.memory_space<vmem>>, vector<16xf32>,
      %lt3A_2868 = arith.cmpf olt, %get3A_2867, %max3A_2821 : vector<16xf32>
      %select_n3A_2869 = arith.select %lt3A_2868, %get3A_2867, %broadcast_in_dim3A_3 : vector<16xi1>, vector<16xf32>
      %get3A_2870 = arith.constant 8 : i32
      %get3A_2871 = arith.index_cast %get3A_2870 : i32 to index
      %get3A_2872 = arith.constant 0 : index
      %get3A_2873 = tpu.vector_load %arg6[%get3A_2871, %get3A_2872] {strides = array<i32>} : memref<64x16xf32, #tpu.memory_space<vmem>>, vector<16xf32>,
      %lt3A_2874 = arith.cmpf olt, %get3A_2873, %max3A_2821 : vector<16xf32>
      %select_n3A_2875 = arith.select %lt3A_2874, %get3A_2873, %broadcast_in_dim3A_3 : vector<16xi1>, vector<16xf32>
      %get3A_2876 = arith.constant 9 : i32
      %get3A_2877 = arith.index_cast %get3A_2876 : i32 to index
      %get3A_2878 = arith.constant 0 : index
      %get3A_2879 = tpu.vector_load %arg6[%get3A_2877, %get3A_2878] {strides = array<i32>} : memref<64x16xf32, #tpu.memory_space<vmem>>, vector<16xf32>,
      %lt3A_2880 = arith.cmpf olt, %get3A_2879, %max3A_2821 : vector<16xf32>
      %select_n3A_2881 = arith.select %lt3A_2880, %get3A_2879, %broadcast_in_dim3A_3 : vector<16xi1>, vector<16xf32>
      %get3A_2882 = arith.constant 10 : i32
      %get3A_2883 = arith.index_cast %get3A_2882 : i32 to index
      %get3A_2884 = arith.constant 0 : index
      %get3A_2885 = tpu.vector_load %arg6[%get3A_2883, %get3A_2884] {strides = array<i32>} : memref<64x16xf32, #tpu.memory_space<vmem>>, vector<16xf32>,
      %lt3A_2886 = arith.cmpf olt, %get3A_2885, %max3A_2821 : vector<16xf32>
      %select_n3A_2887 = arith.select %lt3A_2886, %get3A_2885, %broadcast_in_dim3A_3 : vector<16xi1>, vector<16xf32>
      %get3A_2888 = arith.constant 11 : i32
      %get3A_2889 = arith.index_cast %get3A_2888 : i32 to index
      %get3A_2890 = arith.constant 0 : index
      %get3A_2891 = tpu.vector_load %arg6[%get3A_2889, %get3A_2890] {strides = array<i32>} : memref<64x16xf32, #tpu.memory_space<vmem>>, vector<16xf32>,
      %lt3A_2892 = arith.cmpf olt, %get3A_2891, %max3A_2821 : vector<16xf32>
      %select_n3A_2893 = arith.select %lt3A_2892, %get3A_2891, %broadcast_in_dim3A_3 : vector<16xi1>, vector<16xf32>
      %get3A_2894 = arith.constant 12 : i32
      %get3A_2895 = arith.index_cast %get3A_2894 : i32 to index
      %get3A_2896 = arith.constant 0 : index
      %get3A_2897 = tpu.vector_load %arg6[%get3A_2895, %get3A_2896] {strides = array<i32>} : memref<64x16xf32, #tpu.memory_space<vmem>>, vector<16xf32>,
      %lt3A_2898 = arith.cmpf olt, %get3A_2897, %max3A_2821 : vector<16xf32>
      %select_n3A_2899 = arith.select %lt3A_2898, %get3A_2897, %broadcast_in_dim3A_3 : vector<16xi1>, vector<16xf32>
      %get3A_2900 = arith.constant 13 : i32
      %get3A_2901 = arith.index_cast %get3A_2900 : i32 to index
      %get3A_2902 = arith.constant 0 : index
      %get3A_2903 = tpu.vector_load %arg6[%get3A_2901, %get3A_2902] {strides = array<i32>} : memref<64x16xf32, #tpu.memory_space<vmem>>, vector<16xf32>,
      %lt3A_2904 = arith.cmpf olt, %get3A_2903, %max3A_2821 : vector<16xf32>
      %select_n3A_2905 = arith.select %lt3A_2904, %get3A_2903, %broadcast_in_dim3A_3 : vector<16xi1>, vector<16xf32>
      %get3A_2906 = arith.constant 14 : i32
      %get3A_2907 = arith.index_cast %get3A_2906 : i32 to index
      %get3A_2908 = arith.constant 0 : index
      %get3A_2909 = tpu.vector_load %arg6[%get3A_2907, %get3A_2908] {strides = array<i32>} : memref<64x16xf32, #tpu.memory_space<vmem>>, vector<16xf32>,
      %lt3A_2910 = arith.cmpf olt, %get3A_2909, %max3A_2821 : vector<16xf32>
      %select_n3A_2911 = arith.select %lt3A_2910, %get3A_2909, %broadcast_in_dim3A_3 : vector<16xi1>, vector<16xf32>
      %get3A_2912 = arith.constant 15 : i32
      %get3A_2913 = arith.index_cast %get3A_2912 : i32 to index
      %get3A_2914 = arith.constant 0 : index
      %get3A_2915 = tpu.vector_load %arg6[%get3A_2913, %get3A_2914] {strides = array<i32>} : memref<64x16xf32, #tpu.memory_space<vmem>>, vector<16xf32>,
      %lt3A_2916 = arith.cmpf olt, %get3A_2915, %max3A_2821 : vector<16xf32>
      %select_n3A_2917 = arith.select %lt3A_2916, %get3A_2915, %broadcast_in_dim3A_3 : vector<16xi1>, vector<16xf32>
      %max3A_2918 = arith.maximumf %select_n3A_2827, %select_n3A_2833 : vector<16xf32>
      %max3A_2919 = arith.maximumf %select_n3A_2839, %select_n3A_2845 : vector<16xf32>
      %max3A_2920 = arith.maximumf %select_n3A_2851, %select_n3A_2857 : vector<16xf32>
      %max3A_2921 = arith.maximumf %select_n3A_2863, %select_n3A_2869 : vector<16xf32>
      %max3A_2922 = arith.maximumf %select_n3A_2875, %select_n3A_2881 : vector<16xf32>
      %max3A_2923 = arith.maximumf %select_n3A_2887, %select_n3A_2893 : vector<16xf32>
      %max3A_2924 = arith.maximumf %select_n3A_2899, %select_n3A_2905 : vector<16xf32>
      %max3A_2925 = arith.maximumf %select_n3A_2911, %select_n3A_2917 : vector<16xf32>
      %max3A_2926 = arith.maximumf %max3A_2918, %max3A_2919 : vector<16xf32>
      %max3A_2927 = arith.maximumf %max3A_2920, %max3A_2921 : vector<16xf32>
      %max3A_2928 = arith.maximumf %max3A_2922, %max3A_2923 : vector<16xf32>
      %max3A_2929 = arith.maximumf %max3A_2924, %max3A_2925 : vector<16xf32>
      %max3A_2930 = arith.maximumf %max3A_2926, %max3A_2927 : vector<16xf32>
      %max3A_2931 = arith.maximumf %max3A_2928, %max3A_2929 : vector<16xf32>
      %max3A_2932 = arith.maximumf %max3A_2930, %max3A_2931 : vector<16xf32>
      %get3A_2933 = arith.constant 16 : i32
      %get3A_2934 = arith.index_cast %get3A_2933 : i32 to index
      %get3A_2935 = arith.constant 0 : index
      %get3A_2936 = tpu.vector_load %arg6[%get3A_2934, %get3A_2935] {strides = array<i32>} : memref<64x16xf32, #tpu.memory_space<vmem>>, vector<16xf32>,
      %lt3A_2937 = arith.cmpf olt, %get3A_2936, %max3A_2821 : vector<16xf32>
      %select_n3A_2938 = arith.select %lt3A_2937, %get3A_2936, %broadcast_in_dim3A_3 : vector<16xi1>, vector<16xf32>
      %get3A_2939 = arith.constant 17 : i32
      %get3A_2940 = arith.index_cast %get3A_2939 : i32 to index
      %get3A_2941 = arith.constant 0 : index
      %get3A_2942 = tpu.vector_load %arg6[%get3A_2940, %get3A_2941] {strides = array<i32>} : memref<64x16xf32, #tpu.memory_space<vmem>>, vector<16xf32>,
      %lt3A_2943 = arith.cmpf olt, %get3A_2942, %max3A_2821 : vector<16xf32>
      %select_n3A_2944 = arith.select %lt3A_2943, %get3A_2942, %broadcast_in_dim3A_3 : vector<16xi1>, vector<16xf32>
      %get3A_2945 = arith.constant 18 : i32
      %get3A_2946 = arith.index_cast %get3A_2945 : i32 to index
      %get3A_2947 = arith.constant 0 : index
      %get3A_2948 = tpu.vector_load %arg6[%get3A_2946, %get3A_2947] {strides = array<i32>} : memref<64x16xf32, #tpu.memory_space<vmem>>, vector<16xf32>,
      %lt3A_2949 = arith.cmpf olt, %get3A_2948, %max3A_2821 : vector<16xf32>
      %select_n3A_2950 = arith.select %lt3A_2949, %get3A_2948, %broadcast_in_dim3A_3 : vector<16xi1>, vector<16xf32>
      %get3A_2951 = arith.constant 19 : i32
      %get3A_2952 = arith.index_cast %get3A_2951 : i32 to index
      %get3A_2953 = arith.constant 0 : index
      %get3A_2954 = tpu.vector_load %arg6[%get3A_2952, %get3A_2953] {strides = array<i32>} : memref<64x16xf32, #tpu.memory_space<vmem>>, vector<16xf32>,
      %lt3A_2955 = arith.cmpf olt, %get3A_2954, %max3A_2821 : vector<16xf32>
      %select_n3A_2956 = arith.select %lt3A_2955, %get3A_2954, %broadcast_in_dim3A_3 : vector<16xi1>, vector<16xf32>
      %get3A_2957 = arith.constant 20 : i32
      %get3A_2958 = arith.index_cast %get3A_2957 : i32 to index
      %get3A_2959 = arith.constant 0 : index
      %get3A_2960 = tpu.vector_load %arg6[%get3A_2958, %get3A_2959] {strides = array<i32>} : memref<64x16xf32, #tpu.memory_space<vmem>>, vector<16xf32>,
      %lt3A_2961 = arith.cmpf olt, %get3A_2960, %max3A_2821 : vector<16xf32>
      %select_n3A_2962 = arith.select %lt3A_2961, %get3A_2960, %broadcast_in_dim3A_3 : vector<16xi1>, vector<16xf32>
      %get3A_2963 = arith.constant 21 : i32
      %get3A_2964 = arith.index_cast %get3A_2963 : i32 to index
      %get3A_2965 = arith.constant 0 : index
      %get3A_2966 = tpu.vector_load %arg6[%get3A_2964, %get3A_2965] {strides = array<i32>} : memref<64x16xf32, #tpu.memory_space<vmem>>, vector<16xf32>,
      %lt3A_2967 = arith.cmpf olt, %get3A_2966, %max3A_2821 : vector<16xf32>
      %select_n3A_2968 = arith.select %lt3A_2967, %get3A_2966, %broadcast_in_dim3A_3 : vector<16xi1>, vector<16xf32>
      %get3A_2969 = arith.constant 22 : i32
      %get3A_2970 = arith.index_cast %get3A_2969 : i32 to index
      %get3A_2971 = arith.constant 0 : index
      %get3A_2972 = tpu.vector_load %arg6[%get3A_2970, %get3A_2971] {strides = array<i32>} : memref<64x16xf32, #tpu.memory_space<vmem>>, vector<16xf32>,
      %lt3A_2973 = arith.cmpf olt, %get3A_2972, %max3A_2821 : vector<16xf32>
      %select_n3A_2974 = arith.select %lt3A_2973, %get3A_2972, %broadcast_in_dim3A_3 : vector<16xi1>, vector<16xf32>
      %get3A_2975 = arith.constant 23 : i32
      %get3A_2976 = arith.index_cast %get3A_2975 : i32 to index
      %get3A_2977 = arith.constant 0 : index
      %get3A_2978 = tpu.vector_load %arg6[%get3A_2976, %get3A_2977] {strides = array<i32>} : memref<64x16xf32, #tpu.memory_space<vmem>>, vector<16xf32>,
      %lt3A_2979 = arith.cmpf olt, %get3A_2978, %max3A_2821 : vector<16xf32>
      %select_n3A_2980 = arith.select %lt3A_2979, %get3A_2978, %broadcast_in_dim3A_3 : vector<16xi1>, vector<16xf32>
      %get3A_2981 = arith.constant 24 : i32
      %get3A_2982 = arith.index_cast %get3A_2981 : i32 to index
      %get3A_2983 = arith.constant 0 : index
      %get3A_2984 = tpu.vector_load %arg6[%get3A_2982, %get3A_2983] {strides = array<i32>} : memref<64x16xf32, #tpu.memory_space<vmem>>, vector<16xf32>,
      %lt3A_2985 = arith.cmpf olt, %get3A_2984, %max3A_2821 : vector<16xf32>
      %select_n3A_2986 = arith.select %lt3A_2985, %get3A_2984, %broadcast_in_dim3A_3 : vector<16xi1>, vector<16xf32>
      %get3A_2987 = arith.constant 25 : i32
      %get3A_2988 = arith.index_cast %get3A_2987 : i32 to index
      %get3A_2989 = arith.constant 0 : index
      %get3A_2990 = tpu.vector_load %arg6[%get3A_2988, %get3A_2989] {strides = array<i32>} : memref<64x16xf32, #tpu.memory_space<vmem>>, vector<16xf32>,
      %lt3A_2991 = arith.cmpf olt, %get3A_2990, %max3A_2821 : vector<16xf32>
      %select_n3A_2992 = arith.select %lt3A_2991, %get3A_2990, %broadcast_in_dim3A_3 : vector<16xi1>, vector<16xf32>
      %get3A_2993 = arith.constant 26 : i32
      %get3A_2994 = arith.index_cast %get3A_2993 : i32 to index
      %get3A_2995 = arith.constant 0 : index
      %get3A_2996 = tpu.vector_load %arg6[%get3A_2994, %get3A_2995] {strides = array<i32>} : memref<64x16xf32, #tpu.memory_space<vmem>>, vector<16xf32>,
      %lt3A_2997 = arith.cmpf olt, %get3A_2996, %max3A_2821 : vector<16xf32>
      %select_n3A_2998 = arith.select %lt3A_2997, %get3A_2996, %broadcast_in_dim3A_3 : vector<16xi1>, vector<16xf32>
      %get3A_2999 = arith.constant 27 : i32
      %get3A_3000 = arith.index_cast %get3A_2999 : i32 to index
      %get3A_3001 = arith.constant 0 : index
      %get3A_3002 = tpu.vector_load %arg6[%get3A_3000, %get3A_3001] {strides = array<i32>} : memref<64x16xf32, #tpu.memory_space<vmem>>, vector<16xf32>,
      %lt3A_3003 = arith.cmpf olt, %get3A_3002, %max3A_2821 : vector<16xf32>
      %select_n3A_3004 = arith.select %lt3A_3003, %get3A_3002, %broadcast_in_dim3A_3 : vector<16xi1>, vector<16xf32>
      %get3A_3005 = arith.constant 28 : i32
      %get3A_3006 = arith.index_cast %get3A_3005 : i32 to index
      %get3A_3007 = arith.constant 0 : index
      %get3A_3008 = tpu.vector_load %arg6[%get3A_3006, %get3A_3007] {strides = array<i32>} : memref<64x16xf32, #tpu.memory_space<vmem>>, vector<16xf32>,
      %lt3A_3009 = arith.cmpf olt, %get3A_3008, %max3A_2821 : vector<16xf32>
      %select_n3A_3010 = arith.select %lt3A_3009, %get3A_3008, %broadcast_in_dim3A_3 : vector<16xi1>, vector<16xf32>
      %get3A_3011 = arith.constant 29 : i32
      %get3A_3012 = arith.index_cast %get3A_3011 : i32 to index
      %get3A_3013 = arith.constant 0 : index
      %get3A_3014 = tpu.vector_load %arg6[%get3A_3012, %get3A_3013] {strides = array<i32>} : memref<64x16xf32, #tpu.memory_space<vmem>>, vector<16xf32>,
      %lt3A_3015 = arith.cmpf olt, %get3A_3014, %max3A_2821 : vector<16xf32>
      %select_n3A_3016 = arith.select %lt3A_3015, %get3A_3014, %broadcast_in_dim3A_3 : vector<16xi1>, vector<16xf32>
      %get3A_3017 = arith.constant 30 : i32
      %get3A_3018 = arith.index_cast %get3A_3017 : i32 to index
      %get3A_3019 = arith.constant 0 : index
      %get3A_3020 = tpu.vector_load %arg6[%get3A_3018, %get3A_3019] {strides = array<i32>} : memref<64x16xf32, #tpu.memory_space<vmem>>, vector<16xf32>,
      %lt3A_3021 = arith.cmpf olt, %get3A_3020, %max3A_2821 : vector<16xf32>
      %select_n3A_3022 = arith.select %lt3A_3021, %get3A_3020, %broadcast_in_dim3A_3 : vector<16xi1>, vector<16xf32>
      %get3A_3023 = arith.constant 31 : i32
      %get3A_3024 = arith.index_cast %get3A_3023 : i32 to index
      %get3A_3025 = arith.constant 0 : index
      %get3A_3026 = tpu.vector_load %arg6[%get3A_3024, %get3A_3025] {strides = array<i32>} : memref<64x16xf32, #tpu.memory_space<vmem>>, vector<16xf32>,
      %lt3A_3027 = arith.cmpf olt, %get3A_3026, %max3A_2821 : vector<16xf32>
      %select_n3A_3028 = arith.select %lt3A_3027, %get3A_3026, %broadcast_in_dim3A_3 : vector<16xi1>, vector<16xf32>
      %max3A_3029 = arith.maximumf %select_n3A_2938, %select_n3A_2944 : vector<16xf32>
      %max3A_3030 = arith.maximumf %select_n3A_2950, %select_n3A_2956 : vector<16xf32>
      %max3A_3031 = arith.maximumf %select_n3A_2962, %select_n3A_2968 : vector<16xf32>
      %max3A_3032 = arith.maximumf %select_n3A_2974, %select_n3A_2980 : vector<16xf32>
      %max3A_3033 = arith.maximumf %select_n3A_2986, %select_n3A_2992 : vector<16xf32>
      %max3A_3034 = arith.maximumf %select_n3A_2998, %select_n3A_3004 : vector<16xf32>
      %max3A_3035 = arith.maximumf %select_n3A_3010, %select_n3A_3016 : vector<16xf32>
      %max3A_3036 = arith.maximumf %select_n3A_3022, %select_n3A_3028 : vector<16xf32>
      %max3A_3037 = arith.maximumf %max3A_3029, %max3A_3030 : vector<16xf32>
      %max3A_3038 = arith.maximumf %max3A_3031, %max3A_3032 : vector<16xf32>
      %max3A_3039 = arith.maximumf %max3A_3033, %max3A_3034 : vector<16xf32>
      %max3A_3040 = arith.maximumf %max3A_3035, %max3A_3036 : vector<16xf32>
      %max3A_3041 = arith.maximumf %max3A_3037, %max3A_3038 : vector<16xf32>
      %max3A_3042 = arith.maximumf %max3A_3039, %max3A_3040 : vector<16xf32>
      %max3A_3043 = arith.maximumf %max3A_3041, %max3A_3042 : vector<16xf32>
      %get3A_3044 = arith.constant 32 : i32
      %get3A_3045 = arith.index_cast %get3A_3044 : i32 to index
      %get3A_3046 = arith.constant 0 : index
      %get3A_3047 = tpu.vector_load %arg6[%get3A_3045, %get3A_3046] {strides = array<i32>} : memref<64x16xf32, #tpu.memory_space<vmem>>, vector<16xf32>,
      %lt3A_3048 = arith.cmpf olt, %get3A_3047, %max3A_2821 : vector<16xf32>
      %select_n3A_3049 = arith.select %lt3A_3048, %get3A_3047, %broadcast_in_dim3A_3 : vector<16xi1>, vector<16xf32>
      %get3A_3050 = arith.constant 33 : i32
      %get3A_3051 = arith.index_cast %get3A_3050 : i32 to index
      %get3A_3052 = arith.constant 0 : index
      %get3A_3053 = tpu.vector_load %arg6[%get3A_3051, %get3A_3052] {strides = array<i32>} : memref<64x16xf32, #tpu.memory_space<vmem>>, vector<16xf32>,
      %lt3A_3054 = arith.cmpf olt, %get3A_3053, %max3A_2821 : vector<16xf32>
      %select_n3A_3055 = arith.select %lt3A_3054, %get3A_3053, %broadcast_in_dim3A_3 : vector<16xi1>, vector<16xf32>
      %get3A_3056 = arith.constant 34 : i32
      %get3A_3057 = arith.index_cast %get3A_3056 : i32 to index
      %get3A_3058 = arith.constant 0 : index
      %get3A_3059 = tpu.vector_load %arg6[%get3A_3057, %get3A_3058] {strides = array<i32>} : memref<64x16xf32, #tpu.memory_space<vmem>>, vector<16xf32>,
      %lt3A_3060 = arith.cmpf olt, %get3A_3059, %max3A_2821 : vector<16xf32>
      %select_n3A_3061 = arith.select %lt3A_3060, %get3A_3059, %broadcast_in_dim3A_3 : vector<16xi1>, vector<16xf32>
      %get3A_3062 = arith.constant 35 : i32
      %get3A_3063 = arith.index_cast %get3A_3062 : i32 to index
      %get3A_3064 = arith.constant 0 : index
      %get3A_3065 = tpu.vector_load %arg6[%get3A_3063, %get3A_3064] {strides = array<i32>} : memref<64x16xf32, #tpu.memory_space<vmem>>, vector<16xf32>,
      %lt3A_3066 = arith.cmpf olt, %get3A_3065, %max3A_2821 : vector<16xf32>
      %select_n3A_3067 = arith.select %lt3A_3066, %get3A_3065, %broadcast_in_dim3A_3 : vector<16xi1>, vector<16xf32>
      %get3A_3068 = arith.constant 36 : i32
      %get3A_3069 = arith.index_cast %get3A_3068 : i32 to index
      %get3A_3070 = arith.constant 0 : index
      %get3A_3071 = tpu.vector_load %arg6[%get3A_3069, %get3A_3070] {strides = array<i32>} : memref<64x16xf32, #tpu.memory_space<vmem>>, vector<16xf32>,
      %lt3A_3072 = arith.cmpf olt, %get3A_3071, %max3A_2821 : vector<16xf32>
      %select_n3A_3073 = arith.select %lt3A_3072, %get3A_3071, %broadcast_in_dim3A_3 : vector<16xi1>, vector<16xf32>
      %get3A_3074 = arith.constant 37 : i32
      %get3A_3075 = arith.index_cast %get3A_3074 : i32 to index
      %get3A_3076 = arith.constant 0 : index
      %get3A_3077 = tpu.vector_load %arg6[%get3A_3075, %get3A_3076] {strides = array<i32>} : memref<64x16xf32, #tpu.memory_space<vmem>>, vector<16xf32>,
      %lt3A_3078 = arith.cmpf olt, %get3A_3077, %max3A_2821 : vector<16xf32>
      %select_n3A_3079 = arith.select %lt3A_3078, %get3A_3077, %broadcast_in_dim3A_3 : vector<16xi1>, vector<16xf32>
      %get3A_3080 = arith.constant 38 : i32
      %get3A_3081 = arith.index_cast %get3A_3080 : i32 to index
      %get3A_3082 = arith.constant 0 : index
      %get3A_3083 = tpu.vector_load %arg6[%get3A_3081, %get3A_3082] {strides = array<i32>} : memref<64x16xf32, #tpu.memory_space<vmem>>, vector<16xf32>,
      %lt3A_3084 = arith.cmpf olt, %get3A_3083, %max3A_2821 : vector<16xf32>
      %select_n3A_3085 = arith.select %lt3A_3084, %get3A_3083, %broadcast_in_dim3A_3 : vector<16xi1>, vector<16xf32>
      %get3A_3086 = arith.constant 39 : i32
      %get3A_3087 = arith.index_cast %get3A_3086 : i32 to index
      %get3A_3088 = arith.constant 0 : index
      %get3A_3089 = tpu.vector_load %arg6[%get3A_3087, %get3A_3088] {strides = array<i32>} : memref<64x16xf32, #tpu.memory_space<vmem>>, vector<16xf32>,
      %lt3A_3090 = arith.cmpf olt, %get3A_3089, %max3A_2821 : vector<16xf32>
      %select_n3A_3091 = arith.select %lt3A_3090, %get3A_3089, %broadcast_in_dim3A_3 : vector<16xi1>, vector<16xf32>
      %get3A_3092 = arith.constant 40 : i32
      %get3A_3093 = arith.index_cast %get3A_3092 : i32 to index
      %get3A_3094 = arith.constant 0 : index
      %get3A_3095 = tpu.vector_load %arg6[%get3A_3093, %get3A_3094] {strides = array<i32>} : memref<64x16xf32, #tpu.memory_space<vmem>>, vector<16xf32>,
      %lt3A_3096 = arith.cmpf olt, %get3A_3095, %max3A_2821 : vector<16xf32>
      %select_n3A_3097 = arith.select %lt3A_3096, %get3A_3095, %broadcast_in_dim3A_3 : vector<16xi1>, vector<16xf32>
      %get3A_3098 = arith.constant 41 : i32
      %get3A_3099 = arith.index_cast %get3A_3098 : i32 to index
      %get3A_3100 = arith.constant 0 : index
      %get3A_3101 = tpu.vector_load %arg6[%get3A_3099, %get3A_3100] {strides = array<i32>} : memref<64x16xf32, #tpu.memory_space<vmem>>, vector<16xf32>,
      %lt3A_3102 = arith.cmpf olt, %get3A_3101, %max3A_2821 : vector<16xf32>
      %select_n3A_3103 = arith.select %lt3A_3102, %get3A_3101, %broadcast_in_dim3A_3 : vector<16xi1>, vector<16xf32>
      %get3A_3104 = arith.constant 42 : i32
      %get3A_3105 = arith.index_cast %get3A_3104 : i32 to index
      %get3A_3106 = arith.constant 0 : index
      %get3A_3107 = tpu.vector_load %arg6[%get3A_3105, %get3A_3106] {strides = array<i32>} : memref<64x16xf32, #tpu.memory_space<vmem>>, vector<16xf32>,
      %lt3A_3108 = arith.cmpf olt, %get3A_3107, %max3A_2821 : vector<16xf32>
      %select_n3A_3109 = arith.select %lt3A_3108, %get3A_3107, %broadcast_in_dim3A_3 : vector<16xi1>, vector<16xf32>
      %get3A_3110 = arith.constant 43 : i32
      %get3A_3111 = arith.index_cast %get3A_3110 : i32 to index
      %get3A_3112 = arith.constant 0 : index
      %get3A_3113 = tpu.vector_load %arg6[%get3A_3111, %get3A_3112] {strides = array<i32>} : memref<64x16xf32, #tpu.memory_space<vmem>>, vector<16xf32>,
      %lt3A_3114 = arith.cmpf olt, %get3A_3113, %max3A_2821 : vector<16xf32>
      %select_n3A_3115 = arith.select %lt3A_3114, %get3A_3113, %broadcast_in_dim3A_3 : vector<16xi1>, vector<16xf32>
      %get3A_3116 = arith.constant 44 : i32
      %get3A_3117 = arith.index_cast %get3A_3116 : i32 to index
      %get3A_3118 = arith.constant 0 : index
      %get3A_3119 = tpu.vector_load %arg6[%get3A_3117, %get3A_3118] {strides = array<i32>} : memref<64x16xf32, #tpu.memory_space<vmem>>, vector<16xf32>,
      %lt3A_3120 = arith.cmpf olt, %get3A_3119, %max3A_2821 : vector<16xf32>
      %select_n3A_3121 = arith.select %lt3A_3120, %get3A_3119, %broadcast_in_dim3A_3 : vector<16xi1>, vector<16xf32>
      %get3A_3122 = arith.constant 45 : i32
      %get3A_3123 = arith.index_cast %get3A_3122 : i32 to index
      %get3A_3124 = arith.constant 0 : index
      %get3A_3125 = tpu.vector_load %arg6[%get3A_3123, %get3A_3124] {strides = array<i32>} : memref<64x16xf32, #tpu.memory_space<vmem>>, vector<16xf32>,
      %lt3A_3126 = arith.cmpf olt, %get3A_3125, %max3A_2821 : vector<16xf32>
      %select_n3A_3127 = arith.select %lt3A_3126, %get3A_3125, %broadcast_in_dim3A_3 : vector<16xi1>, vector<16xf32>
      %get3A_3128 = arith.constant 46 : i32
      %get3A_3129 = arith.index_cast %get3A_3128 : i32 to index
      %get3A_3130 = arith.constant 0 : index
      %get3A_3131 = tpu.vector_load %arg6[%get3A_3129, %get3A_3130] {strides = array<i32>} : memref<64x16xf32, #tpu.memory_space<vmem>>, vector<16xf32>,
      %lt3A_3132 = arith.cmpf olt, %get3A_3131, %max3A_2821 : vector<16xf32>
      %select_n3A_3133 = arith.select %lt3A_3132, %get3A_3131, %broadcast_in_dim3A_3 : vector<16xi1>, vector<16xf32>
      %get3A_3134 = arith.constant 47 : i32
      %get3A_3135 = arith.index_cast %get3A_3134 : i32 to index
      %get3A_3136 = arith.constant 0 : index
      %get3A_3137 = tpu.vector_load %arg6[%get3A_3135, %get3A_3136] {strides = array<i32>} : memref<64x16xf32, #tpu.memory_space<vmem>>, vector<16xf32>,
      %lt3A_3138 = arith.cmpf olt, %get3A_3137, %max3A_2821 : vector<16xf32>
      %select_n3A_3139 = arith.select %lt3A_3138, %get3A_3137, %broadcast_in_dim3A_3 : vector<16xi1>, vector<16xf32>
      %max3A_3140 = arith.maximumf %select_n3A_3049, %select_n3A_3055 : vector<16xf32>
      %max3A_3141 = arith.maximumf %select_n3A_3061, %select_n3A_3067 : vector<16xf32>
      %max3A_3142 = arith.maximumf %select_n3A_3073, %select_n3A_3079 : vector<16xf32>
      %max3A_3143 = arith.maximumf %select_n3A_3085, %select_n3A_3091 : vector<16xf32>
      %max3A_3144 = arith.maximumf %select_n3A_3097, %select_n3A_3103 : vector<16xf32>
      %max3A_3145 = arith.maximumf %select_n3A_3109, %select_n3A_3115 : vector<16xf32>
      %max3A_3146 = arith.maximumf %select_n3A_3121, %select_n3A_3127 : vector<16xf32>
      %max3A_3147 = arith.maximumf %select_n3A_3133, %select_n3A_3139 : vector<16xf32>
      %max3A_3148 = arith.maximumf %max3A_3140, %max3A_3141 : vector<16xf32>
      %max3A_3149 = arith.maximumf %max3A_3142, %max3A_3143 : vector<16xf32>
      %max3A_3150 = arith.maximumf %max3A_3144, %max3A_3145 : vector<16xf32>
      %max3A_3151 = arith.maximumf %max3A_3146, %max3A_3147 : vector<16xf32>
      %max3A_3152 = arith.maximumf %max3A_3148, %max3A_3149 : vector<16xf32>
      %max3A_3153 = arith.maximumf %max3A_3150, %max3A_3151 : vector<16xf32>
      %max3A_3154 = arith.maximumf %max3A_3152, %max3A_3153 : vector<16xf32>
      %get3A_3155 = arith.constant 48 : i32
      %get3A_3156 = arith.index_cast %get3A_3155 : i32 to index
      %get3A_3157 = arith.constant 0 : index
      %get3A_3158 = tpu.vector_load %arg6[%get3A_3156, %get3A_3157] {strides = array<i32>} : memref<64x16xf32, #tpu.memory_space<vmem>>, vector<16xf32>,
      %lt3A_3159 = arith.cmpf olt, %get3A_3158, %max3A_2821 : vector<16xf32>
      %select_n3A_3160 = arith.select %lt3A_3159, %get3A_3158, %broadcast_in_dim3A_3 : vector<16xi1>, vector<16xf32>
      %get3A_3161 = arith.constant 49 : i32
      %get3A_3162 = arith.index_cast %get3A_3161 : i32 to index
      %get3A_3163 = arith.constant 0 : index
      %get3A_3164 = tpu.vector_load %arg6[%get3A_3162, %get3A_3163] {strides = array<i32>} : memref<64x16xf32, #tpu.memory_space<vmem>>, vector<16xf32>,
      %lt3A_3165 = arith.cmpf olt, %get3A_3164, %max3A_2821 : vector<16xf32>
      %select_n3A_3166 = arith.select %lt3A_3165, %get3A_3164, %broadcast_in_dim3A_3 : vector<16xi1>, vector<16xf32>
      %get3A_3167 = arith.constant 50 : i32
      %get3A_3168 = arith.index_cast %get3A_3167 : i32 to index
      %get3A_3169 = arith.constant 0 : index
      %get3A_3170 = tpu.vector_load %arg6[%get3A_3168, %get3A_3169] {strides = array<i32>} : memref<64x16xf32, #tpu.memory_space<vmem>>, vector<16xf32>,
      %lt3A_3171 = arith.cmpf olt, %get3A_3170, %max3A_2821 : vector<16xf32>
      %select_n3A_3172 = arith.select %lt3A_3171, %get3A_3170, %broadcast_in_dim3A_3 : vector<16xi1>, vector<16xf32>
      %get3A_3173 = arith.constant 51 : i32
      %get3A_3174 = arith.index_cast %get3A_3173 : i32 to index
      %get3A_3175 = arith.constant 0 : index
      %get3A_3176 = tpu.vector_load %arg6[%get3A_3174, %get3A_3175] {strides = array<i32>} : memref<64x16xf32, #tpu.memory_space<vmem>>, vector<16xf32>,
      %lt3A_3177 = arith.cmpf olt, %get3A_3176, %max3A_2821 : vector<16xf32>
      %select_n3A_3178 = arith.select %lt3A_3177, %get3A_3176, %broadcast_in_dim3A_3 : vector<16xi1>, vector<16xf32>
      %get3A_3179 = arith.constant 52 : i32
      %get3A_3180 = arith.index_cast %get3A_3179 : i32 to index
      %get3A_3181 = arith.constant 0 : index
      %get3A_3182 = tpu.vector_load %arg6[%get3A_3180, %get3A_3181] {strides = array<i32>} : memref<64x16xf32, #tpu.memory_space<vmem>>, vector<16xf32>,
      %lt3A_3183 = arith.cmpf olt, %get3A_3182, %max3A_2821 : vector<16xf32>
      %select_n3A_3184 = arith.select %lt3A_3183, %get3A_3182, %broadcast_in_dim3A_3 : vector<16xi1>, vector<16xf32>
      %get3A_3185 = arith.constant 53 : i32
      %get3A_3186 = arith.index_cast %get3A_3185 : i32 to index
      %get3A_3187 = arith.constant 0 : index
      %get3A_3188 = tpu.vector_load %arg6[%get3A_3186, %get3A_3187] {strides = array<i32>} : memref<64x16xf32, #tpu.memory_space<vmem>>, vector<16xf32>,
      %lt3A_3189 = arith.cmpf olt, %get3A_3188, %max3A_2821 : vector<16xf32>
      %select_n3A_3190 = arith.select %lt3A_3189, %get3A_3188, %broadcast_in_dim3A_3 : vector<16xi1>, vector<16xf32>
      %get3A_3191 = arith.constant 54 : i32
      %get3A_3192 = arith.index_cast %get3A_3191 : i32 to index
      %get3A_3193 = arith.constant 0 : index
      %get3A_3194 = tpu.vector_load %arg6[%get3A_3192, %get3A_3193] {strides = array<i32>} : memref<64x16xf32, #tpu.memory_space<vmem>>, vector<16xf32>,
      %lt3A_3195 = arith.cmpf olt, %get3A_3194, %max3A_2821 : vector<16xf32>
      %select_n3A_3196 = arith.select %lt3A_3195, %get3A_3194, %broadcast_in_dim3A_3 : vector<16xi1>, vector<16xf32>
      %get3A_3197 = arith.constant 55 : i32
      %get3A_3198 = arith.index_cast %get3A_3197 : i32 to index
      %get3A_3199 = arith.constant 0 : index
      %get3A_3200 = tpu.vector_load %arg6[%get3A_3198, %get3A_3199] {strides = array<i32>} : memref<64x16xf32, #tpu.memory_space<vmem>>, vector<16xf32>,
      %lt3A_3201 = arith.cmpf olt, %get3A_3200, %max3A_2821 : vector<16xf32>
      %select_n3A_3202 = arith.select %lt3A_3201, %get3A_3200, %broadcast_in_dim3A_3 : vector<16xi1>, vector<16xf32>
      %get3A_3203 = arith.constant 56 : i32
      %get3A_3204 = arith.index_cast %get3A_3203 : i32 to index
      %get3A_3205 = arith.constant 0 : index
      %get3A_3206 = tpu.vector_load %arg6[%get3A_3204, %get3A_3205] {strides = array<i32>} : memref<64x16xf32, #tpu.memory_space<vmem>>, vector<16xf32>,
      %lt3A_3207 = arith.cmpf olt, %get3A_3206, %max3A_2821 : vector<16xf32>
      %select_n3A_3208 = arith.select %lt3A_3207, %get3A_3206, %broadcast_in_dim3A_3 : vector<16xi1>, vector<16xf32>
      %get3A_3209 = arith.constant 57 : i32
      %get3A_3210 = arith.index_cast %get3A_3209 : i32 to index
      %get3A_3211 = arith.constant 0 : index
      %get3A_3212 = tpu.vector_load %arg6[%get3A_3210, %get3A_3211] {strides = array<i32>} : memref<64x16xf32, #tpu.memory_space<vmem>>, vector<16xf32>,
      %lt3A_3213 = arith.cmpf olt, %get3A_3212, %max3A_2821 : vector<16xf32>
      %select_n3A_3214 = arith.select %lt3A_3213, %get3A_3212, %broadcast_in_dim3A_3 : vector<16xi1>, vector<16xf32>
      %get3A_3215 = arith.constant 58 : i32
      %get3A_3216 = arith.index_cast %get3A_3215 : i32 to index
      %get3A_3217 = arith.constant 0 : index
      %get3A_3218 = tpu.vector_load %arg6[%get3A_3216, %get3A_3217] {strides = array<i32>} : memref<64x16xf32, #tpu.memory_space<vmem>>, vector<16xf32>,
      %lt3A_3219 = arith.cmpf olt, %get3A_3218, %max3A_2821 : vector<16xf32>
      %select_n3A_3220 = arith.select %lt3A_3219, %get3A_3218, %broadcast_in_dim3A_3 : vector<16xi1>, vector<16xf32>
      %get3A_3221 = arith.constant 59 : i32
      %get3A_3222 = arith.index_cast %get3A_3221 : i32 to index
      %get3A_3223 = arith.constant 0 : index
      %get3A_3224 = tpu.vector_load %arg6[%get3A_3222, %get3A_3223] {strides = array<i32>} : memref<64x16xf32, #tpu.memory_space<vmem>>, vector<16xf32>,
      %lt3A_3225 = arith.cmpf olt, %get3A_3224, %max3A_2821 : vector<16xf32>
      %select_n3A_3226 = arith.select %lt3A_3225, %get3A_3224, %broadcast_in_dim3A_3 : vector<16xi1>, vector<16xf32>
      %get3A_3227 = arith.constant 60 : i32
      %get3A_3228 = arith.index_cast %get3A_3227 : i32 to index
      %get3A_3229 = arith.constant 0 : index
      %get3A_3230 = tpu.vector_load %arg6[%get3A_3228, %get3A_3229] {strides = array<i32>} : memref<64x16xf32, #tpu.memory_space<vmem>>, vector<16xf32>,
      %lt3A_3231 = arith.cmpf olt, %get3A_3230, %max3A_2821 : vector<16xf32>
      %select_n3A_3232 = arith.select %lt3A_3231, %get3A_3230, %broadcast_in_dim3A_3 : vector<16xi1>, vector<16xf32>
      %get3A_3233 = arith.constant 61 : i32
      %get3A_3234 = arith.index_cast %get3A_3233 : i32 to index
      %get3A_3235 = arith.constant 0 : index
      %get3A_3236 = tpu.vector_load %arg6[%get3A_3234, %get3A_3235] {strides = array<i32>} : memref<64x16xf32, #tpu.memory_space<vmem>>, vector<16xf32>,
      %lt3A_3237 = arith.cmpf olt, %get3A_3236, %max3A_2821 : vector<16xf32>
      %select_n3A_3238 = arith.select %lt3A_3237, %get3A_3236, %broadcast_in_dim3A_3 : vector<16xi1>, vector<16xf32>
      %get3A_3239 = arith.constant 62 : i32
      %get3A_3240 = arith.index_cast %get3A_3239 : i32 to index
      %get3A_3241 = arith.constant 0 : index
      %get3A_3242 = tpu.vector_load %arg6[%get3A_3240, %get3A_3241] {strides = array<i32>} : memref<64x16xf32, #tpu.memory_space<vmem>>, vector<16xf32>,
      %lt3A_3243 = arith.cmpf olt, %get3A_3242, %max3A_2821 : vector<16xf32>
      %select_n3A_3244 = arith.select %lt3A_3243, %get3A_3242, %broadcast_in_dim3A_3 : vector<16xi1>, vector<16xf32>
      %get3A_3245 = arith.constant 63 : i32
      %get3A_3246 = arith.index_cast %get3A_3245 : i32 to index
      %get3A_3247 = arith.constant 0 : index
      %get3A_3248 = tpu.vector_load %arg6[%get3A_3246, %get3A_3247] {strides = array<i32>} : memref<64x16xf32, #tpu.memory_space<vmem>>, vector<16xf32>,
      %lt3A_3249 = arith.cmpf olt, %get3A_3248, %max3A_2821 : vector<16xf32>
      %select_n3A_3250 = arith.select %lt3A_3249, %get3A_3248, %broadcast_in_dim3A_3 : vector<16xi1>, vector<16xf32>
      %max3A_3251 = arith.maximumf %select_n3A_3160, %select_n3A_3166 : vector<16xf32>
      %max3A_3252 = arith.maximumf %select_n3A_3172, %select_n3A_3178 : vector<16xf32>
      %max3A_3253 = arith.maximumf %select_n3A_3184, %select_n3A_3190 : vector<16xf32>
      %max3A_3254 = arith.maximumf %select_n3A_3196, %select_n3A_3202 : vector<16xf32>
      %max3A_3255 = arith.maximumf %select_n3A_3208, %select_n3A_3214 : vector<16xf32>
      %max3A_3256 = arith.maximumf %select_n3A_3220, %select_n3A_3226 : vector<16xf32>
      %max3A_3257 = arith.maximumf %select_n3A_3232, %select_n3A_3238 : vector<16xf32>
      %max3A_3258 = arith.maximumf %select_n3A_3244, %select_n3A_3250 : vector<16xf32>
      %max3A_3259 = arith.maximumf %max3A_3251, %max3A_3252 : vector<16xf32>
      %max3A_3260 = arith.maximumf %max3A_3253, %max3A_3254 : vector<16xf32>
      %max3A_3261 = arith.maximumf %max3A_3255, %max3A_3256 : vector<16xf32>
      %max3A_3262 = arith.maximumf %max3A_3257, %max3A_3258 : vector<16xf32>
      %max3A_3263 = arith.maximumf %max3A_3259, %max3A_3260 : vector<16xf32>
      %max3A_3264 = arith.maximumf %max3A_3261, %max3A_3262 : vector<16xf32>
      %max3A_3265 = arith.maximumf %max3A_3263, %max3A_3264 : vector<16xf32>
      %max3A_3266 = arith.maximumf %max3A_2932, %max3A_3043 : vector<16xf32>
      %max3A_3267 = arith.maximumf %max3A_3154, %max3A_3265 : vector<16xf32>
      %max3A_3268 = arith.maximumf %max3A_3266, %max3A_3267 : vector<16xf32>
      %get3A_3269 = arith.constant 0 : i32
      %get3A_3270 = arith.index_cast %get3A_3269 : i32 to index
      %get3A_3271 = arith.constant 0 : index
      %get3A_3272 = tpu.vector_load %arg6[%get3A_3270, %get3A_3271] {strides = array<i32>} : memref<64x16xf32, #tpu.memory_space<vmem>>, vector<16xf32>,
      %lt3A_3273 = arith.cmpf olt, %get3A_3272, %max3A_3268 : vector<16xf32>
      %select_n3A_3274 = arith.select %lt3A_3273, %get3A_3272, %broadcast_in_dim3A_3 : vector<16xi1>, vector<16xf32>
      %get3A_3275 = arith.constant 1 : i32
      %get3A_3276 = arith.index_cast %get3A_3275 : i32 to index
      %get3A_3277 = arith.constant 0 : index
      %get3A_3278 = tpu.vector_load %arg6[%get3A_3276, %get3A_3277] {strides = array<i32>} : memref<64x16xf32, #tpu.memory_space<vmem>>, vector<16xf32>,
      %lt3A_3279 = arith.cmpf olt, %get3A_3278, %max3A_3268 : vector<16xf32>
      %select_n3A_3280 = arith.select %lt3A_3279, %get3A_3278, %broadcast_in_dim3A_3 : vector<16xi1>, vector<16xf32>
      %get3A_3281 = arith.constant 2 : i32
      %get3A_3282 = arith.index_cast %get3A_3281 : i32 to index
      %get3A_3283 = arith.constant 0 : index
      %get3A_3284 = tpu.vector_load %arg6[%get3A_3282, %get3A_3283] {strides = array<i32>} : memref<64x16xf32, #tpu.memory_space<vmem>>, vector<16xf32>,
      %lt3A_3285 = arith.cmpf olt, %get3A_3284, %max3A_3268 : vector<16xf32>
      %select_n3A_3286 = arith.select %lt3A_3285, %get3A_3284, %broadcast_in_dim3A_3 : vector<16xi1>, vector<16xf32>
      %get3A_3287 = arith.constant 3 : i32
      %get3A_3288 = arith.index_cast %get3A_3287 : i32 to index
      %get3A_3289 = arith.constant 0 : index
      %get3A_3290 = tpu.vector_load %arg6[%get3A_3288, %get3A_3289] {strides = array<i32>} : memref<64x16xf32, #tpu.memory_space<vmem>>, vector<16xf32>,
      %lt3A_3291 = arith.cmpf olt, %get3A_3290, %max3A_3268 : vector<16xf32>
      %select_n3A_3292 = arith.select %lt3A_3291, %get3A_3290, %broadcast_in_dim3A_3 : vector<16xi1>, vector<16xf32>
      %get3A_3293 = arith.constant 4 : i32
      %get3A_3294 = arith.index_cast %get3A_3293 : i32 to index
      %get3A_3295 = arith.constant 0 : index
      %get3A_3296 = tpu.vector_load %arg6[%get3A_3294, %get3A_3295] {strides = array<i32>} : memref<64x16xf32, #tpu.memory_space<vmem>>, vector<16xf32>,
      %lt3A_3297 = arith.cmpf olt, %get3A_3296, %max3A_3268 : vector<16xf32>
      %select_n3A_3298 = arith.select %lt3A_3297, %get3A_3296, %broadcast_in_dim3A_3 : vector<16xi1>, vector<16xf32>
      %get3A_3299 = arith.constant 5 : i32
      %get3A_3300 = arith.index_cast %get3A_3299 : i32 to index
      %get3A_3301 = arith.constant 0 : index
      %get3A_3302 = tpu.vector_load %arg6[%get3A_3300, %get3A_3301] {strides = array<i32>} : memref<64x16xf32, #tpu.memory_space<vmem>>, vector<16xf32>,
      %lt3A_3303 = arith.cmpf olt, %get3A_3302, %max3A_3268 : vector<16xf32>
      %select_n3A_3304 = arith.select %lt3A_3303, %get3A_3302, %broadcast_in_dim3A_3 : vector<16xi1>, vector<16xf32>
      %get3A_3305 = arith.constant 6 : i32
      %get3A_3306 = arith.index_cast %get3A_3305 : i32 to index
      %get3A_3307 = arith.constant 0 : index
      %get3A_3308 = tpu.vector_load %arg6[%get3A_3306, %get3A_3307] {strides = array<i32>} : memref<64x16xf32, #tpu.memory_space<vmem>>, vector<16xf32>,
      %lt3A_3309 = arith.cmpf olt, %get3A_3308, %max3A_3268 : vector<16xf32>
      %select_n3A_3310 = arith.select %lt3A_3309, %get3A_3308, %broadcast_in_dim3A_3 : vector<16xi1>, vector<16xf32>
      %get3A_3311 = arith.constant 7 : i32
      %get3A_3312 = arith.index_cast %get3A_3311 : i32 to index
      %get3A_3313 = arith.constant 0 : index
      %get3A_3314 = tpu.vector_load %arg6[%get3A_3312, %get3A_3313] {strides = array<i32>} : memref<64x16xf32, #tpu.memory_space<vmem>>, vector<16xf32>,
      %lt3A_3315 = arith.cmpf olt, %get3A_3314, %max3A_3268 : vector<16xf32>
      %select_n3A_3316 = arith.select %lt3A_3315, %get3A_3314, %broadcast_in_dim3A_3 : vector<16xi1>, vector<16xf32>
      %get3A_3317 = arith.constant 8 : i32
      %get3A_3318 = arith.index_cast %get3A_3317 : i32 to index
      %get3A_3319 = arith.constant 0 : index
      %get3A_3320 = tpu.vector_load %arg6[%get3A_3318, %get3A_3319] {strides = array<i32>} : memref<64x16xf32, #tpu.memory_space<vmem>>, vector<16xf32>,
      %lt3A_3321 = arith.cmpf olt, %get3A_3320, %max3A_3268 : vector<16xf32>
      %select_n3A_3322 = arith.select %lt3A_3321, %get3A_3320, %broadcast_in_dim3A_3 : vector<16xi1>, vector<16xf32>
      %get3A_3323 = arith.constant 9 : i32
      %get3A_3324 = arith.index_cast %get3A_3323 : i32 to index
      %get3A_3325 = arith.constant 0 : index
      %get3A_3326 = tpu.vector_load %arg6[%get3A_3324, %get3A_3325] {strides = array<i32>} : memref<64x16xf32, #tpu.memory_space<vmem>>, vector<16xf32>,
      %lt3A_3327 = arith.cmpf olt, %get3A_3326, %max3A_3268 : vector<16xf32>
      %select_n3A_3328 = arith.select %lt3A_3327, %get3A_3326, %broadcast_in_dim3A_3 : vector<16xi1>, vector<16xf32>
      %get3A_3329 = arith.constant 10 : i32
      %get3A_3330 = arith.index_cast %get3A_3329 : i32 to index
      %get3A_3331 = arith.constant 0 : index
      %get3A_3332 = tpu.vector_load %arg6[%get3A_3330, %get3A_3331] {strides = array<i32>} : memref<64x16xf32, #tpu.memory_space<vmem>>, vector<16xf32>,
      %lt3A_3333 = arith.cmpf olt, %get3A_3332, %max3A_3268 : vector<16xf32>
      %select_n3A_3334 = arith.select %lt3A_3333, %get3A_3332, %broadcast_in_dim3A_3 : vector<16xi1>, vector<16xf32>
      %get3A_3335 = arith.constant 11 : i32
      %get3A_3336 = arith.index_cast %get3A_3335 : i32 to index
      %get3A_3337 = arith.constant 0 : index
      %get3A_3338 = tpu.vector_load %arg6[%get3A_3336, %get3A_3337] {strides = array<i32>} : memref<64x16xf32, #tpu.memory_space<vmem>>, vector<16xf32>,
      %lt3A_3339 = arith.cmpf olt, %get3A_3338, %max3A_3268 : vector<16xf32>
      %select_n3A_3340 = arith.select %lt3A_3339, %get3A_3338, %broadcast_in_dim3A_3 : vector<16xi1>, vector<16xf32>
      %get3A_3341 = arith.constant 12 : i32
      %get3A_3342 = arith.index_cast %get3A_3341 : i32 to index
      %get3A_3343 = arith.constant 0 : index
      %get3A_3344 = tpu.vector_load %arg6[%get3A_3342, %get3A_3343] {strides = array<i32>} : memref<64x16xf32, #tpu.memory_space<vmem>>, vector<16xf32>,
      %lt3A_3345 = arith.cmpf olt, %get3A_3344, %max3A_3268 : vector<16xf32>
      %select_n3A_3346 = arith.select %lt3A_3345, %get3A_3344, %broadcast_in_dim3A_3 : vector<16xi1>, vector<16xf32>
      %get3A_3347 = arith.constant 13 : i32
      %get3A_3348 = arith.index_cast %get3A_3347 : i32 to index
      %get3A_3349 = arith.constant 0 : index
      %get3A_3350 = tpu.vector_load %arg6[%get3A_3348, %get3A_3349] {strides = array<i32>} : memref<64x16xf32, #tpu.memory_space<vmem>>, vector<16xf32>,
      %lt3A_3351 = arith.cmpf olt, %get3A_3350, %max3A_3268 : vector<16xf32>
      %select_n3A_3352 = arith.select %lt3A_3351, %get3A_3350, %broadcast_in_dim3A_3 : vector<16xi1>, vector<16xf32>
      %get3A_3353 = arith.constant 14 : i32
      %get3A_3354 = arith.index_cast %get3A_3353 : i32 to index
      %get3A_3355 = arith.constant 0 : index
      %get3A_3356 = tpu.vector_load %arg6[%get3A_3354, %get3A_3355] {strides = array<i32>} : memref<64x16xf32, #tpu.memory_space<vmem>>, vector<16xf32>,
      %lt3A_3357 = arith.cmpf olt, %get3A_3356, %max3A_3268 : vector<16xf32>
      %select_n3A_3358 = arith.select %lt3A_3357, %get3A_3356, %broadcast_in_dim3A_3 : vector<16xi1>, vector<16xf32>
      %get3A_3359 = arith.constant 15 : i32
      %get3A_3360 = arith.index_cast %get3A_3359 : i32 to index
      %get3A_3361 = arith.constant 0 : index
      %get3A_3362 = tpu.vector_load %arg6[%get3A_3360, %get3A_3361] {strides = array<i32>} : memref<64x16xf32, #tpu.memory_space<vmem>>, vector<16xf32>,
      %lt3A_3363 = arith.cmpf olt, %get3A_3362, %max3A_3268 : vector<16xf32>
      %select_n3A_3364 = arith.select %lt3A_3363, %get3A_3362, %broadcast_in_dim3A_3 : vector<16xi1>, vector<16xf32>
      %max3A_3365 = arith.maximumf %select_n3A_3274, %select_n3A_3280 : vector<16xf32>
      %max3A_3366 = arith.maximumf %select_n3A_3286, %select_n3A_3292 : vector<16xf32>
      %max3A_3367 = arith.maximumf %select_n3A_3298, %select_n3A_3304 : vector<16xf32>
      %max3A_3368 = arith.maximumf %select_n3A_3310, %select_n3A_3316 : vector<16xf32>
      %max3A_3369 = arith.maximumf %select_n3A_3322, %select_n3A_3328 : vector<16xf32>
      %max3A_3370 = arith.maximumf %select_n3A_3334, %select_n3A_3340 : vector<16xf32>
      %max3A_3371 = arith.maximumf %select_n3A_3346, %select_n3A_3352 : vector<16xf32>
      %max3A_3372 = arith.maximumf %select_n3A_3358, %select_n3A_3364 : vector<16xf32>
      %max3A_3373 = arith.maximumf %max3A_3365, %max3A_3366 : vector<16xf32>
      %max3A_3374 = arith.maximumf %max3A_3367, %max3A_3368 : vector<16xf32>
      %max3A_3375 = arith.maximumf %max3A_3369, %max3A_3370 : vector<16xf32>
      %max3A_3376 = arith.maximumf %max3A_3371, %max3A_3372 : vector<16xf32>
      %max3A_3377 = arith.maximumf %max3A_3373, %max3A_3374 : vector<16xf32>
      %max3A_3378 = arith.maximumf %max3A_3375, %max3A_3376 : vector<16xf32>
      %max3A_3379 = arith.maximumf %max3A_3377, %max3A_3378 : vector<16xf32>
      %get3A_3380 = arith.constant 16 : i32
      %get3A_3381 = arith.index_cast %get3A_3380 : i32 to index
      %get3A_3382 = arith.constant 0 : index
      %get3A_3383 = tpu.vector_load %arg6[%get3A_3381, %get3A_3382] {strides = array<i32>} : memref<64x16xf32, #tpu.memory_space<vmem>>, vector<16xf32>,
      %lt3A_3384 = arith.cmpf olt, %get3A_3383, %max3A_3268 : vector<16xf32>
      %select_n3A_3385 = arith.select %lt3A_3384, %get3A_3383, %broadcast_in_dim3A_3 : vector<16xi1>, vector<16xf32>
      %get3A_3386 = arith.constant 17 : i32
      %get3A_3387 = arith.index_cast %get3A_3386 : i32 to index
      %get3A_3388 = arith.constant 0 : index
      %get3A_3389 = tpu.vector_load %arg6[%get3A_3387, %get3A_3388] {strides = array<i32>} : memref<64x16xf32, #tpu.memory_space<vmem>>, vector<16xf32>,
      %lt3A_3390 = arith.cmpf olt, %get3A_3389, %max3A_3268 : vector<16xf32>
      %select_n3A_3391 = arith.select %lt3A_3390, %get3A_3389, %broadcast_in_dim3A_3 : vector<16xi1>, vector<16xf32>
      %get3A_3392 = arith.constant 18 : i32
      %get3A_3393 = arith.index_cast %get3A_3392 : i32 to index
      %get3A_3394 = arith.constant 0 : index
      %get3A_3395 = tpu.vector_load %arg6[%get3A_3393, %get3A_3394] {strides = array<i32>} : memref<64x16xf32, #tpu.memory_space<vmem>>, vector<16xf32>,
      %lt3A_3396 = arith.cmpf olt, %get3A_3395, %max3A_3268 : vector<16xf32>
      %select_n3A_3397 = arith.select %lt3A_3396, %get3A_3395, %broadcast_in_dim3A_3 : vector<16xi1>, vector<16xf32>
      %get3A_3398 = arith.constant 19 : i32
      %get3A_3399 = arith.index_cast %get3A_3398 : i32 to index
      %get3A_3400 = arith.constant 0 : index
      %get3A_3401 = tpu.vector_load %arg6[%get3A_3399, %get3A_3400] {strides = array<i32>} : memref<64x16xf32, #tpu.memory_space<vmem>>, vector<16xf32>,
      %lt3A_3402 = arith.cmpf olt, %get3A_3401, %max3A_3268 : vector<16xf32>
      %select_n3A_3403 = arith.select %lt3A_3402, %get3A_3401, %broadcast_in_dim3A_3 : vector<16xi1>, vector<16xf32>
      %get3A_3404 = arith.constant 20 : i32
      %get3A_3405 = arith.index_cast %get3A_3404 : i32 to index
      %get3A_3406 = arith.constant 0 : index
      %get3A_3407 = tpu.vector_load %arg6[%get3A_3405, %get3A_3406] {strides = array<i32>} : memref<64x16xf32, #tpu.memory_space<vmem>>, vector<16xf32>,
      %lt3A_3408 = arith.cmpf olt, %get3A_3407, %max3A_3268 : vector<16xf32>
      %select_n3A_3409 = arith.select %lt3A_3408, %get3A_3407, %broadcast_in_dim3A_3 : vector<16xi1>, vector<16xf32>
      %get3A_3410 = arith.constant 21 : i32
      %get3A_3411 = arith.index_cast %get3A_3410 : i32 to index
      %get3A_3412 = arith.constant 0 : index
      %get3A_3413 = tpu.vector_load %arg6[%get3A_3411, %get3A_3412] {strides = array<i32>} : memref<64x16xf32, #tpu.memory_space<vmem>>, vector<16xf32>,
      %lt3A_3414 = arith.cmpf olt, %get3A_3413, %max3A_3268 : vector<16xf32>
      %select_n3A_3415 = arith.select %lt3A_3414, %get3A_3413, %broadcast_in_dim3A_3 : vector<16xi1>, vector<16xf32>
      %get3A_3416 = arith.constant 22 : i32
      %get3A_3417 = arith.index_cast %get3A_3416 : i32 to index
      %get3A_3418 = arith.constant 0 : index
      %get3A_3419 = tpu.vector_load %arg6[%get3A_3417, %get3A_3418] {strides = array<i32>} : memref<64x16xf32, #tpu.memory_space<vmem>>, vector<16xf32>,
      %lt3A_3420 = arith.cmpf olt, %get3A_3419, %max3A_3268 : vector<16xf32>
      %select_n3A_3421 = arith.select %lt3A_3420, %get3A_3419, %broadcast_in_dim3A_3 : vector<16xi1>, vector<16xf32>
      %get3A_3422 = arith.constant 23 : i32
      %get3A_3423 = arith.index_cast %get3A_3422 : i32 to index
      %get3A_3424 = arith.constant 0 : index
      %get3A_3425 = tpu.vector_load %arg6[%get3A_3423, %get3A_3424] {strides = array<i32>} : memref<64x16xf32, #tpu.memory_space<vmem>>, vector<16xf32>,
      %lt3A_3426 = arith.cmpf olt, %get3A_3425, %max3A_3268 : vector<16xf32>
      %select_n3A_3427 = arith.select %lt3A_3426, %get3A_3425, %broadcast_in_dim3A_3 : vector<16xi1>, vector<16xf32>
      %get3A_3428 = arith.constant 24 : i32
      %get3A_3429 = arith.index_cast %get3A_3428 : i32 to index
      %get3A_3430 = arith.constant 0 : index
      %get3A_3431 = tpu.vector_load %arg6[%get3A_3429, %get3A_3430] {strides = array<i32>} : memref<64x16xf32, #tpu.memory_space<vmem>>, vector<16xf32>,
      %lt3A_3432 = arith.cmpf olt, %get3A_3431, %max3A_3268 : vector<16xf32>
      %select_n3A_3433 = arith.select %lt3A_3432, %get3A_3431, %broadcast_in_dim3A_3 : vector<16xi1>, vector<16xf32>
      %get3A_3434 = arith.constant 25 : i32
      %get3A_3435 = arith.index_cast %get3A_3434 : i32 to index
      %get3A_3436 = arith.constant 0 : index
      %get3A_3437 = tpu.vector_load %arg6[%get3A_3435, %get3A_3436] {strides = array<i32>} : memref<64x16xf32, #tpu.memory_space<vmem>>, vector<16xf32>,
      %lt3A_3438 = arith.cmpf olt, %get3A_3437, %max3A_3268 : vector<16xf32>
      %select_n3A_3439 = arith.select %lt3A_3438, %get3A_3437, %broadcast_in_dim3A_3 : vector<16xi1>, vector<16xf32>
      %get3A_3440 = arith.constant 26 : i32
      %get3A_3441 = arith.index_cast %get3A_3440 : i32 to index
      %get3A_3442 = arith.constant 0 : index
      %get3A_3443 = tpu.vector_load %arg6[%get3A_3441, %get3A_3442] {strides = array<i32>} : memref<64x16xf32, #tpu.memory_space<vmem>>, vector<16xf32>,
      %lt3A_3444 = arith.cmpf olt, %get3A_3443, %max3A_3268 : vector<16xf32>
      %select_n3A_3445 = arith.select %lt3A_3444, %get3A_3443, %broadcast_in_dim3A_3 : vector<16xi1>, vector<16xf32>
      %get3A_3446 = arith.constant 27 : i32
      %get3A_3447 = arith.index_cast %get3A_3446 : i32 to index
      %get3A_3448 = arith.constant 0 : index
      %get3A_3449 = tpu.vector_load %arg6[%get3A_3447, %get3A_3448] {strides = array<i32>} : memref<64x16xf32, #tpu.memory_space<vmem>>, vector<16xf32>,
      %lt3A_3450 = arith.cmpf olt, %get3A_3449, %max3A_3268 : vector<16xf32>
      %select_n3A_3451 = arith.select %lt3A_3450, %get3A_3449, %broadcast_in_dim3A_3 : vector<16xi1>, vector<16xf32>
      %get3A_3452 = arith.constant 28 : i32
      %get3A_3453 = arith.index_cast %get3A_3452 : i32 to index
      %get3A_3454 = arith.constant 0 : index
      %get3A_3455 = tpu.vector_load %arg6[%get3A_3453, %get3A_3454] {strides = array<i32>} : memref<64x16xf32, #tpu.memory_space<vmem>>, vector<16xf32>,
      %lt3A_3456 = arith.cmpf olt, %get3A_3455, %max3A_3268 : vector<16xf32>
      %select_n3A_3457 = arith.select %lt3A_3456, %get3A_3455, %broadcast_in_dim3A_3 : vector<16xi1>, vector<16xf32>
      %get3A_3458 = arith.constant 29 : i32
      %get3A_3459 = arith.index_cast %get3A_3458 : i32 to index
      %get3A_3460 = arith.constant 0 : index
      %get3A_3461 = tpu.vector_load %arg6[%get3A_3459, %get3A_3460] {strides = array<i32>} : memref<64x16xf32, #tpu.memory_space<vmem>>, vector<16xf32>,
      %lt3A_3462 = arith.cmpf olt, %get3A_3461, %max3A_3268 : vector<16xf32>
      %select_n3A_3463 = arith.select %lt3A_3462, %get3A_3461, %broadcast_in_dim3A_3 : vector<16xi1>, vector<16xf32>
      %get3A_3464 = arith.constant 30 : i32
      %get3A_3465 = arith.index_cast %get3A_3464 : i32 to index
      %get3A_3466 = arith.constant 0 : index
      %get3A_3467 = tpu.vector_load %arg6[%get3A_3465, %get3A_3466] {strides = array<i32>} : memref<64x16xf32, #tpu.memory_space<vmem>>, vector<16xf32>,
      %lt3A_3468 = arith.cmpf olt, %get3A_3467, %max3A_3268 : vector<16xf32>
      %select_n3A_3469 = arith.select %lt3A_3468, %get3A_3467, %broadcast_in_dim3A_3 : vector<16xi1>, vector<16xf32>
      %get3A_3470 = arith.constant 31 : i32
      %get3A_3471 = arith.index_cast %get3A_3470 : i32 to index
      %get3A_3472 = arith.constant 0 : index
      %get3A_3473 = tpu.vector_load %arg6[%get3A_3471, %get3A_3472] {strides = array<i32>} : memref<64x16xf32, #tpu.memory_space<vmem>>, vector<16xf32>,
      %lt3A_3474 = arith.cmpf olt, %get3A_3473, %max3A_3268 : vector<16xf32>
      %select_n3A_3475 = arith.select %lt3A_3474, %get3A_3473, %broadcast_in_dim3A_3 : vector<16xi1>, vector<16xf32>
      %max3A_3476 = arith.maximumf %select_n3A_3385, %select_n3A_3391 : vector<16xf32>
      %max3A_3477 = arith.maximumf %select_n3A_3397, %select_n3A_3403 : vector<16xf32>
      %max3A_3478 = arith.maximumf %select_n3A_3409, %select_n3A_3415 : vector<16xf32>
      %max3A_3479 = arith.maximumf %select_n3A_3421, %select_n3A_3427 : vector<16xf32>
      %max3A_3480 = arith.maximumf %select_n3A_3433, %select_n3A_3439 : vector<16xf32>
      %max3A_3481 = arith.maximumf %select_n3A_3445, %select_n3A_3451 : vector<16xf32>
      %max3A_3482 = arith.maximumf %select_n3A_3457, %select_n3A_3463 : vector<16xf32>
      %max3A_3483 = arith.maximumf %select_n3A_3469, %select_n3A_3475 : vector<16xf32>
      %max3A_3484 = arith.maximumf %max3A_3476, %max3A_3477 : vector<16xf32>
      %max3A_3485 = arith.maximumf %max3A_3478, %max3A_3479 : vector<16xf32>
      %max3A_3486 = arith.maximumf %max3A_3480, %max3A_3481 : vector<16xf32>
      %max3A_3487 = arith.maximumf %max3A_3482, %max3A_3483 : vector<16xf32>
      %max3A_3488 = arith.maximumf %max3A_3484, %max3A_3485 : vector<16xf32>
      %max3A_3489 = arith.maximumf %max3A_3486, %max3A_3487 : vector<16xf32>
      %max3A_3490 = arith.maximumf %max3A_3488, %max3A_3489 : vector<16xf32>
      %get3A_3491 = arith.constant 32 : i32
      %get3A_3492 = arith.index_cast %get3A_3491 : i32 to index
      %get3A_3493 = arith.constant 0 : index
      %get3A_3494 = tpu.vector_load %arg6[%get3A_3492, %get3A_3493] {strides = array<i32>} : memref<64x16xf32, #tpu.memory_space<vmem>>, vector<16xf32>,
      %lt3A_3495 = arith.cmpf olt, %get3A_3494, %max3A_3268 : vector<16xf32>
      %select_n3A_3496 = arith.select %lt3A_3495, %get3A_3494, %broadcast_in_dim3A_3 : vector<16xi1>, vector<16xf32>
      %get3A_3497 = arith.constant 33 : i32
      %get3A_3498 = arith.index_cast %get3A_3497 : i32 to index
      %get3A_3499 = arith.constant 0 : index
      %get3A_3500 = tpu.vector_load %arg6[%get3A_3498, %get3A_3499] {strides = array<i32>} : memref<64x16xf32, #tpu.memory_space<vmem>>, vector<16xf32>,
      %lt3A_3501 = arith.cmpf olt, %get3A_3500, %max3A_3268 : vector<16xf32>
      %select_n3A_3502 = arith.select %lt3A_3501, %get3A_3500, %broadcast_in_dim3A_3 : vector<16xi1>, vector<16xf32>
      %get3A_3503 = arith.constant 34 : i32
      %get3A_3504 = arith.index_cast %get3A_3503 : i32 to index
      %get3A_3505 = arith.constant 0 : index
      %get3A_3506 = tpu.vector_load %arg6[%get3A_3504, %get3A_3505] {strides = array<i32>} : memref<64x16xf32, #tpu.memory_space<vmem>>, vector<16xf32>,
      %lt3A_3507 = arith.cmpf olt, %get3A_3506, %max3A_3268 : vector<16xf32>
      %select_n3A_3508 = arith.select %lt3A_3507, %get3A_3506, %broadcast_in_dim3A_3 : vector<16xi1>, vector<16xf32>
      %get3A_3509 = arith.constant 35 : i32
      %get3A_3510 = arith.index_cast %get3A_3509 : i32 to index
      %get3A_3511 = arith.constant 0 : index
      %get3A_3512 = tpu.vector_load %arg6[%get3A_3510, %get3A_3511] {strides = array<i32>} : memref<64x16xf32, #tpu.memory_space<vmem>>, vector<16xf32>,
      %lt3A_3513 = arith.cmpf olt, %get3A_3512, %max3A_3268 : vector<16xf32>
      %select_n3A_3514 = arith.select %lt3A_3513, %get3A_3512, %broadcast_in_dim3A_3 : vector<16xi1>, vector<16xf32>
      %get3A_3515 = arith.constant 36 : i32
      %get3A_3516 = arith.index_cast %get3A_3515 : i32 to index
      %get3A_3517 = arith.constant 0 : index
      %get3A_3518 = tpu.vector_load %arg6[%get3A_3516, %get3A_3517] {strides = array<i32>} : memref<64x16xf32, #tpu.memory_space<vmem>>, vector<16xf32>,
      %lt3A_3519 = arith.cmpf olt, %get3A_3518, %max3A_3268 : vector<16xf32>
      %select_n3A_3520 = arith.select %lt3A_3519, %get3A_3518, %broadcast_in_dim3A_3 : vector<16xi1>, vector<16xf32>
      %get3A_3521 = arith.constant 37 : i32
      %get3A_3522 = arith.index_cast %get3A_3521 : i32 to index
      %get3A_3523 = arith.constant 0 : index
      %get3A_3524 = tpu.vector_load %arg6[%get3A_3522, %get3A_3523] {strides = array<i32>} : memref<64x16xf32, #tpu.memory_space<vmem>>, vector<16xf32>,
      %lt3A_3525 = arith.cmpf olt, %get3A_3524, %max3A_3268 : vector<16xf32>
      %select_n3A_3526 = arith.select %lt3A_3525, %get3A_3524, %broadcast_in_dim3A_3 : vector<16xi1>, vector<16xf32>
      %get3A_3527 = arith.constant 38 : i32
      %get3A_3528 = arith.index_cast %get3A_3527 : i32 to index
      %get3A_3529 = arith.constant 0 : index
      %get3A_3530 = tpu.vector_load %arg6[%get3A_3528, %get3A_3529] {strides = array<i32>} : memref<64x16xf32, #tpu.memory_space<vmem>>, vector<16xf32>,
      %lt3A_3531 = arith.cmpf olt, %get3A_3530, %max3A_3268 : vector<16xf32>
      %select_n3A_3532 = arith.select %lt3A_3531, %get3A_3530, %broadcast_in_dim3A_3 : vector<16xi1>, vector<16xf32>
      %get3A_3533 = arith.constant 39 : i32
      %get3A_3534 = arith.index_cast %get3A_3533 : i32 to index
      %get3A_3535 = arith.constant 0 : index
      %get3A_3536 = tpu.vector_load %arg6[%get3A_3534, %get3A_3535] {strides = array<i32>} : memref<64x16xf32, #tpu.memory_space<vmem>>, vector<16xf32>,
      %lt3A_3537 = arith.cmpf olt, %get3A_3536, %max3A_3268 : vector<16xf32>
      %select_n3A_3538 = arith.select %lt3A_3537, %get3A_3536, %broadcast_in_dim3A_3 : vector<16xi1>, vector<16xf32>
      %get3A_3539 = arith.constant 40 : i32
      %get3A_3540 = arith.index_cast %get3A_3539 : i32 to index
      %get3A_3541 = arith.constant 0 : index
      %get3A_3542 = tpu.vector_load %arg6[%get3A_3540, %get3A_3541] {strides = array<i32>} : memref<64x16xf32, #tpu.memory_space<vmem>>, vector<16xf32>,
      %lt3A_3543 = arith.cmpf olt, %get3A_3542, %max3A_3268 : vector<16xf32>
      %select_n3A_3544 = arith.select %lt3A_3543, %get3A_3542, %broadcast_in_dim3A_3 : vector<16xi1>, vector<16xf32>
      %get3A_3545 = arith.constant 41 : i32
      %get3A_3546 = arith.index_cast %get3A_3545 : i32 to index
      %get3A_3547 = arith.constant 0 : index
      %get3A_3548 = tpu.vector_load %arg6[%get3A_3546, %get3A_3547] {strides = array<i32>} : memref<64x16xf32, #tpu.memory_space<vmem>>, vector<16xf32>,
      %lt3A_3549 = arith.cmpf olt, %get3A_3548, %max3A_3268 : vector<16xf32>
      %select_n3A_3550 = arith.select %lt3A_3549, %get3A_3548, %broadcast_in_dim3A_3 : vector<16xi1>, vector<16xf32>
      %get3A_3551 = arith.constant 42 : i32
      %get3A_3552 = arith.index_cast %get3A_3551 : i32 to index
      %get3A_3553 = arith.constant 0 : index
      %get3A_3554 = tpu.vector_load %arg6[%get3A_3552, %get3A_3553] {strides = array<i32>} : memref<64x16xf32, #tpu.memory_space<vmem>>, vector<16xf32>,
      %lt3A_3555 = arith.cmpf olt, %get3A_3554, %max3A_3268 : vector<16xf32>
      %select_n3A_3556 = arith.select %lt3A_3555, %get3A_3554, %broadcast_in_dim3A_3 : vector<16xi1>, vector<16xf32>
      %get3A_3557 = arith.constant 43 : i32
      %get3A_3558 = arith.index_cast %get3A_3557 : i32 to index
      %get3A_3559 = arith.constant 0 : index
      %get3A_3560 = tpu.vector_load %arg6[%get3A_3558, %get3A_3559] {strides = array<i32>} : memref<64x16xf32, #tpu.memory_space<vmem>>, vector<16xf32>,
      %lt3A_3561 = arith.cmpf olt, %get3A_3560, %max3A_3268 : vector<16xf32>
      %select_n3A_3562 = arith.select %lt3A_3561, %get3A_3560, %broadcast_in_dim3A_3 : vector<16xi1>, vector<16xf32>
      %get3A_3563 = arith.constant 44 : i32
      %get3A_3564 = arith.index_cast %get3A_3563 : i32 to index
      %get3A_3565 = arith.constant 0 : index
      %get3A_3566 = tpu.vector_load %arg6[%get3A_3564, %get3A_3565] {strides = array<i32>} : memref<64x16xf32, #tpu.memory_space<vmem>>, vector<16xf32>,
      %lt3A_3567 = arith.cmpf olt, %get3A_3566, %max3A_3268 : vector<16xf32>
      %select_n3A_3568 = arith.select %lt3A_3567, %get3A_3566, %broadcast_in_dim3A_3 : vector<16xi1>, vector<16xf32>
      %get3A_3569 = arith.constant 45 : i32
      %get3A_3570 = arith.index_cast %get3A_3569 : i32 to index
      %get3A_3571 = arith.constant 0 : index
      %get3A_3572 = tpu.vector_load %arg6[%get3A_3570, %get3A_3571] {strides = array<i32>} : memref<64x16xf32, #tpu.memory_space<vmem>>, vector<16xf32>,
      %lt3A_3573 = arith.cmpf olt, %get3A_3572, %max3A_3268 : vector<16xf32>
      %select_n3A_3574 = arith.select %lt3A_3573, %get3A_3572, %broadcast_in_dim3A_3 : vector<16xi1>, vector<16xf32>
      %get3A_3575 = arith.constant 46 : i32
      %get3A_3576 = arith.index_cast %get3A_3575 : i32 to index
      %get3A_3577 = arith.constant 0 : index
      %get3A_3578 = tpu.vector_load %arg6[%get3A_3576, %get3A_3577] {strides = array<i32>} : memref<64x16xf32, #tpu.memory_space<vmem>>, vector<16xf32>,
      %lt3A_3579 = arith.cmpf olt, %get3A_3578, %max3A_3268 : vector<16xf32>
      %select_n3A_3580 = arith.select %lt3A_3579, %get3A_3578, %broadcast_in_dim3A_3 : vector<16xi1>, vector<16xf32>
      %get3A_3581 = arith.constant 47 : i32
      %get3A_3582 = arith.index_cast %get3A_3581 : i32 to index
      %get3A_3583 = arith.constant 0 : index
      %get3A_3584 = tpu.vector_load %arg6[%get3A_3582, %get3A_3583] {strides = array<i32>} : memref<64x16xf32, #tpu.memory_space<vmem>>, vector<16xf32>,
      %lt3A_3585 = arith.cmpf olt, %get3A_3584, %max3A_3268 : vector<16xf32>
      %select_n3A_3586 = arith.select %lt3A_3585, %get3A_3584, %broadcast_in_dim3A_3 : vector<16xi1>, vector<16xf32>
      %max3A_3587 = arith.maximumf %select_n3A_3496, %select_n3A_3502 : vector<16xf32>
      %max3A_3588 = arith.maximumf %select_n3A_3508, %select_n3A_3514 : vector<16xf32>
      %max3A_3589 = arith.maximumf %select_n3A_3520, %select_n3A_3526 : vector<16xf32>
      %max3A_3590 = arith.maximumf %select_n3A_3532, %select_n3A_3538 : vector<16xf32>
      %max3A_3591 = arith.maximumf %select_n3A_3544, %select_n3A_3550 : vector<16xf32>
      %max3A_3592 = arith.maximumf %select_n3A_3556, %select_n3A_3562 : vector<16xf32>
      %max3A_3593 = arith.maximumf %select_n3A_3568, %select_n3A_3574 : vector<16xf32>
      %max3A_3594 = arith.maximumf %select_n3A_3580, %select_n3A_3586 : vector<16xf32>
      %max3A_3595 = arith.maximumf %max3A_3587, %max3A_3588 : vector<16xf32>
      %max3A_3596 = arith.maximumf %max3A_3589, %max3A_3590 : vector<16xf32>
      %max3A_3597 = arith.maximumf %max3A_3591, %max3A_3592 : vector<16xf32>
      %max3A_3598 = arith.maximumf %max3A_3593, %max3A_3594 : vector<16xf32>
      %max3A_3599 = arith.maximumf %max3A_3595, %max3A_3596 : vector<16xf32>
      %max3A_3600 = arith.maximumf %max3A_3597, %max3A_3598 : vector<16xf32>
      %max3A_3601 = arith.maximumf %max3A_3599, %max3A_3600 : vector<16xf32>
      %get3A_3602 = arith.constant 48 : i32
      %get3A_3603 = arith.index_cast %get3A_3602 : i32 to index
      %get3A_3604 = arith.constant 0 : index
      %get3A_3605 = tpu.vector_load %arg6[%get3A_3603, %get3A_3604] {strides = array<i32>} : memref<64x16xf32, #tpu.memory_space<vmem>>, vector<16xf32>,
      %lt3A_3606 = arith.cmpf olt, %get3A_3605, %max3A_3268 : vector<16xf32>
      %select_n3A_3607 = arith.select %lt3A_3606, %get3A_3605, %broadcast_in_dim3A_3 : vector<16xi1>, vector<16xf32>
      %get3A_3608 = arith.constant 49 : i32
      %get3A_3609 = arith.index_cast %get3A_3608 : i32 to index
      %get3A_3610 = arith.constant 0 : index
      %get3A_3611 = tpu.vector_load %arg6[%get3A_3609, %get3A_3610] {strides = array<i32>} : memref<64x16xf32, #tpu.memory_space<vmem>>, vector<16xf32>,
      %lt3A_3612 = arith.cmpf olt, %get3A_3611, %max3A_3268 : vector<16xf32>
      %select_n3A_3613 = arith.select %lt3A_3612, %get3A_3611, %broadcast_in_dim3A_3 : vector<16xi1>, vector<16xf32>
      %get3A_3614 = arith.constant 50 : i32
      %get3A_3615 = arith.index_cast %get3A_3614 : i32 to index
      %get3A_3616 = arith.constant 0 : index
      %get3A_3617 = tpu.vector_load %arg6[%get3A_3615, %get3A_3616] {strides = array<i32>} : memref<64x16xf32, #tpu.memory_space<vmem>>, vector<16xf32>,
      %lt3A_3618 = arith.cmpf olt, %get3A_3617, %max3A_3268 : vector<16xf32>
      %select_n3A_3619 = arith.select %lt3A_3618, %get3A_3617, %broadcast_in_dim3A_3 : vector<16xi1>, vector<16xf32>
      %get3A_3620 = arith.constant 51 : i32
      %get3A_3621 = arith.index_cast %get3A_3620 : i32 to index
      %get3A_3622 = arith.constant 0 : index
      %get3A_3623 = tpu.vector_load %arg6[%get3A_3621, %get3A_3622] {strides = array<i32>} : memref<64x16xf32, #tpu.memory_space<vmem>>, vector<16xf32>,
      %lt3A_3624 = arith.cmpf olt, %get3A_3623, %max3A_3268 : vector<16xf32>
      %select_n3A_3625 = arith.select %lt3A_3624, %get3A_3623, %broadcast_in_dim3A_3 : vector<16xi1>, vector<16xf32>
      %get3A_3626 = arith.constant 52 : i32
      %get3A_3627 = arith.index_cast %get3A_3626 : i32 to index
      %get3A_3628 = arith.constant 0 : index
      %get3A_3629 = tpu.vector_load %arg6[%get3A_3627, %get3A_3628] {strides = array<i32>} : memref<64x16xf32, #tpu.memory_space<vmem>>, vector<16xf32>,
      %lt3A_3630 = arith.cmpf olt, %get3A_3629, %max3A_3268 : vector<16xf32>
      %select_n3A_3631 = arith.select %lt3A_3630, %get3A_3629, %broadcast_in_dim3A_3 : vector<16xi1>, vector<16xf32>
      %get3A_3632 = arith.constant 53 : i32
      %get3A_3633 = arith.index_cast %get3A_3632 : i32 to index
      %get3A_3634 = arith.constant 0 : index
      %get3A_3635 = tpu.vector_load %arg6[%get3A_3633, %get3A_3634] {strides = array<i32>} : memref<64x16xf32, #tpu.memory_space<vmem>>, vector<16xf32>,
      %lt3A_3636 = arith.cmpf olt, %get3A_3635, %max3A_3268 : vector<16xf32>
      %select_n3A_3637 = arith.select %lt3A_3636, %get3A_3635, %broadcast_in_dim3A_3 : vector<16xi1>, vector<16xf32>
      %get3A_3638 = arith.constant 54 : i32
      %get3A_3639 = arith.index_cast %get3A_3638 : i32 to index
      %get3A_3640 = arith.constant 0 : index
      %get3A_3641 = tpu.vector_load %arg6[%get3A_3639, %get3A_3640] {strides = array<i32>} : memref<64x16xf32, #tpu.memory_space<vmem>>, vector<16xf32>,
      %lt3A_3642 = arith.cmpf olt, %get3A_3641, %max3A_3268 : vector<16xf32>
      %select_n3A_3643 = arith.select %lt3A_3642, %get3A_3641, %broadcast_in_dim3A_3 : vector<16xi1>, vector<16xf32>
      %get3A_3644 = arith.constant 55 : i32
      %get3A_3645 = arith.index_cast %get3A_3644 : i32 to index
      %get3A_3646 = arith.constant 0 : index
      %get3A_3647 = tpu.vector_load %arg6[%get3A_3645, %get3A_3646] {strides = array<i32>} : memref<64x16xf32, #tpu.memory_space<vmem>>, vector<16xf32>,
      %lt3A_3648 = arith.cmpf olt, %get3A_3647, %max3A_3268 : vector<16xf32>
      %select_n3A_3649 = arith.select %lt3A_3648, %get3A_3647, %broadcast_in_dim3A_3 : vector<16xi1>, vector<16xf32>
      %get3A_3650 = arith.constant 56 : i32
      %get3A_3651 = arith.index_cast %get3A_3650 : i32 to index
      %get3A_3652 = arith.constant 0 : index
      %get3A_3653 = tpu.vector_load %arg6[%get3A_3651, %get3A_3652] {strides = array<i32>} : memref<64x16xf32, #tpu.memory_space<vmem>>, vector<16xf32>,
      %lt3A_3654 = arith.cmpf olt, %get3A_3653, %max3A_3268 : vector<16xf32>
      %select_n3A_3655 = arith.select %lt3A_3654, %get3A_3653, %broadcast_in_dim3A_3 : vector<16xi1>, vector<16xf32>
      %get3A_3656 = arith.constant 57 : i32
      %get3A_3657 = arith.index_cast %get3A_3656 : i32 to index
      %get3A_3658 = arith.constant 0 : index
      %get3A_3659 = tpu.vector_load %arg6[%get3A_3657, %get3A_3658] {strides = array<i32>} : memref<64x16xf32, #tpu.memory_space<vmem>>, vector<16xf32>,
      %lt3A_3660 = arith.cmpf olt, %get3A_3659, %max3A_3268 : vector<16xf32>
      %select_n3A_3661 = arith.select %lt3A_3660, %get3A_3659, %broadcast_in_dim3A_3 : vector<16xi1>, vector<16xf32>
      %get3A_3662 = arith.constant 58 : i32
      %get3A_3663 = arith.index_cast %get3A_3662 : i32 to index
      %get3A_3664 = arith.constant 0 : index
      %get3A_3665 = tpu.vector_load %arg6[%get3A_3663, %get3A_3664] {strides = array<i32>} : memref<64x16xf32, #tpu.memory_space<vmem>>, vector<16xf32>,
      %lt3A_3666 = arith.cmpf olt, %get3A_3665, %max3A_3268 : vector<16xf32>
      %select_n3A_3667 = arith.select %lt3A_3666, %get3A_3665, %broadcast_in_dim3A_3 : vector<16xi1>, vector<16xf32>
      %get3A_3668 = arith.constant 59 : i32
      %get3A_3669 = arith.index_cast %get3A_3668 : i32 to index
      %get3A_3670 = arith.constant 0 : index
      %get3A_3671 = tpu.vector_load %arg6[%get3A_3669, %get3A_3670] {strides = array<i32>} : memref<64x16xf32, #tpu.memory_space<vmem>>, vector<16xf32>,
      %lt3A_3672 = arith.cmpf olt, %get3A_3671, %max3A_3268 : vector<16xf32>
      %select_n3A_3673 = arith.select %lt3A_3672, %get3A_3671, %broadcast_in_dim3A_3 : vector<16xi1>, vector<16xf32>
      %get3A_3674 = arith.constant 60 : i32
      %get3A_3675 = arith.index_cast %get3A_3674 : i32 to index
      %get3A_3676 = arith.constant 0 : index
      %get3A_3677 = tpu.vector_load %arg6[%get3A_3675, %get3A_3676] {strides = array<i32>} : memref<64x16xf32, #tpu.memory_space<vmem>>, vector<16xf32>,
      %lt3A_3678 = arith.cmpf olt, %get3A_3677, %max3A_3268 : vector<16xf32>
      %select_n3A_3679 = arith.select %lt3A_3678, %get3A_3677, %broadcast_in_dim3A_3 : vector<16xi1>, vector<16xf32>
      %get3A_3680 = arith.constant 61 : i32
      %get3A_3681 = arith.index_cast %get3A_3680 : i32 to index
      %get3A_3682 = arith.constant 0 : index
      %get3A_3683 = tpu.vector_load %arg6[%get3A_3681, %get3A_3682] {strides = array<i32>} : memref<64x16xf32, #tpu.memory_space<vmem>>, vector<16xf32>,
      %lt3A_3684 = arith.cmpf olt, %get3A_3683, %max3A_3268 : vector<16xf32>
      %select_n3A_3685 = arith.select %lt3A_3684, %get3A_3683, %broadcast_in_dim3A_3 : vector<16xi1>, vector<16xf32>
      %get3A_3686 = arith.constant 62 : i32
      %get3A_3687 = arith.index_cast %get3A_3686 : i32 to index
      %get3A_3688 = arith.constant 0 : index
      %get3A_3689 = tpu.vector_load %arg6[%get3A_3687, %get3A_3688] {strides = array<i32>} : memref<64x16xf32, #tpu.memory_space<vmem>>, vector<16xf32>,
      %lt3A_3690 = arith.cmpf olt, %get3A_3689, %max3A_3268 : vector<16xf32>
      %select_n3A_3691 = arith.select %lt3A_3690, %get3A_3689, %broadcast_in_dim3A_3 : vector<16xi1>, vector<16xf32>
      %get3A_3692 = arith.constant 63 : i32
      %get3A_3693 = arith.index_cast %get3A_3692 : i32 to index
      %get3A_3694 = arith.constant 0 : index
      %get3A_3695 = tpu.vector_load %arg6[%get3A_3693, %get3A_3694] {strides = array<i32>} : memref<64x16xf32, #tpu.memory_space<vmem>>, vector<16xf32>,
      %lt3A_3696 = arith.cmpf olt, %get3A_3695, %max3A_3268 : vector<16xf32>
      %select_n3A_3697 = arith.select %lt3A_3696, %get3A_3695, %broadcast_in_dim3A_3 : vector<16xi1>, vector<16xf32>
      %max3A_3698 = arith.maximumf %select_n3A_3607, %select_n3A_3613 : vector<16xf32>
      %max3A_3699 = arith.maximumf %select_n3A_3619, %select_n3A_3625 : vector<16xf32>
      %max3A_3700 = arith.maximumf %select_n3A_3631, %select_n3A_3637 : vector<16xf32>
      %max3A_3701 = arith.maximumf %select_n3A_3643, %select_n3A_3649 : vector<16xf32>
      %max3A_3702 = arith.maximumf %select_n3A_3655, %select_n3A_3661 : vector<16xf32>
      %max3A_3703 = arith.maximumf %select_n3A_3667, %select_n3A_3673 : vector<16xf32>
      %max3A_3704 = arith.maximumf %select_n3A_3679, %select_n3A_3685 : vector<16xf32>
      %max3A_3705 = arith.maximumf %select_n3A_3691, %select_n3A_3697 : vector<16xf32>
      %max3A_3706 = arith.maximumf %max3A_3698, %max3A_3699 : vector<16xf32>
      %max3A_3707 = arith.maximumf %max3A_3700, %max3A_3701 : vector<16xf32>
      %max3A_3708 = arith.maximumf %max3A_3702, %max3A_3703 : vector<16xf32>
      %max3A_3709 = arith.maximumf %max3A_3704, %max3A_3705 : vector<16xf32>
      %max3A_3710 = arith.maximumf %max3A_3706, %max3A_3707 : vector<16xf32>
      %max3A_3711 = arith.maximumf %max3A_3708, %max3A_3709 : vector<16xf32>
      %max3A_3712 = arith.maximumf %max3A_3710, %max3A_3711 : vector<16xf32>
      %max3A_3713 = arith.maximumf %max3A_3379, %max3A_3490 : vector<16xf32>
      %max3A_3714 = arith.maximumf %max3A_3601, %max3A_3712 : vector<16xf32>
      %max3A_3715 = arith.maximumf %max3A_3713, %max3A_3714 : vector<16xf32>
      %get3A_3716 = arith.constant 0 : i32
      %get3A_3717 = arith.index_cast %get3A_3716 : i32 to index
      %get3A_3718 = arith.constant 0 : index
      %get3A_3719 = tpu.vector_load %arg6[%get3A_3717, %get3A_3718] {strides = array<i32>} : memref<64x16xf32, #tpu.memory_space<vmem>>, vector<16xf32>,
      %add3A_3720 = arith.constant 0 : i32
      %add3A_3721 = arith.addi %mul3A_14, %add3A_3720 : i32
      %add3A_3722 = vector.broadcast %add3A_3721 : i32 to vector<16xi32>
      %add3A_3723 = arith.addi %mul3A_6, %add3A_3722 : vector<16xi32>
      %ge3A = arith.cmpf oge, %get3A_3719, %max3A_3715 : vector<16xf32>
      %select_n3A_3724 = arith.select %ge3A, %get3A_3719, %broadcast_in_dim3A_3 : vector<16xi1>, vector<16xf32>
      tpu.vector_store_idx %arg5[%add3A_3723], %select_n3A_3724 : memref<16384xf32, #tpu.memory_space<vmem>>[vector<16xi32>], vector<16xf32>,
      %get3A_3725 = arith.constant 1 : i32
      %get3A_3726 = arith.index_cast %get3A_3725 : i32 to index
      %get3A_3727 = arith.constant 0 : index
      %get3A_3728 = tpu.vector_load %arg6[%get3A_3726, %get3A_3727] {strides = array<i32>} : memref<64x16xf32, #tpu.memory_space<vmem>>, vector<16xf32>,
      %add3A_3729 = arith.constant 1 : i32
      %add3A_3730 = arith.addi %mul3A_14, %add3A_3729 : i32
      %add3A_3731 = vector.broadcast %add3A_3730 : i32 to vector<16xi32>
      %add3A_3732 = arith.addi %mul3A_6, %add3A_3731 : vector<16xi32>
      %ge3A_3733 = arith.cmpf oge, %get3A_3728, %max3A_3715 : vector<16xf32>
      %select_n3A_3734 = arith.select %ge3A_3733, %get3A_3728, %broadcast_in_dim3A_3 : vector<16xi1>, vector<16xf32>
      tpu.vector_store_idx %arg5[%add3A_3732], %select_n3A_3734 : memref<16384xf32, #tpu.memory_space<vmem>>[vector<16xi32>], vector<16xf32>,
      %get3A_3735 = arith.constant 2 : i32
      %get3A_3736 = arith.index_cast %get3A_3735 : i32 to index
      %get3A_3737 = arith.constant 0 : index
      %get3A_3738 = tpu.vector_load %arg6[%get3A_3736, %get3A_3737] {strides = array<i32>} : memref<64x16xf32, #tpu.memory_space<vmem>>, vector<16xf32>,
      %add3A_3739 = arith.constant 2 : i32
      %add3A_3740 = arith.addi %mul3A_14, %add3A_3739 : i32
      %add3A_3741 = vector.broadcast %add3A_3740 : i32 to vector<16xi32>
      %add3A_3742 = arith.addi %mul3A_6, %add3A_3741 : vector<16xi32>
      %ge3A_3743 = arith.cmpf oge, %get3A_3738, %max3A_3715 : vector<16xf32>
      %select_n3A_3744 = arith.select %ge3A_3743, %get3A_3738, %broadcast_in_dim3A_3 : vector<16xi1>, vector<16xf32>
      tpu.vector_store_idx %arg5[%add3A_3742], %select_n3A_3744 : memref<16384xf32, #tpu.memory_space<vmem>>[vector<16xi32>], vector<16xf32>,
      %get3A_3745 = arith.constant 3 : i32
      %get3A_3746 = arith.index_cast %get3A_3745 : i32 to index
      %get3A_3747 = arith.constant 0 : index
      %get3A_3748 = tpu.vector_load %arg6[%get3A_3746, %get3A_3747] {strides = array<i32>} : memref<64x16xf32, #tpu.memory_space<vmem>>, vector<16xf32>,
      %add3A_3749 = arith.constant 3 : i32
      %add3A_3750 = arith.addi %mul3A_14, %add3A_3749 : i32
      %add3A_3751 = vector.broadcast %add3A_3750 : i32 to vector<16xi32>
      %add3A_3752 = arith.addi %mul3A_6, %add3A_3751 : vector<16xi32>
      %ge3A_3753 = arith.cmpf oge, %get3A_3748, %max3A_3715 : vector<16xf32>
      %select_n3A_3754 = arith.select %ge3A_3753, %get3A_3748, %broadcast_in_dim3A_3 : vector<16xi1>, vector<16xf32>
      tpu.vector_store_idx %arg5[%add3A_3752], %select_n3A_3754 : memref<16384xf32, #tpu.memory_space<vmem>>[vector<16xi32>], vector<16xf32>,
      %get3A_3755 = arith.constant 4 : i32
      %get3A_3756 = arith.index_cast %get3A_3755 : i32 to index
      %get3A_3757 = arith.constant 0 : index
      %get3A_3758 = tpu.vector_load %arg6[%get3A_3756, %get3A_3757] {strides = array<i32>} : memref<64x16xf32, #tpu.memory_space<vmem>>, vector<16xf32>,
      %add3A_3759 = arith.constant 4 : i32
      %add3A_3760 = arith.addi %mul3A_14, %add3A_3759 : i32
      %add3A_3761 = vector.broadcast %add3A_3760 : i32 to vector<16xi32>
      %add3A_3762 = arith.addi %mul3A_6, %add3A_3761 : vector<16xi32>
      %ge3A_3763 = arith.cmpf oge, %get3A_3758, %max3A_3715 : vector<16xf32>
      %select_n3A_3764 = arith.select %ge3A_3763, %get3A_3758, %broadcast_in_dim3A_3 : vector<16xi1>, vector<16xf32>
      tpu.vector_store_idx %arg5[%add3A_3762], %select_n3A_3764 : memref<16384xf32, #tpu.memory_space<vmem>>[vector<16xi32>], vector<16xf32>,
      %get3A_3765 = arith.constant 5 : i32
      %get3A_3766 = arith.index_cast %get3A_3765 : i32 to index
      %get3A_3767 = arith.constant 0 : index
      %get3A_3768 = tpu.vector_load %arg6[%get3A_3766, %get3A_3767] {strides = array<i32>} : memref<64x16xf32, #tpu.memory_space<vmem>>, vector<16xf32>,
      %add3A_3769 = arith.constant 5 : i32
      %add3A_3770 = arith.addi %mul3A_14, %add3A_3769 : i32
      %add3A_3771 = vector.broadcast %add3A_3770 : i32 to vector<16xi32>
      %add3A_3772 = arith.addi %mul3A_6, %add3A_3771 : vector<16xi32>
      %ge3A_3773 = arith.cmpf oge, %get3A_3768, %max3A_3715 : vector<16xf32>
      %select_n3A_3774 = arith.select %ge3A_3773, %get3A_3768, %broadcast_in_dim3A_3 : vector<16xi1>, vector<16xf32>
      tpu.vector_store_idx %arg5[%add3A_3772], %select_n3A_3774 : memref<16384xf32, #tpu.memory_space<vmem>>[vector<16xi32>], vector<16xf32>,
      %get3A_3775 = arith.constant 6 : i32
      %get3A_3776 = arith.index_cast %get3A_3775 : i32 to index
      %get3A_3777 = arith.constant 0 : index
      %get3A_3778 = tpu.vector_load %arg6[%get3A_3776, %get3A_3777] {strides = array<i32>} : memref<64x16xf32, #tpu.memory_space<vmem>>, vector<16xf32>,
      %add3A_3779 = arith.constant 6 : i32
      %add3A_3780 = arith.addi %mul3A_14, %add3A_3779 : i32
      %add3A_3781 = vector.broadcast %add3A_3780 : i32 to vector<16xi32>
      %add3A_3782 = arith.addi %mul3A_6, %add3A_3781 : vector<16xi32>
      %ge3A_3783 = arith.cmpf oge, %get3A_3778, %max3A_3715 : vector<16xf32>
      %select_n3A_3784 = arith.select %ge3A_3783, %get3A_3778, %broadcast_in_dim3A_3 : vector<16xi1>, vector<16xf32>
      tpu.vector_store_idx %arg5[%add3A_3782], %select_n3A_3784 : memref<16384xf32, #tpu.memory_space<vmem>>[vector<16xi32>], vector<16xf32>,
      %get3A_3785 = arith.constant 7 : i32
      %get3A_3786 = arith.index_cast %get3A_3785 : i32 to index
      %get3A_3787 = arith.constant 0 : index
      %get3A_3788 = tpu.vector_load %arg6[%get3A_3786, %get3A_3787] {strides = array<i32>} : memref<64x16xf32, #tpu.memory_space<vmem>>, vector<16xf32>,
      %add3A_3789 = arith.constant 7 : i32
      %add3A_3790 = arith.addi %mul3A_14, %add3A_3789 : i32
      %add3A_3791 = vector.broadcast %add3A_3790 : i32 to vector<16xi32>
      %add3A_3792 = arith.addi %mul3A_6, %add3A_3791 : vector<16xi32>
      %ge3A_3793 = arith.cmpf oge, %get3A_3788, %max3A_3715 : vector<16xf32>
      %select_n3A_3794 = arith.select %ge3A_3793, %get3A_3788, %broadcast_in_dim3A_3 : vector<16xi1>, vector<16xf32>
      tpu.vector_store_idx %arg5[%add3A_3792], %select_n3A_3794 : memref<16384xf32, #tpu.memory_space<vmem>>[vector<16xi32>], vector<16xf32>,
      %get3A_3795 = arith.constant 8 : i32
      %get3A_3796 = arith.index_cast %get3A_3795 : i32 to index
      %get3A_3797 = arith.constant 0 : index
      %get3A_3798 = tpu.vector_load %arg6[%get3A_3796, %get3A_3797] {strides = array<i32>} : memref<64x16xf32, #tpu.memory_space<vmem>>, vector<16xf32>,
      %add3A_3799 = arith.constant 8 : i32
      %add3A_3800 = arith.addi %mul3A_14, %add3A_3799 : i32
      %add3A_3801 = vector.broadcast %add3A_3800 : i32 to vector<16xi32>
      %add3A_3802 = arith.addi %mul3A_6, %add3A_3801 : vector<16xi32>
      %ge3A_3803 = arith.cmpf oge, %get3A_3798, %max3A_3715 : vector<16xf32>
      %select_n3A_3804 = arith.select %ge3A_3803, %get3A_3798, %broadcast_in_dim3A_3 : vector<16xi1>, vector<16xf32>
      tpu.vector_store_idx %arg5[%add3A_3802], %select_n3A_3804 : memref<16384xf32, #tpu.memory_space<vmem>>[vector<16xi32>], vector<16xf32>,
      %get3A_3805 = arith.constant 9 : i32
      %get3A_3806 = arith.index_cast %get3A_3805 : i32 to index
      %get3A_3807 = arith.constant 0 : index
      %get3A_3808 = tpu.vector_load %arg6[%get3A_3806, %get3A_3807] {strides = array<i32>} : memref<64x16xf32, #tpu.memory_space<vmem>>, vector<16xf32>,
      %add3A_3809 = arith.constant 9 : i32
      %add3A_3810 = arith.addi %mul3A_14, %add3A_3809 : i32
      %add3A_3811 = vector.broadcast %add3A_3810 : i32 to vector<16xi32>
      %add3A_3812 = arith.addi %mul3A_6, %add3A_3811 : vector<16xi32>
      %ge3A_3813 = arith.cmpf oge, %get3A_3808, %max3A_3715 : vector<16xf32>
      %select_n3A_3814 = arith.select %ge3A_3813, %get3A_3808, %broadcast_in_dim3A_3 : vector<16xi1>, vector<16xf32>
      tpu.vector_store_idx %arg5[%add3A_3812], %select_n3A_3814 : memref<16384xf32, #tpu.memory_space<vmem>>[vector<16xi32>], vector<16xf32>,
      %get3A_3815 = arith.constant 10 : i32
      %get3A_3816 = arith.index_cast %get3A_3815 : i32 to index
      %get3A_3817 = arith.constant 0 : index
      %get3A_3818 = tpu.vector_load %arg6[%get3A_3816, %get3A_3817] {strides = array<i32>} : memref<64x16xf32, #tpu.memory_space<vmem>>, vector<16xf32>,
      %add3A_3819 = arith.constant 10 : i32
      %add3A_3820 = arith.addi %mul3A_14, %add3A_3819 : i32
      %add3A_3821 = vector.broadcast %add3A_3820 : i32 to vector<16xi32>
      %add3A_3822 = arith.addi %mul3A_6, %add3A_3821 : vector<16xi32>
      %ge3A_3823 = arith.cmpf oge, %get3A_3818, %max3A_3715 : vector<16xf32>
      %select_n3A_3824 = arith.select %ge3A_3823, %get3A_3818, %broadcast_in_dim3A_3 : vector<16xi1>, vector<16xf32>
      tpu.vector_store_idx %arg5[%add3A_3822], %select_n3A_3824 : memref<16384xf32, #tpu.memory_space<vmem>>[vector<16xi32>], vector<16xf32>,
      %get3A_3825 = arith.constant 11 : i32
      %get3A_3826 = arith.index_cast %get3A_3825 : i32 to index
      %get3A_3827 = arith.constant 0 : index
      %get3A_3828 = tpu.vector_load %arg6[%get3A_3826, %get3A_3827] {strides = array<i32>} : memref<64x16xf32, #tpu.memory_space<vmem>>, vector<16xf32>,
      %add3A_3829 = arith.constant 11 : i32
      %add3A_3830 = arith.addi %mul3A_14, %add3A_3829 : i32
      %add3A_3831 = vector.broadcast %add3A_3830 : i32 to vector<16xi32>
      %add3A_3832 = arith.addi %mul3A_6, %add3A_3831 : vector<16xi32>
      %ge3A_3833 = arith.cmpf oge, %get3A_3828, %max3A_3715 : vector<16xf32>
      %select_n3A_3834 = arith.select %ge3A_3833, %get3A_3828, %broadcast_in_dim3A_3 : vector<16xi1>, vector<16xf32>
      tpu.vector_store_idx %arg5[%add3A_3832], %select_n3A_3834 : memref<16384xf32, #tpu.memory_space<vmem>>[vector<16xi32>], vector<16xf32>,
      %get3A_3835 = arith.constant 12 : i32
      %get3A_3836 = arith.index_cast %get3A_3835 : i32 to index
      %get3A_3837 = arith.constant 0 : index
      %get3A_3838 = tpu.vector_load %arg6[%get3A_3836, %get3A_3837] {strides = array<i32>} : memref<64x16xf32, #tpu.memory_space<vmem>>, vector<16xf32>,
      %add3A_3839 = arith.constant 12 : i32
      %add3A_3840 = arith.addi %mul3A_14, %add3A_3839 : i32
      %add3A_3841 = vector.broadcast %add3A_3840 : i32 to vector<16xi32>
      %add3A_3842 = arith.addi %mul3A_6, %add3A_3841 : vector<16xi32>
      %ge3A_3843 = arith.cmpf oge, %get3A_3838, %max3A_3715 : vector<16xf32>
      %select_n3A_3844 = arith.select %ge3A_3843, %get3A_3838, %broadcast_in_dim3A_3 : vector<16xi1>, vector<16xf32>
      tpu.vector_store_idx %arg5[%add3A_3842], %select_n3A_3844 : memref<16384xf32, #tpu.memory_space<vmem>>[vector<16xi32>], vector<16xf32>,
      %get3A_3845 = arith.constant 13 : i32
      %get3A_3846 = arith.index_cast %get3A_3845 : i32 to index
      %get3A_3847 = arith.constant 0 : index
      %get3A_3848 = tpu.vector_load %arg6[%get3A_3846, %get3A_3847] {strides = array<i32>} : memref<64x16xf32, #tpu.memory_space<vmem>>, vector<16xf32>,
      %add3A_3849 = arith.constant 13 : i32
      %add3A_3850 = arith.addi %mul3A_14, %add3A_3849 : i32
      %add3A_3851 = vector.broadcast %add3A_3850 : i32 to vector<16xi32>
      %add3A_3852 = arith.addi %mul3A_6, %add3A_3851 : vector<16xi32>
      %ge3A_3853 = arith.cmpf oge, %get3A_3848, %max3A_3715 : vector<16xf32>
      %select_n3A_3854 = arith.select %ge3A_3853, %get3A_3848, %broadcast_in_dim3A_3 : vector<16xi1>, vector<16xf32>
      tpu.vector_store_idx %arg5[%add3A_3852], %select_n3A_3854 : memref<16384xf32, #tpu.memory_space<vmem>>[vector<16xi32>], vector<16xf32>,
      %get3A_3855 = arith.constant 14 : i32
      %get3A_3856 = arith.index_cast %get3A_3855 : i32 to index
      %get3A_3857 = arith.constant 0 : index
      %get3A_3858 = tpu.vector_load %arg6[%get3A_3856, %get3A_3857] {strides = array<i32>} : memref<64x16xf32, #tpu.memory_space<vmem>>, vector<16xf32>,
      %add3A_3859 = arith.constant 14 : i32
      %add3A_3860 = arith.addi %mul3A_14, %add3A_3859 : i32
      %add3A_3861 = vector.broadcast %add3A_3860 : i32 to vector<16xi32>
      %add3A_3862 = arith.addi %mul3A_6, %add3A_3861 : vector<16xi32>
      %ge3A_3863 = arith.cmpf oge, %get3A_3858, %max3A_3715 : vector<16xf32>
      %select_n3A_3864 = arith.select %ge3A_3863, %get3A_3858, %broadcast_in_dim3A_3 : vector<16xi1>, vector<16xf32>
      tpu.vector_store_idx %arg5[%add3A_3862], %select_n3A_3864 : memref<16384xf32, #tpu.memory_space<vmem>>[vector<16xi32>], vector<16xf32>,
      %get3A_3865 = arith.constant 15 : i32
      %get3A_3866 = arith.index_cast %get3A_3865 : i32 to index
      %get3A_3867 = arith.constant 0 : index
      %get3A_3868 = tpu.vector_load %arg6[%get3A_3866, %get3A_3867] {strides = array<i32>} : memref<64x16xf32, #tpu.memory_space<vmem>>, vector<16xf32>,
      %add3A_3869 = arith.constant 15 : i32
      %add3A_3870 = arith.addi %mul3A_14, %add3A_3869 : i32
      %add3A_3871 = vector.broadcast %add3A_3870 : i32 to vector<16xi32>
      %add3A_3872 = arith.addi %mul3A_6, %add3A_3871 : vector<16xi32>
      %ge3A_3873 = arith.cmpf oge, %get3A_3868, %max3A_3715 : vector<16xf32>
      %select_n3A_3874 = arith.select %ge3A_3873, %get3A_3868, %broadcast_in_dim3A_3 : vector<16xi1>, vector<16xf32>
      tpu.vector_store_idx %arg5[%add3A_3872], %select_n3A_3874 : memref<16384xf32, #tpu.memory_space<vmem>>[vector<16xi32>], vector<16xf32>,
      %get3A_3875 = arith.constant 16 : i32
      %get3A_3876 = arith.index_cast %get3A_3875 : i32 to index
      %get3A_3877 = arith.constant 0 : index
      %get3A_3878 = tpu.vector_load %arg6[%get3A_3876, %get3A_3877] {strides = array<i32>} : memref<64x16xf32, #tpu.memory_space<vmem>>, vector<16xf32>,
      %add3A_3879 = arith.constant 16 : i32
      %add3A_3880 = arith.addi %mul3A_14, %add3A_3879 : i32
      %add3A_3881 = vector.broadcast %add3A_3880 : i32 to vector<16xi32>
      %add3A_3882 = arith.addi %mul3A_6, %add3A_3881 : vector<16xi32>
      %ge3A_3883 = arith.cmpf oge, %get3A_3878, %max3A_3715 : vector<16xf32>
      %select_n3A_3884 = arith.select %ge3A_3883, %get3A_3878, %broadcast_in_dim3A_3 : vector<16xi1>, vector<16xf32>
      tpu.vector_store_idx %arg5[%add3A_3882], %select_n3A_3884 : memref<16384xf32, #tpu.memory_space<vmem>>[vector<16xi32>], vector<16xf32>,
      %get3A_3885 = arith.constant 17 : i32
      %get3A_3886 = arith.index_cast %get3A_3885 : i32 to index
      %get3A_3887 = arith.constant 0 : index
      %get3A_3888 = tpu.vector_load %arg6[%get3A_3886, %get3A_3887] {strides = array<i32>} : memref<64x16xf32, #tpu.memory_space<vmem>>, vector<16xf32>,
      %add3A_3889 = arith.constant 17 : i32
      %add3A_3890 = arith.addi %mul3A_14, %add3A_3889 : i32
      %add3A_3891 = vector.broadcast %add3A_3890 : i32 to vector<16xi32>
      %add3A_3892 = arith.addi %mul3A_6, %add3A_3891 : vector<16xi32>
      %ge3A_3893 = arith.cmpf oge, %get3A_3888, %max3A_3715 : vector<16xf32>
      %select_n3A_3894 = arith.select %ge3A_3893, %get3A_3888, %broadcast_in_dim3A_3 : vector<16xi1>, vector<16xf32>
      tpu.vector_store_idx %arg5[%add3A_3892], %select_n3A_3894 : memref<16384xf32, #tpu.memory_space<vmem>>[vector<16xi32>], vector<16xf32>,
      %get3A_3895 = arith.constant 18 : i32
      %get3A_3896 = arith.index_cast %get3A_3895 : i32 to index
      %get3A_3897 = arith.constant 0 : index
      %get3A_3898 = tpu.vector_load %arg6[%get3A_3896, %get3A_3897] {strides = array<i32>} : memref<64x16xf32, #tpu.memory_space<vmem>>, vector<16xf32>,
      %add3A_3899 = arith.constant 18 : i32
      %add3A_3900 = arith.addi %mul3A_14, %add3A_3899 : i32
      %add3A_3901 = vector.broadcast %add3A_3900 : i32 to vector<16xi32>
      %add3A_3902 = arith.addi %mul3A_6, %add3A_3901 : vector<16xi32>
      %ge3A_3903 = arith.cmpf oge, %get3A_3898, %max3A_3715 : vector<16xf32>
      %select_n3A_3904 = arith.select %ge3A_3903, %get3A_3898, %broadcast_in_dim3A_3 : vector<16xi1>, vector<16xf32>
      tpu.vector_store_idx %arg5[%add3A_3902], %select_n3A_3904 : memref<16384xf32, #tpu.memory_space<vmem>>[vector<16xi32>], vector<16xf32>,
      %get3A_3905 = arith.constant 19 : i32
      %get3A_3906 = arith.index_cast %get3A_3905 : i32 to index
      %get3A_3907 = arith.constant 0 : index
      %get3A_3908 = tpu.vector_load %arg6[%get3A_3906, %get3A_3907] {strides = array<i32>} : memref<64x16xf32, #tpu.memory_space<vmem>>, vector<16xf32>,
      %add3A_3909 = arith.constant 19 : i32
      %add3A_3910 = arith.addi %mul3A_14, %add3A_3909 : i32
      %add3A_3911 = vector.broadcast %add3A_3910 : i32 to vector<16xi32>
      %add3A_3912 = arith.addi %mul3A_6, %add3A_3911 : vector<16xi32>
      %ge3A_3913 = arith.cmpf oge, %get3A_3908, %max3A_3715 : vector<16xf32>
      %select_n3A_3914 = arith.select %ge3A_3913, %get3A_3908, %broadcast_in_dim3A_3 : vector<16xi1>, vector<16xf32>
      tpu.vector_store_idx %arg5[%add3A_3912], %select_n3A_3914 : memref<16384xf32, #tpu.memory_space<vmem>>[vector<16xi32>], vector<16xf32>,
      %get3A_3915 = arith.constant 20 : i32
      %get3A_3916 = arith.index_cast %get3A_3915 : i32 to index
      %get3A_3917 = arith.constant 0 : index
      %get3A_3918 = tpu.vector_load %arg6[%get3A_3916, %get3A_3917] {strides = array<i32>} : memref<64x16xf32, #tpu.memory_space<vmem>>, vector<16xf32>,
      %add3A_3919 = arith.constant 20 : i32
      %add3A_3920 = arith.addi %mul3A_14, %add3A_3919 : i32
      %add3A_3921 = vector.broadcast %add3A_3920 : i32 to vector<16xi32>
      %add3A_3922 = arith.addi %mul3A_6, %add3A_3921 : vector<16xi32>
      %ge3A_3923 = arith.cmpf oge, %get3A_3918, %max3A_3715 : vector<16xf32>
      %select_n3A_3924 = arith.select %ge3A_3923, %get3A_3918, %broadcast_in_dim3A_3 : vector<16xi1>, vector<16xf32>
      tpu.vector_store_idx %arg5[%add3A_3922], %select_n3A_3924 : memref<16384xf32, #tpu.memory_space<vmem>>[vector<16xi32>], vector<16xf32>,
      %get3A_3925 = arith.constant 21 : i32
      %get3A_3926 = arith.index_cast %get3A_3925 : i32 to index
      %get3A_3927 = arith.constant 0 : index
      %get3A_3928 = tpu.vector_load %arg6[%get3A_3926, %get3A_3927] {strides = array<i32>} : memref<64x16xf32, #tpu.memory_space<vmem>>, vector<16xf32>,
      %add3A_3929 = arith.constant 21 : i32
      %add3A_3930 = arith.addi %mul3A_14, %add3A_3929 : i32
      %add3A_3931 = vector.broadcast %add3A_3930 : i32 to vector<16xi32>
      %add3A_3932 = arith.addi %mul3A_6, %add3A_3931 : vector<16xi32>
      %ge3A_3933 = arith.cmpf oge, %get3A_3928, %max3A_3715 : vector<16xf32>
      %select_n3A_3934 = arith.select %ge3A_3933, %get3A_3928, %broadcast_in_dim3A_3 : vector<16xi1>, vector<16xf32>
      tpu.vector_store_idx %arg5[%add3A_3932], %select_n3A_3934 : memref<16384xf32, #tpu.memory_space<vmem>>[vector<16xi32>], vector<16xf32>,
      %get3A_3935 = arith.constant 22 : i32
      %get3A_3936 = arith.index_cast %get3A_3935 : i32 to index
      %get3A_3937 = arith.constant 0 : index
      %get3A_3938 = tpu.vector_load %arg6[%get3A_3936, %get3A_3937] {strides = array<i32>} : memref<64x16xf32, #tpu.memory_space<vmem>>, vector<16xf32>,
      %add3A_3939 = arith.constant 22 : i32
      %add3A_3940 = arith.addi %mul3A_14, %add3A_3939 : i32
      %add3A_3941 = vector.broadcast %add3A_3940 : i32 to vector<16xi32>
      %add3A_3942 = arith.addi %mul3A_6, %add3A_3941 : vector<16xi32>
      %ge3A_3943 = arith.cmpf oge, %get3A_3938, %max3A_3715 : vector<16xf32>
      %select_n3A_3944 = arith.select %ge3A_3943, %get3A_3938, %broadcast_in_dim3A_3 : vector<16xi1>, vector<16xf32>
      tpu.vector_store_idx %arg5[%add3A_3942], %select_n3A_3944 : memref<16384xf32, #tpu.memory_space<vmem>>[vector<16xi32>], vector<16xf32>,
      %get3A_3945 = arith.constant 23 : i32
      %get3A_3946 = arith.index_cast %get3A_3945 : i32 to index
      %get3A_3947 = arith.constant 0 : index
      %get3A_3948 = tpu.vector_load %arg6[%get3A_3946, %get3A_3947] {strides = array<i32>} : memref<64x16xf32, #tpu.memory_space<vmem>>, vector<16xf32>,
      %add3A_3949 = arith.constant 23 : i32
      %add3A_3950 = arith.addi %mul3A_14, %add3A_3949 : i32
      %add3A_3951 = vector.broadcast %add3A_3950 : i32 to vector<16xi32>
      %add3A_3952 = arith.addi %mul3A_6, %add3A_3951 : vector<16xi32>
      %ge3A_3953 = arith.cmpf oge, %get3A_3948, %max3A_3715 : vector<16xf32>
      %select_n3A_3954 = arith.select %ge3A_3953, %get3A_3948, %broadcast_in_dim3A_3 : vector<16xi1>, vector<16xf32>
      tpu.vector_store_idx %arg5[%add3A_3952], %select_n3A_3954 : memref<16384xf32, #tpu.memory_space<vmem>>[vector<16xi32>], vector<16xf32>,
      %get3A_3955 = arith.constant 24 : i32
      %get3A_3956 = arith.index_cast %get3A_3955 : i32 to index
      %get3A_3957 = arith.constant 0 : index
      %get3A_3958 = tpu.vector_load %arg6[%get3A_3956, %get3A_3957] {strides = array<i32>} : memref<64x16xf32, #tpu.memory_space<vmem>>, vector<16xf32>,
      %add3A_3959 = arith.constant 24 : i32
      %add3A_3960 = arith.addi %mul3A_14, %add3A_3959 : i32
      %add3A_3961 = vector.broadcast %add3A_3960 : i32 to vector<16xi32>
      %add3A_3962 = arith.addi %mul3A_6, %add3A_3961 : vector<16xi32>
      %ge3A_3963 = arith.cmpf oge, %get3A_3958, %max3A_3715 : vector<16xf32>
      %select_n3A_3964 = arith.select %ge3A_3963, %get3A_3958, %broadcast_in_dim3A_3 : vector<16xi1>, vector<16xf32>
      tpu.vector_store_idx %arg5[%add3A_3962], %select_n3A_3964 : memref<16384xf32, #tpu.memory_space<vmem>>[vector<16xi32>], vector<16xf32>,
      %get3A_3965 = arith.constant 25 : i32
      %get3A_3966 = arith.index_cast %get3A_3965 : i32 to index
      %get3A_3967 = arith.constant 0 : index
      %get3A_3968 = tpu.vector_load %arg6[%get3A_3966, %get3A_3967] {strides = array<i32>} : memref<64x16xf32, #tpu.memory_space<vmem>>, vector<16xf32>,
      %add3A_3969 = arith.constant 25 : i32
      %add3A_3970 = arith.addi %mul3A_14, %add3A_3969 : i32
      %add3A_3971 = vector.broadcast %add3A_3970 : i32 to vector<16xi32>
      %add3A_3972 = arith.addi %mul3A_6, %add3A_3971 : vector<16xi32>
      %ge3A_3973 = arith.cmpf oge, %get3A_3968, %max3A_3715 : vector<16xf32>
      %select_n3A_3974 = arith.select %ge3A_3973, %get3A_3968, %broadcast_in_dim3A_3 : vector<16xi1>, vector<16xf32>
      tpu.vector_store_idx %arg5[%add3A_3972], %select_n3A_3974 : memref<16384xf32, #tpu.memory_space<vmem>>[vector<16xi32>], vector<16xf32>,
      %get3A_3975 = arith.constant 26 : i32
      %get3A_3976 = arith.index_cast %get3A_3975 : i32 to index
      %get3A_3977 = arith.constant 0 : index
      %get3A_3978 = tpu.vector_load %arg6[%get3A_3976, %get3A_3977] {strides = array<i32>} : memref<64x16xf32, #tpu.memory_space<vmem>>, vector<16xf32>,
      %add3A_3979 = arith.constant 26 : i32
      %add3A_3980 = arith.addi %mul3A_14, %add3A_3979 : i32
      %add3A_3981 = vector.broadcast %add3A_3980 : i32 to vector<16xi32>
      %add3A_3982 = arith.addi %mul3A_6, %add3A_3981 : vector<16xi32>
      %ge3A_3983 = arith.cmpf oge, %get3A_3978, %max3A_3715 : vector<16xf32>
      %select_n3A_3984 = arith.select %ge3A_3983, %get3A_3978, %broadcast_in_dim3A_3 : vector<16xi1>, vector<16xf32>
      tpu.vector_store_idx %arg5[%add3A_3982], %select_n3A_3984 : memref<16384xf32, #tpu.memory_space<vmem>>[vector<16xi32>], vector<16xf32>,
      %get3A_3985 = arith.constant 27 : i32
      %get3A_3986 = arith.index_cast %get3A_3985 : i32 to index
      %get3A_3987 = arith.constant 0 : index
      %get3A_3988 = tpu.vector_load %arg6[%get3A_3986, %get3A_3987] {strides = array<i32>} : memref<64x16xf32, #tpu.memory_space<vmem>>, vector<16xf32>,
      %add3A_3989 = arith.constant 27 : i32
      %add3A_3990 = arith.addi %mul3A_14, %add3A_3989 : i32
      %add3A_3991 = vector.broadcast %add3A_3990 : i32 to vector<16xi32>
      %add3A_3992 = arith.addi %mul3A_6, %add3A_3991 : vector<16xi32>
      %ge3A_3993 = arith.cmpf oge, %get3A_3988, %max3A_3715 : vector<16xf32>
      %select_n3A_3994 = arith.select %ge3A_3993, %get3A_3988, %broadcast_in_dim3A_3 : vector<16xi1>, vector<16xf32>
      tpu.vector_store_idx %arg5[%add3A_3992], %select_n3A_3994 : memref<16384xf32, #tpu.memory_space<vmem>>[vector<16xi32>], vector<16xf32>,
      %get3A_3995 = arith.constant 28 : i32
      %get3A_3996 = arith.index_cast %get3A_3995 : i32 to index
      %get3A_3997 = arith.constant 0 : index
      %get3A_3998 = tpu.vector_load %arg6[%get3A_3996, %get3A_3997] {strides = array<i32>} : memref<64x16xf32, #tpu.memory_space<vmem>>, vector<16xf32>,
      %add3A_3999 = arith.constant 28 : i32
      %add3A_4000 = arith.addi %mul3A_14, %add3A_3999 : i32
      %add3A_4001 = vector.broadcast %add3A_4000 : i32 to vector<16xi32>
      %add3A_4002 = arith.addi %mul3A_6, %add3A_4001 : vector<16xi32>
      %ge3A_4003 = arith.cmpf oge, %get3A_3998, %max3A_3715 : vector<16xf32>
      %select_n3A_4004 = arith.select %ge3A_4003, %get3A_3998, %broadcast_in_dim3A_3 : vector<16xi1>, vector<16xf32>
      tpu.vector_store_idx %arg5[%add3A_4002], %select_n3A_4004 : memref<16384xf32, #tpu.memory_space<vmem>>[vector<16xi32>], vector<16xf32>,
      %get3A_4005 = arith.constant 29 : i32
      %get3A_4006 = arith.index_cast %get3A_4005 : i32 to index
      %get3A_4007 = arith.constant 0 : index
      %get3A_4008 = tpu.vector_load %arg6[%get3A_4006, %get3A_4007] {strides = array<i32>} : memref<64x16xf32, #tpu.memory_space<vmem>>, vector<16xf32>,
      %add3A_4009 = arith.constant 29 : i32
      %add3A_4010 = arith.addi %mul3A_14, %add3A_4009 : i32
      %add3A_4011 = vector.broadcast %add3A_4010 : i32 to vector<16xi32>
      %add3A_4012 = arith.addi %mul3A_6, %add3A_4011 : vector<16xi32>
      %ge3A_4013 = arith.cmpf oge, %get3A_4008, %max3A_3715 : vector<16xf32>
      %select_n3A_4014 = arith.select %ge3A_4013, %get3A_4008, %broadcast_in_dim3A_3 : vector<16xi1>, vector<16xf32>
      tpu.vector_store_idx %arg5[%add3A_4012], %select_n3A_4014 : memref<16384xf32, #tpu.memory_space<vmem>>[vector<16xi32>], vector<16xf32>,
      %get3A_4015 = arith.constant 30 : i32
      %get3A_4016 = arith.index_cast %get3A_4015 : i32 to index
      %get3A_4017 = arith.constant 0 : index
      %get3A_4018 = tpu.vector_load %arg6[%get3A_4016, %get3A_4017] {strides = array<i32>} : memref<64x16xf32, #tpu.memory_space<vmem>>, vector<16xf32>,
      %add3A_4019 = arith.constant 30 : i32
      %add3A_4020 = arith.addi %mul3A_14, %add3A_4019 : i32
      %add3A_4021 = vector.broadcast %add3A_4020 : i32 to vector<16xi32>
      %add3A_4022 = arith.addi %mul3A_6, %add3A_4021 : vector<16xi32>
      %ge3A_4023 = arith.cmpf oge, %get3A_4018, %max3A_3715 : vector<16xf32>
      %select_n3A_4024 = arith.select %ge3A_4023, %get3A_4018, %broadcast_in_dim3A_3 : vector<16xi1>, vector<16xf32>
      tpu.vector_store_idx %arg5[%add3A_4022], %select_n3A_4024 : memref<16384xf32, #tpu.memory_space<vmem>>[vector<16xi32>], vector<16xf32>,
      %get3A_4025 = arith.constant 31 : i32
      %get3A_4026 = arith.index_cast %get3A_4025 : i32 to index
      %get3A_4027 = arith.constant 0 : index
      %get3A_4028 = tpu.vector_load %arg6[%get3A_4026, %get3A_4027] {strides = array<i32>} : memref<64x16xf32, #tpu.memory_space<vmem>>, vector<16xf32>,
      %add3A_4029 = arith.constant 31 : i32
      %add3A_4030 = arith.addi %mul3A_14, %add3A_4029 : i32
      %add3A_4031 = vector.broadcast %add3A_4030 : i32 to vector<16xi32>
      %add3A_4032 = arith.addi %mul3A_6, %add3A_4031 : vector<16xi32>
      %ge3A_4033 = arith.cmpf oge, %get3A_4028, %max3A_3715 : vector<16xf32>
      %select_n3A_4034 = arith.select %ge3A_4033, %get3A_4028, %broadcast_in_dim3A_3 : vector<16xi1>, vector<16xf32>
      tpu.vector_store_idx %arg5[%add3A_4032], %select_n3A_4034 : memref<16384xf32, #tpu.memory_space<vmem>>[vector<16xi32>], vector<16xf32>,
      %get3A_4035 = arith.constant 32 : i32
      %get3A_4036 = arith.index_cast %get3A_4035 : i32 to index
      %get3A_4037 = arith.constant 0 : index
      %get3A_4038 = tpu.vector_load %arg6[%get3A_4036, %get3A_4037] {strides = array<i32>} : memref<64x16xf32, #tpu.memory_space<vmem>>, vector<16xf32>,
      %add3A_4039 = arith.constant 32 : i32
      %add3A_4040 = arith.addi %mul3A_14, %add3A_4039 : i32
      %add3A_4041 = vector.broadcast %add3A_4040 : i32 to vector<16xi32>
      %add3A_4042 = arith.addi %mul3A_6, %add3A_4041 : vector<16xi32>
      %ge3A_4043 = arith.cmpf oge, %get3A_4038, %max3A_3715 : vector<16xf32>
      %select_n3A_4044 = arith.select %ge3A_4043, %get3A_4038, %broadcast_in_dim3A_3 : vector<16xi1>, vector<16xf32>
      tpu.vector_store_idx %arg5[%add3A_4042], %select_n3A_4044 : memref<16384xf32, #tpu.memory_space<vmem>>[vector<16xi32>], vector<16xf32>,
      %get3A_4045 = arith.constant 33 : i32
      %get3A_4046 = arith.index_cast %get3A_4045 : i32 to index
      %get3A_4047 = arith.constant 0 : index
      %get3A_4048 = tpu.vector_load %arg6[%get3A_4046, %get3A_4047] {strides = array<i32>} : memref<64x16xf32, #tpu.memory_space<vmem>>, vector<16xf32>,
      %add3A_4049 = arith.constant 33 : i32
      %add3A_4050 = arith.addi %mul3A_14, %add3A_4049 : i32
      %add3A_4051 = vector.broadcast %add3A_4050 : i32 to vector<16xi32>
      %add3A_4052 = arith.addi %mul3A_6, %add3A_4051 : vector<16xi32>
      %ge3A_4053 = arith.cmpf oge, %get3A_4048, %max3A_3715 : vector<16xf32>
      %select_n3A_4054 = arith.select %ge3A_4053, %get3A_4048, %broadcast_in_dim3A_3 : vector<16xi1>, vector<16xf32>
      tpu.vector_store_idx %arg5[%add3A_4052], %select_n3A_4054 : memref<16384xf32, #tpu.memory_space<vmem>>[vector<16xi32>], vector<16xf32>,
      %get3A_4055 = arith.constant 34 : i32
      %get3A_4056 = arith.index_cast %get3A_4055 : i32 to index
      %get3A_4057 = arith.constant 0 : index
      %get3A_4058 = tpu.vector_load %arg6[%get3A_4056, %get3A_4057] {strides = array<i32>} : memref<64x16xf32, #tpu.memory_space<vmem>>, vector<16xf32>,
      %add3A_4059 = arith.constant 34 : i32
      %add3A_4060 = arith.addi %mul3A_14, %add3A_4059 : i32
      %add3A_4061 = vector.broadcast %add3A_4060 : i32 to vector<16xi32>
      %add3A_4062 = arith.addi %mul3A_6, %add3A_4061 : vector<16xi32>
      %ge3A_4063 = arith.cmpf oge, %get3A_4058, %max3A_3715 : vector<16xf32>
      %select_n3A_4064 = arith.select %ge3A_4063, %get3A_4058, %broadcast_in_dim3A_3 : vector<16xi1>, vector<16xf32>
      tpu.vector_store_idx %arg5[%add3A_4062], %select_n3A_4064 : memref<16384xf32, #tpu.memory_space<vmem>>[vector<16xi32>], vector<16xf32>,
      %get3A_4065 = arith.constant 35 : i32
      %get3A_4066 = arith.index_cast %get3A_4065 : i32 to index
      %get3A_4067 = arith.constant 0 : index
      %get3A_4068 = tpu.vector_load %arg6[%get3A_4066, %get3A_4067] {strides = array<i32>} : memref<64x16xf32, #tpu.memory_space<vmem>>, vector<16xf32>,
      %add3A_4069 = arith.constant 35 : i32
      %add3A_4070 = arith.addi %mul3A_14, %add3A_4069 : i32
      %add3A_4071 = vector.broadcast %add3A_4070 : i32 to vector<16xi32>
      %add3A_4072 = arith.addi %mul3A_6, %add3A_4071 : vector<16xi32>
      %ge3A_4073 = arith.cmpf oge, %get3A_4068, %max3A_3715 : vector<16xf32>
      %select_n3A_4074 = arith.select %ge3A_4073, %get3A_4068, %broadcast_in_dim3A_3 : vector<16xi1>, vector<16xf32>
      tpu.vector_store_idx %arg5[%add3A_4072], %select_n3A_4074 : memref<16384xf32, #tpu.memory_space<vmem>>[vector<16xi32>], vector<16xf32>,
      %get3A_4075 = arith.constant 36 : i32
      %get3A_4076 = arith.index_cast %get3A_4075 : i32 to index
      %get3A_4077 = arith.constant 0 : index
      %get3A_4078 = tpu.vector_load %arg6[%get3A_4076, %get3A_4077] {strides = array<i32>} : memref<64x16xf32, #tpu.memory_space<vmem>>, vector<16xf32>,
      %add3A_4079 = arith.constant 36 : i32
      %add3A_4080 = arith.addi %mul3A_14, %add3A_4079 : i32
      %add3A_4081 = vector.broadcast %add3A_4080 : i32 to vector<16xi32>
      %add3A_4082 = arith.addi %mul3A_6, %add3A_4081 : vector<16xi32>
      %ge3A_4083 = arith.cmpf oge, %get3A_4078, %max3A_3715 : vector<16xf32>
      %select_n3A_4084 = arith.select %ge3A_4083, %get3A_4078, %broadcast_in_dim3A_3 : vector<16xi1>, vector<16xf32>
      tpu.vector_store_idx %arg5[%add3A_4082], %select_n3A_4084 : memref<16384xf32, #tpu.memory_space<vmem>>[vector<16xi32>], vector<16xf32>,
      %get3A_4085 = arith.constant 37 : i32
      %get3A_4086 = arith.index_cast %get3A_4085 : i32 to index
      %get3A_4087 = arith.constant 0 : index
      %get3A_4088 = tpu.vector_load %arg6[%get3A_4086, %get3A_4087] {strides = array<i32>} : memref<64x16xf32, #tpu.memory_space<vmem>>, vector<16xf32>,
      %add3A_4089 = arith.constant 37 : i32
      %add3A_4090 = arith.addi %mul3A_14, %add3A_4089 : i32
      %add3A_4091 = vector.broadcast %add3A_4090 : i32 to vector<16xi32>
      %add3A_4092 = arith.addi %mul3A_6, %add3A_4091 : vector<16xi32>
      %ge3A_4093 = arith.cmpf oge, %get3A_4088, %max3A_3715 : vector<16xf32>
      %select_n3A_4094 = arith.select %ge3A_4093, %get3A_4088, %broadcast_in_dim3A_3 : vector<16xi1>, vector<16xf32>
      tpu.vector_store_idx %arg5[%add3A_4092], %select_n3A_4094 : memref<16384xf32, #tpu.memory_space<vmem>>[vector<16xi32>], vector<16xf32>,
      %get3A_4095 = arith.constant 38 : i32
      %get3A_4096 = arith.index_cast %get3A_4095 : i32 to index
      %get3A_4097 = arith.constant 0 : index
      %get3A_4098 = tpu.vector_load %arg6[%get3A_4096, %get3A_4097] {strides = array<i32>} : memref<64x16xf32, #tpu.memory_space<vmem>>, vector<16xf32>,
      %add3A_4099 = arith.constant 38 : i32
      %add3A_4100 = arith.addi %mul3A_14, %add3A_4099 : i32
      %add3A_4101 = vector.broadcast %add3A_4100 : i32 to vector<16xi32>
      %add3A_4102 = arith.addi %mul3A_6, %add3A_4101 : vector<16xi32>
      %ge3A_4103 = arith.cmpf oge, %get3A_4098, %max3A_3715 : vector<16xf32>
      %select_n3A_4104 = arith.select %ge3A_4103, %get3A_4098, %broadcast_in_dim3A_3 : vector<16xi1>, vector<16xf32>
      tpu.vector_store_idx %arg5[%add3A_4102], %select_n3A_4104 : memref<16384xf32, #tpu.memory_space<vmem>>[vector<16xi32>], vector<16xf32>,
      %get3A_4105 = arith.constant 39 : i32
      %get3A_4106 = arith.index_cast %get3A_4105 : i32 to index
      %get3A_4107 = arith.constant 0 : index
      %get3A_4108 = tpu.vector_load %arg6[%get3A_4106, %get3A_4107] {strides = array<i32>} : memref<64x16xf32, #tpu.memory_space<vmem>>, vector<16xf32>,
      %add3A_4109 = arith.constant 39 : i32
      %add3A_4110 = arith.addi %mul3A_14, %add3A_4109 : i32
      %add3A_4111 = vector.broadcast %add3A_4110 : i32 to vector<16xi32>
      %add3A_4112 = arith.addi %mul3A_6, %add3A_4111 : vector<16xi32>
      %ge3A_4113 = arith.cmpf oge, %get3A_4108, %max3A_3715 : vector<16xf32>
      %select_n3A_4114 = arith.select %ge3A_4113, %get3A_4108, %broadcast_in_dim3A_3 : vector<16xi1>, vector<16xf32>
      tpu.vector_store_idx %arg5[%add3A_4112], %select_n3A_4114 : memref<16384xf32, #tpu.memory_space<vmem>>[vector<16xi32>], vector<16xf32>,
      %get3A_4115 = arith.constant 40 : i32
      %get3A_4116 = arith.index_cast %get3A_4115 : i32 to index
      %get3A_4117 = arith.constant 0 : index
      %get3A_4118 = tpu.vector_load %arg6[%get3A_4116, %get3A_4117] {strides = array<i32>} : memref<64x16xf32, #tpu.memory_space<vmem>>, vector<16xf32>,
      %add3A_4119 = arith.constant 40 : i32
      %add3A_4120 = arith.addi %mul3A_14, %add3A_4119 : i32
      %add3A_4121 = vector.broadcast %add3A_4120 : i32 to vector<16xi32>
      %add3A_4122 = arith.addi %mul3A_6, %add3A_4121 : vector<16xi32>
      %ge3A_4123 = arith.cmpf oge, %get3A_4118, %max3A_3715 : vector<16xf32>
      %select_n3A_4124 = arith.select %ge3A_4123, %get3A_4118, %broadcast_in_dim3A_3 : vector<16xi1>, vector<16xf32>
      tpu.vector_store_idx %arg5[%add3A_4122], %select_n3A_4124 : memref<16384xf32, #tpu.memory_space<vmem>>[vector<16xi32>], vector<16xf32>,
      %get3A_4125 = arith.constant 41 : i32
      %get3A_4126 = arith.index_cast %get3A_4125 : i32 to index
      %get3A_4127 = arith.constant 0 : index
      %get3A_4128 = tpu.vector_load %arg6[%get3A_4126, %get3A_4127] {strides = array<i32>} : memref<64x16xf32, #tpu.memory_space<vmem>>, vector<16xf32>,
      %add3A_4129 = arith.constant 41 : i32
      %add3A_4130 = arith.addi %mul3A_14, %add3A_4129 : i32
      %add3A_4131 = vector.broadcast %add3A_4130 : i32 to vector<16xi32>
      %add3A_4132 = arith.addi %mul3A_6, %add3A_4131 : vector<16xi32>
      %ge3A_4133 = arith.cmpf oge, %get3A_4128, %max3A_3715 : vector<16xf32>
      %select_n3A_4134 = arith.select %ge3A_4133, %get3A_4128, %broadcast_in_dim3A_3 : vector<16xi1>, vector<16xf32>
      tpu.vector_store_idx %arg5[%add3A_4132], %select_n3A_4134 : memref<16384xf32, #tpu.memory_space<vmem>>[vector<16xi32>], vector<16xf32>,
      %get3A_4135 = arith.constant 42 : i32
      %get3A_4136 = arith.index_cast %get3A_4135 : i32 to index
      %get3A_4137 = arith.constant 0 : index
      %get3A_4138 = tpu.vector_load %arg6[%get3A_4136, %get3A_4137] {strides = array<i32>} : memref<64x16xf32, #tpu.memory_space<vmem>>, vector<16xf32>,
      %add3A_4139 = arith.constant 42 : i32
      %add3A_4140 = arith.addi %mul3A_14, %add3A_4139 : i32
      %add3A_4141 = vector.broadcast %add3A_4140 : i32 to vector<16xi32>
      %add3A_4142 = arith.addi %mul3A_6, %add3A_4141 : vector<16xi32>
      %ge3A_4143 = arith.cmpf oge, %get3A_4138, %max3A_3715 : vector<16xf32>
      %select_n3A_4144 = arith.select %ge3A_4143, %get3A_4138, %broadcast_in_dim3A_3 : vector<16xi1>, vector<16xf32>
      tpu.vector_store_idx %arg5[%add3A_4142], %select_n3A_4144 : memref<16384xf32, #tpu.memory_space<vmem>>[vector<16xi32>], vector<16xf32>,
      %get3A_4145 = arith.constant 43 : i32
      %get3A_4146 = arith.index_cast %get3A_4145 : i32 to index
      %get3A_4147 = arith.constant 0 : index
      %get3A_4148 = tpu.vector_load %arg6[%get3A_4146, %get3A_4147] {strides = array<i32>} : memref<64x16xf32, #tpu.memory_space<vmem>>, vector<16xf32>,
      %add3A_4149 = arith.constant 43 : i32
      %add3A_4150 = arith.addi %mul3A_14, %add3A_4149 : i32
      %add3A_4151 = vector.broadcast %add3A_4150 : i32 to vector<16xi32>
      %add3A_4152 = arith.addi %mul3A_6, %add3A_4151 : vector<16xi32>
      %ge3A_4153 = arith.cmpf oge, %get3A_4148, %max3A_3715 : vector<16xf32>
      %select_n3A_4154 = arith.select %ge3A_4153, %get3A_4148, %broadcast_in_dim3A_3 : vector<16xi1>, vector<16xf32>
      tpu.vector_store_idx %arg5[%add3A_4152], %select_n3A_4154 : memref<16384xf32, #tpu.memory_space<vmem>>[vector<16xi32>], vector<16xf32>,
      %get3A_4155 = arith.constant 44 : i32
      %get3A_4156 = arith.index_cast %get3A_4155 : i32 to index
      %get3A_4157 = arith.constant 0 : index
      %get3A_4158 = tpu.vector_load %arg6[%get3A_4156, %get3A_4157] {strides = array<i32>} : memref<64x16xf32, #tpu.memory_space<vmem>>, vector<16xf32>,
      %add3A_4159 = arith.constant 44 : i32
      %add3A_4160 = arith.addi %mul3A_14, %add3A_4159 : i32
      %add3A_4161 = vector.broadcast %add3A_4160 : i32 to vector<16xi32>
      %add3A_4162 = arith.addi %mul3A_6, %add3A_4161 : vector<16xi32>
      %ge3A_4163 = arith.cmpf oge, %get3A_4158, %max3A_3715 : vector<16xf32>
      %select_n3A_4164 = arith.select %ge3A_4163, %get3A_4158, %broadcast_in_dim3A_3 : vector<16xi1>, vector<16xf32>
      tpu.vector_store_idx %arg5[%add3A_4162], %select_n3A_4164 : memref<16384xf32, #tpu.memory_space<vmem>>[vector<16xi32>], vector<16xf32>,
      %get3A_4165 = arith.constant 45 : i32
      %get3A_4166 = arith.index_cast %get3A_4165 : i32 to index
      %get3A_4167 = arith.constant 0 : index
      %get3A_4168 = tpu.vector_load %arg6[%get3A_4166, %get3A_4167] {strides = array<i32>} : memref<64x16xf32, #tpu.memory_space<vmem>>, vector<16xf32>,
      %add3A_4169 = arith.constant 45 : i32
      %add3A_4170 = arith.addi %mul3A_14, %add3A_4169 : i32
      %add3A_4171 = vector.broadcast %add3A_4170 : i32 to vector<16xi32>
      %add3A_4172 = arith.addi %mul3A_6, %add3A_4171 : vector<16xi32>
      %ge3A_4173 = arith.cmpf oge, %get3A_4168, %max3A_3715 : vector<16xf32>
      %select_n3A_4174 = arith.select %ge3A_4173, %get3A_4168, %broadcast_in_dim3A_3 : vector<16xi1>, vector<16xf32>
      tpu.vector_store_idx %arg5[%add3A_4172], %select_n3A_4174 : memref<16384xf32, #tpu.memory_space<vmem>>[vector<16xi32>], vector<16xf32>,
      %get3A_4175 = arith.constant 46 : i32
      %get3A_4176 = arith.index_cast %get3A_4175 : i32 to index
      %get3A_4177 = arith.constant 0 : index
      %get3A_4178 = tpu.vector_load %arg6[%get3A_4176, %get3A_4177] {strides = array<i32>} : memref<64x16xf32, #tpu.memory_space<vmem>>, vector<16xf32>,
      %add3A_4179 = arith.constant 46 : i32
      %add3A_4180 = arith.addi %mul3A_14, %add3A_4179 : i32
      %add3A_4181 = vector.broadcast %add3A_4180 : i32 to vector<16xi32>
      %add3A_4182 = arith.addi %mul3A_6, %add3A_4181 : vector<16xi32>
      %ge3A_4183 = arith.cmpf oge, %get3A_4178, %max3A_3715 : vector<16xf32>
      %select_n3A_4184 = arith.select %ge3A_4183, %get3A_4178, %broadcast_in_dim3A_3 : vector<16xi1>, vector<16xf32>
      tpu.vector_store_idx %arg5[%add3A_4182], %select_n3A_4184 : memref<16384xf32, #tpu.memory_space<vmem>>[vector<16xi32>], vector<16xf32>,
      %get3A_4185 = arith.constant 47 : i32
      %get3A_4186 = arith.index_cast %get3A_4185 : i32 to index
      %get3A_4187 = arith.constant 0 : index
      %get3A_4188 = tpu.vector_load %arg6[%get3A_4186, %get3A_4187] {strides = array<i32>} : memref<64x16xf32, #tpu.memory_space<vmem>>, vector<16xf32>,
      %add3A_4189 = arith.constant 47 : i32
      %add3A_4190 = arith.addi %mul3A_14, %add3A_4189 : i32
      %add3A_4191 = vector.broadcast %add3A_4190 : i32 to vector<16xi32>
      %add3A_4192 = arith.addi %mul3A_6, %add3A_4191 : vector<16xi32>
      %ge3A_4193 = arith.cmpf oge, %get3A_4188, %max3A_3715 : vector<16xf32>
      %select_n3A_4194 = arith.select %ge3A_4193, %get3A_4188, %broadcast_in_dim3A_3 : vector<16xi1>, vector<16xf32>
      tpu.vector_store_idx %arg5[%add3A_4192], %select_n3A_4194 : memref<16384xf32, #tpu.memory_space<vmem>>[vector<16xi32>], vector<16xf32>,
      %get3A_4195 = arith.constant 48 : i32
      %get3A_4196 = arith.index_cast %get3A_4195 : i32 to index
      %get3A_4197 = arith.constant 0 : index
      %get3A_4198 = tpu.vector_load %arg6[%get3A_4196, %get3A_4197] {strides = array<i32>} : memref<64x16xf32, #tpu.memory_space<vmem>>, vector<16xf32>,
      %add3A_4199 = arith.constant 48 : i32
      %add3A_4200 = arith.addi %mul3A_14, %add3A_4199 : i32
      %add3A_4201 = vector.broadcast %add3A_4200 : i32 to vector<16xi32>
      %add3A_4202 = arith.addi %mul3A_6, %add3A_4201 : vector<16xi32>
      %ge3A_4203 = arith.cmpf oge, %get3A_4198, %max3A_3715 : vector<16xf32>
      %select_n3A_4204 = arith.select %ge3A_4203, %get3A_4198, %broadcast_in_dim3A_3 : vector<16xi1>, vector<16xf32>
      tpu.vector_store_idx %arg5[%add3A_4202], %select_n3A_4204 : memref<16384xf32, #tpu.memory_space<vmem>>[vector<16xi32>], vector<16xf32>,
      %get3A_4205 = arith.constant 49 : i32
      %get3A_4206 = arith.index_cast %get3A_4205 : i32 to index
      %get3A_4207 = arith.constant 0 : index
      %get3A_4208 = tpu.vector_load %arg6[%get3A_4206, %get3A_4207] {strides = array<i32>} : memref<64x16xf32, #tpu.memory_space<vmem>>, vector<16xf32>,
      %add3A_4209 = arith.constant 49 : i32
      %add3A_4210 = arith.addi %mul3A_14, %add3A_4209 : i32
      %add3A_4211 = vector.broadcast %add3A_4210 : i32 to vector<16xi32>
      %add3A_4212 = arith.addi %mul3A_6, %add3A_4211 : vector<16xi32>
      %ge3A_4213 = arith.cmpf oge, %get3A_4208, %max3A_3715 : vector<16xf32>
      %select_n3A_4214 = arith.select %ge3A_4213, %get3A_4208, %broadcast_in_dim3A_3 : vector<16xi1>, vector<16xf32>
      tpu.vector_store_idx %arg5[%add3A_4212], %select_n3A_4214 : memref<16384xf32, #tpu.memory_space<vmem>>[vector<16xi32>], vector<16xf32>,
      %get3A_4215 = arith.constant 50 : i32
      %get3A_4216 = arith.index_cast %get3A_4215 : i32 to index
      %get3A_4217 = arith.constant 0 : index
      %get3A_4218 = tpu.vector_load %arg6[%get3A_4216, %get3A_4217] {strides = array<i32>} : memref<64x16xf32, #tpu.memory_space<vmem>>, vector<16xf32>,
      %add3A_4219 = arith.constant 50 : i32
      %add3A_4220 = arith.addi %mul3A_14, %add3A_4219 : i32
      %add3A_4221 = vector.broadcast %add3A_4220 : i32 to vector<16xi32>
      %add3A_4222 = arith.addi %mul3A_6, %add3A_4221 : vector<16xi32>
      %ge3A_4223 = arith.cmpf oge, %get3A_4218, %max3A_3715 : vector<16xf32>
      %select_n3A_4224 = arith.select %ge3A_4223, %get3A_4218, %broadcast_in_dim3A_3 : vector<16xi1>, vector<16xf32>
      tpu.vector_store_idx %arg5[%add3A_4222], %select_n3A_4224 : memref<16384xf32, #tpu.memory_space<vmem>>[vector<16xi32>], vector<16xf32>,
      %get3A_4225 = arith.constant 51 : i32
      %get3A_4226 = arith.index_cast %get3A_4225 : i32 to index
      %get3A_4227 = arith.constant 0 : index
      %get3A_4228 = tpu.vector_load %arg6[%get3A_4226, %get3A_4227] {strides = array<i32>} : memref<64x16xf32, #tpu.memory_space<vmem>>, vector<16xf32>,
      %add3A_4229 = arith.constant 51 : i32
      %add3A_4230 = arith.addi %mul3A_14, %add3A_4229 : i32
      %add3A_4231 = vector.broadcast %add3A_4230 : i32 to vector<16xi32>
      %add3A_4232 = arith.addi %mul3A_6, %add3A_4231 : vector<16xi32>
      %ge3A_4233 = arith.cmpf oge, %get3A_4228, %max3A_3715 : vector<16xf32>
      %select_n3A_4234 = arith.select %ge3A_4233, %get3A_4228, %broadcast_in_dim3A_3 : vector<16xi1>, vector<16xf32>
      tpu.vector_store_idx %arg5[%add3A_4232], %select_n3A_4234 : memref<16384xf32, #tpu.memory_space<vmem>>[vector<16xi32>], vector<16xf32>,
      %get3A_4235 = arith.constant 52 : i32
      %get3A_4236 = arith.index_cast %get3A_4235 : i32 to index
      %get3A_4237 = arith.constant 0 : index
      %get3A_4238 = tpu.vector_load %arg6[%get3A_4236, %get3A_4237] {strides = array<i32>} : memref<64x16xf32, #tpu.memory_space<vmem>>, vector<16xf32>,
      %add3A_4239 = arith.constant 52 : i32
      %add3A_4240 = arith.addi %mul3A_14, %add3A_4239 : i32
      %add3A_4241 = vector.broadcast %add3A_4240 : i32 to vector<16xi32>
      %add3A_4242 = arith.addi %mul3A_6, %add3A_4241 : vector<16xi32>
      %ge3A_4243 = arith.cmpf oge, %get3A_4238, %max3A_3715 : vector<16xf32>
      %select_n3A_4244 = arith.select %ge3A_4243, %get3A_4238, %broadcast_in_dim3A_3 : vector<16xi1>, vector<16xf32>
      tpu.vector_store_idx %arg5[%add3A_4242], %select_n3A_4244 : memref<16384xf32, #tpu.memory_space<vmem>>[vector<16xi32>], vector<16xf32>,
      %get3A_4245 = arith.constant 53 : i32
      %get3A_4246 = arith.index_cast %get3A_4245 : i32 to index
      %get3A_4247 = arith.constant 0 : index
      %get3A_4248 = tpu.vector_load %arg6[%get3A_4246, %get3A_4247] {strides = array<i32>} : memref<64x16xf32, #tpu.memory_space<vmem>>, vector<16xf32>,
      %add3A_4249 = arith.constant 53 : i32
      %add3A_4250 = arith.addi %mul3A_14, %add3A_4249 : i32
      %add3A_4251 = vector.broadcast %add3A_4250 : i32 to vector<16xi32>
      %add3A_4252 = arith.addi %mul3A_6, %add3A_4251 : vector<16xi32>
      %ge3A_4253 = arith.cmpf oge, %get3A_4248, %max3A_3715 : vector<16xf32>
      %select_n3A_4254 = arith.select %ge3A_4253, %get3A_4248, %broadcast_in_dim3A_3 : vector<16xi1>, vector<16xf32>
      tpu.vector_store_idx %arg5[%add3A_4252], %select_n3A_4254 : memref<16384xf32, #tpu.memory_space<vmem>>[vector<16xi32>], vector<16xf32>,
      %get3A_4255 = arith.constant 54 : i32
      %get3A_4256 = arith.index_cast %get3A_4255 : i32 to index
      %get3A_4257 = arith.constant 0 : index
      %get3A_4258 = tpu.vector_load %arg6[%get3A_4256, %get3A_4257] {strides = array<i32>} : memref<64x16xf32, #tpu.memory_space<vmem>>, vector<16xf32>,
      %add3A_4259 = arith.constant 54 : i32
      %add3A_4260 = arith.addi %mul3A_14, %add3A_4259 : i32
      %add3A_4261 = vector.broadcast %add3A_4260 : i32 to vector<16xi32>
      %add3A_4262 = arith.addi %mul3A_6, %add3A_4261 : vector<16xi32>
      %ge3A_4263 = arith.cmpf oge, %get3A_4258, %max3A_3715 : vector<16xf32>
      %select_n3A_4264 = arith.select %ge3A_4263, %get3A_4258, %broadcast_in_dim3A_3 : vector<16xi1>, vector<16xf32>
      tpu.vector_store_idx %arg5[%add3A_4262], %select_n3A_4264 : memref<16384xf32, #tpu.memory_space<vmem>>[vector<16xi32>], vector<16xf32>,
      %get3A_4265 = arith.constant 55 : i32
      %get3A_4266 = arith.index_cast %get3A_4265 : i32 to index
      %get3A_4267 = arith.constant 0 : index
      %get3A_4268 = tpu.vector_load %arg6[%get3A_4266, %get3A_4267] {strides = array<i32>} : memref<64x16xf32, #tpu.memory_space<vmem>>, vector<16xf32>,
      %add3A_4269 = arith.constant 55 : i32
      %add3A_4270 = arith.addi %mul3A_14, %add3A_4269 : i32
      %add3A_4271 = vector.broadcast %add3A_4270 : i32 to vector<16xi32>
      %add3A_4272 = arith.addi %mul3A_6, %add3A_4271 : vector<16xi32>
      %ge3A_4273 = arith.cmpf oge, %get3A_4268, %max3A_3715 : vector<16xf32>
      %select_n3A_4274 = arith.select %ge3A_4273, %get3A_4268, %broadcast_in_dim3A_3 : vector<16xi1>, vector<16xf32>
      tpu.vector_store_idx %arg5[%add3A_4272], %select_n3A_4274 : memref<16384xf32, #tpu.memory_space<vmem>>[vector<16xi32>], vector<16xf32>,
      %get3A_4275 = arith.constant 56 : i32
      %get3A_4276 = arith.index_cast %get3A_4275 : i32 to index
      %get3A_4277 = arith.constant 0 : index
      %get3A_4278 = tpu.vector_load %arg6[%get3A_4276, %get3A_4277] {strides = array<i32>} : memref<64x16xf32, #tpu.memory_space<vmem>>, vector<16xf32>,
      %add3A_4279 = arith.constant 56 : i32
      %add3A_4280 = arith.addi %mul3A_14, %add3A_4279 : i32
      %add3A_4281 = vector.broadcast %add3A_4280 : i32 to vector<16xi32>
      %add3A_4282 = arith.addi %mul3A_6, %add3A_4281 : vector<16xi32>
      %ge3A_4283 = arith.cmpf oge, %get3A_4278, %max3A_3715 : vector<16xf32>
      %select_n3A_4284 = arith.select %ge3A_4283, %get3A_4278, %broadcast_in_dim3A_3 : vector<16xi1>, vector<16xf32>
      tpu.vector_store_idx %arg5[%add3A_4282], %select_n3A_4284 : memref<16384xf32, #tpu.memory_space<vmem>>[vector<16xi32>], vector<16xf32>,
      %get3A_4285 = arith.constant 57 : i32
      %get3A_4286 = arith.index_cast %get3A_4285 : i32 to index
      %get3A_4287 = arith.constant 0 : index
      %get3A_4288 = tpu.vector_load %arg6[%get3A_4286, %get3A_4287] {strides = array<i32>} : memref<64x16xf32, #tpu.memory_space<vmem>>, vector<16xf32>,
      %add3A_4289 = arith.constant 57 : i32
      %add3A_4290 = arith.addi %mul3A_14, %add3A_4289 : i32
      %add3A_4291 = vector.broadcast %add3A_4290 : i32 to vector<16xi32>
      %add3A_4292 = arith.addi %mul3A_6, %add3A_4291 : vector<16xi32>
      %ge3A_4293 = arith.cmpf oge, %get3A_4288, %max3A_3715 : vector<16xf32>
      %select_n3A_4294 = arith.select %ge3A_4293, %get3A_4288, %broadcast_in_dim3A_3 : vector<16xi1>, vector<16xf32>
      tpu.vector_store_idx %arg5[%add3A_4292], %select_n3A_4294 : memref<16384xf32, #tpu.memory_space<vmem>>[vector<16xi32>], vector<16xf32>,
      %get3A_4295 = arith.constant 58 : i32
      %get3A_4296 = arith.index_cast %get3A_4295 : i32 to index
      %get3A_4297 = arith.constant 0 : index
      %get3A_4298 = tpu.vector_load %arg6[%get3A_4296, %get3A_4297] {strides = array<i32>} : memref<64x16xf32, #tpu.memory_space<vmem>>, vector<16xf32>,
      %add3A_4299 = arith.constant 58 : i32
      %add3A_4300 = arith.addi %mul3A_14, %add3A_4299 : i32
      %add3A_4301 = vector.broadcast %add3A_4300 : i32 to vector<16xi32>
      %add3A_4302 = arith.addi %mul3A_6, %add3A_4301 : vector<16xi32>
      %ge3A_4303 = arith.cmpf oge, %get3A_4298, %max3A_3715 : vector<16xf32>
      %select_n3A_4304 = arith.select %ge3A_4303, %get3A_4298, %broadcast_in_dim3A_3 : vector<16xi1>, vector<16xf32>
      tpu.vector_store_idx %arg5[%add3A_4302], %select_n3A_4304 : memref<16384xf32, #tpu.memory_space<vmem>>[vector<16xi32>], vector<16xf32>,
      %get3A_4305 = arith.constant 59 : i32
      %get3A_4306 = arith.index_cast %get3A_4305 : i32 to index
      %get3A_4307 = arith.constant 0 : index
      %get3A_4308 = tpu.vector_load %arg6[%get3A_4306, %get3A_4307] {strides = array<i32>} : memref<64x16xf32, #tpu.memory_space<vmem>>, vector<16xf32>,
      %add3A_4309 = arith.constant 59 : i32
      %add3A_4310 = arith.addi %mul3A_14, %add3A_4309 : i32
      %add3A_4311 = vector.broadcast %add3A_4310 : i32 to vector<16xi32>
      %add3A_4312 = arith.addi %mul3A_6, %add3A_4311 : vector<16xi32>
      %ge3A_4313 = arith.cmpf oge, %get3A_4308, %max3A_3715 : vector<16xf32>
      %select_n3A_4314 = arith.select %ge3A_4313, %get3A_4308, %broadcast_in_dim3A_3 : vector<16xi1>, vector<16xf32>
      tpu.vector_store_idx %arg5[%add3A_4312], %select_n3A_4314 : memref<16384xf32, #tpu.memory_space<vmem>>[vector<16xi32>], vector<16xf32>,
      %get3A_4315 = arith.constant 60 : i32
      %get3A_4316 = arith.index_cast %get3A_4315 : i32 to index
      %get3A_4317 = arith.constant 0 : index
      %get3A_4318 = tpu.vector_load %arg6[%get3A_4316, %get3A_4317] {strides = array<i32>} : memref<64x16xf32, #tpu.memory_space<vmem>>, vector<16xf32>,
      %add3A_4319 = arith.constant 60 : i32
      %add3A_4320 = arith.addi %mul3A_14, %add3A_4319 : i32
      %add3A_4321 = vector.broadcast %add3A_4320 : i32 to vector<16xi32>
      %add3A_4322 = arith.addi %mul3A_6, %add3A_4321 : vector<16xi32>
      %ge3A_4323 = arith.cmpf oge, %get3A_4318, %max3A_3715 : vector<16xf32>
      %select_n3A_4324 = arith.select %ge3A_4323, %get3A_4318, %broadcast_in_dim3A_3 : vector<16xi1>, vector<16xf32>
      tpu.vector_store_idx %arg5[%add3A_4322], %select_n3A_4324 : memref<16384xf32, #tpu.memory_space<vmem>>[vector<16xi32>], vector<16xf32>,
      %get3A_4325 = arith.constant 61 : i32
      %get3A_4326 = arith.index_cast %get3A_4325 : i32 to index
      %get3A_4327 = arith.constant 0 : index
      %get3A_4328 = tpu.vector_load %arg6[%get3A_4326, %get3A_4327] {strides = array<i32>} : memref<64x16xf32, #tpu.memory_space<vmem>>, vector<16xf32>,
      %add3A_4329 = arith.constant 61 : i32
      %add3A_4330 = arith.addi %mul3A_14, %add3A_4329 : i32
      %add3A_4331 = vector.broadcast %add3A_4330 : i32 to vector<16xi32>
      %add3A_4332 = arith.addi %mul3A_6, %add3A_4331 : vector<16xi32>
      %ge3A_4333 = arith.cmpf oge, %get3A_4328, %max3A_3715 : vector<16xf32>
      %select_n3A_4334 = arith.select %ge3A_4333, %get3A_4328, %broadcast_in_dim3A_3 : vector<16xi1>, vector<16xf32>
      tpu.vector_store_idx %arg5[%add3A_4332], %select_n3A_4334 : memref<16384xf32, #tpu.memory_space<vmem>>[vector<16xi32>], vector<16xf32>,
      %get3A_4335 = arith.constant 62 : i32
      %get3A_4336 = arith.index_cast %get3A_4335 : i32 to index
      %get3A_4337 = arith.constant 0 : index
      %get3A_4338 = tpu.vector_load %arg6[%get3A_4336, %get3A_4337] {strides = array<i32>} : memref<64x16xf32, #tpu.memory_space<vmem>>, vector<16xf32>,
      %add3A_4339 = arith.constant 62 : i32
      %add3A_4340 = arith.addi %mul3A_14, %add3A_4339 : i32
      %add3A_4341 = vector.broadcast %add3A_4340 : i32 to vector<16xi32>
      %add3A_4342 = arith.addi %mul3A_6, %add3A_4341 : vector<16xi32>
      %ge3A_4343 = arith.cmpf oge, %get3A_4338, %max3A_3715 : vector<16xf32>
      %select_n3A_4344 = arith.select %ge3A_4343, %get3A_4338, %broadcast_in_dim3A_3 : vector<16xi1>, vector<16xf32>
      tpu.vector_store_idx %arg5[%add3A_4342], %select_n3A_4344 : memref<16384xf32, #tpu.memory_space<vmem>>[vector<16xi32>], vector<16xf32>,
      %get3A_4345 = arith.constant 63 : i32
      %get3A_4346 = arith.index_cast %get3A_4345 : i32 to index
      %get3A_4347 = arith.constant 0 : index
      %get3A_4348 = tpu.vector_load %arg6[%get3A_4346, %get3A_4347] {strides = array<i32>} : memref<64x16xf32, #tpu.memory_space<vmem>>, vector<16xf32>,
      %add3A_4349 = arith.constant 63 : i32
      %add3A_4350 = arith.addi %mul3A_14, %add3A_4349 : i32
      %add3A_4351 = vector.broadcast %add3A_4350 : i32 to vector<16xi32>
      %add3A_4352 = arith.addi %mul3A_6, %add3A_4351 : vector<16xi32>
      %ge3A_4353 = arith.cmpf oge, %get3A_4348, %max3A_3715 : vector<16xf32>
      %select_n3A_4354 = arith.select %ge3A_4353, %get3A_4348, %broadcast_in_dim3A_3 : vector<16xi1>, vector<16xf32>
      tpu.vector_store_idx %arg5[%add3A_4352], %select_n3A_4354 : memref<16384xf32, #tpu.memory_space<vmem>>[vector<16xi32>], vector<16xf32>,
    }
    %scan3A_11 = arith.constant 16 : i32
    "tpu.region"() ({
      %run_scoped3A = tpu.sem_alloc : memref<!tpu.dma_semaphore, #tpu.memory_space<semaphore_mem>>
      %dma_start3A = tpu.memref_slice %arg3[%mul3A_2] : memref<524288xf32, #tpu.memory_space<hbm>> -> memref<16384xf32, #tpu.memory_space<hbm>>
      %dma_start3A_12 = tpu.memref_slice %arg3[%mul3A_2] : memref<524288xf32, #tpu.memory_space<hbm>> -> memref<16384xf32, #tpu.memory_space<hbm>>
      tpu.enqueue_dma source(%arg5 : memref<16384xf32, #tpu.memory_space<vmem>>) target(%dma_start3A_12 : memref<16384xf32, #tpu.memory_space<hbm>>) target_semaphore(%run_scoped3A : memref<!tpu.dma_semaphore, #tpu.memory_space<semaphore_mem>>)
      %dma_wait3A = tpu.memref_slice %arg3[%mul3A_2] : memref<524288xf32, #tpu.memory_space<hbm>> -> memref<16384xf32, #tpu.memory_space<hbm>>
      %dma_wait3A_13 = tpu.memref_slice %arg3[%mul3A_2] : memref<524288xf32, #tpu.memory_space<hbm>> -> memref<16384xf32, #tpu.memory_space<hbm>>
      tpu.wait_dma2 semaphore(%run_scoped3A : memref<!tpu.dma_semaphore, #tpu.memory_space<semaphore_mem>>) src(%arg5 : memref<16384xf32, #tpu.memory_space<vmem>>) dst(%dma_wait3A_13 : memref<16384xf32, #tpu.memory_space<hbm>>)
      tpu.yield
    }) : () -> ()
    return
  }
}

module attributes {stable_mosaic.version = 14 : i64} {
  func.func @_anchor_z_kernel(%arg0: i32, %arg1: i32, %arg2: memref<1024x768xf32, #tpu.memory_space<vmem>>, %arg3: memref<8x768xf32, #tpu.memory_space<vmem>>, %arg4: memref<768x64xf32, #tpu.memory_space<vmem>>, %arg5: memref<8x64xf32, #tpu.memory_space<vmem>>, %arg6: memref<1024x64xf32, #tpu.memory_space<vmem>>, %arg7: memref<8192x64xf32, #tpu.memory_space<vmem>>, %arg8: memref<8192x64xf32, #tpu.memory_space<vmem>>, %arg9: memref<2xf32, #tpu.memory_space<smem>>) attributes {dimension_semantics = [#tpu.dimension_semantics<arbitrary>, #tpu.dimension_semantics<arbitrary>], iteration_bounds = array<i64: 2, 8>, scalar_prefetch = 0 : i64, scratch_operands = 3 : i64, tpu.core_type = #tpu.core_type<tc>, window_params = [{transform_indices = @transform_0, window_bounds = array<i64: 1024, 768>}, {pipeline_mode = #tpu.pipeline_mode<synchronous>, transform_indices = @transform_1, window_bounds = array<i64: 8, 768>}, {pipeline_mode = #tpu.pipeline_mode<synchronous>, transform_indices = @transform_2, window_bounds = array<i64: 768, 64>}, {pipeline_mode = #tpu.pipeline_mode<synchronous>, transform_indices = @transform_3, window_bounds = array<i64: 8, 64>}, {transform_indices = @transform_4, window_bounds = array<i64: 1024, 64>}]} {
    %mul3A = arith.constant 1024 : i32
    %mul3A_0 = arith.muli %arg1, %mul3A : i32
    %eq3A = arith.constant 0 : i32
    %eq3A_1 = arith.cmpi eq, %arg0, %eq3A : i32
    %convert_element_type3A = arith.extui %eq3A_1 : i1 to i32
    %cond3A = arith.constant 0 : i32
    %cond3A_2 = arith.cmpi ne, %convert_element_type3A, %cond3A : i32
    scf.if %cond3A_2 {
      %get3A = arith.constant 0 : index
      %get3A_8 = arith.constant 0 : index
      %get3A_9 = vector.load %arg2[%get3A, %get3A_8] : memref<1024x768xf32, #tpu.memory_space<vmem>>, vector<1024x768xf32>
      %get3A_10 = arith.constant 0 : index
      %get3A_11 = arith.constant 0 : index
      %get3A_12 = vector.load %arg4[%get3A_10, %get3A_11] : memref<768x64xf32, #tpu.memory_space<vmem>>, vector<768x64xf32>
      %dot_general3A = arith.constant dense<0.000000e+00> : vector<1024x64xf32>
      %dot_general3A_13 = tpu.matmul %get3A_9, %get3A_12, %dot_general3A {dimension_numbers = #tpu.dot_dimension_numbers<[1], [0], [0], [1], [0, 0, 1, 1], [], []>, transpose_lhs_hint = false} : vector<1024x768xf32>, vector<768x64xf32>, vector<1024x64xf32> -> vector<1024x64xf32>
      %get3A_14 = arith.constant 0 : index
      %get3A_15 = arith.constant 0 : index
      %get3A_16 = vector.load %arg3[%get3A_14, %get3A_15] : memref<8x768xf32, #tpu.memory_space<vmem>>, vector<8x768xf32>
      %dot_general3A_17 = arith.constant dense<0.000000e+00> : vector<1024x8xf32>
      %dot_general3A_18 = tpu.matmul %get3A_9, %get3A_16, %dot_general3A_17 {dimension_numbers = #tpu.dot_dimension_numbers<[1], [1], [0], [0], [0, 0, 1, 0], [], []>, transpose_lhs_hint = false} : vector<1024x768xf32>, vector<8x768xf32>, vector<1024x8xf32> -> vector<1024x8xf32>
      %get3A_19 = arith.constant 0 : index
      %get3A_20 = arith.constant 0 : index
      %get3A_21 = vector.load %arg5[%get3A_19, %get3A_20] : memref<8x64xf32, #tpu.memory_space<vmem>>, vector<8x64xf32>
      %dot_general3A_22 = arith.constant dense<0.000000e+00> : vector<1024x64xf32>
      %dot_general3A_23 = tpu.matmul %dot_general3A_18, %get3A_21, %dot_general3A_22 {dimension_numbers = #tpu.dot_dimension_numbers<[1], [0], [0], [1], [0, 0, 1, 1], [], []>, transpose_lhs_hint = false} : vector<1024x8xf32>, vector<8x64xf32>, vector<1024x64xf32> -> vector<1024x64xf32>
      %swap3A = arith.index_cast %mul3A_0 : i32 to index
      %swap3A_24 = arith.constant 0 : index
      %swap3A_25 = vector.load %arg7[%swap3A, %swap3A_24] : memref<8192x64xf32, #tpu.memory_space<vmem>>, vector<1024x64xf32>
      tpu.vector_store %arg7[%swap3A, %swap3A_24], %dot_general3A_13 {strides = array<i32>} : memref<8192x64xf32, #tpu.memory_space<vmem>>, vector<1024x64xf32>,
      %swap3A_26 = arith.index_cast %mul3A_0 : i32 to index
      %swap3A_27 = arith.constant 0 : index
      %swap3A_28 = vector.load %arg8[%swap3A_26, %swap3A_27] : memref<8192x64xf32, #tpu.memory_space<vmem>>, vector<1024x64xf32>
      tpu.vector_store %arg8[%swap3A_26, %swap3A_27], %dot_general3A_23 {strides = array<i32>} : memref<8192x64xf32, #tpu.memory_space<vmem>>, vector<1024x64xf32>,
      %abs3A = math.absf %dot_general3A_13 : vector<1024x64xf32>
      %reduce_max3A = vector.shape_cast %abs3A : vector<1024x64xf32> to vector<1x1024x64xf32>
      %reduce_max3A_29 = arith.constant dense<0xFF800000> : vector<1xf32>
      %reduce_max3A_30 = vector.multi_reduction <maximumf>, %reduce_max3A, %reduce_max3A_29 [1, 2] : vector<1x1024x64xf32> to vector<1xf32>
      %reduce_max3A_31 = vector.shape_cast %reduce_max3A_30 : vector<1xf32> to vector<1x1x1xf32>
      %reduce_max3A_32 = vector.extract %reduce_max3A_31[0, 0, 0] : f32 from vector<1x1x1xf32>
      %abs3A_33 = math.absf %dot_general3A_23 : vector<1024x64xf32>
      %reduce_max3A_34 = vector.shape_cast %abs3A_33 : vector<1024x64xf32> to vector<1x1024x64xf32>
      %reduce_max3A_35 = arith.constant dense<0xFF800000> : vector<1xf32>
      %reduce_max3A_36 = vector.multi_reduction <maximumf>, %reduce_max3A_34, %reduce_max3A_35 [1, 2] : vector<1x1024x64xf32> to vector<1xf32>
      %reduce_max3A_37 = vector.shape_cast %reduce_max3A_36 : vector<1xf32> to vector<1x1x1xf32>
      %reduce_max3A_38 = vector.extract %reduce_max3A_37[0, 0, 0] : f32 from vector<1x1x1xf32>
      %eq3A_39 = arith.constant 0 : i32
      %eq3A_40 = arith.cmpi eq, %arg1, %eq3A_39 : i32
      %convert_element_type3A_41 = arith.extui %eq3A_40 : i1 to i32
      %cond3A_42 = arith.constant 0 : i32
      %cond3A_43 = arith.cmpi ne, %convert_element_type3A_41, %cond3A_42 : i32
      scf.if %cond3A_43 {
        %swap3A_48 = arith.constant 0 : index
        %swap3A_49 = memref.load %arg9[%swap3A_48] : memref<2xf32, #tpu.memory_space<smem>>
        memref.store %reduce_max3A_32, %arg9[%swap3A_48] : memref<2xf32, #tpu.memory_space<smem>>
        %swap3A_50 = arith.constant 1 : index
        %swap3A_51 = memref.load %arg9[%swap3A_50] : memref<2xf32, #tpu.memory_space<smem>>
        memref.store %reduce_max3A_38, %arg9[%swap3A_50] : memref<2xf32, #tpu.memory_space<smem>>
      } else {
      }
      %gt3A = arith.constant 0 : i32
      %gt3A_44 = arith.cmpi sgt, %arg1, %gt3A : i32
      %convert_element_type3A_45 = arith.extui %gt3A_44 : i1 to i32
      %cond3A_46 = arith.constant 0 : i32
      %cond3A_47 = arith.cmpi ne, %convert_element_type3A_45, %cond3A_46 : i32
      scf.if %cond3A_47 {
        %get3A_48 = arith.constant 0 : index
        %get3A_49 = memref.load %arg9[%get3A_48] : memref<2xf32, #tpu.memory_space<smem>>
        %max3A = arith.maximumf %get3A_49, %reduce_max3A_32 : f32
        %swap3A_50 = arith.constant 0 : index
        %swap3A_51 = memref.load %arg9[%swap3A_50] : memref<2xf32, #tpu.memory_space<smem>>
        memref.store %max3A, %arg9[%swap3A_50] : memref<2xf32, #tpu.memory_space<smem>>
        %get3A_52 = arith.constant 1 : index
        %get3A_53 = memref.load %arg9[%get3A_52] : memref<2xf32, #tpu.memory_space<smem>>
        %max3A_54 = arith.maximumf %get3A_53, %reduce_max3A_38 : f32
        %swap3A_55 = arith.constant 1 : index
        %swap3A_56 = memref.load %arg9[%swap3A_55] : memref<2xf32, #tpu.memory_space<smem>>
        memref.store %max3A_54, %arg9[%swap3A_55] : memref<2xf32, #tpu.memory_space<smem>>
      } else {
      }
    } else {
    }
    %eq3A_3 = arith.constant 1 : i32
    %eq3A_4 = arith.cmpi eq, %arg0, %eq3A_3 : i32
    %convert_element_type3A_5 = arith.extui %eq3A_4 : i1 to i32
    %cond3A_6 = arith.constant 0 : i32
    %cond3A_7 = arith.cmpi ne, %convert_element_type3A_5, %cond3A_6 : i32
    scf.if %cond3A_7 {
      %get3A = arith.constant 0 : index
      %get3A_8 = memref.load %arg9[%get3A] : memref<2xf32, #tpu.memory_space<smem>>
      %max3A = arith.constant 9.99999997E-7 : f32
      %max3A_9 = arith.maximumf %get3A_8, %max3A : f32
      %mul3A_10 = arith.constant 1.000000e+00 : f32
      %mul3A_11 = arith.mulf %max3A_9, %mul3A_10 : f32
      %div3A = arith.constant 5.000000e-01 : f32
      %div3A_12 = arith.divf %div3A, %mul3A_11 : f32
      %get3A_13 = arith.constant 1 : index
      %get3A_14 = memref.load %arg9[%get3A_13] : memref<2xf32, #tpu.memory_space<smem>>
      %max3A_15 = arith.constant 9.99999997E-7 : f32
      %max3A_16 = arith.maximumf %get3A_14, %max3A_15 : f32
      %mul3A_17 = arith.constant 1.000000e+00 : f32
      %mul3A_18 = arith.mulf %max3A_16, %mul3A_17 : f32
      %div3A_19 = arith.constant 5.000000e-01 : f32
      %div3A_20 = arith.divf %div3A_19, %mul3A_18 : f32
      %get3A_21 = arith.index_cast %mul3A_0 : i32 to index
      %get3A_22 = arith.constant 0 : index
      %get3A_23 = vector.load %arg7[%get3A_21, %get3A_22] : memref<8192x64xf32, #tpu.memory_space<vmem>>, vector<1024x64xf32>
      %mul3A_24 = vector.broadcast %div3A_12 : f32 to vector<1024x64xf32>
      %mul3A_25 = arith.mulf %mul3A_24, %get3A_23 : vector<1024x64xf32>
      %get3A_26 = arith.index_cast %mul3A_0 : i32 to index
      %get3A_27 = arith.constant 0 : index
      %get3A_28 = vector.load %arg8[%get3A_26, %get3A_27] : memref<8192x64xf32, #tpu.memory_space<vmem>>, vector<1024x64xf32>
      %mul3A_29 = vector.broadcast %div3A_20 : f32 to vector<1024x64xf32>
      %mul3A_30 = arith.mulf %mul3A_29, %get3A_28 : vector<1024x64xf32>
      %add3A = arith.addf %mul3A_25, %mul3A_30 : vector<1024x64xf32>
      %reduce_max3A = arith.constant dense<0xFF800000> : vector<1024xf32>
      %reduce_max3A_31 = vector.multi_reduction <maximumf>, %add3A, %reduce_max3A [1] : vector<1024x64xf32> to vector<1024xf32>
      %broadcast_in_dim3A = vector.shape_cast %reduce_max3A_31 : vector<1024xf32> to vector<1024x1xf32>
      %sub3A = vector.broadcast %broadcast_in_dim3A : vector<1024x1xf32> to vector<1024x64xf32>
      %sub3A_32 = arith.subf %add3A, %sub3A : vector<1024x64xf32>
      %exp3A = math.exp %sub3A_32 : vector<1024x64xf32>
      %swap3A = arith.constant 0 : index
      %swap3A_33 = arith.constant 0 : index
      %swap3A_34 = vector.load %arg6[%swap3A, %swap3A_33] : memref<1024x64xf32, #tpu.memory_space<vmem>>, vector<1024x64xf32>
      tpu.vector_store %arg6[%swap3A, %swap3A_33], %exp3A {strides = array<i32>} : memref<1024x64xf32, #tpu.memory_space<vmem>>, vector<1024x64xf32>,
    } else {
    }
    return
  }
  func.func @transform_0(%arg0: i32, %arg1: i32) -> (i32, i32) {
    %eq3A = arith.constant 0 : i32
    %eq3A_0 = arith.cmpi eq, %arg0, %eq3A : i32
    %jit3A = arith.constant 7 : i32
    %select_n3A = arith.select %eq3A_0, %arg1, %jit3A : i32
    %c1_i32 = arith.constant 1 : i32
    %c0_i32 = arith.constant 0 : i32
    return %select_n3A, %c1_i32 : i32, i32
  }
  func.func @transform_1(%arg0: i32, %arg1: i32) -> (i32, i32) {
    %c0_i32 = arith.constant 0 : i32
    %c0_i32_0 = arith.constant 0 : i32
    %c0_i32_1 = arith.constant 0 : i32
    return %c0_i32, %c0_i32_0 : i32, i32
  }
  func.func @transform_2(%arg0: i32, %arg1: i32) -> (i32, i32) {
    %c0_i32 = arith.constant 0 : i32
    %c0_i32_0 = arith.constant 0 : i32
    %c0_i32_1 = arith.constant 0 : i32
    return %c0_i32, %c0_i32_0 : i32, i32
  }
  func.func @transform_3(%arg0: i32, %arg1: i32) -> (i32, i32) {
    %c0_i32 = arith.constant 0 : i32
    %c0_i32_0 = arith.constant 0 : i32
    %c0_i32_1 = arith.constant 0 : i32
    return %c0_i32, %c0_i32_0 : i32, i32
  }
  func.func @transform_4(%arg0: i32, %arg1: i32) -> (i32, i32) {
    %c0_i32 = arith.constant 0 : i32
    %c0_i32_0 = arith.constant 0 : i32
    return %arg1, %c0_i32 : i32, i32
  }
}

module attributes {stable_mosaic.version = 14 : i64} {
  func.func @_out_kernel(%arg0: i32, %arg1: memref<1024x768xf32, #tpu.memory_space<vmem>>, %arg2: memref<768x768xf32, #tpu.memory_space<vmem>>, %arg3: memref<8x768xf32, #tpu.memory_space<vmem>>, %arg4: memref<768x8xf32, #tpu.memory_space<vmem>>, %arg5: memref<512x64xf32, #tpu.memory_space<vmem>>, %arg6: memref<64x8xf32, #tpu.memory_space<vmem>>, %arg7: memref<1024x768xf32, #tpu.memory_space<vmem>>) attributes {dimension_semantics = [#tpu.dimension_semantics<arbitrary>], iteration_bounds = array<i64: 16>, scalar_prefetch = 0 : i64, scratch_operands = 0 : i64, tpu.core_type = #tpu.core_type<tc>, window_params = [{transform_indices = @transform_0, window_bounds = array<i64: 1024, 768>}, {pipeline_mode = #tpu.pipeline_mode<synchronous>, transform_indices = @transform_1, window_bounds = array<i64: 768, 768>}, {pipeline_mode = #tpu.pipeline_mode<synchronous>, transform_indices = @transform_2, window_bounds = array<i64: 8, 768>}, {pipeline_mode = #tpu.pipeline_mode<synchronous>, transform_indices = @transform_3, window_bounds = array<i64: 768, 8>}, {transform_indices = @transform_4, window_bounds = array<i64: 512, 64>}, {pipeline_mode = #tpu.pipeline_mode<synchronous>, transform_indices = @transform_5, window_bounds = array<i64: 64, 8>}, {transform_indices = @transform_6, window_bounds = array<i64: 1024, 768>}]} {
    %get3A = arith.constant 0 : index
    %get3A_0 = arith.constant 0 : index
    %get3A_1 = vector.load %arg1[%get3A, %get3A_0] : memref<1024x768xf32, #tpu.memory_space<vmem>>, vector<1024x768xf32>
    %convert_element_type3A = arith.truncf %get3A_1 : vector<1024x768xf32> to vector<1024x768xbf16>
    %get3A_2 = arith.constant 0 : index
    %get3A_3 = arith.constant 0 : index
    %get3A_4 = vector.load %arg2[%get3A_2, %get3A_3] : memref<768x768xf32, #tpu.memory_space<vmem>>, vector<768x768xf32>
    %convert_element_type3A_5 = arith.truncf %get3A_4 : vector<768x768xf32> to vector<768x768xbf16>
    %dot_general3A = arith.constant dense<0.000000e+00> : vector<1024x768xf32>
    %dot_general3A_6 = tpu.matmul %convert_element_type3A, %convert_element_type3A_5, %dot_general3A {dimension_numbers = #tpu.dot_dimension_numbers<[1], [1], [0], [0], [0, 0, 1, 0], [], []>, transpose_lhs_hint = false} : vector<1024x768xbf16>, vector<768x768xbf16>, vector<1024x768xf32> -> vector<1024x768xf32>
    %get3A_7 = arith.constant 0 : index
    %get3A_8 = arith.constant 0 : index
    %get3A_9 = vector.load %arg3[%get3A_7, %get3A_8] : memref<8x768xf32, #tpu.memory_space<vmem>>, vector<8x768xf32>
    %dot_general3A_10 = arith.constant dense<0.000000e+00> : vector<1024x8xf32>
    %dot_general3A_11 = tpu.matmul %get3A_1, %get3A_9, %dot_general3A_10 {dimension_numbers = #tpu.dot_dimension_numbers<[1], [1], [0], [0], [0, 0, 1, 0], [], []>, transpose_lhs_hint = false} : vector<1024x768xf32>, vector<8x768xf32>, vector<1024x8xf32> -> vector<1024x8xf32>
    %get3A_12 = arith.constant 0 : index
    %get3A_13 = arith.constant 0 : index
    %get3A_14 = vector.load %arg5[%get3A_12, %get3A_13] : memref<512x64xf32, #tpu.memory_space<vmem>>, vector<512x64xf32>
    %reduce_sum3A = arith.constant dense<0.000000e+00> : vector<512xf32>
    %reduce_sum3A_15 = vector.multi_reduction <add>, %get3A_14, %reduce_sum3A [1] : vector<512x64xf32> to vector<512xf32>
    %broadcast_in_dim3A = vector.shape_cast %reduce_sum3A_15 : vector<512xf32> to vector<512x1xf32>
    %max3A = arith.constant 9.99999971E-10 : f32
    %max3A_16 = vector.broadcast %max3A : f32 to vector<512x1xf32>
    %max3A_17 = arith.maximumf %broadcast_in_dim3A, %max3A_16 : vector<512x1xf32>
    %get3A_18 = arith.constant 0 : index
    %get3A_19 = arith.constant 0 : index
    %get3A_20 = vector.load %arg6[%get3A_18, %get3A_19] : memref<64x8xf32, #tpu.memory_space<vmem>>, vector<64x8xf32>
    %dot_general3A_21 = arith.constant dense<0.000000e+00> : vector<512x8xf32>
    %dot_general3A_22 = tpu.matmul %get3A_14, %get3A_20, %dot_general3A_21 {dimension_numbers = #tpu.dot_dimension_numbers<[1], [0], [0], [1], [0, 0, 1, 1], [], []>, transpose_lhs_hint = false} : vector<512x64xf32>, vector<64x8xf32>, vector<512x8xf32> -> vector<512x8xf32>
    %div3A = vector.broadcast %max3A_17 : vector<512x1xf32> to vector<512x8xf32>
    %div3A_23 = arith.divf %dot_general3A_22, %div3A : vector<512x8xf32>
    %iota3A = tpu.iota {dimensions = array<i32: 0>} : vector<1024x512xi32>
    %jit3A = arith.constant 2 : i32
    %div3A_24 = vector.broadcast %jit3A : i32 to vector<1024x512xi32>
    %div3A_25 = arith.divsi %iota3A, %div3A_24 : vector<1024x512xi32>
    %sign3A = arith.constant 0 : i32
    %sign3A_26 = vector.broadcast %sign3A : i32 to vector<1024x512xi32>
    %sign3A_27 = arith.cmpi sgt, %iota3A, %sign3A_26 : vector<1024x512xi32>
    %sign3A_28 = arith.extui %sign3A_27 : vector<1024x512xi1> to vector<1024x512xi32>
    %sign3A_29 = arith.constant 0 : i32
    %sign3A_30 = vector.broadcast %sign3A_29 : i32 to vector<1024x512xi32>
    %sign3A_31 = arith.cmpi slt, %iota3A, %sign3A_30 : vector<1024x512xi32>
    %sign3A_32 = arith.extui %sign3A_31 : vector<1024x512xi1> to vector<1024x512xi32>
    %sign3A_33 = arith.subi %sign3A_28, %sign3A_32 : vector<1024x512xi32>
    %sign3A_34 = arith.constant 0 : i32
    %sign3A_35 = arith.cmpi sgt, %jit3A, %sign3A_34 : i32
    %sign3A_36 = arith.extui %sign3A_35 : i1 to i32
    %sign3A_37 = arith.constant 0 : i32
    %sign3A_38 = arith.cmpi slt, %jit3A, %sign3A_37 : i32
    %sign3A_39 = arith.extui %sign3A_38 : i1 to i32
    %sign3A_40 = arith.subi %sign3A_36, %sign3A_39 : i32
    %ne3A = vector.broadcast %sign3A_40 : i32 to vector<1024x512xi32>
    %ne3A_41 = arith.cmpi ne, %sign3A_33, %ne3A : vector<1024x512xi32>
    %rem3A = vector.broadcast %jit3A : i32 to vector<1024x512xi32>
    %rem3A_42 = arith.remsi %iota3A, %rem3A : vector<1024x512xi32>
    %ne3A_43 = arith.constant 0 : i32
    %ne3A_44 = vector.broadcast %ne3A_43 : i32 to vector<1024x512xi32>
    %ne3A_45 = arith.cmpi ne, %rem3A_42, %ne3A_44 : vector<1024x512xi32>
    %and3A = arith.andi %ne3A_41, %ne3A_45 : vector<1024x512xi1>
    %sub3A = arith.constant 1 : i32
    %sub3A_46 = vector.broadcast %sub3A : i32 to vector<1024x512xi32>
    %sub3A_47 = arith.subi %div3A_25, %sub3A_46 : vector<1024x512xi32>
    %select_n3A = arith.select %and3A, %sub3A_47, %div3A_25 : vector<1024x512xi1>, vector<1024x512xi32>
    %iota3A_48 = tpu.iota {dimensions = array<i32: 1>} : vector<1024x512xi32>
    %eq3A = arith.cmpi eq, %select_n3A, %iota3A_48 : vector<1024x512xi32>
    %convert_element_type3A_49 = arith.extui %eq3A : vector<1024x512xi1> to vector<1024x512xi32>
    %convert_element_type3A_50 = arith.sitofp %convert_element_type3A_49 : vector<1024x512xi32> to vector<1024x512xf32>
    %dot_general3A_51 = arith.constant dense<0.000000e+00> : vector<1024x8xf32>
    %dot_general3A_52 = tpu.matmul %convert_element_type3A_50, %div3A_23, %dot_general3A_51 {dimension_numbers = #tpu.dot_dimension_numbers<[1], [0], [0], [1], [0, 0, 1, 1], [], []>, transpose_lhs_hint = false} : vector<1024x512xf32>, vector<512x8xf32>, vector<1024x8xf32> -> vector<1024x8xf32>
    %mul3A = arith.mulf %dot_general3A_11, %dot_general3A_52 : vector<1024x8xf32>
    %get3A_53 = arith.constant 0 : index
    %get3A_54 = arith.constant 0 : index
    %get3A_55 = vector.load %arg4[%get3A_53, %get3A_54] : memref<768x8xf32, #tpu.memory_space<vmem>>, vector<768x8xf32>
    %dot_general3A_56 = arith.constant dense<0.000000e+00> : vector<1024x768xf32>
    %dot_general3A_57 = tpu.matmul %mul3A, %get3A_55, %dot_general3A_56 {dimension_numbers = #tpu.dot_dimension_numbers<[1], [1], [0], [0], [0, 0, 1, 0], [], []>, transpose_lhs_hint = false} : vector<1024x8xf32>, vector<768x8xf32>, vector<1024x768xf32> -> vector<1024x768xf32>
    %mul3A_58 = arith.constant 2.000000e+00 : f32
    %mul3A_59 = vector.broadcast %mul3A_58 : f32 to vector<1024x768xf32>
    %mul3A_60 = arith.mulf %dot_general3A_57, %mul3A_59 : vector<1024x768xf32>
    %add3A = arith.addf %dot_general3A_6, %mul3A_60 : vector<1024x768xf32>
    %swap3A = arith.constant 0 : index
    %swap3A_61 = arith.constant 0 : index
    %swap3A_62 = vector.load %arg7[%swap3A, %swap3A_61] : memref<1024x768xf32, #tpu.memory_space<vmem>>, vector<1024x768xf32>
    tpu.vector_store %arg7[%swap3A, %swap3A_61], %add3A {strides = array<i32>} : memref<1024x768xf32, #tpu.memory_space<vmem>>, vector<1024x768xf32>,
    return
  }
  func.func @transform_0(%arg0: i32) -> (i32, i32) {
    %c0_i32 = arith.constant 0 : i32
    %c0_i32_0 = arith.constant 0 : i32
    return %arg0, %c0_i32 : i32, i32
  }
  func.func @transform_1(%arg0: i32) -> (i32, i32) {
    %c0_i32 = arith.constant 0 : i32
    %c0_i32_0 = arith.constant 0 : i32
    %c0_i32_1 = arith.constant 0 : i32
    return %c0_i32, %c0_i32_0 : i32, i32
  }
  func.func @transform_2(%arg0: i32) -> (i32, i32) {
    %c0_i32 = arith.constant 0 : i32
    %c0_i32_0 = arith.constant 0 : i32
    %c0_i32_1 = arith.constant 0 : i32
    return %c0_i32, %c0_i32_0 : i32, i32
  }
  func.func @transform_3(%arg0: i32) -> (i32, i32) {
    %c0_i32 = arith.constant 0 : i32
    %c0_i32_0 = arith.constant 0 : i32
    %c0_i32_1 = arith.constant 0 : i32
    return %c0_i32, %c0_i32_0 : i32, i32
  }
  func.func @transform_4(%arg0: i32) -> (i32, i32) {
    %c0_i32 = arith.constant 0 : i32
    %c0_i32_0 = arith.constant 0 : i32
    return %arg0, %c0_i32 : i32, i32
  }
  func.func @transform_5(%arg0: i32) -> (i32, i32) {
    %c0_i32 = arith.constant 0 : i32
    %c0_i32_0 = arith.constant 0 : i32
    %c0_i32_1 = arith.constant 0 : i32
    return %c0_i32, %c0_i32_0 : i32, i32
  }
  func.func @transform_6(%arg0: i32) -> (i32, i32) {
    %c0_i32 = arith.constant 0 : i32
    %c0_i32_0 = arith.constant 0 : i32
    return %arg0, %c0_i32 : i32, i32
  }
}

</mosaic_0001>

<sc_bundles>
// kernel: kernel.5.cloned.1.call-start
scs
__scs_entry_jumppad:
0x0: {  	(pc) =	sbr.rel $0x88, $3  }
0x1: {  	(tag) =	ssettag $0x0;
	lr =	simm.s32 $0x1  }
0x2: {  	[smem:$0x3F9A] =	sst lr;
	_ =	strace $0xD0000000  }
0x3: {  	_ = 	snop  }
0x4: {  	_ = 	snop  }
0x5: {  	_ = 	snop  }
0x6: {  	_ = 	snop  }
0x7: {  	_ = 	snop  }
__scs_overlays_trampoline_lowered:
0x8: {  	[smem:$0x3FA9] =	sst s0  }
0x9: {  	[smem:$0x3FAA] =	sst s1  }
0xa: {  	[smem:$0x3FAB] =	sst s2  }
0xb: {  	[smem:$0x3FAC] =	sst s3  }
0xc: {  	[smem:$0x3FAD] =	sst s4  }
0xd: {  	[smem:$0x3FAE] =	sst s5  }
0xe: {  	[smem:$0x3FAF] =	sst s6  }
0xf: {  	[smem:$0x3FB0] =	sst s7  }
0x10: {  	[smem:$0x3FB1] =	sst s8  }
0x11: {  	[smem:$0x3FB2] =	sst s9;
	s0 =	simm.s32 @!p0 $0x0  }
0x12: {  	s1 =	sld [smem:$0x3F98];
	s0 =	simm.s32 @p0 $0x1  }
0x13: {  	[smem:$0x3FB3] =	sst s0;
	s0 =	simm.s32 @!p1 $0x0  }
0x14: {  	s2 =	sld [smem:$0x3F97];
	s0 =	simm.s32 @p1 $0x1  }
0x15: {  	[smem:$0x3FB4] =	sst s0;
	s0 =	simm.s32 @!p2 $0x0  }
0x16: {  	s3 =	sld [smem:$0x3FDB];
	s0 =	simm.s32 @p2 $0x1  }
0x17: {  	s4 =	simm.s32 $0x1BF5;
	[smem:$0x3FB6] =	sst s0  }
0x18: {  	s0 =	sld [smem:$0x3F99];
	_ =	swait.ge [sflag:s4], $0x0  }
0x19: {  	s7 =	sld [smem:$0x3F9A]  }
0x1a: {  	s8 =	sadd.s32 $0xFFFFE003, lr  }
0x1b: {  	s9 =	sadd.s32 $0xFFFFFEF7, lr;
	s5 =	simm.s32 $0xFFFFFFFF;
	p2 =	slt.u32 s8, $0xFFFFF086  }
0x1c: {  	p1 =	slt.u32 s9, $0xF7A;
	s5 =	simm.s32 @!p2 $0x0  }
0x1d: {  	s5 =	simm.s32 @p1 $0x1;
	p0 =	seq.s32 s7, s2  }
0x1e: {  	s7 =	smul.u32 @!p0 $0xF7A, s2;
	p2 =	seq.s32 @!p0 s5, $0x0  }
0x1f: {  	s9 =	smul.u32 $0xF7A, s1;
	s8 =	simm.s32 @!p0 $0x1BF5;
	p2 =	por !p2, p0  }
0x20: {  	[sflag:s8] =	ssyncset.s32 @!p0 $0xFFFFF086;
	s6 =	sadd.s32 @!p0 s3, s7;
	s7 =	simm.s32 @!p0 $0x108  }
0x21: {  	s3 =	sadd.s32 s3, s9;
	s6 =	sadd.s32 @!p0 $0x88, s6;
	s7 =	simm.s32 @p2 $0x1082  }
0x22: {  	[simem:s7], [sflag:s8] =	dma.local @!p0 [hbm:s6], $0xF7A  }
0x23: {  	s9 =	sor.u32 $0xD0000000, s2;
	s6 =	simm.s32 $0x108;
	_ =	swait.ge @!p0 [sflag:s8], $0x0  }
0x24: {  	s3 =	sadd.s32 $0x88, s3;
	s6 =	simm.s32 @!p1 $0x1082;
	[sflag:s4] =	ssyncset.s32 $0xFFFFF086  }
0x25: {  	[simem:s6], [sflag:s4] =	dma.local [hbm:s3], $0xF7A  }
0x26: {  	[smem:$0x3F9A] =	sst s1;
	(tag) =	ssettag s2;
	_ =	strace s9  }
0x27: {  	s1 =	sld [smem:$0x3FAA]  }
0x28: {  	s2 =	sld [smem:$0x3FAB]  }
0x29: {  	s4 =	sld [smem:$0x3FAD]  }
0x2a: {  	p0 =	seq.s32 s5, $0x0;
	s5 =	sld [smem:$0x3FAE]  }
0x2b: {  	s6 =	sld [smem:$0x3FAF]  }
0x2c: {  	s7 =	sld [smem:$0x3FB0]  }
0x2d: {  	s3 =	simm.s32 $0x108;
	s8 =	sld [smem:$0x3FB1]  }
0x2e: {  	s3 =	simm.s32 @!p0 $0x1082;
	s9 =	sld [smem:$0x3FB2]  }
0x2f: {  	lr =	sadd.s32 s0, s3;
	s0 =	sld [smem:$0x3FA9]  }
0x30: {  	s3 =	sld [smem:$0x3FAC]  }
0x31: {  	[smem:$0x3FB5] =	sst s10  }
0x32: {  	s10 =	sld [smem:$0x3FB3];
	_ =	sdelay $0x3  }
0x33: {  	p0 =	seq.s32 s10, $0x1;
	s10 =	sld [smem:$0x3FB5];
	_ =	sdelay $0x3  }
0x34: {  	[smem:$0x3FB5] =	sst s10  }
0x35: {  	s10 =	sld [smem:$0x3FB4];
	_ =	sdelay $0x3  }
0x36: {  	p1 =	seq.s32 s10, $0x1;
	s10 =	sld [smem:$0x3FB5];
	_ =	sdelay $0x3  }
0x37: {  	[smem:$0x3FB5] =	sst s10  }
0x38: {  	s10 =	sld [smem:$0x3FB6]  }
0x39: {  	_ = 	snop;
	(pc) =	sbr.ind lr, $3  }
0x3a: {  	_ = 	snop  }
0x3b: {  	_ = 	snop  }
0x3c: {  	p2 =	seq.s32 s10, $0x1;
	s10 =	sld [smem:$0x3FB5]  }
0x3d: {  	_ =	shalt  }
0x3e: {  	_ =	shalt  }
0x3f: {  	_ =	shalt  }
0x40: {  	_ =	shalt  }
0x41: {  	_ =	shalt  }
0x42: {  	_ =	shalt  }
0x43: {  	_ =	shalt  }
0x44: {  	_ =	shalt  }
0x45: {  	_ =	shalt  }
0x46: {  	_ =	shalt  }
0x47: {  	_ =	shalt  }
0x48: {  	_ =	shalt  }
0x49: {  	_ =	shalt  }
0x4a: {  	_ =	shalt  }
0x4b: {  	_ =	shalt  }
0x4c: {  	_ =	shalt  }
0x4d: {  	_ =	shalt  }
0x4e: {  	_ =	shalt  }
0x4f: {  	_ =	shalt  }
0x50: {  	_ =	shalt  }
0x51: {  	_ =	shalt  }
0x52: {  	_ =	shalt  }
0x53: {  	_ =	shalt  }
0x54: {  	_ =	shalt  }
0x55: {  	_ =	shalt  }
0x56: {  	_ =	shalt  }
0x57: {  	_ =	shalt  }
0x58: {  	_ =	shalt  }
0x59: {  	_ =	shalt  }
0x5a: {  	_ =	shalt  }
0x5b: {  	_ =	shalt  }
0x5c: {  	_ =	shalt  }
0x5d: {  	_ =	shalt  }
0x5e: {  	_ =	shalt  }
0x5f: {  	_ =	shalt  }
0x60: {  	_ =	shalt  }
0x61: {  	_ =	shalt  }
0x62: {  	_ =	shalt  }
0x63: {  	_ =	shalt  }
0x64: {  	_ =	shalt  }
0x65: {  	_ =	shalt  }
0x66: {  	_ =	shalt  }
0x67: {  	_ =	shalt  }
0x68: {  	_ =	shalt  }
0x69: {  	_ =	shalt  }
0x6a: {  	_ =	shalt  }
0x6b: {  	_ =	shalt  }
0x6c: {  	_ =	shalt  }
0x6d: {  	_ =	shalt  }
0x6e: {  	_ =	shalt  }
0x6f: {  	_ =	shalt  }
0x70: {  	_ =	shalt  }
0x71: {  	_ =	shalt  }
0x72: {  	_ =	shalt  }
0x73: {  	_ =	shalt  }
0x74: {  	_ =	shalt  }
0x75: {  	_ =	shalt  }
0x76: {  	_ =	shalt  }
0x77: {  	_ =	shalt  }
0x78: {  	_ =	shalt  }
0x79: {  	_ =	shalt  }
0x7a: {  	_ =	shalt  }
0x7b: {  	_ =	shalt  }
0x7c: {  	_ =	shalt  }
0x7d: {  	_ =	shalt  }
0x7e: {  	_ =	shalt  }
0x7f: {  	_ =	shalt  }
0x80: {  	_ =	shalt  }
0x81: {  	_ =	shalt  }
0x82: {  	_ =	shalt  }
0x83: {  	_ =	shalt  }
0x84: {  	_ =	shalt  }
0x85: {  	_ =	shalt  }
0x86: {  	_ =	shalt  }
0x87: {  	_ =	shalt  }
.Lfunc_end0:
.L_simem_size_0:
called_computation_lowered:
.L_overlay_start_0:
0x88: {  	s2 =	sld [smem:$0x3FD9]  }
0x89: {  	s3 =	sld [smem:$0x3FFE];
	_ =	sdelay $0x1  }
0x8a: {  	s1 =	srdreg.scid  }
0x8b: {  	s0 =	sand.u32 $0x1, s1  }
0x8c: {  	s17 =	sshll.u32 s0, $0xA;
	s2 =	sadd.s32 s3, s2  }
0x8d: {  	s2 =	sadd.s32 s2, s17  }
0x8e: {  	[smem:$0x3FC1] =	sst s2  }
0x8f: {  	_ = 	snop  }
0x90: {  	s2 =	sld [smem:$0x3FD0];
	(tm) =	ssettm $0x1  }
0x91: {  	s18 =	sld [smem:$0x3FFB];
	_ =	sdelay $0x3  }
0x92: {  	_ =	strace s18  }
0x93: {  	s3 =	sld [smem:$0x3FFC];
	_ =	sdelay $0x3  }
0x94: {  	_ =	strace s3  }
0x95: {  	s3 =	sld [smem:$0x3FFD];
	_ =	sdelay $0x3  }
0x96: {  	_ =	strace s3  }
0x97: {  	_ =	strace $0x8FFFFFFF  }
0x98: {  	s19 =	sld [smem:$0x3FDB];
	_ =	sdelay $0x1  }
0x99: {  	s4 =	simm.s32 $_scs_section_size  }
0x9a: {  	s5 =	simm.s32 $_size__tile_overlayer_lowered;
	s6 =	simm.s32 $_tile_overlayer_lowered  }
0x9b: {  	s22 =	simm.s32 $0x1BFF;
	s21 =	sshll.u32 s6, $0x1;
	s3 =	sadd.s32 s4, s19  }
0x9c: {  	s7 =	simm.s32 $0x0;
	s20 =	sshll.u32 s5, $0x1;
	s5 =	sadd.s32 s21, s3  }
0x9d: {  	[timem:s7], [sflag:s22] =	dma.local [hbm:s5], s20  }
0x9e: {  	_ =	swait.ge [sflag:s22], s20  }
0x9f: {  	s4 =	ssub.s32 $0x0, s20;
	[sflag:s22] =	ssyncset.done $0x0  }
0xa0: {  	[sflag:s22] =	ssyncadd.s32 s4;
	_ =	sdelay $0x1  }
0xa1: {  	s23 =	simm.s32 $0x1B8B  }
0xa2: {  	_ =	swait.ge [sflag:s23], $0x1  }
0xa3: {  	[sflag:s23] =	ssyncset.done $0x0  }
0xa4: {  	s25 =	simm.s32 $0x1B8E;
	s24 =	sld [smem:$0x3FFE];
	[sflag:s23] =	ssyncadd.s32 $0xFFFFFFFF  }
0xa5: {  	s26 =	simm.s32 $execute0_lowered;
	[smem:$0x3FD2] =	sst s25  }
0xa6: {  	s5 =	sshll.u32 s26, $0x1;
	_ =	strace $0x80000046;
	[dreg:$0x1] =	wrdreg $0xFFFFFFFF  }
0xa7: {  	s28 =	simm.s32 $_size_execute0_lowered;
	s3 =	sadd.s32 s3, s5;
	[dreg:$0x0] =	wrdreg $0x0  }
0xa8: {  	s5 =	sshll.u32 s28, $0x1;
	[dreg:$0x2] =	wrdreg s3  }
0xa9: {  	[dreg:$0x3] =	wrdreg s5  }
0xaa: {  	[dreg:$0x4] =	wrdreg $0xC0  }
0xab: {  	_ =	task [dreg:s7], $0x5FFFF  }
0xac: {  	[dreg:$0x1] =	wrdreg $0xFFFFFFFF  }
0xad: {  	[dreg:$0x0] =	wrdreg $0x60  }
0xae: {  	[dreg:$0x2] =	wrdreg s2  }
0xaf: {  	[dreg:$0x3] =	wrdreg s24  }
0xb0: {  	[dreg:$0x4] =	wrdreg $0x9  }
0xb1: {  	_ =	task.clear_ibuf [dreg:s7], $0x5FFFF;
	_ =	strace $0x90000046  }
0xb2: {  	s29 =	simm.s32 $0x9;
	_ =	strace $0x80000048  }
0xb3: {  	_ =	swait.ge [sflag:s29], $0x1  }
0xb4: {  	[sflag:s29] =	ssyncadd.s32 $0xFFFFFFFF  }
0xb5: {  	_ =	strace $0x90000048  }
0xb6: {  	_ =	sfence  }
0xb7: {  	s30 =	sld [smem:$0x0];
	_ =	sdelay $0x2  }
0xb8: {  	s31 =	sshll.u32 s1, $0xD;
	s1 =	sshrl.u32 s1, $0x2  }
0xb9: {  	s3 =	sand.u32 $0x4000, s31;
	s1 =	sadd.s32 s1, s30  }
0xba: {  	s0 =	sor.u32 s3, s0;
	s1 =	sshll.u32 s1, $0x11  }
0xbb: {  	s0 =	sor.u32 s1, s0  }
0xbc: {  	s0 =	sadd.s32 $0x8F2B, s0  }
0xbd: {  	[sflag:s0] =	ssyncadd.remote.s32 $0x1  }
0xbe: {  	_ =	sfence.sel $0xFFFF  }
0xbf: {  	[dreg:$0x0] =	wrdreg $0xFFFFFFFF;
	(pc) =	sbr.abs _section_cstart, $3  }
0xc0: {  	[dreg:$0x1] =	wrdreg $0xFFFFFFFF  }
0xc1: {  	_ =	task.clear_ibuf [dreg:s7], $0x2FFFF;
	_ =	strace $0x9FFFFFFF  }
0xc2: {  	(tm) =	ssettm $0x7FFFFFFF  }
0xc3: {  	_ =	shalt  }
tec
execute0_lowered:
.L_overlay_start_1:
0x0: {  	(tag) =	ssettag $0x1  }
0x1: {  	s3 =	rddreg [dreg:$0x0]  }
0x2: {  	s4 =	rddreg [dreg:$0x1]  }
0x3: {  	s0 =	rddreg [dreg:$0x2];
	s5 =	srdreg.scid  }
0x4: {  	s2 =	simm.s32 $0x0;
	s1 =	stileid.u32;
	s8 =	simm.s32 $0x0  }
0x5: {  	s5 =	sand.u32 $0x1, s5;
	s6 =	sshll.u32 s1, $0xC;
	[smem:$0x7FF] =	sst s2  }
0x6: {  	s7 =	sshll.u32 s5, $0xB;
	s5 =	ssub.s32 $0x2, s5;
	_ =	strace $0x80000047  }
0x7: {  	s6 =	sor.u32 s7, s6;
	s31 =	sshrl.u32 s5, $0x1;
	s7 =	simm.s32 $0x4000  }
0x8: {  	v0 =	vlaneseq.u32;
	s4 =	sadd.s32 s6, s4;
	s5 =	ssub.s32 s5, s31;
	s3 =	sadd.s32 s3, s6  }
0x9: {  	v53 =	vmul.u32 $0x40, v0;
	s6 =	simm.s32 $0x1;
	s4 =	sadd.s32 $0x1000, s4;
	s5 =	smax.u32 s5, $0x1  }
.LBB2_1:
0xa: {  	[tilespmem:s2], [sflag:$0x1] =	stream.linear.gather [hbm4b:s3+s2], $0x4000, $0x38;
	[tilespmem:$0xA000] =	vst v63  }
0xb: {  	_ =	swait.ge [sflag:s6], $0x4000  }
0xc: {  	[sflag:s6] =	ssyncset.done $0x0  }
0xd: {  	s9 =	simm.s32 $0x3F;
	[sflag:s6] =	ssyncadd.s32 $0xFFFFC000  }
.LBB2_2:
0xe: {  	s10 =	sadd.s32 $0xFFFFFFC1, s9  }
0xf: {  	v0 =	vor.u32 s10, v53;
	_ =	sdelay $0x4  }
0x10: {  	s30 =	sadd.s32 $0xFFFFFFC2, s9;
	v52 =	vld.idx.msk [tilespmem:v0+s2+$0x0], $0xffff  }
0x11: {  	v20 =	vor.u32 s30, v53;
	_ =	sdelay $0x3  }
0x12: {  	[tilespmem:$0x8000] =	vst v52  }
0x13: {  	s31 =	sadd.s32 $0xFFFFFFC3, s9;
	v1 =	vld.idx.msk [tilespmem:v20+s2+$0x0], $0xffff  }
0x14: {  	v21 =	vor.u32 s31, v53;
	_ =	sdelay $0x3  }
0x15: {  	[tilespmem:$0x8080] =	vst v1  }
0x16: {  	s11 =	sadd.s32 $0xFFFFFFC4, s9;
	v3 =	vld.idx.msk [tilespmem:v21+s2+$0x0], $0xffff  }
0x17: {  	v22 =	vor.u32 s11, v53;
	_ =	sdelay $0x3  }
0x18: {  	[tilespmem:$0x8100] =	vst v3  }
0x19: {  	s12 =	sadd.s32 $0xFFFFFFC5, s9;
	v29 =	vld.idx.msk [tilespmem:v22+s2+$0x0], $0xffff  }
0x1a: {  	v23 =	vor.u32 s12, v53;
	_ =	sdelay $0x3  }
0x1b: {  	[tilespmem:$0x8180] =	vst v29  }
0x1c: {  	s13 =	sadd.s32 $0xFFFFFFC6, s9;
	v6 =	vld.idx.msk [tilespmem:v23+s2+$0x0], $0xffff  }
0x1d: {  	v24 =	vor.u32 s13, v53;
	_ =	sdelay $0x3  }
0x1e: {  	[tilespmem:$0x8200] =	vst v6  }
0x1f: {  	s14 =	sadd.s32 $0xFFFFFFC7, s9;
	[tilespmem:$0x1FC30] =	vst v22;
	v22 =	vld.idx.msk [tilespmem:v24+s2+$0x0], $0xffff  }
0x20: {  	v25 =	vor.u32 s14, v53;
	_ =	sdelay $0x3  }
0x21: {  	[tilespmem:$0x8280] =	vst v22  }
0x22: {  	s15 =	sadd.s32 $0xFFFFFFC8, s9;
	[tilespmem:$0x1FC60] =	vst v25;
	v25 =	vld.idx.msk [tilespmem:v25+s2+$0x0], $0xffff  }
0x23: {  	v26 =	vor.u32 s15, v53;
	_ =	sdelay $0x3  }
0x24: {  	[tilespmem:$0x8300] =	vst v25  }
0x25: {  	s16 =	sadd.s32 $0xFFFFFFC9, s9;
	v19 =	vld.idx.msk [tilespmem:v26+s2+$0x0], $0xffff  }
0x26: {  	v27 =	vor.u32 s16, v53;
	_ =	sdelay $0x3  }
0x27: {  	[tilespmem:$0x8380] =	vst v19  }
0x28: {  	s17 =	sadd.s32 $0xFFFFFFCA, s9;
	v7 =	vld.idx.msk [tilespmem:v27+s2+$0x0], $0xffff  }
0x29: {  	v28 =	vor.u32 s17, v53;
	_ =	sdelay $0x3  }
0x2a: {  	[tilespmem:$0x8400] =	vst v7  }
0x2b: {  	s18 =	sadd.s32 $0xFFFFFFCB, s9;
	v8 =	vld.idx.msk [tilespmem:v28+s2+$0x0], $0xffff  }
0x2c: {  	v30 =	vor.u32 s18, v53;
	_ =	sdelay $0x3  }
0x2d: {  	[tilespmem:$0x8480] =	vst v8  }
0x2e: {  	s19 =	sadd.s32 $0xFFFFFFCC, s9;
	[tilespmem:$0x1FC80] =	vst v27;
	v27 =	vld.idx.msk [tilespmem:v30+s2+$0x0], $0xffff  }
0x2f: {  	v31 =	vor.u32 s19, v53;
	_ =	sdelay $0x3  }
0x30: {  	[tilespmem:$0x8500] =	vst v27  }
0x31: {  	s20 =	sadd.s32 $0xFFFFFFCD, s9;
	[tilespmem:$0x1FCB0] =	vst v31;
	v31 =	vld.idx.msk [tilespmem:v31+s2+$0x0], $0xffff  }
0x32: {  	v32 =	vor.u32 s20, v53;
	_ =	sdelay $0x3  }
0x33: {  	[tilespmem:$0x8580] =	vst v31  }
0x34: {  	s21 =	sadd.s32 $0xFFFFFFCE, s9;
	[tilespmem:$0x1FC50] =	vst v24;
	v24 =	vld.idx.msk [tilespmem:v32+s2+$0x0], $0xffff  }
0x35: {  	v33 =	vor.u32 s21, v53;
	_ =	sdelay $0x3  }
0x36: {  	[tilespmem:$0x8600] =	vst v24  }
0x37: {  	s22 =	sadd.s32 $0xFFFFFFCF, s9;
	[tilespmem:$0x1FC20] =	vst v21;
	v21 =	vld.idx.msk [tilespmem:v33+s2+$0x0], $0xffff  }
0x38: {  	v34 =	vor.u32 s22, v53;
	_ =	sdelay $0x3  }
0x39: {  	[tilespmem:$0x8680] =	vst v21  }
0x3a: {  	s23 =	sadd.s32 $0xFFFFFFD0, s9;
	[tilespmem:$0x1FC10] =	vst v20;
	v20 =	vld.idx.msk [tilespmem:v34+s2+$0x0], $0xffff  }
0x3b: {  	v35 =	vor.u32 s23, v53;
	_ =	sdelay $0x3  }
0x3c: {  	[tilespmem:$0x8700] =	vst v20  }
0x3d: {  	s24 =	sadd.s32 $0xFFFFFFD1, s9;
	v47 =	vld.idx.msk [tilespmem:v35+s2+$0x0], $0xffff  }
0x3e: {  	v36 =	vor.u32 s24, v53;
	_ =	sdelay $0x3  }
0x3f: {  	[tilespmem:$0x8780] =	vst v47  }
0x40: {  	s25 =	sadd.s32 $0xFFFFFFD2, s9;
	v10 =	vld.idx.msk [tilespmem:v36+s2+$0x0], $0xffff  }
0x41: {  	v37 =	vor.u32 s25, v53;
	_ =	sdelay $0x3  }
0x42: {  	[tilespmem:$0x8800] =	vst v10  }
0x43: {  	s26 =	sadd.s32 $0xFFFFFFD3, s9;
	v11 =	vld.idx.msk [tilespmem:v37+s2+$0x0], $0xffff  }
0x44: {  	v38 =	vor.u32 s26, v53;
	_ =	sdelay $0x3  }
0x45: {  	[tilespmem:$0x8880] =	vst v11  }
0x46: {  	s28 =	sadd.s32 $0xFFFFFFD4, s9;
	v54 =	vld.idx.msk [tilespmem:v38+s2+$0x0], $0xffff  }
0x47: {  	v39 =	vor.u32 s28, v53;
	_ =	sdelay $0x3  }
0x48: {  	[tilespmem:$0x8900] =	vst v54  }
0x49: {  	s29 =	sadd.s32 $0xFFFFFFD5, s9;
	v60 =	vld.idx.msk [tilespmem:v39+s2+$0x0], $0xffff  }
0x4a: {  	v40 =	vor.u32 s29, v53;
	_ =	sdelay $0x3  }
0x4b: {  	[tilespmem:$0x8980] =	vst v60  }
0x4c: {  	s30 =	sadd.s32 $0xFFFFFFD6, s9;
	[tilespmem:$0x1FC70] =	vst v26;
	v26 =	vld.idx.msk [tilespmem:v40+s2+$0x0], $0xffff  }
0x4d: {  	v41 =	vor.u32 s30, v53;
	_ =	sdelay $0x3  }
0x4e: {  	[tilespmem:$0x8A00] =	vst v26  }
0x4f: {  	s31 =	sadd.s32 $0xFFFFFFD7, s9;
	[tilespmem:$0x1FC90] =	vst v28;
	v28 =	vld.idx.msk [tilespmem:v41+s2+$0x0], $0xffff  }
0x50: {  	v42 =	vor.u32 s31, v53;
	_ =	sdelay $0x3  }
0x51: {  	[tilespmem:$0x8A80] =	vst v28  }
0x52: {  	s11 =	sadd.s32 $0xFFFFFFD8, s9;
	[tilespmem:$0x1FC40] =	vst v23;
	v23 =	vld.idx.msk [tilespmem:v42+s2+$0x0], $0xffff  }
0x53: {  	v43 =	vor.u32 s11, v53;
	_ =	sdelay $0x3  }
0x54: {  	[tilespmem:$0x8B00] =	vst v23  }
0x55: {  	s12 =	sadd.s32 $0xFFFFFFD9, s9;
	v16 =	vld.idx.msk [tilespmem:v43+s2+$0x0], $0xffff  }
0x56: {  	v44 =	vor.u32 s12, v53;
	_ =	sdelay $0x3  }
0x57: {  	[tilespmem:$0x8B80] =	vst v16  }
0x58: {  	s13 =	sadd.s32 $0xFFFFFFDA, s9;
	v15 =	vld.idx.msk [tilespmem:v44+s2+$0x0], $0xffff  }
0x59: {  	v45 =	vor.u32 s13, v53;
	_ =	sdelay $0x3  }
0x5a: {  	[tilespmem:$0x8C00] =	vst v15  }
0x5b: {  	s14 =	sadd.s32 $0xFFFFFFDB, s9;
	v14 =	vld.idx.msk [tilespmem:v45+s2+$0x0], $0xffff  }
0x5c: {  	v46 =	vor.u32 s14, v53;
	_ =	sdelay $0x3  }
0x5d: {  	[tilespmem:$0x8C80] =	vst v14  }
0x5e: {  	s15 =	sadd.s32 $0xFFFFFFDC, s9;
	[tilespmem:$0x1FCA0] =	vst v30;
	v30 =	vld.idx.msk [tilespmem:v46+s2+$0x0], $0xffff  }
0x5f: {  	v48 =	vor.u32 s15, v53;
	_ =	sdelay $0x3  }
0x60: {  	[tilespmem:$0x8D00] =	vst v30  }
0x61: {  	s16 =	sadd.s32 $0xFFFFFFDD, s9;
	[tilespmem:$0x1FCC0] =	vst v32;
	v32 =	vld.idx.msk [tilespmem:v48+s2+$0x0], $0xffff  }
0x62: {  	v49 =	vor.u32 s16, v53;
	_ =	sdelay $0x3  }
0x63: {  	[tilespmem:$0x8D80] =	vst v32  }
0x64: {  	s17 =	sadd.s32 $0xFFFFFFDE, s9;
	v55 =	vld.idx.msk [tilespmem:v49+s2+$0x0], $0xffff  }
0x65: {  	v50 =	vor.u32 s17, v53;
	_ =	sdelay $0x3  }
0x66: {  	[tilespmem:$0x8E00] =	vst v55  }
0x67: {  	s18 =	sadd.s32 $0xFFFFFFDF, s9;
	v56 =	vld.idx.msk [tilespmem:v50+s2+$0x0], $0xffff  }
0x68: {  	v51 =	vor.u32 s18, v53;
	_ =	sdelay $0x3  }
0x69: {  	[tilespmem:$0x8E80] =	vst v56  }
0x6a: {  	s19 =	sadd.s32 $0xFFFFFFE0, s9;
	[tilespmem:$0x1FCD0] =	vst v33;
	v33 =	vld.idx.msk [tilespmem:v51+s2+$0x0], $0xffff  }
0x6b: {  	v57 =	vor.u32 s19, v53;
	_ =	sdelay $0x3  }
0x6c: {  	[tilespmem:$0x8F00] =	vst v33  }
0x6d: {  	s20 =	sadd.s32 $0xFFFFFFE1, s9;
	[tilespmem:$0x1FCE0] =	vst v34;
	v34 =	vld.idx.msk [tilespmem:v57+s2+$0x0], $0xffff  }
0x6e: {  	v58 =	vor.u32 s20, v53;
	_ =	sdelay $0x3  }
0x6f: {  	[tilespmem:$0x8F80] =	vst v34  }
0x70: {  	s21 =	sadd.s32 $0xFFFFFFE2, s9;
	[tilespmem:$0x1FDF0] =	vst v57;
	v57 =	vld.idx.msk [tilespmem:v58+s2+$0x0], $0xffff  }
0x71: {  	v59 =	vor.u32 s21, v53;
	_ =	sdelay $0x3  }
0x72: {  	[tilespmem:$0x9000] =	vst v57  }
0x73: {  	s22 =	sadd.s32 $0xFFFFFFE3, s9;
	[tilespmem:$0x1FE00] =	vst v58;
	v58 =	vld.idx.msk [tilespmem:v59+s2+$0x0], $0xffff  }
0x74: {  	v61 =	vor.u32 s22, v53;
	_ =	sdelay $0x3  }
0x75: {  	[tilespmem:$0x9080] =	vst v58  }
0x76: {  	s23 =	sadd.s32 $0xFFFFFFE4, s9;
	v12 =	vld.idx.msk [tilespmem:v61+s2+$0x0], $0xffff  }
0x77: {  	v62 =	vor.u32 s23, v53;
	_ =	sdelay $0x3  }
0x78: {  	[tilespmem:$0x9100] =	vst v12  }
0x79: {  	s24 =	sadd.s32 $0xFFFFFFE5, s9;
	v13 =	vld.idx.msk [tilespmem:v62+s2+$0x0], $0xffff  }
0x7a: {  	v63 =	vor.u32 s24, v53;
	_ =	sdelay $0x2  }
0x7b: {  	[tilespmem:$0x1FC00] =	vst v0  }
0x7c: {  	[tilespmem:$0x9180] =	vst v13  }
0x7d: {  	s25 =	sadd.s32 $0xFFFFFFE6, s9;
	[tilespmem:$0x1FCF0] =	vst v35;
	v35 =	vld.idx.msk [tilespmem:v63+s2+$0x0], $0xffff  }
0x7e: {  	[tilespmem:$0x1FD00] =	vst v36;
	v4 =	vor.u32 s25, v53  }
0x7f: {  	[tilespmem:$0x1FD10] =	vst v37  }
0x80: {  	[tilespmem:$0x1FD20] =	vst v38  }
0x81: {  	[tilespmem:$0x1FD30] =	vst v39  }
0x82: {  	[tilespmem:$0x9200] =	vst v35  }
0x83: {  	s26 =	sadd.s32 $0xFFFFFFE7, s9;
	[tilespmem:$0x1FD40] =	vst v40;
	v37 =	vld.idx.msk [tilespmem:v4+s2+$0x0], $0xffff  }
0x84: {  	v5 =	vor.u32 s26, v53;
	[tilespmem:$0x1FD50] =	vst v41  }
0x85: {  	[tilespmem:$0x1FD60] =	vst v42  }
0x86: {  	[tilespmem:$0x1FD70] =	vst v43  }
0x87: {  	[tilespmem:$0x1FD80] =	vst v44  }
0x88: {  	[tilespmem:$0x9280] =	vst v37  }
0x89: {  	s28 =	sadd.s32 $0xFFFFFFE8, s9;
	[tilespmem:$0x1FD90] =	vst v45;
	v36 =	vld.idx.msk [tilespmem:v5+s2+$0x0], $0xffff  }
0x8a: {  	v9 =	vor.u32 s28, v53;
	[tilespmem:$0x1FDA0] =	vst v46  }
0x8b: {  	[tilespmem:$0x1FDB0] =	vst v48  }
0x8c: {  	[tilespmem:$0x1FDC0] =	vst v49  }
0x8d: {  	[tilespmem:$0x1FDD0] =	vst v50  }
0x8e: {  	[tilespmem:$0x9300] =	vst v36  }
0x8f: {  	s29 =	sadd.s32 $0xFFFFFFE9, s9;
	[tilespmem:$0x1FDE0] =	vst v51;
	v38 =	vld.idx.msk [tilespmem:v9+s2+$0x0], $0xffff  }
0x90: {  	v17 =	vor.u32 s29, v53;
	[tilespmem:$0x1FE10] =	vst v59  }
0x91: {  	[tilespmem:$0x1FE20] =	vst v61  }
0x92: {  	[tilespmem:$0x1FE30] =	vst v62  }
0x93: {  	[tilespmem:$0x1FE40] =	vst v63  }
0x94: {  	[tilespmem:$0x9380] =	vst v38  }
0x95: {  	s30 =	sadd.s32 $0xFFFFFFEA, s9;
	[tilespmem:$0x1FE50] =	vst v4;
	v59 =	vld.idx.msk [tilespmem:v17+s2+$0x0], $0xffff  }
0x96: {  	[tilespmem:$0x1FE60] =	vst v5;
	v18 =	vor.u32 s30, v53  }
0x97: {  	[tilespmem:$0x1FE70] =	vst v9  }
0x98: {  	[tilespmem:$0x1FE80] =	vst v17  }
0x99: {  	[tilespmem:$0x1FE90] =	vst v18  }
0x9a: {  	[tilespmem:$0x9400] =	vst v59  }
0x9b: {  	s31 =	sadd.s32 $0xFFFFFFEB, s9;
	v61 =	vld.idx.msk [tilespmem:v18+s2+$0x0], $0xffff  }
0x9c: {  	v39 =	vor.u32 s31, v53;
	_ =	sdelay $0x3  }
0x9d: {  	[tilespmem:$0x9480] =	vst v61  }
0x9e: {  	s11 =	sadd.s32 $0xFFFFFFEC, s9;
	v41 =	vld.idx.msk [tilespmem:v39+s2+$0x0], $0xffff  }
0x9f: {  	v40 =	vor.u32 s11, v53;
	_ =	sdelay $0x3  }
0xa0: {  	[tilespmem:$0x9500] =	vst v41  }
0xa1: {  	s12 =	sadd.s32 $0xFFFFFFED, s9;
	[tilespmem:$0x1FEB0] =	vst v40;
	v40 =	vld.idx.msk [tilespmem:v40+s2+$0x0], $0xffff  }
0xa2: {  	v42 =	vor.u32 s12, v53;
	_ =	sdelay $0x3  }
0xa3: {  	[tilespmem:$0x9580] =	vst v40  }
0xa4: {  	s13 =	sadd.s32 $0xFFFFFFEE, s9;
	v17 =	vld.idx.msk [tilespmem:v42+s2+$0x0], $0xffff  }
0xa5: {  	v43 =	vor.u32 s13, v53;
	_ =	sdelay $0x3  }
0xa6: {  	[tilespmem:$0x9600] =	vst v17  }
0xa7: {  	s14 =	sadd.s32 $0xFFFFFFEF, s9;
	[tilespmem:$0x1FEC0] =	vst v42;
	v42 =	vld.idx.msk [tilespmem:v43+s2+$0x0], $0xffff  }
0xa8: {  	v44 =	vor.u32 s14, v53;
	_ =	sdelay $0x3  }
0xa9: {  	[tilespmem:$0x9680] =	vst v42  }
0xaa: {  	s15 =	sadd.s32 $0xFFFFFFF0, s9;
	v48 =	vld.idx.msk [tilespmem:v44+s2+$0x0], $0xffff  }
0xab: {  	v45 =	vor.u32 s15, v53;
	_ =	sdelay $0x3  }
0xac: {  	[tilespmem:$0x9700] =	vst v48  }
0xad: {  	s16 =	sadd.s32 $0xFFFFFFF1, s9;
	[tilespmem:$0x1FEE0] =	vst v44;
	v44 =	vld.idx.msk [tilespmem:v45+s2+$0x0], $0xffff  }
0xae: {  	v46 =	vor.u32 s16, v53;
	_ =	sdelay $0x3  }
0xaf: {  	[tilespmem:$0x9780] =	vst v44  }
0xb0: {  	s17 =	sadd.s32 $0xFFFFFFF2, s9;
	v51 =	vld.idx.msk [tilespmem:v46+s2+$0x0], $0xffff  }
0xb1: {  	v49 =	vor.u32 s17, v53;
	_ =	sdelay $0x3  }
0xb2: {  	[tilespmem:$0x9800] =	vst v51  }
0xb3: {  	s18 =	sadd.s32 $0xFFFFFFF3, s9;
	[tilespmem:$0x1FF10] =	vst v49;
	v49 =	vld.idx.msk [tilespmem:v49+s2+$0x0], $0xffff  }
0xb4: {  	v50 =	vor.u32 s18, v53;
	_ =	sdelay $0x3  }
0xb5: {  	[tilespmem:$0x9880] =	vst v49  }
0xb6: {  	s19 =	sadd.s32 $0xFFFFFFF4, s9;
	v18 =	vld.idx.msk [tilespmem:v50+s2+$0x0], $0xffff  }
0xb7: {  	v62 =	vor.u32 s19, v53;
	_ =	sdelay $0x3  }
0xb8: {  	[tilespmem:$0x9900] =	vst v18  }
0xb9: {  	s20 =	sadd.s32 $0xFFFFFFF5, s9;
	[tilespmem:$0x1FF20] =	vst v50;
	v50 =	vld.idx.msk [tilespmem:v62+s2+$0x0], $0xffff  }
0xba: {  	v63 =	vor.u32 s20, v53;
	_ =	sdelay $0x3  }
0xbb: {  	[tilespmem:$0x9980] =	vst v50  }
0xbc: {  	s21 =	sadd.s32 $0xFFFFFFF6, s9;
	[tilespmem:$0x1FEF0] =	vst v45;
	v45 =	vld.idx.msk [tilespmem:v63+s2+$0x0], $0xffff  }
0xbd: {  	v4 =	vor.u32 s21, v53;
	_ =	sdelay $0x3  }
0xbe: {  	[tilespmem:$0x9A00] =	vst v45  }
0xbf: {  	s22 =	sadd.s32 $0xFFFFFFF7, s9;
	[tilespmem:$0x1FEA0] =	vst v39;
	v39 =	vld.idx.msk [tilespmem:v4+s2+$0x0], $0xffff  }
0xc0: {  	v2 =	vor.u32 s22, v53;
	_ =	sdelay $0x1  }
0xc1: {  	[tilespmem:$0x1FED0] =	vst v43  }
0xc2: {  	[tilespmem:$0x1FF00] =	vst v46  }
0xc3: {  	vm0 =	vlt.f32 v52, $1.000000000e+00;
	vm1 =	vlt.f32 v1, $1.000000000e+00;
	[tilespmem:$0x9A80] =	vst v39  }
0xc4: {  	s23 =	sadd.s32 $0xFFFFFFF8, s9;
	v5 =	vnsel vm0, $0x0, v52;
	[tilespmem:$0x1F870] =	vst v1;
	v1 =	vnsel vm1, $0x0, v1;
	v43 =	vld.idx.msk [tilespmem:v2+s2+$0x0], $0xffff  }
0xc5: {  	vm6 =	vlt.f32 v3, $1.000000000e+00;
	[tilespmem:$0x1FF30] =	vst v62;
	v0 =	vmax.f32 v5, v1;
	v5 =	vor.u32 s23, v53  }
0xc6: {  	vm7 =	vlt.f32 v29, $1.000000000e+00;
	vm2 =	vlt.f32 v6, $1.000000000e+00;
	vm3 =	vlt.f32 v22, $1.000000000e+00;
	[tilespmem:$0x1FF40] =	vst v63  }
0xc7: {  	vm8 =	vlt.f32 v25, $1.000000000e+00;
	vm9 =	vlt.f32 v19, $1.000000000e+00;
	vm10 =	vlt.f32 v7, $1.000000000e+00;
	[tilespmem:$0x1FF50] =	vst v4  }
0xc8: {  	vm11 =	vlt.f32 v8, $1.000000000e+00;
	vm4 =	vlt.f32 v27, $1.000000000e+00;
	vm5 =	vlt.f32 v31, $1.000000000e+00;
	[tilespmem:$0x1FF60] =	vst v2  }
0xc9: {  	vm12 =	vlt.f32 v24, $1.000000000e+00;
	v9 =	vnsel vm6, $0x0, v3;
	v46 =	vnsel vm7, $0x0, v29;
	[tilespmem:$0x9B00] =	vst v43  }
0xca: {  	s24 =	sadd.s32 $0xFFFFFFF9, s9;
	vm13 =	vlt.f32 v21, $1.000000000e+00;
	vm15 =	vlt.f32 v47, $1.000000000e+00;
	[tilespmem:$0x1F850] =	vst v3;
	v1 =	vmax.f32 v9, v46;
	v46 =	vld.idx.msk [tilespmem:v5+s2+$0x0], $0xffff  }
0xcb: {  	v3 =	vnsel vm8, $0x0, v25;
	[tilespmem:$0x1F890] =	vst v24;
	v24 =	vnsel vm12, $0x0, v24;
	v9 =	vor.u32 s24, v53  }
0xcc: {  	[tilespmem:$0x1F830] =	vst v6;
	v62 =	vnsel vm2, $0x0, v6;
	v63 =	vnsel vm4, $0x0, v27;
	v4 =	vnsel vm3, $0x0, v22  }
0xcd: {  	[tilespmem:$0x1FAC0] =	vst v47;
	v6 =	vnsel vm11, $0x0, v8;
	v2 =	vmax.f32 v62, v4;
	v4 =	vnsel vm9, $0x0, v19  }
0xce: {  	[tilespmem:$0x1FF70] =	vst v5;
	v62 =	vnsel vm5, $0x0, v31;
	v3 =	vmax.f32 v3, v4;
	v5 =	vnsel vm10, $0x0, v7  }
0xcf: {  	v4 =	vmax.f32 v5, v6;
	v5 =	vmax.f32 v63, v62;
	v63 =	vmovc v47;
	v47 =	vnsel vm13, $0x0, v21;
	[tilespmem:$0x9B80] =	vst v46  }
0xd0: {  	s25 =	sadd.s32 $0xFFFFFFFA, s9;
	vm14 =	vlt.f32 v20, $1.000000000e+00;
	vm6 =	vlt.f32 v54, $1.000000000e+00;
	v6 =	vmax.f32 v24, v47;
	v47 =	vld.idx.msk [tilespmem:v9+s2+$0x0], $0xffff  }
0xd1: {  	[tilespmem:$0x1F8F0] =	vst v7;
	vm8 =	vlt.f32 v26, $1.000000000e+00;
	vm12 =	vlt.f32 v15, $1.000000000e+00;
	v24 =	vor.u32 s25, v53  }
0xd2: {  	[tilespmem:$0x1F900] =	vst v8;
	vm7 =	vlt.f32 v60, $1.000000000e+00;
	v62 =	vnsel vm14, $0x0, v20;
	v63 =	vnsel vm15, $0x0, v63  }
0xd3: {  	[tilespmem:$0x1F8A0] =	vst v10;
	v0 =	vmax.f32 v0, v1;
	v1 =	vnsel vm12, $0x0, v15;
	v7 =	vmax.f32 v62, v63  }
0xd4: {  	[tilespmem:$0x1F930] =	vst v11;
	v62 =	vmax.f32 v2, v3;
	v63 =	vmax.f32 v4, v5;
	v6 =	vmax.f32 v6, v7  }
0xd5: {  	vm12 =	vlt.f32 v57, $1.000000000e+00;
	v0 =	vmax.f32 v0, v62;
	v7 =	vmax.f32 v63, v6;
	[tilespmem:$0x9C00] =	vst v47  }
0xd6: {  	s26 =	sadd.s32 $0xFFFFFFFB, s9;
	[tilespmem:$0x1FAD0] =	vst v54;
	vm11 =	vlt.f32 v16, $1.000000000e+00;
	vm4 =	vlt.f32 v10, $1.000000000e+00;
	v0 =	vmax.f32 v0, v7;
	v8 =	vld.idx.msk [tilespmem:v24+s2+$0x0], $0xffff  }
0xd7: {  	vm5 =	vlt.f32 v11, $1.000000000e+00;
	vm9 =	vlt.f32 v28, $1.000000000e+00;
	[tilespmem:$0x1F820] =	vst v0;
	v0 =	vor.u32 s26, v53  }
0xd8: {  	[tilespmem:$0x1F960] =	vst v15;
	vm10 =	vlt.f32 v23, $1.000000000e+00;
	vm13 =	vlt.f32 v14, $1.000000000e+00;
	vm14 =	vlt.f32 v30, $1.000000000e+00  }
0xd9: {  	[tilespmem:$0x1F970] =	vst v14;
	v14 =	vnsel vm13, $0x0, v14;
	vm15 =	vlt.f32 v32, $1.000000000e+00;
	vm13 =	vlt.f32 v58, $1.000000000e+00  }
0xda: {  	[tilespmem:$0x1FF80] =	vst v9;
	v15 =	vmax.f32 v1, v14;
	v62 =	vnsel vm10, $0x0, v23;
	vm10 =	vlt.f32 v33, $1.000000000e+00  }
0xdb: {  	s28 =	sadd.s32 $0xFFFFFFFC, s9;
	v63 =	vnsel vm11, $0x0, v16;
	v9 =	vnsel vm4, $0x0, v10;
	v10 =	vnsel vm5, $0x0, v11;
	[tilespmem:$0x9C80] =	vst v8  }
0xdc: {  	[tilespmem:$0x1F950] =	vst v16;
	v16 =	vor.u32 s28, v53;
	vm11 =	vlt.f32 v34, $1.000000000e+00;
	v7 =	vmax.f32 v9, v10;
	v10 =	vld.idx.msk [tilespmem:v0+s2+$0x0], $0xffff  }
0xdd: {  	[tilespmem:$0x1F840] =	vst v60;
	v11 =	vnsel vm6, $0x0, v54;
	v54 =	vnsel vm8, $0x0, v26;
	v4 =	vmax.f32 v62, v63  }
0xde: {  	[tilespmem:$0x1F980] =	vst v55;
	vm8 =	vlt.f32 v55, $1.000000000e+00;
	v63 =	vnsel vm10, $0x0, v33;
	vm6 =	vlt.f32 v35, $1.000000000e+00  }
0xdf: {  	[tilespmem:$0x1F9D0] =	vst v59;
	vm10 =	vlt.f32 v59, $1.000000000e+00;
	v55 =	vnsel vm8, $0x0, v55;
	v9 =	vnsel vm12, $0x0, v57  }
0xe0: {  	[tilespmem:$0x1FF90] =	vst v24;
	vm8 =	vlt.f32 v36, $1.000000000e+00;
	vm12 =	vlt.f32 v41, $1.000000000e+00;
	v59 =	vnsel vm10, $0x0, v59  }
0xe1: {  	v24 =	vnsel vm7, $0x0, v60;
	v60 =	vnsel vm9, $0x0, v28;
	vm9 =	vlt.f32 v56, $1.000000000e+00;
	[tilespmem:$0x9D00] =	vst v10  }
0xe2: {  	s29 =	sadd.s32 $0xFFFFFFFD, s9;
	[tilespmem:$0x1F8B0] =	vst v56;
	v2 =	vmax.f32 v11, v24;
	v62 =	vnsel vm9, $0x0, v56;
	v56 =	vnsel vm11, $0x0, v34;
	v11 =	vld.idx.msk [tilespmem:v16+s2+$0x0], $0xffff  }
0xe3: {  	v1 =	vmax.f32 v55, v62;
	v62 =	vmax.f32 v63, v56;
	v63 =	vor.u32 s29, v53  }
0xe4: {  	[tilespmem:$0x1FB30] =	vst v57;
	vm10 =	vlt.f32 v18, $1.000000000e+00;
	v57 =	vnsel vm8, $0x0, v36;
	vm8 =	vlt.f32 v51, $1.000000000e+00  }
0xe5: {  	vm7 =	vlt.f32 v37, $1.000000000e+00;
	v3 =	vmax.f32 v54, v60;
	v24 =	vnsel vm14, $0x0, v30  }
0xe6: {  	[tilespmem:$0x1F9B0] =	vst v13;
	v54 =	vnsel vm15, $0x0, v32;
	vm14 =	vlt.f32 v12, $1.000000000e+00;
	vm15 =	vlt.f32 v13, $1.000000000e+00  }
0xe7: {  	vm9 =	vlt.f32 v38, $1.000000000e+00;
	vm11 =	vlt.f32 v61, $1.000000000e+00;
	v2 =	vmax.f32 v7, v2;
	[tilespmem:$0x9D80] =	vst v11  }
0xe8: {  	s30 =	sadd.s32 $0xFFFFFFFE, s9;
	[tilespmem:$0x1FFA0] =	vst v0;
	v3 =	vmax.f32 v3, v4;
	v0 =	vmax.f32 v24, v54;
	v24 =	vnsel vm15, $0x0, v13;
	v13 =	vld.idx.msk [tilespmem:v63+s2+$0x0], $0xffff  }
0xe9: {  	v55 =	vnsel vm6, $0x0, v35;
	v56 =	vnsel vm7, $0x0, v37;
	v54 =	vor.u32 s30, v53  }
0xea: {  	v6 =	vnsel vm11, $0x0, v61;
	vm6 =	vlt.f32 v48, $1.000000000e+00;
	vm7 =	vlt.f32 v44, $1.000000000e+00  }
0xeb: {  	v1 =	vmax.f32 v1, v62;
	v0 =	vmax.f32 v15, v0;
	v15 =	vnsel vm13, $0x0, v58  }
0xec: {  	[tilespmem:$0x1FFB0] =	vst v16;
	vm13 =	vlt.f32 v40, $1.000000000e+00;
	v5 =	vmax.f32 v0, v1;
	v1 =	vmax.f32 v9, v15  }
0xed: {  	v14 =	vmovc v12;
	v15 =	vnsel vm13, $0x0, v40;
	v16 =	vnsel vm14, $0x0, v12;
	v12 =	vnsel vm12, $0x0, v41;
	[tilespmem:$0x9E00] =	vst v13  }
0xee: {  	s31 =	sadd.s32 $0xFFFFFFFF, s9;
	vm11 =	vlt.f32 v50, $1.000000000e+00;
	v7 =	vmax.f32 v2, v3;
	v0 =	vmax.f32 v12, v15;
	v15 =	vld.idx.msk [tilespmem:v54+s2+$0x0], $0xffff  }
0xef: {  	v62 =	vmax.f32 v59, v6;
	v2 =	vmax.f32 v16, v24;
	v16 =	vor.u32 s31, v53  }
0xf0: {  	[tilespmem:$0x1F8C0] =	vst v61;
	v61 =	vnsel vm7, $0x0, v44;
	v6 =	vor.u32 s9, v53;
	vm15 =	vlt.f32 v42, $1.000000000e+00  }
0xf1: {  	[tilespmem:$0x1FB40] =	vst v58;
	v58 =	vnsel vm9, $0x0, v38;
	vm9 =	vlt.f32 v49, $1.000000000e+00;
	v9 =	vmax.f32 v55, v56  }
0xf2: {  	v60 =	vmax.f32 v57, v58;
	v55 =	vnsel vm6, $0x0, v48;
	v3 =	vnsel vm9, $0x0, v49  }
0xf3: {  	vm13 =	vlt.f32 v39, $1.000000000e+00;
	vm9 =	vlt.f32 v8, $1.000000000e+00;
	v58 =	vmax.f32 v55, v61;
	[tilespmem:$0x9E80] =	vst v15  }
0xf4: {  	v9 =	vmax.f32 v9, v60;
	v57 =	vnsel vm9, $0x0, v8;
	vm14 =	vlt.f32 v17, $1.000000000e+00;
	v4 =	vld.idx.msk [tilespmem:v16+s2+$0x0], $0xffff  }
0xf5: {  	[tilespmem:$0x1F9F0] =	vst v17;
	vm12 =	vlt.f32 v45, $1.000000000e+00;
	v24 =	vnsel vm14, $0x0, v17;
	vm14 =	vlt.f32 v43, $1.000000000e+00  }
0xf6: {  	[tilespmem:$0x1FA20] =	vst v18;
	v12 =	vnsel vm10, $0x0, v18;
	v17 =	vnsel vm12, $0x0, v45;
	v18 =	vnsel vm13, $0x0, v39  }
0xf7: {  	vm10 =	vlt.f32 v10, $1.000000000e+00;
	v1 =	vmax.f32 v1, v2;
	v2 =	vmax.f32 v62, v0  }
0xf8: {  	[tilespmem:$0x1FFE0] =	vst v16;
	v0 =	vnsel vm8, $0x0, v51;
	v62 =	vmax.f32 v17, v18;
	vm8 =	vlt.f32 v47, $1.000000000e+00  }
0xf9: {  	v9 =	vmax.f32 v1, v9;
	v56 =	vnsel vm8, $0x0, v47;
	v16 =	vnsel vm11, $0x0, v50;
	[tilespmem:$0x9F00] =	vst v4  }
0xfa: {  	v1 =	vnsel vm10, $0x0, v10;
	v61 =	vmax.f32 v56, v57;
	v60 =	vmax.f32 v12, v16;
	v16 =	vld.idx.msk [tilespmem:v6+s2+$0x0], $0xffff  }
0xfb: {  	[tilespmem:$0x1FFD0] =	vst v54;
	vm12 =	vlt.f32 v13, $1.000000000e+00;
	v54 =	vnsel vm15, $0x0, v42;
	vm15 =	vlt.f32 v46, $1.000000000e+00  }
0xfc: {  	v59 =	vmax.f32 v24, v54;
	v54 =	vnsel vm14, $0x0, v43;
	v55 =	vnsel vm15, $0x0, v46  }
0xfd: {  	v58 =	vmax.f32 v59, v58;
	v59 =	vmax.f32 v0, v3;
	vm11 =	vlt.f32 v11, $1.000000000e+00  }
0xfe: {  	v0 =	vmax.f32 v54, v55;
	vm13 =	vlt.f32 v15, $1.000000000e+00;
	v3 =	vnsel vm11, $0x0, v11  }
0xff: {  	v12 =	vnsel vm13, $0x0, v15;
	vm14 =	vlt.f32 v4, $1.000000000e+00;
	vm15 =	vlt.f32 v16, $1.000000000e+00  }
0x100: {  	[tilespmem:$0x1FFF0] =	vst v6;
	v6 =	vnsel vm12, $0x0, v13;
	v17 =	vnsel vm14, $0x0, v4;
	v18 =	vnsel vm15, $0x0, v16  }
0x101: {  	v54 =	vmax.f32 v1, v3;
	v57 =	vmax.f32 v6, v12;
	v55 =	vmax.f32 v17, v18  }
0x102: {  	v54 =	vmax.f32 v61, v54;
	v55 =	vmax.f32 v57, v55  }
0x103: {  	v54 =	vmax.f32 v54, v55;
	v55 =	vld [tilespmem:$0x1F820]  }
0x104: {  	v56 =	vld [tilespmem:$0x1F870]  }
0x105: {  	v0 =	vmax.f32 v62, v0;
	v24 =	vmax.f32 v59, v60;
	v59 =	vld [tilespmem:$0x1F850]  }
0x106: {  	v2 =	vmax.f32 v2, v58;
	v60 =	vld [tilespmem:$0x1F830];
	v0 =	vmax.f32 v24, v0  }
0x107: {  	v5 =	vmax.f32 v7, v5;
	v2 =	vmax.f32 v9, v2;
	v0 =	vmax.f32 v0, v54  }
0x108: {  	v0 =	vmax.f32 v2, v0;
	v5 =	vmax.f32 v55, v5  }
0x109: {  	v0 =	vmax.f32 v5, v0  }
0x10a: {  	vm6 =	vlt.f32 v52, v0;
	vm7 =	vlt.f32 v56, v0  }
0x10b: {  	vm8 =	vlt.f32 v59, v0;
	vm9 =	vlt.f32 v29, v0;
	vm10 =	vlt.f32 v60, v0  }
0x10c: {  	vm11 =	vlt.f32 v22, v0;
	vm12 =	vlt.f32 v25, v0;
	vm13 =	vlt.f32 v19, v0  }
0x10d: {  	v57 =	vnsel vm6, $0x0, v52;
	v58 =	vnsel vm7, $0x0, v56;
	v61 =	vnsel vm8, $0x0, v59  }
0x10e: {  	[tilespmem:$0x1FFC0] =	vst v63;
	v62 =	vnsel vm9, $0x0, v29;
	v63 =	vnsel vm10, $0x0, v60;
	v17 =	vnsel vm11, $0x0, v22  }
0x10f: {  	v24 =	vmovc v52;
	v18 =	vnsel vm12, $0x0, v25;
	v52 =	vnsel vm13, $0x0, v19;
	v56 =	vld [tilespmem:$0x1F8F0];
	vm6 =	vlt.f32 v27, v0  }
0x110: {  	vm7 =	vlt.f32 v31, v0;
	vm9 =	vlt.f32 v21, v0;
	v2 =	vmax.f32 v57, v58;
	v57 =	vld [tilespmem:$0x1F900]  }
0x111: {  	vm10 =	vlt.f32 v20, v0;
	v5 =	vmax.f32 v61, v62;
	v7 =	vmax.f32 v63, v17;
	v62 =	vld [tilespmem:$0x1F890]  }
0x112: {  	v1 =	vmovc v29;
	v29 =	vmovc v60;
	v9 =	vmax.f32 v18, v52;
	v60 =	vnsel vm6, $0x0, v27;
	v61 =	vnsel vm7, $0x0, v31  }
0x113: {  	v12 =	vmovc v19;
	v63 =	vld [tilespmem:$0x1FAC0];
	v18 =	vnsel vm9, $0x0, v21;
	v19 =	vnsel vm10, $0x0, v20;
	vm9 =	vlt.f32 v28, v0  }
0x114: {  	v6 =	vld [tilespmem:$0x1FAD0];
	vm10 =	vlt.f32 v23, v0;
	v55 =	vmax.f32 v60, v61;
	v2 =	vmax.f32 v2, v5  }
0x115: {  	v52 =	vmax.f32 v7, v9;
	v60 =	vld [tilespmem:$0x1F930];
	vm14 =	vlt.f32 v56, v0;
	vm15 =	vlt.f32 v57, v0  }
0x116: {  	v58 =	vnsel vm14, $0x0, v56;
	vm8 =	vlt.f32 v62, v0;
	v59 =	vnsel vm15, $0x0, v57  }
0x117: {  	v2 =	vmax.f32 v2, v52;
	v17 =	vnsel vm8, $0x0, v62;
	v54 =	vmax.f32 v58, v59;
	v59 =	vld [tilespmem:$0x1F8A0]  }
0x118: {  	v52 =	vnsel vm9, $0x0, v28;
	vm11 =	vlt.f32 v63, v0;
	v56 =	vmax.f32 v17, v18;
	v17 =	vld [tilespmem:$0x1F840]  }
0x119: {  	v3 =	vmovc v22;
	v22 =	vmovc v25;
	vm9 =	vlt.f32 v34, v0;
	vm14 =	vlt.f32 v6, v0;
	v25 =	vnsel vm11, $0x0, v63  }
0x11a: {  	vm13 =	vlt.f32 v60, v0;
	vm8 =	vlt.f32 v26, v0;
	v61 =	vnsel vm14, $0x0, v6  }
0x11b: {  	[tilespmem:$0x1F880] =	vst v27;
	vm14 =	vlt.f32 v30, v0;
	v27 =	vmax.f32 v19, v25;
	v5 =	vnsel vm13, $0x0, v60;
	v60 =	vld [tilespmem:$0x1F960]  }
0x11c: {  	v63 =	vnsel vm8, $0x0, v26;
	v55 =	vmax.f32 v54, v55;
	v57 =	vmax.f32 v56, v27  }
0x11d: {  	v58 =	vmax.f32 v55, v57;
	vm12 =	vlt.f32 v59, v0;
	vm15 =	vlt.f32 v17, v0  }
0x11e: {  	v9 =	vmax.f32 v2, v58;
	v2 =	vnsel vm12, $0x0, v59;
	v62 =	vnsel vm15, $0x0, v17;
	v59 =	vld [tilespmem:$0x1F950]  }
0x11f: {  	vm15 =	vlt.f32 v32, v0;
	v2 =	vmax.f32 v2, v5;
	v5 =	vmax.f32 v61, v62;
	v61 =	vld [tilespmem:$0x1F970]  }
0x120: {  	[tilespmem:$0x1FB00] =	vst v30;
	v18 =	vmovc v28;
	v28 =	vnsel vm14, $0x0, v30;
	vm12 =	vlt.f32 v60, v0;
	v30 =	vnsel vm15, $0x0, v32  }
0x121: {  	vm8 =	vlt.f32 v33, v0;
	v25 =	vnsel vm12, $0x0, v60;
	v60 =	vmax.f32 v28, v30;
	v30 =	vld [tilespmem:$0x1FB30]  }
0x122: {  	[tilespmem:$0x1FAB0] =	vst v21;
	v21 =	vmovc v20;
	vm14 =	vlt.f32 v35, v0;
	v7 =	vmax.f32 v63, v52;
	v20 =	vnsel vm8, $0x0, v33  }
0x123: {  	vm8 =	vlt.f32 v36, v0;
	v62 =	vnsel vm10, $0x0, v23;
	vm12 =	vlt.f32 v14, v0  }
0x124: {  	vm15 =	vlt.f32 v37, v0;
	vm11 =	vlt.f32 v59, v0;
	vm13 =	vlt.f32 v61, v0  }
0x125: {  	v27 =	vmovc v26;
	v2 =	vmax.f32 v2, v5;
	v63 =	vnsel vm11, $0x0, v59;
	v26 =	vnsel vm13, $0x0, v61  }
0x126: {  	[tilespmem:$0x1FB10] =	vst v32;
	v54 =	vmax.f32 v62, v63;
	vm10 =	vlt.f32 v30, v0;
	v32 =	vmax.f32 v25, v26  }
0x127: {  	[tilespmem:$0x1F990] =	vst v34;
	v61 =	vld [tilespmem:$0x1F980];
	v25 =	vnsel vm9, $0x0, v34;
	v26 =	vmax.f32 v7, v54;
	v34 =	vnsel vm10, $0x0, v30  }
0x128: {  	v62 =	vld [tilespmem:$0x1F8B0];
	vm9 =	vlt.f32 v38, v0;
	v58 =	vmax.f32 v20, v25;
	v28 =	vmax.f32 v32, v60  }
0x129: {  	v2 =	vmax.f32 v2, v26;
	v20 =	vnsel vm15, $0x0, v37;
	v25 =	vnsel vm8, $0x0, v36  }
0x12a: {  	v26 =	vnsel vm9, $0x0, v38;
	vm15 =	vlt.f32 v42, v0;
	vm8 =	vlt.f32 v51, v0  }
0x12b: {  	[tilespmem:$0x1F8D0] =	vst v42;
	v32 =	vld [tilespmem:$0x1FB40];
	vm9 =	vlt.f32 v49, v0;
	v30 =	vmax.f32 v25, v26;
	v42 =	vnsel vm15, $0x0, v42  }
0x12c: {  	v26 =	vnsel vm8, $0x0, v51;
	vm15 =	vlt.f32 v46, v0;
	vm6 =	vlt.f32 v61, v0  }
0x12d: {  	vm8 =	vlt.f32 v47, v0;
	vm7 =	vlt.f32 v62, v0;
	v63 =	vnsel vm6, $0x0, v61  }
0x12e: {  	v19 =	vnsel vm7, $0x0, v62;
	v61 =	vld [tilespmem:$0x1F9B0];
	v62 =	vnsel vm12, $0x0, v14;
	vm12 =	vlt.f32 v41, v0  }
0x12f: {  	vm6 =	vlt.f32 v48, v0;
	vm7 =	vlt.f32 v44, v0;
	v57 =	vmax.f32 v63, v19  }
0x130: {  	[tilespmem:$0x1FB50] =	vst v36;
	vm11 =	vlt.f32 v32, v0;
	v19 =	vnsel vm14, $0x0, v35;
	v36 =	vnsel vm12, $0x0, v41  }
0x131: {  	[tilespmem:$0x1FB20] =	vst v33;
	v52 =	vnsel vm6, $0x0, v48;
	vm12 =	vlt.f32 v45, v0;
	v33 =	vmax.f32 v57, v58  }
0x132: {  	[tilespmem:$0x1FA00] =	vst v48;
	v48 =	vnsel vm15, $0x0, v46;
	v60 =	vnsel vm11, $0x0, v32;
	v32 =	vld [tilespmem:$0x1F8C0];
	v5 =	vmax.f32 v28, v33  }
0x133: {  	v7 =	vmax.f32 v34, v60;
	v28 =	vmax.f32 v19, v20;
	v34 =	vld [tilespmem:$0x1F9D0];
	vm13 =	vlt.f32 v61, v0  }
0x134: {  	[tilespmem:$0x1FB60] =	vst v38;
	v19 =	vnsel vm7, $0x0, v44;
	v63 =	vnsel vm13, $0x0, v61;
	vm13 =	vlt.f32 v40, v0  }
0x135: {  	[tilespmem:$0x1F9E0] =	vst v40;
	vm15 =	vlt.f32 v16, v0;
	v20 =	vmax.f32 v52, v19;
	v38 =	vnsel vm13, $0x0, v40;
	v40 =	vld [tilespmem:$0x1F9F0]  }
0x136: {  	v25 =	vmax.f32 v28, v30;
	v28 =	vnsel vm9, $0x0, v49;
	vm9 =	vlt.f32 v8, v0  }
0x137: {  	v19 =	vnsel vm8, $0x0, v47;
	v54 =	vmax.f32 v62, v63;
	vm11 =	vlt.f32 v32, v0  }
0x138: {  	[tilespmem:$0x1F9C0] =	vst v35;
	vm13 =	vlt.f32 v39, v0;
	vm10 =	vlt.f32 v34, v0;
	v35 =	vnsel vm11, $0x0, v32  }
0x139: {  	v58 =	vmax.f32 v36, v38;
	v7 =	vmax.f32 v7, v54;
	v54 =	vmax.f32 v26, v28  }
0x13a: {  	vm11 =	vlt.f32 v50, v0;
	v33 =	vnsel vm10, $0x0, v34;
	vm14 =	vlt.f32 v40, v0  }
0x13b: {  	[tilespmem:$0x1F860] =	vst v41;
	v7 =	vmax.f32 v7, v25;
	v32 =	vnsel vm11, $0x0, v50;
	v41 =	vnsel vm14, $0x0, v40  }
0x13c: {  	vm11 =	vlt.f32 v11, v0;
	v57 =	vmax.f32 v33, v35;
	v59 =	vmax.f32 v41, v42;
	v42 =	vld [tilespmem:$0x1FA20]  }
0x13d: {  	v33 =	vnsel vm12, $0x0, v45;
	v35 =	vnsel vm13, $0x0, v39;
	v26 =	vnsel vm11, $0x0, v11  }
0x13e: {  	vm12 =	vlt.f32 v13, v0;
	vm13 =	vlt.f32 v15, v0;
	v55 =	vmax.f32 v57, v58  }
0x13f: {  	[tilespmem:$0x1FB80] =	vst v49;
	v49 =	vmax.f32 v33, v35;
	v28 =	vnsel vm12, $0x0, v13;
	vm14 =	vlt.f32 v43, v0  }
0x140: {  	[tilespmem:$0x1FA40] =	vst v45;
	v33 =	vnsel vm15, $0x0, v16;
	v45 =	vnsel vm14, $0x0, v43;
	vm14 =	vlt.f32 v4, v0  }
0x141: {  	v58 =	vmax.f32 v59, v20;
	v20 =	vnsel vm9, $0x0, v8;
	vm10 =	vlt.f32 v42, v0  }
0x142: {  	v41 =	vmovc v50;
	v50 =	vmax.f32 v45, v48;
	v60 =	vmax.f32 v19, v20;
	v30 =	vnsel vm10, $0x0, v42  }
0x143: {  	v35 =	vmax.f32 v49, v50;
	vm10 =	vlt.f32 v10, v0;
	v56 =	vmax.f32 v30, v32  }
0x144: {  	[tilespmem:$0x1FA10] =	vst v44;
	v25 =	vnsel vm10, $0x0, v10;
	v30 =	vnsel vm13, $0x0, v15;
	v32 =	vnsel vm14, $0x0, v4  }
0x145: {  	[tilespmem:$0x1FA50] =	vst v39;
	v61 =	vmax.f32 v25, v26;
	v0 =	vmax.f32 v28, v30;
	v52 =	vmax.f32 v32, v33  }
0x146: {  	v44 =	vld [tilespmem:$0x1F870];
	v39 =	vmovc v43;
	v54 =	vmax.f32 v54, v56;
	v36 =	vmax.f32 v60, v61;
	v0 =	vmax.f32 v0, v52  }
0x147: {  	v43 =	vmovc v46;
	v46 =	vld [tilespmem:$0x1F850];
	v38 =	vmax.f32 v55, v58;
	v54 =	vmax.f32 v54, v35;
	v0 =	vmax.f32 v36, v0  }
0x148: {  	v2 =	vmax.f32 v2, v5;
	v63 =	vld [tilespmem:$0x1F8F0];
	v40 =	vmax.f32 v7, v38;
	v0 =	vmax.f32 v54, v0  }
0x149: {  	v2 =	vmax.f32 v9, v2;
	v26 =	vld [tilespmem:$0x1F900];
	v0 =	vmax.f32 v40, v0  }
0x14a: {  	v0 =	vmax.f32 v2, v0  }
0x14b: {  	vm6 =	vlt.f32 v24, v0  }
0x14c: {  	v33 =	vld [tilespmem:$0x1F880];
	vm7 =	vlt.f32 v44, v0;
	vm8 =	vlt.f32 v46, v0;
	vm9 =	vlt.f32 v1, v0  }
0x14d: {  	vm10 =	vlt.f32 v29, v0;
	vm11 =	vlt.f32 v3, v0;
	vm12 =	vlt.f32 v22, v0  }
0x14e: {  	vm13 =	vlt.f32 v12, v0;
	vm14 =	vlt.f32 v63, v0;
	vm15 =	vlt.f32 v26, v0  }
0x14f: {  	[tilespmem:$0x1F8E0] =	vst v47;
	v47 =	vmovc v29;
	v45 =	vnsel vm6, $0x0, v24;
	v5 =	vnsel vm7, $0x0, v44;
	v49 =	vnsel vm8, $0x0, v46  }
0x150: {  	v48 =	vmovc v12;
	v50 =	vnsel vm9, $0x0, v1;
	v57 =	vnsel vm10, $0x0, v47;
	v58 =	vnsel vm11, $0x0, v3  }
0x151: {  	v59 =	vnsel vm12, $0x0, v22;
	v60 =	vnsel vm13, $0x0, v48;
	vm6 =	vlt.f32 v33, v0  }
0x152: {  	vm7 =	vlt.f32 v31, v0;
	v35 =	vnsel vm14, $0x0, v63;
	v36 =	vnsel vm15, $0x0, v26  }
0x153: {  	v44 =	vld [tilespmem:$0x1F890];
	vm10 =	vlt.f32 v21, v0;
	vm14 =	vlt.f32 v6, v0;
	vm15 =	vlt.f32 v17, v0  }
0x154: {  	v26 =	vld [tilespmem:$0x1FAB0];
	v2 =	vmax.f32 v45, v5;
	v5 =	vmax.f32 v49, v50;
	v61 =	vmax.f32 v57, v58  }
0x155: {  	v32 =	vmovc v3;
	v62 =	vmax.f32 v59, v60;
	v52 =	vmax.f32 v35, v36;
	v38 =	vnsel vm6, $0x0, v33;
	v45 =	vld [tilespmem:$0x1FAC0]  }
0x156: {  	v3 =	vmovc v22;
	v22 =	vmovc v48;
	v40 =	vnsel vm7, $0x0, v31;
	v48 =	vnsel vm10, $0x0, v21;
	v57 =	vld [tilespmem:$0x1F8A0];
	vm10 =	vlt.f32 v23, v0  }
0x157: {  	[tilespmem:$0x1FB70] =	vst v51;
	v36 =	vld [tilespmem:$0x1FB00];
	v54 =	vmax.f32 v38, v40;
	v2 =	vmax.f32 v2, v5;
	v51 =	vmax.f32 v61, v62  }
0x158: {  	v35 =	vld [tilespmem:$0x1FB30];
	v62 =	vnsel vm15, $0x0, v17;
	v40 =	vnsel vm10, $0x0, v23;
	v54 =	vmax.f32 v52, v54;
	v58 =	vmovc v6  }
0x159: {  	v30 =	vld [tilespmem:$0x1F970];
	v2 =	vmax.f32 v2, v51;
	v61 =	vnsel vm14, $0x0, v58;
	vm8 =	vlt.f32 v44, v0  }
0x15a: {  	v38 =	vld [tilespmem:$0x1FB10];
	vm9 =	vlt.f32 v26, v0;
	v5 =	vmax.f32 v61, v62;
	vm11 =	vlt.f32 v45, v0  }
0x15b: {  	v25 =	vmovc v47;
	v12 =	vmovc v46;
	v46 =	vnsel vm8, $0x0, v44;
	v47 =	vnsel vm9, $0x0, v26;
	vm12 =	vlt.f32 v57, v0;
	v44 =	vld [tilespmem:$0x1F930]  }
0x15c: {  	vm8 =	vlt.f32 v27, v0;
	vm9 =	vlt.f32 v18, v0;
	v55 =	vmax.f32 v46, v47;
	v47 =	vld [tilespmem:$0x1F950]  }
0x15d: {  	vm14 =	vlt.f32 v36, v0;
	vm10 =	vlt.f32 v35, v0;
	v49 =	vnsel vm11, $0x0, v45;
	v46 =	vld [tilespmem:$0x1F960]  }
0x15e: {  	v20 =	vmovc v21;
	v21 =	vmovc v17;
	v63 =	vnsel vm8, $0x0, v27;
	v17 =	vnsel vm9, $0x0, v18;
	v50 =	vmax.f32 v48, v49  }
0x15f: {  	v59 =	vnsel vm12, $0x0, v57;
	v7 =	vmax.f32 v63, v17;
	v63 =	vld [tilespmem:$0x1F980];
	v55 =	vmax.f32 v55, v50  }
0x160: {  	v50 =	vnsel vm14, $0x0, v36;
	v36 =	vld [tilespmem:$0x1F8B0];
	v56 =	vmax.f32 v54, v55;
	vm13 =	vlt.f32 v44, v0  }
0x161: {  	vm15 =	vlt.f32 v38, v0;
	v9 =	vmax.f32 v2, v56;
	v60 =	vnsel vm13, $0x0, v44  }
0x162: {  	v19 =	vmovc v33;
	v33 =	vld [tilespmem:$0x1FB20];
	vm11 =	vlt.f32 v47, v0;
	vm12 =	vlt.f32 v46, v0;
	vm13 =	vlt.f32 v30, v0  }
0x163: {  	v2 =	vmax.f32 v59, v60;
	v45 =	vnsel vm11, $0x0, v47;
	v48 =	vnsel vm12, $0x0, v46  }
0x164: {  	v17 =	vmovc v38;
	v49 =	vnsel vm13, $0x0, v30;
	v60 =	vnsel vm15, $0x0, v38;
	vm6 =	vlt.f32 v63, v0;
	v38 =	vld [tilespmem:$0x1F990]  }
0x165: {  	v52 =	vmax.f32 v40, v45;
	vm7 =	vlt.f32 v36, v0;
	v40 =	vnsel vm6, $0x0, v63;
	v63 =	vld [tilespmem:$0x1FB60]  }
0x166: {  	v28 =	vmovc v31;
	v61 =	vmax.f32 v48, v49;
	v62 =	vmax.f32 v50, v60;
	v45 =	vnsel vm7, $0x0, v36;
	v36 =	vld [tilespmem:$0x1FB40]  }
0x167: {  	v31 =	vmovc v58;
	vm8 =	vlt.f32 v33, v0;
	vm12 =	vlt.f32 v14, v0;
	v58 =	vmax.f32 v61, v62;
	v62 =	vld [tilespmem:$0x1FB50]  }
0x168: {  	vm15 =	vlt.f32 v37, v0;
	v48 =	vnsel vm8, $0x0, v33;
	v56 =	vmax.f32 v40, v45;
	v45 =	vld [tilespmem:$0x1F9B0]  }
0x169: {  	v2 =	vmax.f32 v2, v5;
	v60 =	vnsel vm10, $0x0, v35;
	vm9 =	vlt.f32 v38, v0  }
0x16a: {  	v30 =	vnsel vm12, $0x0, v14;
	v50 =	vmax.f32 v7, v52;
	v49 =	vnsel vm9, $0x0, v38;
	v38 =	vld [tilespmem:$0x1F9C0]  }
0x16b: {  	vm10 =	vlt.f32 v34, v0;
	v2 =	vmax.f32 v2, v50;
	v50 =	vnsel vm15, $0x0, v37  }
0x16c: {  	v51 =	vld [tilespmem:$0x1FA00];
	vm9 =	vlt.f32 v63, v0;
	v57 =	vmax.f32 v48, v49;
	vm11 =	vlt.f32 v36, v0  }
0x16d: {  	v40 =	vmovc v37;
	v37 =	vld [tilespmem:$0x1F9E0];
	vm8 =	vlt.f32 v62, v0;
	v61 =	vnsel vm11, $0x0, v36;
	vm13 =	vlt.f32 v45, v0  }
0x16e: {  	v7 =	vmax.f32 v60, v61;
	v48 =	vnsel vm13, $0x0, v45;
	v60 =	vnsel vm8, $0x0, v62;
	v62 =	vld [tilespmem:$0x1F8C0]  }
0x16f: {  	v61 =	vnsel vm9, $0x0, v63;
	v63 =	vnsel vm10, $0x0, v34;
	v34 =	vld [tilespmem:$0x1F9F0];
	vm14 =	vlt.f32 v38, v0  }
0x170: {  	v52 =	vmax.f32 v30, v48;
	v48 =	vld [tilespmem:$0x1FA10];
	v49 =	vnsel vm14, $0x0, v38  }
0x171: {  	v59 =	vmax.f32 v56, v57;
	v54 =	vmax.f32 v49, v50;
	v49 =	vld [tilespmem:$0x1F860]  }
0x172: {  	vm6 =	vlt.f32 v51, v0;
	v5 =	vmax.f32 v58, v59;
	vm13 =	vlt.f32 v37, v0;
	v50 =	vld [tilespmem:$0x1F8D0]  }
0x173: {  	vm10 =	vlt.f32 v42, v0;
	v55 =	vmax.f32 v60, v61;
	vm11 =	vlt.f32 v62, v0  }
0x174: {  	v29 =	vmovc v1;
	v30 =	vnsel vm13, $0x0, v37;
	vm14 =	vlt.f32 v34, v0;
	v1 =	vnsel vm11, $0x0, v62  }
0x175: {  	vm7 =	vlt.f32 v48, v0;
	v56 =	vmax.f32 v63, v1;
	v1 =	vnsel vm14, $0x0, v34  }
0x176: {  	v34 =	vnsel vm6, $0x0, v51;
	v48 =	vnsel vm7, $0x0, v48;
	vm12 =	vlt.f32 v49, v0  }
0x177: {  	v6 =	vmovc v27;
	v27 =	vmovc v18;
	v63 =	vmax.f32 v34, v48;
	v34 =	vld [tilespmem:$0x1FB70];
	vm15 =	vlt.f32 v50, v0;
	v18 =	vnsel vm12, $0x0, v49  }
0x178: {  	v7 =	vmax.f32 v7, v52;
	v48 =	vld [tilespmem:$0x1FB80];
	v57 =	vmax.f32 v18, v30;
	v30 =	vnsel vm15, $0x0, v50  }
0x179: {  	vm11 =	vlt.f32 v41, v0;
	vm14 =	vlt.f32 v39, v0;
	v58 =	vmax.f32 v1, v30;
	v1 =	vld [tilespmem:$0x1FA50]  }
0x17a: {  	v62 =	vmovc v41;
	vm15 =	vlt.f32 v43, v0;
	v30 =	vmax.f32 v54, v55;
	v54 =	vmax.f32 v56, v57  }
0x17b: {  	v55 =	vnsel vm10, $0x0, v42;
	v56 =	vnsel vm11, $0x0, v62;
	v18 =	vnsel vm15, $0x0, v43  }
0x17c: {  	vm10 =	vlt.f32 v10, v0;
	vm11 =	vlt.f32 v11, v0;
	vm15 =	vlt.f32 v16, v0  }
0x17d: {  	vm8 =	vlt.f32 v34, v0;
	vm9 =	vlt.f32 v48, v0;
	v57 =	vmax.f32 v58, v63;
	v63 =	vld [tilespmem:$0x1FA40]  }
0x17e: {  	v7 =	vmax.f32 v7, v30;
	v55 =	vmax.f32 v55, v56;
	vm13 =	vlt.f32 v1, v0  }
0x17f: {  	[tilespmem:$0x1FB90] =	vst v39;
	v61 =	vnsel vm9, $0x0, v48;
	v48 =	vnsel vm13, $0x0, v1;
	v1 =	vnsel vm14, $0x0, v39;
	v39 =	vld [tilespmem:$0x1F8E0]  }
0x180: {  	[tilespmem:$0x1FA30] =	vst v41;
	v41 =	vnsel vm10, $0x0, v10;
	v60 =	vnsel vm8, $0x0, v34;
	vm9 =	vlt.f32 v8, v0  }
0x181: {  	v42 =	vmovc v43;
	v43 =	vnsel vm11, $0x0, v11;
	v52 =	vmax.f32 v60, v61;
	v34 =	vnsel vm9, $0x0, v8  }
0x182: {  	v60 =	vmax.f32 v41, v43;
	vm12 =	vlt.f32 v63, v0;
	vm13 =	vlt.f32 v15, v0  }
0x183: {  	vm14 =	vlt.f32 v4, v0;
	v30 =	vnsel vm12, $0x0, v63;
	v58 =	vmax.f32 v1, v18  }
0x184: {  	vm12 =	vlt.f32 v13, v0;
	v18 =	vnsel vm13, $0x0, v15;
	vm8 =	vlt.f32 v39, v0  }
0x185: {  	v56 =	vmax.f32 v30, v48;
	v48 =	vnsel vm12, $0x0, v13;
	v30 =	vnsel vm8, $0x0, v39  }
0x186: {  	v59 =	vmax.f32 v30, v34;
	v30 =	vnsel vm14, $0x0, v4;
	v34 =	vnsel vm15, $0x0, v16  }
0x187: {  	v52 =	vmax.f32 v52, v55;
	v0 =	vmax.f32 v48, v18;
	v41 =	vmax.f32 v30, v34  }
0x188: {  	v1 =	vld [tilespmem:$0x1F870];
	v43 =	vmax.f32 v56, v58;
	v48 =	vmax.f32 v59, v60;
	v0 =	vmax.f32 v0, v41  }
0x189: {  	v54 =	vmax.f32 v54, v57;
	v52 =	vmax.f32 v52, v43;
	v0 =	vmax.f32 v48, v0  }
0x18a: {  	v2 =	vmax.f32 v2, v5;
	v56 =	vmax.f32 v7, v54;
	v34 =	vld [tilespmem:$0x1F8F0];
	v0 =	vmax.f32 v52, v0  }
0x18b: {  	v2 =	vmax.f32 v9, v2;
	v41 =	vld [tilespmem:$0x1F900];
	v0 =	vmax.f32 v56, v0  }
0x18c: {  	v0 =	vmax.f32 v2, v0  }
0x18d: {  	vm6 =	vlt.f32 v24, v0;
	vm7 =	vlt.f32 v1, v0  }
0x18e: {  	vm8 =	vlt.f32 v12, v0;
	vm9 =	vlt.f32 v29, v0;
	vm10 =	vlt.f32 v25, v0  }
0x18f: {  	vm11 =	vlt.f32 v32, v0;
	vm12 =	vlt.f32 v3, v0;
	vm13 =	vlt.f32 v22, v0  }
0x190: {  	vm14 =	vlt.f32 v34, v0;
	vm15 =	vlt.f32 v41, v0;
	v57 =	vnsel vm6, $0x0, v24  }
0x191: {  	v59 =	vmovc v3;
	v58 =	vnsel vm7, $0x0, v1;
	v60 =	vnsel vm8, $0x0, v12;
	v61 =	vnsel vm9, $0x0, v29  }
0x192: {  	v48 =	vmovc v12;
	v62 =	vnsel vm10, $0x0, v25;
	v63 =	vnsel vm11, $0x0, v32;
	v12 =	vnsel vm12, $0x0, v59  }
0x193: {  	v18 =	vnsel vm13, $0x0, v22;
	vm6 =	vlt.f32 v19, v0;
	vm7 =	vlt.f32 v28, v0  }
0x194: {  	v43 =	vnsel vm14, $0x0, v34;
	vm9 =	vlt.f32 v26, v0;
	vm10 =	vlt.f32 v20, v0  }
0x195: {  	v3 =	vmovc v29;
	vm13 =	vlt.f32 v44, v0;
	vm14 =	vlt.f32 v31, v0;
	v2 =	vmax.f32 v57, v58  }
0x196: {  	v29 =	vmovc v25;
	v5 =	vmax.f32 v60, v61;
	v7 =	vmax.f32 v62, v63;
	v9 =	vmax.f32 v12, v18  }
0x197: {  	v25 =	vmovc v32;
	v32 =	vmovc v59;
	v57 =	vnsel vm15, $0x0, v41;
	v58 =	vnsel vm6, $0x0, v19;
	v59 =	vnsel vm7, $0x0, v28;
	v60 =	vld [tilespmem:$0x1F890]  }
0x198: {  	v62 =	vld [tilespmem:$0x1FAC0];
	v12 =	vnsel vm9, $0x0, v26;
	vm15 =	vlt.f32 v21, v0;
	vm9 =	vlt.f32 v27, v0  }
0x199: {  	v52 =	vmax.f32 v43, v57;
	v54 =	vmax.f32 v58, v59;
	v2 =	vmax.f32 v2, v5;
	v57 =	vld [tilespmem:$0x1F8A0]  }
0x19a: {  	v43 =	vmax.f32 v7, v9;
	v58 =	vnsel vm13, $0x0, v44;
	v59 =	vnsel vm14, $0x0, v31;
	v61 =	vmovc v20  }
0x19b: {  	v19 =	vmovc v28;
	v54 =	vmax.f32 v52, v54;
	v28 =	vnsel vm10, $0x0, v61;
	vm10 =	vlt.f32 v23, v0  }
0x19c: {  	v2 =	vmax.f32 v2, v43;
	v18 =	vnsel vm10, $0x0, v23;
	vm8 =	vlt.f32 v60, v0  }
0x19d: {  	vm10 =	vlt.f32 v35, v0;
	vm11 =	vlt.f32 v62, v0;
	v63 =	vnsel vm8, $0x0, v60  }
0x19e: {  	v30 =	vmovc v22;
	v34 =	vnsel vm11, $0x0, v62;
	vm12 =	vlt.f32 v57, v0;
	vm8 =	vlt.f32 v6, v0  }
0x19f: {  	v22 =	vmovc v26;
	v26 =	vmovc v62;
	v60 =	vnsel vm15, $0x0, v21;
	v62 =	vnsel vm9, $0x0, v27;
	vm11 =	vlt.f32 v47, v0  }
0x1a0: {  	vm15 =	vlt.f32 v17, v0;
	v55 =	vmax.f32 v63, v12;
	v41 =	vmax.f32 v28, v34;
	v63 =	vld [tilespmem:$0x1F970]  }
0x1a1: {  	[tilespmem:$0x1F920] =	vst v20;
	v20 =	vmovc v27;
	v61 =	vnsel vm8, $0x0, v6;
	v5 =	vmax.f32 v59, v60;
	v27 =	vnsel vm11, $0x0, v47  }
0x1a2: {  	vm8 =	vlt.f32 v33, v0;
	vm11 =	vlt.f32 v36, v0;
	v55 =	vmax.f32 v55, v41  }
0x1a3: {  	v28 =	vmovc v21;
	v21 =	vld [tilespmem:$0x1FB00];
	v7 =	vmax.f32 v61, v62;
	v61 =	vnsel vm15, $0x0, v17;
	v56 =	vmax.f32 v54, v55  }
0x1a4: {  	v52 =	vmax.f32 v18, v27;
	v62 =	vld [tilespmem:$0x1F980];
	v27 =	vnsel vm10, $0x0, v35;
	v9 =	vmax.f32 v2, v56  }
0x1a5: {  	v2 =	vnsel vm12, $0x0, v57;
	vm12 =	vlt.f32 v46, v0;
	vm13 =	vlt.f32 v63, v0  }
0x1a6: {  	v43 =	vmovc v44;
	vm15 =	vlt.f32 v40, v0;
	v41 =	vnsel vm12, $0x0, v46;
	v44 =	vnsel vm13, $0x0, v63;
	v63 =	vld [tilespmem:$0x1F8B0]  }
0x1a7: {  	v2 =	vmax.f32 v2, v58;
	vm12 =	vlt.f32 v14, v0;
	v54 =	vmax.f32 v41, v44;
	v41 =	vld [tilespmem:$0x1F990]  }
0x1a8: {  	vm14 =	vlt.f32 v21, v0;
	v2 =	vmax.f32 v2, v5;
	v35 =	vnsel vm12, $0x0, v14  }
0x1a9: {  	vm12 =	vlt.f32 v49, v0;
	v60 =	vnsel vm14, $0x0, v21;
	vm6 =	vlt.f32 v62, v0  }
0x1aa: {  	vm13 =	vlt.f32 v45, v0;
	v55 =	vmax.f32 v60, v61;
	v44 =	vnsel vm6, $0x0, v62  }
0x1ab: {  	v61 =	vnsel vm8, $0x0, v33;
	v33 =	vnsel vm11, $0x0, v36;
	vm7 =	vlt.f32 v63, v0  }
0x1ac: {  	v34 =	vmovc v17;
	v36 =	vld [tilespmem:$0x1FB60];
	v17 =	vmax.f32 v54, v55;
	vm9 =	vlt.f32 v41, v0;
	v60 =	vnsel vm7, $0x0, v63  }
0x1ad: {  	v63 =	vmax.f32 v7, v52;
	v56 =	vmax.f32 v44, v60;
	v62 =	vnsel vm9, $0x0, v41  }
0x1ae: {  	v2 =	vmax.f32 v2, v63;
	v41 =	vnsel vm13, $0x0, v45;
	v63 =	vld [tilespmem:$0x1F9D0];
	v57 =	vmax.f32 v61, v62  }
0x1af: {  	vm14 =	vlt.f32 v38, v0;
	v52 =	vmax.f32 v35, v41;
	v41 =	vld [tilespmem:$0x1F9F0];
	v18 =	vmax.f32 v56, v57  }
0x1b0: {  	vm6 =	vlt.f32 v51, v0;
	v7 =	vmax.f32 v27, v33;
	v5 =	vmax.f32 v17, v18;
	v17 =	vmovc v40;
	v40 =	vld [tilespmem:$0x1FB50]  }
0x1b1: {  	v44 =	vmovc v45;
	vm9 =	vlt.f32 v36, v0;
	v45 =	vnsel vm14, $0x0, v38;
	vm13 =	vlt.f32 v37, v0;
	v18 =	vld [tilespmem:$0x1F8C0]  }
0x1b2: {  	v35 =	vnsel vm12, $0x0, v49;
	v37 =	vnsel vm13, $0x0, v37;
	v60 =	vnsel vm15, $0x0, v17  }
0x1b3: {  	v62 =	vnsel vm9, $0x0, v36;
	v57 =	vmax.f32 v35, v37;
	v54 =	vmax.f32 v45, v60;
	v45 =	vld [tilespmem:$0x1FA10]  }
0x1b4: {  	v7 =	vmax.f32 v7, v52;
	vm15 =	vlt.f32 v50, v0;
	vm10 =	vlt.f32 v63, v0  }
0x1b5: {  	v27 =	vnsel vm10, $0x0, v63;
	vm14 =	vlt.f32 v41, v0;
	v63 =	vld [tilespmem:$0x1FA30];
	vm8 =	vlt.f32 v40, v0  }
0x1b6: {  	[tilespmem:$0x1F9A0] =	vst v14;
	v14 =	vnsel vm14, $0x0, v41;
	v41 =	vld [tilespmem:$0x1FB70];
	vm11 =	vlt.f32 v18, v0;
	v61 =	vnsel vm8, $0x0, v40  }
0x1b7: {  	v33 =	vnsel vm11, $0x0, v18;
	v18 =	vnsel vm15, $0x0, v50;
	vm15 =	vlt.f32 v42, v0  }
0x1b8: {  	v55 =	vmax.f32 v61, v62;
	v56 =	vmax.f32 v27, v33;
	vm7 =	vlt.f32 v45, v0;
	v62 =	vld [tilespmem:$0x1FA20]  }
0x1b9: {  	v50 =	vmovc v51;
	v27 =	vnsel vm6, $0x0, v51;
	v58 =	vmax.f32 v14, v18;
	v18 =	vld [tilespmem:$0x1FA50];
	v33 =	vnsel vm7, $0x0, v45  }
0x1ba: {  	v51 =	vmovc v45;
	v37 =	vmax.f32 v54, v55;
	v45 =	vld [tilespmem:$0x1FB80];
	v54 =	vmax.f32 v56, v57;
	vm11 =	vlt.f32 v63, v0  }
0x1bb: {  	v35 =	vmax.f32 v27, v33;
	vm8 =	vlt.f32 v41, v0;
	v7 =	vmax.f32 v7, v37;
	v37 =	vld [tilespmem:$0x1FA40]  }
0x1bc: {  	v12 =	vmovc v31;
	v31 =	vmovc v6;
	v6 =	vnsel vm11, $0x0, v63;
	v33 =	vnsel vm15, $0x0, v42;
	vm11 =	vlt.f32 v11, v0  }
0x1bd: {  	vm15 =	vlt.f32 v16, v0;
	v60 =	vnsel vm8, $0x0, v41;
	v41 =	vld [tilespmem:$0x1FB90];
	vm8 =	vlt.f32 v39, v0  }
0x1be: {  	[tilespmem:$0x1FBA0] =	vst v42;
	v57 =	vmax.f32 v58, v35;
	v42 =	vnsel vm8, $0x0, v39;
	vm13 =	vlt.f32 v18, v0  }
0x1bf: {  	vm10 =	vlt.f32 v62, v0;
	vm9 =	vlt.f32 v45, v0;
	v18 =	vnsel vm13, $0x0, v18  }
0x1c0: {  	vm13 =	vlt.f32 v15, v0;
	v61 =	vnsel vm9, $0x0, v45;
	vm12 =	vlt.f32 v37, v0  }
0x1c1: {  	v45 =	vnsel vm10, $0x0, v62;
	vm9 =	vlt.f32 v8, v0;
	vm10 =	vlt.f32 v10, v0  }
0x1c2: {  	v52 =	vmax.f32 v60, v61;
	vm14 =	vlt.f32 v41, v0;
	v14 =	vnsel vm12, $0x0, v37  }
0x1c3: {  	v55 =	vmax.f32 v45, v6;
	v45 =	vnsel vm9, $0x0, v8;
	v6 =	vnsel vm10, $0x0, v10  }
0x1c4: {  	[tilespmem:$0x1FA60] =	vst v8;
	v8 =	vnsel vm11, $0x0, v11;
	vm12 =	vlt.f32 v13, v0;
	v27 =	vnsel vm14, $0x0, v41  }
0x1c5: {  	v35 =	vmax.f32 v14, v18;
	v59 =	vmax.f32 v42, v45;
	v60 =	vmax.f32 v6, v8  }
0x1c6: {  	[tilespmem:$0x1FBB0] =	vst v10;
	vm14 =	vlt.f32 v4, v0;
	v10 =	vnsel vm12, $0x0, v13;
	v14 =	vnsel vm15, $0x0, v16  }
0x1c7: {  	[tilespmem:$0x1FBC0] =	vst v13;
	v52 =	vmax.f32 v52, v55;
	v13 =	vnsel vm14, $0x0, v4;
	v45 =	vmovc v11;
	v11 =	vnsel vm13, $0x0, v15  }
0x1c8: {  	[tilespmem:$0x1FBD0] =	vst v15;
	v41 =	vmax.f32 v27, v33;
	v15 =	vmax.f32 v13, v14;
	v0 =	vmax.f32 v10, v11  }
0x1c9: {  	[tilespmem:$0x1FBF0] =	vst v16;
	v18 =	vmax.f32 v59, v60;
	v16 =	vmax.f32 v35, v41;
	v0 =	vmax.f32 v0, v15  }
0x1ca: {  	v54 =	vmax.f32 v54, v57;
	v52 =	vmax.f32 v52, v16;
	v0 =	vmax.f32 v18, v0  }
0x1cb: {  	v2 =	vmax.f32 v2, v5;
	v63 =	vld [tilespmem:$0x1F8F0];
	v27 =	vmax.f32 v7, v54;
	v0 =	vmax.f32 v52, v0  }
0x1cc: {  	v2 =	vmax.f32 v9, v2;
	v13 =	vld [tilespmem:$0x1F900];
	v0 =	vmax.f32 v27, v0  }
0x1cd: {  	v0 =	vmax.f32 v2, v0  }
0x1ce: {  	vm6 =	vlt.f32 v24, v0;
	vm7 =	vlt.f32 v1, v0  }
0x1cf: {  	vm8 =	vlt.f32 v48, v0;
	vm9 =	vlt.f32 v3, v0;
	vm10 =	vlt.f32 v29, v0  }
0x1d0: {  	vm11 =	vlt.f32 v25, v0;
	vm12 =	vlt.f32 v32, v0;
	vm13 =	vlt.f32 v30, v0  }
0x1d1: {  	vm14 =	vlt.f32 v63, v0;
	vm15 =	vlt.f32 v13, v0;
	v33 =	vnsel vm6, $0x0, v24  }
0x1d2: {  	v35 =	vnsel vm7, $0x0, v1;
	v39 =	vnsel vm8, $0x0, v48;
	v41 =	vnsel vm9, $0x0, v3  }
0x1d3: {  	v57 =	vnsel vm10, $0x0, v29;
	v58 =	vnsel vm11, $0x0, v25;
	v59 =	vnsel vm12, $0x0, v32  }
0x1d4: {  	v60 =	vnsel vm13, $0x0, v30;
	vm7 =	vlt.f32 v19, v0;
	v14 =	vnsel vm14, $0x0, v63  }
0x1d5: {  	v6 =	vmovc v25;
	v15 =	vnsel vm15, $0x0, v13;
	vm9 =	vlt.f32 v22, v0;
	vm11 =	vlt.f32 v26, v0  }
0x1d6: {  	v25 =	vmovc v32;
	v32 =	vld [tilespmem:$0x1F880];
	vm13 =	vlt.f32 v43, v0;
	vm14 =	vlt.f32 v12, v0;
	vm15 =	vlt.f32 v28, v0  }
0x1d7: {  	v2 =	vmax.f32 v33, v35;
	v5 =	vmax.f32 v39, v41;
	v61 =	vmax.f32 v57, v58;
	v41 =	vld [tilespmem:$0x1F890]  }
0x1d8: {  	[tilespmem:$0x1F910] =	vst v19;
	v62 =	vmax.f32 v59, v60;
	v52 =	vmax.f32 v14, v15;
	v18 =	vnsel vm7, $0x0, v19;
	v19 =	vld [tilespmem:$0x1F920]  }
0x1d9: {  	v42 =	vmovc v29;
	v29 =	vnsel vm9, $0x0, v22;
	v33 =	vnsel vm11, $0x0, v26;
	v60 =	vld [tilespmem:$0x1F8A0];
	vm9 =	vlt.f32 v20, v0  }
0x1da: {  	v63 =	vnsel vm13, $0x0, v43;
	v11 =	vnsel vm15, $0x0, v28;
	vm11 =	vlt.f32 v47, v0  }
0x1db: {  	vm15 =	vlt.f32 v34, v0;
	v2 =	vmax.f32 v2, v5;
	v39 =	vmax.f32 v61, v62  }
0x1dc: {  	v14 =	vnsel vm9, $0x0, v20;
	v2 =	vmax.f32 v2, v39;
	v61 =	vmovc v12;
	vm6 =	vlt.f32 v32, v0  }
0x1dd: {  	v10 =	vnsel vm14, $0x0, v61;
	vm14 =	vlt.f32 v21, v0;
	v16 =	vnsel vm6, $0x0, v32  }
0x1de: {  	vm8 =	vlt.f32 v41, v0;
	vm10 =	vlt.f32 v19, v0;
	vm12 =	vlt.f32 v60, v0  }
0x1df: {  	v15 =	vmax.f32 v10, v11;
	v43 =	vnsel vm14, $0x0, v21;
	vm14 =	vlt.f32 v38, v0  }
0x1e0: {  	[tilespmem:$0x1FAA0] =	vst v30;
	v54 =	vmax.f32 v16, v18;
	v27 =	vnsel vm8, $0x0, v41;
	v30 =	vnsel vm10, $0x0, v19  }
0x1e1: {  	vm8 =	vlt.f32 v31, v0;
	v62 =	vnsel vm12, $0x0, v60;
	vm10 =	vlt.f32 v23, v0  }
0x1e2: {  	vm12 =	vlt.f32 v46, v0;
	v55 =	vmax.f32 v27, v29;
	v35 =	vmax.f32 v30, v33  }
0x1e3: {  	v19 =	vmovc v61;
	v61 =	vld [tilespmem:$0x1F980];
	v57 =	vmax.f32 v52, v54;
	v13 =	vnsel vm8, $0x0, v31;
	v30 =	vnsel vm10, $0x0, v23  }
0x1e4: {  	v27 =	vld [tilespmem:$0x1F970];
	v33 =	vnsel vm11, $0x0, v47;
	v58 =	vmax.f32 v55, v35;
	v16 =	vmax.f32 v13, v14  }
0x1e5: {  	[tilespmem:$0x1F940] =	vst v23;
	v23 =	vld [tilespmem:$0x1F9A0];
	v35 =	vnsel vm12, $0x0, v46;
	v46 =	vnsel vm15, $0x0, v34;
	v52 =	vmax.f32 v30, v33  }
0x1e6: {  	v12 =	vmovc v60;
	v33 =	vld [tilespmem:$0x1FB20];
	vm15 =	vlt.f32 v17, v0;
	v59 =	vmax.f32 v57, v58;
	v60 =	vmax.f32 v43, v46  }
0x1e7: {  	v13 =	vmax.f32 v16, v52;
	v9 =	vmax.f32 v2, v59;
	v2 =	vmax.f32 v62, v63  }
0x1e8: {  	v16 =	vld [tilespmem:$0x1FB40];
	v43 =	vnsel vm15, $0x0, v17;
	vm6 =	vlt.f32 v61, v0;
	v2 =	vmax.f32 v2, v15  }
0x1e9: {  	vm13 =	vlt.f32 v27, v0;
	v63 =	vnsel vm6, $0x0, v61;
	v2 =	vmax.f32 v2, v13  }
0x1ea: {  	v62 =	vld [tilespmem:$0x1F990];
	vm12 =	vlt.f32 v23, v0;
	vm6 =	vlt.f32 v50, v0;
	v39 =	vnsel vm13, $0x0, v27  }
0x1eb: {  	vm8 =	vlt.f32 v33, v0;
	vm13 =	vlt.f32 v44, v0;
	v26 =	vnsel vm12, $0x0, v23  }
0x1ec: {  	v15 =	vld [tilespmem:$0x1FB30];
	vm12 =	vlt.f32 v49, v0;
	v47 =	vmax.f32 v35, v39;
	v10 =	vnsel vm8, $0x0, v33  }
0x1ed: {  	v59 =	vld [tilespmem:$0x1FA20];
	vm11 =	vlt.f32 v16, v0;
	vm8 =	vlt.f32 v40, v0;
	v30 =	vnsel vm13, $0x0, v44  }
0x1ee: {  	v27 =	vld [tilespmem:$0x1F8B0];
	v39 =	vnsel vm14, $0x0, v38;
	v23 =	vnsel vm12, $0x0, v49;
	vm12 =	vlt.f32 v37, v0  }
0x1ef: {  	v61 =	vmovc v37;
	v37 =	vld [tilespmem:$0x1FBA0];
	vm9 =	vlt.f32 v62, v0;
	v14 =	vmax.f32 v47, v60;
	v22 =	vnsel vm11, $0x0, v16  }
0x1f0: {  	v44 =	vnsel vm8, $0x0, v40;
	v52 =	vmax.f32 v26, v30;
	v47 =	vmax.f32 v39, v43;
	v16 =	vld [tilespmem:$0x1F9E0]  }
0x1f1: {  	v30 =	vld [tilespmem:$0x1F9F0];
	v11 =	vnsel vm9, $0x0, v62;
	vm10 =	vlt.f32 v15, v0;
	vm9 =	vlt.f32 v36, v0  }
0x1f2: {  	v39 =	vnsel vm6, $0x0, v50;
	v21 =	vnsel vm10, $0x0, v15;
	v46 =	vnsel vm9, $0x0, v36;
	v36 =	vld [tilespmem:$0x1F8D0]  }
0x1f3: {  	v50 =	vld [tilespmem:$0x1FB70];
	v57 =	vmax.f32 v10, v11;
	vm7 =	vlt.f32 v27, v0;
	v7 =	vmax.f32 v21, v22  }
0x1f4: {  	[tilespmem:$0x1FBE0] =	vst v4;
	v62 =	vld [tilespmem:$0x1FA50];
	v13 =	vmax.f32 v44, v46;
	v4 =	vnsel vm7, $0x0, v27;
	vm7 =	vlt.f32 v51, v0  }
0x1f5: {  	v7 =	vmax.f32 v7, v52;
	v46 =	vmax.f32 v47, v13;
	v47 =	vld [tilespmem:$0x1FB80];
	v56 =	vmax.f32 v63, v4  }
0x1f6: {  	v29 =	vmovc v28;
	vm13 =	vlt.f32 v16, v0;
	vm14 =	vlt.f32 v30, v0;
	v43 =	vnsel vm7, $0x0, v51;
	v63 =	vld [tilespmem:$0x1FB90]  }
0x1f7: {  	v28 =	vmovc v31;
	v18 =	vmax.f32 v56, v57;
	v44 =	vmax.f32 v39, v43;
	v39 =	vld [tilespmem:$0x1F8E0];
	vm15 =	vlt.f32 v36, v0  }
0x1f8: {  	v31 =	vmovc v20;
	v20 =	vmovc v34;
	v34 =	vnsel vm14, $0x0, v30;
	v5 =	vmax.f32 v14, v18;
	v14 =	vld [tilespmem:$0x1F9D0];
	v38 =	vnsel vm15, $0x0, v36  }
0x1f9: {  	v35 =	vmovc v17;
	vm8 =	vlt.f32 v50, v0;
	v7 =	vmax.f32 v7, v46;
	v58 =	vmax.f32 v34, v38;
	v38 =	vld [tilespmem:$0x1FA60]  }
0x1fa: {  	v17 =	vmovc v49;
	v26 =	vnsel vm13, $0x0, v16;
	v49 =	vnsel vm8, $0x0, v50;
	vm13 =	vlt.f32 v62, v0;
	v18 =	vmovc v40;
	v40 =	vld [tilespmem:$0x1F8C0]  }
0x1fb: {  	v60 =	vld [tilespmem:$0x1FA30];
	v57 =	vmax.f32 v23, v26;
	vm15 =	vlt.f32 v37, v0;
	vm9 =	vlt.f32 v47, v0  }
0x1fc: {  	v51 =	vnsel vm9, $0x0, v47;
	vm14 =	vlt.f32 v63, v0;
	vm8 =	vlt.f32 v39, v0  }
0x1fd: {  	v52 =	vmax.f32 v49, v51;
	vm10 =	vlt.f32 v14, v0;
	v46 =	vnsel vm8, $0x0, v39  }
0x1fe: {  	v43 =	vld [tilespmem:$0x1FBB0];
	v21 =	vnsel vm10, $0x0, v14;
	vm10 =	vlt.f32 v59, v0;
	vm9 =	vlt.f32 v38, v0  }
0x1ff: {  	v4 =	vld [tilespmem:$0x1FBF0];
	vm11 =	vlt.f32 v40, v0;
	v15 =	vnsel vm10, $0x0, v59;
	v47 =	vnsel vm9, $0x0, v38  }
0x200: {  	v22 =	vnsel vm11, $0x0, v40;
	vm11 =	vlt.f32 v60, v0;
	v59 =	vmax.f32 v46, v47;
	v46 =	vld [tilespmem:$0x1FBD0]  }
0x201: {  	v56 =	vmax.f32 v21, v22;
	v16 =	vnsel vm11, $0x0, v60;
	vm11 =	vlt.f32 v45, v0;
	v47 =	vld [tilespmem:$0x1FBE0]  }
0x202: {  	v54 =	vmax.f32 v56, v57;
	v57 =	vmax.f32 v58, v44;
	v51 =	vnsel vm11, $0x0, v45;
	v44 =	vmovc v45;
	v45 =	vld [tilespmem:$0x1FBC0]  }
0x203: {  	v26 =	vnsel vm15, $0x0, v37;
	v23 =	vnsel vm14, $0x0, v63;
	vm10 =	vlt.f32 v43, v0  }
0x204: {  	vm15 =	vlt.f32 v4, v0;
	v34 =	vmax.f32 v23, v26;
	v49 =	vnsel vm10, $0x0, v43  }
0x205: {  	v21 =	vnsel vm12, $0x0, v61;
	v22 =	vnsel vm13, $0x0, v62;
	v55 =	vmax.f32 v15, v16  }
0x206: {  	v30 =	vmax.f32 v21, v22;
	v15 =	vnsel vm15, $0x0, v4;
	v60 =	vmax.f32 v49, v51  }
0x207: {  	vm13 =	vlt.f32 v46, v0;
	vm14 =	vlt.f32 v47, v0;
	vm12 =	vlt.f32 v45, v0  }
0x208: {  	v13 =	vnsel vm13, $0x0, v46;
	v14 =	vnsel vm14, $0x0, v47;
	v11 =	vnsel vm12, $0x0, v45  }
0x209: {  	v52 =	vmax.f32 v52, v55;
	v16 =	vmax.f32 v14, v15;
	v0 =	vmax.f32 v11, v13  }
0x20a: {  	v21 =	vmax.f32 v30, v34;
	v22 =	vmax.f32 v59, v60;
	v0 =	vmax.f32 v0, v16  }
0x20b: {  	v54 =	vmax.f32 v54, v57;
	v52 =	vmax.f32 v52, v21;
	v0 =	vmax.f32 v22, v0  }
0x20c: {  	v2 =	vmax.f32 v2, v5;
	v34 =	vld [tilespmem:$0x1FAA0];
	v23 =	vmax.f32 v7, v54;
	v0 =	vmax.f32 v52, v0  }
0x20d: {  	v2 =	vmax.f32 v9, v2;
	v0 =	vmax.f32 v23, v0  }
0x20e: {  	v0 =	vmax.f32 v2, v0  }
0x20f: {  	vm6 =	vlt.f32 v24, v0;
	vm7 =	vlt.f32 v1, v0  }
0x210: {  	v8 =	vld [tilespmem:$0x1FAC0];
	vm8 =	vlt.f32 v48, v0;
	vm9 =	vlt.f32 v3, v0;
	vm10 =	vlt.f32 v42, v0  }
0x211: {  	v23 =	vld [tilespmem:$0x1F8F0];
	vm11 =	vlt.f32 v6, v0;
	vm12 =	vlt.f32 v25, v0;
	vm13 =	vlt.f32 v34, v0  }
0x212: {  	[tilespmem:$0x1FA70] =	vst v24;
	v24 =	vnsel vm6, $0x0, v24;
	v26 =	vnsel vm7, $0x0, v1;
	v60 =	vnsel vm13, $0x0, v34;
	v34 =	vld [tilespmem:$0x1F910]  }
0x213: {  	[tilespmem:$0x1FA80] =	vst v6;
	v38 =	vnsel vm8, $0x0, v48;
	v49 =	vnsel vm9, $0x0, v3;
	v58 =	vnsel vm11, $0x0, v6;
	v6 =	vld [tilespmem:$0x1FAB0]  }
0x214: {  	v11 =	vmovc v48;
	v57 =	vnsel vm10, $0x0, v42;
	v59 =	vnsel vm12, $0x0, v25;
	vm6 =	vlt.f32 v32, v0;
	v48 =	vld [tilespmem:$0x1F920]  }
0x215: {  	vm8 =	vlt.f32 v41, v0;
	vm11 =	vlt.f32 v8, v0;
	v2 =	vmax.f32 v24, v26;
	v26 =	vld [tilespmem:$0x1F900]  }
0x216: {  	v5 =	vmax.f32 v38, v49;
	v61 =	vmax.f32 v57, v58;
	v62 =	vmax.f32 v59, v60  }
0x217: {  	v22 =	vmovc v3;
	v3 =	vnsel vm6, $0x0, v32;
	v10 =	vnsel vm8, $0x0, v41;
	vm14 =	vlt.f32 v23, v0  }
0x218: {  	v15 =	vnsel vm11, $0x0, v8;
	v2 =	vmax.f32 v2, v5;
	v63 =	vnsel vm14, $0x0, v23  }
0x219: {  	vm7 =	vlt.f32 v34, v0;
	vm9 =	vlt.f32 v6, v0;
	vm10 =	vlt.f32 v48, v0  }
0x21a: {  	vm15 =	vlt.f32 v26, v0;
	v4 =	vnsel vm7, $0x0, v34;
	v13 =	vnsel vm9, $0x0, v6  }
0x21b: {  	v30 =	vmovc v1;
	v14 =	vnsel vm10, $0x0, v48;
	v1 =	vnsel vm15, $0x0, v26;
	v54 =	vmax.f32 v3, v4  }
0x21c: {  	v55 =	vmax.f32 v10, v13;
	v16 =	vmax.f32 v14, v15;
	v52 =	vmax.f32 v63, v1  }
0x21d: {  	v21 =	vmax.f32 v61, v62;
	v38 =	vmax.f32 v55, v16;
	v16 =	vld [tilespmem:$0x1F930];
	v24 =	vmax.f32 v52, v54  }
0x21e: {  	[tilespmem:$0x1FA90] =	vst v25;
	v25 =	vmov v41;
	v2 =	vmax.f32 v2, v21;
	v41 =	vmax.f32 v24, v38;
	v38 =	vld [tilespmem:$0x1F970]  }
0x21f: {  	v9 =	vmax.f32 v2, v41;
	v41 =	vld [tilespmem:$0x1F960]  }
0x220: {  	vm12 =	vlt.f32 v12, v0  }
0x221: {  	vm8 =	vlt.f32 v28, v0;
	v49 =	vnsel vm12, $0x0, v12;
	vm14 =	vlt.f32 v19, v0;
	v4 =	vld [tilespmem:$0x1F940]  }
0x222: {  	v58 =	vnsel vm14, $0x0, v19;
	vm9 =	vlt.f32 v31, v0;
	vm15 =	vlt.f32 v29, v0  }
0x223: {  	v61 =	vnsel vm9, $0x0, v31;
	v14 =	vld [tilespmem:$0x1F950];
	v59 =	vnsel vm15, $0x0, v29;
	vm13 =	vlt.f32 v16, v0  }
0x224: {  	v63 =	vld [tilespmem:$0x1FB00];
	v57 =	vnsel vm13, $0x0, v16;
	vm13 =	vlt.f32 v38, v0;
	vm12 =	vlt.f32 v41, v0  }
0x225: {  	[tilespmem:$0x1FAF0] =	vst v31;
	v31 =	vld [tilespmem:$0x1F980];
	vm15 =	vlt.f32 v20, v0;
	v13 =	vnsel vm13, $0x0, v38;
	v10 =	vnsel vm12, $0x0, v41  }
0x226: {  	v19 =	vnsel vm15, $0x0, v20;
	vm10 =	vlt.f32 v4, v0;
	v20 =	vmax.f32 v10, v13;
	v10 =	vld [tilespmem:$0x1FB40]  }
0x227: {  	v60 =	vnsel vm8, $0x0, v28;
	v24 =	vmovc v33;
	v6 =	vnsel vm10, $0x0, v4;
	vm10 =	vlt.f32 v33, v0;
	v33 =	vld [tilespmem:$0x1F990]  }
0x228: {  	vm9 =	vlt.f32 v27, v0;
	v62 =	vmax.f32 v60, v61  }
0x229: {  	v51 =	vnsel vm9, $0x0, v27;
	vm11 =	vlt.f32 v14, v0;
	vm14 =	vlt.f32 v63, v0  }
0x22a: {  	vm8 =	vlt.f32 v31, v0;
	v8 =	vnsel vm11, $0x0, v14;
	v15 =	vnsel vm14, $0x0, v63  }
0x22b: {  	v52 =	vmax.f32 v6, v8;
	v60 =	vnsel vm10, $0x0, v24;
	v8 =	vld [tilespmem:$0x1FB30];
	vm13 =	vlt.f32 v10, v0  }
0x22c: {  	v21 =	vmax.f32 v15, v19;
	vm11 =	vlt.f32 v33, v0;
	v19 =	vnsel vm13, $0x0, v10;
	v10 =	vld [tilespmem:$0x1F9D0]  }
0x22d: {  	v2 =	vmax.f32 v49, v57;
	v49 =	vnsel vm8, $0x0, v31;
	v61 =	vnsel vm11, $0x0, v33  }
0x22e: {  	v56 =	vmax.f32 v49, v51;
	v57 =	vmax.f32 v60, v61  }
0x22f: {  	v5 =	vmax.f32 v58, v59;
	v63 =	vmax.f32 v20, v21;
	v13 =	vmax.f32 v56, v57  }
0x230: {  	v2 =	vmax.f32 v2, v5;
	vm12 =	vlt.f32 v8, v0;
	v5 =	vmax.f32 v63, v13;
	v13 =	vld [tilespmem:$0x1F9A0]  }
0x231: {  	v20 =	vld [tilespmem:$0x1FB60];
	v15 =	vnsel vm12, $0x0, v8;
	vm13 =	vlt.f32 v40, v0;
	vm12 =	vlt.f32 v10, v0  }
0x232: {  	v7 =	vmax.f32 v15, v19;
	v15 =	vld [tilespmem:$0x1F9B0];
	v6 =	vnsel vm13, $0x0, v40;
	v3 =	vnsel vm12, $0x0, v10  }
0x233: {  	vm7 =	vlt.f32 v36, v0;
	v56 =	vmax.f32 v3, v6;
	v6 =	vld [tilespmem:$0x1F9F0]  }
0x234: {  	vm9 =	vlt.f32 v35, v0;
	vm10 =	vlt.f32 v18, v0;
	v62 =	vmax.f32 v62, v52  }
0x235: {  	[tilespmem:$0x1FAE0] =	vst v28;
	v28 =	vmovc v27;
	v27 =	vld [tilespmem:$0x1F9C0];
	v2 =	vmax.f32 v2, v62;
	v62 =	vnsel vm10, $0x0, v18;
	vm14 =	vlt.f32 v13, v0  }
0x236: {  	v18 =	vld [tilespmem:$0x1F9E0];
	v61 =	vnsel vm9, $0x0, v35;
	vm11 =	vlt.f32 v20, v0;
	v21 =	vnsel vm14, $0x0, v13  }
0x237: {  	v63 =	vnsel vm11, $0x0, v20;
	vm14 =	vlt.f32 v17, v0;
	vm15 =	vlt.f32 v15, v0  }
0x238: {  	v20 =	vmovc v17;
	v8 =	vnsel vm14, $0x0, v17;
	v17 =	vld [tilespmem:$0x1FA00];
	v24 =	vnsel vm15, $0x0, v15;
	vm6 =	vlt.f32 v6, v0  }
0x239: {  	v49 =	vmovc v35;
	v35 =	vnsel vm7, $0x0, v36;
	v52 =	vmax.f32 v21, v24;
	v21 =	vmovc v40;
	v40 =	vld [tilespmem:$0x1FA10];
	v24 =	vnsel vm6, $0x0, v6  }
0x23a: {  	v58 =	vmax.f32 v24, v35;
	v24 =	vld [tilespmem:$0x1FB80]  }
0x23b: {  	vm8 =	vlt.f32 v27, v0;
	vm15 =	vlt.f32 v18, v0  }
0x23c: {  	vm10 =	vlt.f32 v50, v0;
	v60 =	vnsel vm8, $0x0, v27;
	v19 =	vnsel vm15, $0x0, v18  }
0x23d: {  	v54 =	vmax.f32 v60, v61;
	v1 =	vmax.f32 v62, v63;
	v57 =	vmax.f32 v8, v19  }
0x23e: {  	v3 =	vld [tilespmem:$0x1FA30];
	v8 =	vmax.f32 v54, v1;
	vm8 =	vlt.f32 v17, v0;
	vm9 =	vlt.f32 v40, v0  }
0x23f: {  	v1 =	vld [tilespmem:$0x1FA20];
	v19 =	vmovc v36;
	v36 =	vnsel vm8, $0x0, v17;
	v51 =	vnsel vm9, $0x0, v40;
	vm11 =	vlt.f32 v24, v0  }
0x240: {  	v35 =	vnsel vm10, $0x0, v50;
	v50 =	vld [tilespmem:$0x1FB90];
	v63 =	vmax.f32 v36, v51;
	v36 =	vnsel vm11, $0x0, v24  }
0x241: {  	v7 =	vmax.f32 v7, v52;
	v52 =	vmax.f32 v35, v36;
	v36 =	vld [tilespmem:$0x1FA40]  }
0x242: {  	v35 =	vld [tilespmem:$0x1FA50]  }
0x243: {  	v54 =	vmax.f32 v56, v57;
	v7 =	vmax.f32 v7, v8;
	vm13 =	vlt.f32 v3, v0  }
0x244: {  	v56 =	vnsel vm13, $0x0, v3;
	vm13 =	vlt.f32 v44, v0;
	vm12 =	vlt.f32 v1, v0  }
0x245: {  	vm9 =	vlt.f32 v37, v0;
	vm10 =	vlt.f32 v39, v0;
	vm8 =	vlt.f32 v50, v0  }
0x246: {  	v55 =	vnsel vm12, $0x0, v1;
	vm12 =	vlt.f32 v43, v0;
	v24 =	vnsel vm8, $0x0, v50  }
0x247: {  	v50 =	vnsel vm9, $0x0, v37;
	vm14 =	vlt.f32 v36, v0;
	vm15 =	vlt.f32 v35, v0  }
0x248: {  	v57 =	vmax.f32 v58, v63;
	v58 =	vnsel vm14, $0x0, v36;
	v51 =	vnsel vm15, $0x0, v35  }
0x249: {  	v55 =	vmax.f32 v55, v56;
	v56 =	vmax.f32 v58, v51;
	v58 =	vmax.f32 v24, v50;
	v24 =	vld [tilespmem:$0x1FA60]  }
0x24a: {  	v8 =	vmovc v39;
	v50 =	vmovc v44;
	v51 =	vnsel vm10, $0x0, v39;
	v39 =	vnsel vm12, $0x0, v43;
	v43 =	vnsel vm13, $0x0, v44;
	v44 =	vld [tilespmem:$0x1FBF0];
	_ =	sdelay $0x1  }
0x24b: {  	vm6 =	vlt.f32 v47, v0  }
0x24c: {  	v54 =	vmax.f32 v54, v57;
	vm14 =	vlt.f32 v45, v0;
	vm15 =	vlt.f32 v46, v0  }
0x24d: {  	v60 =	vmax.f32 v39, v43;
	v39 =	vnsel vm15, $0x0, v46;
	vm11 =	vlt.f32 v24, v0  }
0x24e: {  	v43 =	vnsel vm6, $0x0, v47;
	vm7 =	vlt.f32 v44, v0;
	v37 =	vnsel vm11, $0x0, v24  }
0x24f: {  	v44 =	vnsel vm7, $0x0, v44;
	v59 =	vmax.f32 v51, v37;
	v51 =	vnsel vm14, $0x0, v45  }
0x250: {  	v62 =	vld [tilespmem:$0x1FA90];
	v52 =	vmax.f32 v52, v55;
	v45 =	vmax.f32 v43, v44;
	v0 =	vmax.f32 v51, v39  }
0x251: {  	v57 =	vld [tilespmem:$0x1FA70];
	v46 =	vmax.f32 v56, v58;
	v47 =	vmax.f32 v59, v60;
	v0 =	vmax.f32 v0, v45  }
0x252: {  	v63 =	vld [tilespmem:$0x1FAA0];
	v52 =	vmax.f32 v52, v46;
	v0 =	vmax.f32 v47, v0  }
0x253: {  	v2 =	vmax.f32 v2, v5;
	v54 =	vmax.f32 v7, v54;
	v60 =	vld [tilespmem:$0x1FA80];
	v0 =	vmax.f32 v52, v0  }
0x254: {  	v2 =	vmax.f32 v9, v2;
	v0 =	vmax.f32 v54, v0  }
0x255: {  	v0 =	vmax.f32 v2, v0  }
0x256: {  	vm8 =	vlt.f32 v57, v0;
	vm9 =	vlt.f32 v30, v0  }
0x257: {  	vm10 =	vlt.f32 v11, v0;
	vm11 =	vlt.f32 v22, v0;
	vm12 =	vlt.f32 v42, v0  }
0x258: {  	vm13 =	vlt.f32 v60, v0;
	vm14 =	vlt.f32 v62, v0;
	vm15 =	vlt.f32 v63, v0  }
0x259: {  	v43 =	vld [tilespmem:$0x1FAC0];
	vm4 =	vlt.f32 v23, v0;
	vm5 =	vlt.f32 v26, v0;
	vm6 =	vlt.f32 v32, v0  }
0x25a: {  	vm7 =	vlt.f32 v34, v0;
	v55 =	vnsel vm9, $0x0, v30;
	v56 =	vnsel vm8, $0x0, v57  }
0x25b: {  	v58 =	vnsel vm10, $0x0, v11;
	v59 =	vnsel vm11, $0x0, v22;
	v61 =	vnsel vm12, $0x0, v42  }
0x25c: {  	v9 =	vnsel vm13, $0x0, v60;
	v22 =	vnsel vm15, $0x0, v63;
	v23 =	vnsel vm4, $0x0, v23  }
0x25d: {  	v30 =	vnsel vm5, $0x0, v26;
	v32 =	vnsel vm6, $0x0, v32;
	v34 =	vnsel vm7, $0x0, v34  }
0x25e: {  	vm8 =	vlt.f32 v25, v0;
	vm10 =	vlt.f32 v48, v0;
	vm11 =	vlt.f32 v43, v0  }
0x25f: {  	vm12 =	vlt.f32 v12, v0;
	vm13 =	vlt.f32 v16, v0;
	vm15 =	vlt.f32 v29, v0  }
0x260: {  	vm6 =	vlt.f32 v4, v0;
	vm7 =	vlt.f32 v14, v0;
	v2 =	vmax.f32 v56, v55  }
0x261: {  	v5 =	vmax.f32 v58, v59;
	v7 =	vmax.f32 v61, v9;
	v9 =	vnsel vm14, $0x0, v62  }
0x262: {  	v42 =	vld [tilespmem:$0x1FAB0];
	v52 =	vmax.f32 v23, v30;
	v37 =	vmax.f32 v32, v34;
	v39 =	vnsel vm8, $0x0, v25  }
0x263: {  	v45 =	vnsel vm10, $0x0, v48;
	v46 =	vnsel vm11, $0x0, v43;
	v56 =	vnsel vm13, $0x0, v16;
	v58 =	vld [tilespmem:$0x1FAD0]  }
0x264: {  	v60 =	vnsel vm15, $0x0, v29;
	v61 =	vld [tilespmem:$0x1FAE0];
	v4 =	vnsel vm6, $0x0, v4;
	v11 =	vnsel vm7, $0x0, v14  }
0x265: {  	v62 =	vld [tilespmem:$0x1FAF0];
	vm8 =	vlt.f32 v41, v0;
	vm13 =	vlt.f32 v28, v0;
	vm15 =	vlt.f32 v33, v0  }
0x266: {  	v16 =	vld [tilespmem:$0x1FB00];
	vm6 =	vlt.f32 v13, v0;
	vm7 =	vlt.f32 v15, v0;
	v9 =	vmax.f32 v9, v22  }
0x267: {  	v48 =	vmax.f32 v45, v46;
	v2 =	vmax.f32 v2, v5;
	v51 =	vmax.f32 v52, v37  }
0x268: {  	v30 =	vld [tilespmem:$0x1FB20];
	v45 =	vmax.f32 v4, v11;
	v29 =	vnsel vm13, $0x0, v28;
	v47 =	vmax.f32 v7, v9  }
0x269: {  	v22 =	vld [tilespmem:$0x1FB10];
	vm13 =	vlt.f32 v21, v0;
	v2 =	vmax.f32 v2, v47;
	vm9 =	vlt.f32 v42, v0  }
0x26a: {  	v46 =	vld [tilespmem:$0x1FB30];
	v44 =	vnsel vm9, $0x0, v42;
	vm14 =	vlt.f32 v58, v0;
	vm4 =	vlt.f32 v61, v0  }
0x26b: {  	vm5 =	vlt.f32 v62, v0;
	vm9 =	vlt.f32 v38, v0;
	vm10 =	vlt.f32 v16, v0  }
0x26c: {  	v42 =	vnsel vm15, $0x0, v33;
	vm15 =	vlt.f32 v18, v0;
	v55 =	vmax.f32 v39, v44  }
0x26d: {  	v59 =	vnsel vm14, $0x0, v58;
	v7 =	vnsel vm4, $0x0, v61;
	v63 =	vnsel vm5, $0x0, v62  }
0x26e: {  	v14 =	vnsel vm9, $0x0, v38;
	vm11 =	vlt.f32 v22, v0;
	v23 =	vnsel vm10, $0x0, v16  }
0x26f: {  	vm14 =	vlt.f32 v30, v0;
	vm4 =	vlt.f32 v46, v0;
	vm9 =	vlt.f32 v49, v0  }
0x270: {  	v52 =	vmax.f32 v55, v48;
	v55 =	vnsel vm12, $0x0, v12;
	v5 =	vmax.f32 v59, v60  }
0x271: {  	v47 =	vld [tilespmem:$0x1FB40];
	v7 =	vmax.f32 v7, v63;
	v12 =	vnsel vm8, $0x0, v41;
	v25 =	vnsel vm11, $0x0, v22  }
0x272: {  	vm12 =	vlt.f32 v31, v0;
	v48 =	vnsel vm4, $0x0, v46;
	vm8 =	vlt.f32 v27, v0  }
0x273: {  	v63 =	vnsel vm13, $0x0, v21;
	vm4 =	vlt.f32 v6, v0;
	vm13 =	vlt.f32 v35, v0  }
0x274: {  	v54 =	vmax.f32 v51, v52;
	v43 =	vmax.f32 v12, v14;
	v41 =	vmax.f32 v23, v25  }
0x275: {  	v26 =	vnsel vm12, $0x0, v31;
	v31 =	vnsel vm14, $0x0, v30;
	v44 =	vmax.f32 v7, v45  }
0x276: {  	vm5 =	vlt.f32 v47, v0;
	v52 =	vnsel vm6, $0x0, v13;
	vm12 =	vlt.f32 v10, v0  }
0x277: {  	vm14 =	vlt.f32 v20, v0;
	v11 =	vnsel vm4, $0x0, v6;
	vm6 =	vlt.f32 v17, v0  }
0x278: {  	v28 =	vld [tilespmem:$0x1FB70];
	vm4 =	vlt.f32 v8, v0;
	v9 =	vmax.f32 v2, v54;
	v2 =	vmax.f32 v55, v56  }
0x279: {  	v37 =	vmax.f32 v26, v29;
	v34 =	vmax.f32 v31, v42;
	v45 =	vmax.f32 v43, v41  }
0x27a: {  	v51 =	vnsel vm5, $0x0, v47;
	v54 =	vnsel vm7, $0x0, v15;
	v55 =	vnsel vm8, $0x0, v27  }
0x27b: {  	v56 =	vnsel vm9, $0x0, v49;
	v62 =	vnsel vm12, $0x0, v10;
	v4 =	vnsel vm14, $0x0, v20  }
0x27c: {  	v10 =	vnsel vm15, $0x0, v18;
	vm5 =	vlt.f32 v19, v0;
	vm7 =	vlt.f32 v40, v0  }
0x27d: {  	v13 =	vnsel vm6, $0x0, v17;
	vm8 =	vlt.f32 v28, v0;
	vm12 =	vlt.f32 v36, v0  }
0x27e: {  	v58 =	vld [tilespmem:$0x1FB50];
	v41 =	vnsel vm4, $0x0, v8;
	v2 =	vmax.f32 v2, v5;
	v34 =	vmax.f32 v37, v34  }
0x27f: {  	v7 =	vmax.f32 v48, v51;
	v33 =	vmax.f32 v52, v54;
	v31 =	vmax.f32 v55, v56  }
0x280: {  	v38 =	vld [tilespmem:$0x1FBA0];
	v27 =	vmax.f32 v62, v63;
	v25 =	vmax.f32 v4, v10;
	v12 =	vnsel vm5, $0x0, v19  }
0x281: {  	v59 =	vld [tilespmem:$0x1FB60];
	v14 =	vnsel vm7, $0x0, v40;
	v30 =	vnsel vm8, $0x0, v28;
	vm5 =	vlt.f32 v24, v0  }
0x282: {  	vm7 =	vlt.f32 v50, v0;
	v2 =	vmax.f32 v2, v44;
	v5 =	vmax.f32 v45, v34  }
0x283: {  	vm10 =	vlt.f32 v58, v0;
	v22 =	vmax.f32 v11, v12;
	v16 =	vmax.f32 v13, v14  }
0x284: {  	v46 =	vld [tilespmem:$0x1FBC0];
	v7 =	vmax.f32 v7, v33;
	v27 =	vmax.f32 v27, v25;
	v34 =	vnsel vm12, $0x0, v36  }
0x285: {  	v43 =	vld [tilespmem:$0x1FBB0];
	v36 =	vnsel vm13, $0x0, v35;
	vm15 =	vlt.f32 v38, v0;
	v42 =	vnsel vm5, $0x0, v24  }
0x286: {  	v49 =	vld [tilespmem:$0x1FBF0];
	v45 =	vnsel vm7, $0x0, v50;
	vm11 =	vlt.f32 v59, v0;
	v60 =	vnsel vm10, $0x0, v58  }
0x287: {  	v37 =	vld [tilespmem:$0x1FB90];
	v16 =	vmax.f32 v22, v16;
	vm10 =	vlt.f32 v1, v0;
	v61 =	vnsel vm11, $0x0, v59  }
0x288: {  	v48 =	vld [tilespmem:$0x1FBE0];
	v15 =	vmax.f32 v34, v36;
	v40 =	vnsel vm15, $0x0, v38;
	v29 =	vmax.f32 v60, v61  }
0x289: {  	v11 =	vmax.f32 v41, v42;
	vm8 =	vlt.f32 v46, v0;
	v26 =	vmax.f32 v31, v29;
	v29 =	vld [tilespmem:$0x1FB80]  }
0x28a: {  	v47 =	vld [tilespmem:$0x1FBD0];
	v32 =	vnsel vm10, $0x0, v1;
	vm11 =	vlt.f32 v3, v0;
	v50 =	vnsel vm8, $0x0, v46  }
0x28b: {  	v56 =	vmax.f32 v27, v16;
	v33 =	vnsel vm11, $0x0, v3;
	vm6 =	vlt.f32 v43, v0  }
0x28c: {  	vm11 =	vlt.f32 v49, v0;
	v17 =	vmax.f32 v32, v33;
	vm14 =	vlt.f32 v37, v0  }
0x28d: {  	v44 =	vnsel vm6, $0x0, v43;
	vm10 =	vlt.f32 v48, v0;
	v52 =	vnsel vm11, $0x0, v49  }
0x28e: {  	v39 =	vnsel vm14, $0x0, v37;
	v8 =	vmax.f32 v44, v45;
	vm9 =	vlt.f32 v29, v0  }
0x28f: {  	v51 =	vnsel vm10, $0x0, v48;
	v31 =	vnsel vm9, $0x0, v29;
	vm9 =	vlt.f32 v47, v0  }
0x290: {  	v13 =	vmax.f32 v39, v40;
	v3 =	vmax.f32 v51, v52;
	v4 =	vnsel vm9, $0x0, v47  }
0x291: {  	v59 =	vld [tilespmem:$0x1FC00];
	v8 =	vmax.f32 v11, v8;
	v20 =	vmax.f32 v30, v31;
	v0 =	vmax.f32 v50, v4  }
0x292: {  	v55 =	vmax.f32 v15, v13;
	v54 =	vmax.f32 v20, v17;
	v0 =	vmax.f32 v0, v3  }
0x293: {  	v7 =	vmax.f32 v7, v26;
	v4 =	vmax.f32 v54, v55;
	v0 =	vmax.f32 v8, v0  }
0x294: {  	v2 =	vmax.f32 v2, v5;
	v3 =	vmax.f32 v7, v56;
	v0 =	vmax.f32 v4, v0  }
0x295: {  	v2 =	vmax.f32 v9, v2;
	v0 =	vmax.f32 v3, v0  }
0x296: {  	v2 =	vmax.f32 v2, v0  }
0x297: {  	vm12 =	vge.f32 v57, v2  }
0x298: {  	[tilespmem:$0x9F80] =	vst v49;
	v58 =	vnsel vm12, $0x0, v57  }
0x299: {  	v60 =	vld [tilespmem:$0x1FC10];
	[tilespmem:v59+s7+$0x0] =	vst.idx.msk $0xffff, v58  }
0x29a: {  	v0 =	vld [tilespmem:$0x8080];
	_ =	sdelay $0x4  }
0x29b: {  	vm13 =	vge.f32 v0, v2  }
0x29c: {  	v0 =	vnsel vm13, $0x0, v0  }
0x29d: {  	v61 =	vld [tilespmem:$0x1FC20];
	[tilespmem:v60+s7+$0x0] =	vst.idx.msk $0xffff, v0  }
0x29e: {  	v0 =	vld [tilespmem:$0x8100];
	_ =	sdelay $0x4  }
0x29f: {  	vm14 =	vge.f32 v0, v2  }
0x2a0: {  	v0 =	vnsel vm14, $0x0, v0  }
0x2a1: {  	v62 =	vld [tilespmem:$0x1FC30];
	[tilespmem:v61+s7+$0x0] =	vst.idx.msk $0xffff, v0  }
0x2a2: {  	v0 =	vld [tilespmem:$0x8180];
	_ =	sdelay $0x4  }
0x2a3: {  	vm15 =	vge.f32 v0, v2  }
0x2a4: {  	v0 =	vnsel vm15, $0x0, v0  }
0x2a5: {  	v63 =	vld [tilespmem:$0x1FC40];
	[tilespmem:v62+s7+$0x0] =	vst.idx.msk $0xffff, v0  }
0x2a6: {  	v0 =	vld [tilespmem:$0x8200];
	_ =	sdelay $0x4  }
0x2a7: {  	vm4 =	vge.f32 v0, v2  }
0x2a8: {  	v0 =	vnsel vm4, $0x0, v0  }
0x2a9: {  	v4 =	vld [tilespmem:$0x1FC50];
	[tilespmem:v63+s7+$0x0] =	vst.idx.msk $0xffff, v0  }
0x2aa: {  	v0 =	vld [tilespmem:$0x8280];
	_ =	sdelay $0x4  }
0x2ab: {  	vm5 =	vge.f32 v0, v2  }
0x2ac: {  	v0 =	vnsel vm5, $0x0, v0  }
0x2ad: {  	v5 =	vld [tilespmem:$0x1FC60];
	[tilespmem:v4+s7+$0x0] =	vst.idx.msk $0xffff, v0  }
0x2ae: {  	v0 =	vld [tilespmem:$0x8300];
	_ =	sdelay $0x4  }
0x2af: {  	vm6 =	vge.f32 v0, v2  }
0x2b0: {  	v0 =	vnsel vm6, $0x0, v0  }
0x2b1: {  	v6 =	vld [tilespmem:$0x1FC70];
	[tilespmem:v5+s7+$0x0] =	vst.idx.msk $0xffff, v0  }
0x2b2: {  	v0 =	vld [tilespmem:$0x8380];
	_ =	sdelay $0x4  }
0x2b3: {  	vm7 =	vge.f32 v0, v2  }
0x2b4: {  	v0 =	vnsel vm7, $0x0, v0  }
0x2b5: {  	v7 =	vld [tilespmem:$0x1FC80];
	[tilespmem:v6+s7+$0x0] =	vst.idx.msk $0xffff, v0  }
0x2b6: {  	v0 =	vld [tilespmem:$0x8400];
	_ =	sdelay $0x4  }
0x2b7: {  	vm8 =	vge.f32 v0, v2  }
0x2b8: {  	v0 =	vnsel vm8, $0x0, v0  }
0x2b9: {  	v8 =	vld [tilespmem:$0x1FC90];
	[tilespmem:v7+s7+$0x0] =	vst.idx.msk $0xffff, v0  }
0x2ba: {  	v0 =	vld [tilespmem:$0x8480];
	_ =	sdelay $0x4  }
0x2bb: {  	vm9 =	vge.f32 v0, v2  }
0x2bc: {  	v0 =	vnsel vm9, $0x0, v0  }
0x2bd: {  	v9 =	vld [tilespmem:$0x1FCA0];
	[tilespmem:v8+s7+$0x0] =	vst.idx.msk $0xffff, v0  }
0x2be: {  	v0 =	vld [tilespmem:$0x8500];
	_ =	sdelay $0x4  }
0x2bf: {  	vm10 =	vge.f32 v0, v2  }
0x2c0: {  	v0 =	vnsel vm10, $0x0, v0  }
0x2c1: {  	v10 =	vld [tilespmem:$0x1FCB0];
	[tilespmem:v9+s7+$0x0] =	vst.idx.msk $0xffff, v0  }
0x2c2: {  	v0 =	vld [tilespmem:$0x8580];
	_ =	sdelay $0x4  }
0x2c3: {  	vm11 =	vge.f32 v0, v2  }
0x2c4: {  	v0 =	vnsel vm11, $0x0, v0  }
0x2c5: {  	v11 =	vld [tilespmem:$0x1FCC0];
	[tilespmem:v10+s7+$0x0] =	vst.idx.msk $0xffff, v0  }
0x2c6: {  	v0 =	vld [tilespmem:$0x8600];
	_ =	sdelay $0x4  }
0x2c7: {  	vm12 =	vge.f32 v0, v2  }
0x2c8: {  	v0 =	vnsel vm12, $0x0, v0  }
0x2c9: {  	v12 =	vld [tilespmem:$0x1FCD0];
	[tilespmem:v11+s7+$0x0] =	vst.idx.msk $0xffff, v0  }
0x2ca: {  	v0 =	vld [tilespmem:$0x8680];
	_ =	sdelay $0x4  }
0x2cb: {  	vm13 =	vge.f32 v0, v2  }
0x2cc: {  	v0 =	vnsel vm13, $0x0, v0  }
0x2cd: {  	v13 =	vld [tilespmem:$0x1FCE0];
	[tilespmem:v12+s7+$0x0] =	vst.idx.msk $0xffff, v0  }
0x2ce: {  	v0 =	vld [tilespmem:$0x8700];
	_ =	sdelay $0x4  }
0x2cf: {  	vm14 =	vge.f32 v0, v2  }
0x2d0: {  	v0 =	vnsel vm14, $0x0, v0  }
0x2d1: {  	v14 =	vld [tilespmem:$0x1FCF0];
	[tilespmem:v13+s7+$0x0] =	vst.idx.msk $0xffff, v0  }
0x2d2: {  	v0 =	vld [tilespmem:$0x8780];
	_ =	sdelay $0x4  }
0x2d3: {  	vm15 =	vge.f32 v0, v2  }
0x2d4: {  	v0 =	vnsel vm15, $0x0, v0  }
0x2d5: {  	v15 =	vld [tilespmem:$0x1FD00];
	[tilespmem:v14+s7+$0x0] =	vst.idx.msk $0xffff, v0  }
0x2d6: {  	v0 =	vld [tilespmem:$0x8800];
	_ =	sdelay $0x4  }
0x2d7: {  	vm4 =	vge.f32 v0, v2  }
0x2d8: {  	v0 =	vnsel vm4, $0x0, v0  }
0x2d9: {  	v16 =	vld [tilespmem:$0x1FD10];
	[tilespmem:v15+s7+$0x0] =	vst.idx.msk $0xffff, v0  }
0x2da: {  	v0 =	vld [tilespmem:$0x8880];
	_ =	sdelay $0x4  }
0x2db: {  	vm5 =	vge.f32 v0, v2  }
0x2dc: {  	v0 =	vnsel vm5, $0x0, v0  }
0x2dd: {  	v17 =	vld [tilespmem:$0x1FD20];
	[tilespmem:v16+s7+$0x0] =	vst.idx.msk $0xffff, v0  }
0x2de: {  	v0 =	vld [tilespmem:$0x8900];
	_ =	sdelay $0x4  }
0x2df: {  	vm6 =	vge.f32 v0, v2  }
0x2e0: {  	v0 =	vnsel vm6, $0x0, v0  }
0x2e1: {  	v18 =	vld [tilespmem:$0x1FD30];
	[tilespmem:v17+s7+$0x0] =	vst.idx.msk $0xffff, v0  }
0x2e2: {  	v0 =	vld [tilespmem:$0x8980];
	_ =	sdelay $0x4  }
0x2e3: {  	vm7 =	vge.f32 v0, v2  }
0x2e4: {  	v0 =	vnsel vm7, $0x0, v0  }
0x2e5: {  	v19 =	vld [tilespmem:$0x1FD40];
	[tilespmem:v18+s7+$0x0] =	vst.idx.msk $0xffff, v0  }
0x2e6: {  	v0 =	vld [tilespmem:$0x8A00];
	_ =	sdelay $0x4  }
0x2e7: {  	vm8 =	vge.f32 v0, v2  }
0x2e8: {  	v0 =	vnsel vm8, $0x0, v0  }
0x2e9: {  	v20 =	vld [tilespmem:$0x1FD50];
	[tilespmem:v19+s7+$0x0] =	vst.idx.msk $0xffff, v0  }
0x2ea: {  	v0 =	vld [tilespmem:$0x8A80];
	_ =	sdelay $0x4  }
0x2eb: {  	vm9 =	vge.f32 v0, v2  }
0x2ec: {  	v0 =	vnsel vm9, $0x0, v0  }
0x2ed: {  	v21 =	vld [tilespmem:$0x1FD60];
	[tilespmem:v20+s7+$0x0] =	vst.idx.msk $0xffff, v0  }
0x2ee: {  	v0 =	vld [tilespmem:$0x8B00];
	_ =	sdelay $0x4  }
0x2ef: {  	vm10 =	vge.f32 v0, v2  }
0x2f0: {  	v0 =	vnsel vm10, $0x0, v0  }
0x2f1: {  	v22 =	vld [tilespmem:$0x1FD70];
	[tilespmem:v21+s7+$0x0] =	vst.idx.msk $0xffff, v0  }
0x2f2: {  	v0 =	vld [tilespmem:$0x8B80];
	_ =	sdelay $0x4  }
0x2f3: {  	vm11 =	vge.f32 v0, v2  }
0x2f4: {  	v0 =	vnsel vm11, $0x0, v0  }
0x2f5: {  	v23 =	vld [tilespmem:$0x1FD80];
	[tilespmem:v22+s7+$0x0] =	vst.idx.msk $0xffff, v0  }
0x2f6: {  	v0 =	vld [tilespmem:$0x8C00];
	_ =	sdelay $0x4  }
0x2f7: {  	vm12 =	vge.f32 v0, v2  }
0x2f8: {  	v0 =	vnsel vm12, $0x0, v0  }
0x2f9: {  	v24 =	vld [tilespmem:$0x1FD90];
	[tilespmem:v23+s7+$0x0] =	vst.idx.msk $0xffff, v0  }
0x2fa: {  	v0 =	vld [tilespmem:$0x8C80];
	_ =	sdelay $0x4  }
0x2fb: {  	vm13 =	vge.f32 v0, v2  }
0x2fc: {  	v0 =	vnsel vm13, $0x0, v0  }
0x2fd: {  	v25 =	vld [tilespmem:$0x1FDA0];
	[tilespmem:v24+s7+$0x0] =	vst.idx.msk $0xffff, v0  }
0x2fe: {  	v0 =	vld [tilespmem:$0x8D00];
	_ =	sdelay $0x4  }
0x2ff: {  	vm14 =	vge.f32 v0, v2  }
0x300: {  	v0 =	vnsel vm14, $0x0, v0  }
0x301: {  	v26 =	vld [tilespmem:$0x1FDB0];
	[tilespmem:v25+s7+$0x0] =	vst.idx.msk $0xffff, v0  }
0x302: {  	v0 =	vld [tilespmem:$0x8D80];
	_ =	sdelay $0x4  }
0x303: {  	vm15 =	vge.f32 v0, v2  }
0x304: {  	v0 =	vnsel vm15, $0x0, v0  }
0x305: {  	v27 =	vld [tilespmem:$0x1FDC0];
	[tilespmem:v26+s7+$0x0] =	vst.idx.msk $0xffff, v0  }
0x306: {  	v0 =	vld [tilespmem:$0x8E00];
	_ =	sdelay $0x4  }
0x307: {  	vm4 =	vge.f32 v0, v2  }
0x308: {  	v0 =	vnsel vm4, $0x0, v0  }
0x309: {  	v28 =	vld [tilespmem:$0x1FDD0];
	[tilespmem:v27+s7+$0x0] =	vst.idx.msk $0xffff, v0  }
0x30a: {  	v0 =	vld [tilespmem:$0x8E80];
	_ =	sdelay $0x4  }
0x30b: {  	vm5 =	vge.f32 v0, v2  }
0x30c: {  	v0 =	vnsel vm5, $0x0, v0  }
0x30d: {  	v29 =	vld [tilespmem:$0x1FDE0];
	[tilespmem:v28+s7+$0x0] =	vst.idx.msk $0xffff, v0  }
0x30e: {  	v0 =	vld [tilespmem:$0x8F00];
	_ =	sdelay $0x4  }
0x30f: {  	vm6 =	vge.f32 v0, v2  }
0x310: {  	v0 =	vnsel vm6, $0x0, v0  }
0x311: {  	v30 =	vld [tilespmem:$0x1FDF0];
	[tilespmem:v29+s7+$0x0] =	vst.idx.msk $0xffff, v0  }
0x312: {  	v0 =	vld [tilespmem:$0x8F80];
	_ =	sdelay $0x4  }
0x313: {  	vm7 =	vge.f32 v0, v2  }
0x314: {  	v0 =	vnsel vm7, $0x0, v0  }
0x315: {  	v31 =	vld [tilespmem:$0x1FE00];
	[tilespmem:v30+s7+$0x0] =	vst.idx.msk $0xffff, v0  }
0x316: {  	v0 =	vld [tilespmem:$0x9000];
	_ =	sdelay $0x4  }
0x317: {  	vm8 =	vge.f32 v0, v2  }
0x318: {  	v0 =	vnsel vm8, $0x0, v0  }
0x319: {  	v32 =	vld [tilespmem:$0x1FE10];
	[tilespmem:v31+s7+$0x0] =	vst.idx.msk $0xffff, v0  }
0x31a: {  	v0 =	vld [tilespmem:$0x9080];
	_ =	sdelay $0x4  }
0x31b: {  	vm9 =	vge.f32 v0, v2  }
0x31c: {  	v0 =	vnsel vm9, $0x0, v0  }
0x31d: {  	v33 =	vld [tilespmem:$0x1FE20];
	[tilespmem:v32+s7+$0x0] =	vst.idx.msk $0xffff, v0  }
0x31e: {  	v0 =	vld [tilespmem:$0x9100];
	_ =	sdelay $0x4  }
0x31f: {  	vm10 =	vge.f32 v0, v2  }
0x320: {  	v0 =	vnsel vm10, $0x0, v0  }
0x321: {  	v34 =	vld [tilespmem:$0x1FE30];
	[tilespmem:v33+s7+$0x0] =	vst.idx.msk $0xffff, v0  }
0x322: {  	v0 =	vld [tilespmem:$0x9180];
	_ =	sdelay $0x4  }
0x323: {  	vm11 =	vge.f32 v0, v2  }
0x324: {  	v0 =	vnsel vm11, $0x0, v0  }
0x325: {  	v35 =	vld [tilespmem:$0x1FE40];
	[tilespmem:v34+s7+$0x0] =	vst.idx.msk $0xffff, v0  }
0x326: {  	v0 =	vld [tilespmem:$0x9200];
	_ =	sdelay $0x4  }
0x327: {  	vm12 =	vge.f32 v0, v2  }
0x328: {  	v0 =	vnsel vm12, $0x0, v0  }
0x329: {  	v36 =	vld [tilespmem:$0x1FE50];
	[tilespmem:v35+s7+$0x0] =	vst.idx.msk $0xffff, v0  }
0x32a: {  	v0 =	vld [tilespmem:$0x9280];
	_ =	sdelay $0x4  }
0x32b: {  	vm13 =	vge.f32 v0, v2  }
0x32c: {  	v0 =	vnsel vm13, $0x0, v0  }
0x32d: {  	v37 =	vld [tilespmem:$0x1FE60];
	[tilespmem:v36+s7+$0x0] =	vst.idx.msk $0xffff, v0  }
0x32e: {  	v0 =	vld [tilespmem:$0x9300];
	_ =	sdelay $0x4  }
0x32f: {  	vm14 =	vge.f32 v0, v2  }
0x330: {  	v0 =	vnsel vm14, $0x0, v0  }
0x331: {  	v38 =	vld [tilespmem:$0x1FE70];
	[tilespmem:v37+s7+$0x0] =	vst.idx.msk $0xffff, v0  }
0x332: {  	v0 =	vld [tilespmem:$0x9380];
	_ =	sdelay $0x4  }
0x333: {  	vm15 =	vge.f32 v0, v2  }
0x334: {  	v0 =	vnsel vm15, $0x0, v0  }
0x335: {  	v39 =	vld [tilespmem:$0x1FE80];
	[tilespmem:v38+s7+$0x0] =	vst.idx.msk $0xffff, v0  }
0x336: {  	v0 =	vld [tilespmem:$0x9400];
	_ =	sdelay $0x4  }
0x337: {  	vm4 =	vge.f32 v0, v2  }
0x338: {  	v0 =	vnsel vm4, $0x0, v0  }
0x339: {  	v40 =	vld [tilespmem:$0x1FE90];
	[tilespmem:v39+s7+$0x0] =	vst.idx.msk $0xffff, v0  }
0x33a: {  	v0 =	vld [tilespmem:$0x9480];
	_ =	sdelay $0x4  }
0x33b: {  	vm5 =	vge.f32 v0, v2  }
0x33c: {  	v0 =	vnsel vm5, $0x0, v0  }
0x33d: {  	v41 =	vld [tilespmem:$0x1FEA0];
	[tilespmem:v40+s7+$0x0] =	vst.idx.msk $0xffff, v0  }
0x33e: {  	v0 =	vld [tilespmem:$0x9500];
	_ =	sdelay $0x4  }
0x33f: {  	vm6 =	vge.f32 v0, v2  }
0x340: {  	v0 =	vnsel vm6, $0x0, v0  }
0x341: {  	v42 =	vld [tilespmem:$0x1FEB0];
	[tilespmem:v41+s7+$0x0] =	vst.idx.msk $0xffff, v0  }
0x342: {  	v0 =	vld [tilespmem:$0x9580];
	_ =	sdelay $0x4  }
0x343: {  	vm7 =	vge.f32 v0, v2  }
0x344: {  	v0 =	vnsel vm7, $0x0, v0  }
0x345: {  	v43 =	vld [tilespmem:$0x1FEC0];
	[tilespmem:v42+s7+$0x0] =	vst.idx.msk $0xffff, v0  }
0x346: {  	v0 =	vld [tilespmem:$0x9600];
	_ =	sdelay $0x4  }
0x347: {  	vm8 =	vge.f32 v0, v2  }
0x348: {  	v0 =	vnsel vm8, $0x0, v0  }
0x349: {  	v44 =	vld [tilespmem:$0x1FED0];
	[tilespmem:v43+s7+$0x0] =	vst.idx.msk $0xffff, v0  }
0x34a: {  	v0 =	vld [tilespmem:$0x9680];
	_ =	sdelay $0x4  }
0x34b: {  	vm9 =	vge.f32 v0, v2  }
0x34c: {  	v0 =	vnsel vm9, $0x0, v0  }
0x34d: {  	v45 =	vld [tilespmem:$0x1FEE0];
	[tilespmem:v44+s7+$0x0] =	vst.idx.msk $0xffff, v0  }
0x34e: {  	v0 =	vld [tilespmem:$0x9700];
	_ =	sdelay $0x4  }
0x34f: {  	vm10 =	vge.f32 v0, v2  }
0x350: {  	v0 =	vnsel vm10, $0x0, v0  }
0x351: {  	v46 =	vld [tilespmem:$0x1FEF0];
	[tilespmem:v45+s7+$0x0] =	vst.idx.msk $0xffff, v0  }
0x352: {  	v0 =	vld [tilespmem:$0x9780];
	_ =	sdelay $0x4  }
0x353: {  	vm11 =	vge.f32 v0, v2  }
0x354: {  	v0 =	vnsel vm11, $0x0, v0  }
0x355: {  	v47 =	vld [tilespmem:$0x1FF00];
	[tilespmem:v46+s7+$0x0] =	vst.idx.msk $0xffff, v0  }
0x356: {  	v0 =	vld [tilespmem:$0x9800];
	_ =	sdelay $0x4  }
0x357: {  	vm12 =	vge.f32 v0, v2  }
0x358: {  	v0 =	vnsel vm12, $0x0, v0  }
0x359: {  	v48 =	vld [tilespmem:$0x1FF10];
	[tilespmem:v47+s7+$0x0] =	vst.idx.msk $0xffff, v0  }
0x35a: {  	v0 =	vld [tilespmem:$0x9880];
	_ =	sdelay $0x4  }
0x35b: {  	vm13 =	vge.f32 v0, v2  }
0x35c: {  	v0 =	vnsel vm13, $0x0, v0  }
0x35d: {  	v49 =	vld [tilespmem:$0x1FF20];
	[tilespmem:v48+s7+$0x0] =	vst.idx.msk $0xffff, v0  }
0x35e: {  	v0 =	vld [tilespmem:$0x9900];
	_ =	sdelay $0x4  }
0x35f: {  	vm14 =	vge.f32 v0, v2  }
0x360: {  	v0 =	vnsel vm14, $0x0, v0  }
0x361: {  	v50 =	vld [tilespmem:$0x1FF30];
	[tilespmem:v49+s7+$0x0] =	vst.idx.msk $0xffff, v0  }
0x362: {  	v0 =	vld [tilespmem:$0x9980];
	_ =	sdelay $0x4  }
0x363: {  	vm15 =	vge.f32 v0, v2  }
0x364: {  	v0 =	vnsel vm15, $0x0, v0  }
0x365: {  	v51 =	vld [tilespmem:$0x1FF40];
	[tilespmem:v50+s7+$0x0] =	vst.idx.msk $0xffff, v0  }
0x366: {  	v0 =	vld [tilespmem:$0x9A00];
	_ =	sdelay $0x4  }
0x367: {  	vm4 =	vge.f32 v0, v2  }
0x368: {  	v0 =	vnsel vm4, $0x0, v0  }
0x369: {  	v52 =	vld [tilespmem:$0x1FF50];
	[tilespmem:v51+s7+$0x0] =	vst.idx.msk $0xffff, v0  }
0x36a: {  	v0 =	vld [tilespmem:$0x9A80];
	_ =	sdelay $0x4  }
0x36b: {  	vm5 =	vge.f32 v0, v2  }
0x36c: {  	v0 =	vnsel vm5, $0x0, v0  }
0x36d: {  	v54 =	vld [tilespmem:$0x1FF60];
	[tilespmem:v52+s7+$0x0] =	vst.idx.msk $0xffff, v0  }
0x36e: {  	v0 =	vld [tilespmem:$0x9B00];
	_ =	sdelay $0x4  }
0x36f: {  	vm6 =	vge.f32 v0, v2  }
0x370: {  	v0 =	vnsel vm6, $0x0, v0  }
0x371: {  	v55 =	vld [tilespmem:$0x1FF70];
	[tilespmem:v54+s7+$0x0] =	vst.idx.msk $0xffff, v0  }
0x372: {  	v0 =	vld [tilespmem:$0x9B80];
	_ =	sdelay $0x4  }
0x373: {  	vm7 =	vge.f32 v0, v2  }
0x374: {  	v0 =	vnsel vm7, $0x0, v0  }
0x375: {  	v56 =	vld [tilespmem:$0x1FF80];
	[tilespmem:v55+s7+$0x0] =	vst.idx.msk $0xffff, v0  }
0x376: {  	v0 =	vld [tilespmem:$0x9C00];
	_ =	sdelay $0x4  }
0x377: {  	vm8 =	vge.f32 v0, v2  }
0x378: {  	v0 =	vnsel vm8, $0x0, v0  }
0x379: {  	v57 =	vld [tilespmem:$0x1FF90];
	[tilespmem:v56+s7+$0x0] =	vst.idx.msk $0xffff, v0  }
0x37a: {  	v0 =	vld [tilespmem:$0x9C80];
	_ =	sdelay $0x4  }
0x37b: {  	vm9 =	vge.f32 v0, v2  }
0x37c: {  	v0 =	vnsel vm9, $0x0, v0  }
0x37d: {  	v58 =	vld [tilespmem:$0x1FFA0];
	[tilespmem:v57+s7+$0x0] =	vst.idx.msk $0xffff, v0  }
0x37e: {  	v0 =	vld [tilespmem:$0x9D00];
	_ =	sdelay $0x4  }
0x37f: {  	vm10 =	vge.f32 v0, v2  }
0x380: {  	v0 =	vnsel vm10, $0x0, v0  }
0x381: {  	v59 =	vld [tilespmem:$0x1FFB0];
	[tilespmem:v58+s7+$0x0] =	vst.idx.msk $0xffff, v0  }
0x382: {  	v0 =	vld [tilespmem:$0x9D80];
	_ =	sdelay $0x4  }
0x383: {  	vm11 =	vge.f32 v0, v2  }
0x384: {  	v0 =	vnsel vm11, $0x0, v0  }
0x385: {  	v60 =	vld [tilespmem:$0x1FFC0];
	[tilespmem:v59+s7+$0x0] =	vst.idx.msk $0xffff, v0  }
0x386: {  	v0 =	vld [tilespmem:$0x9E00];
	_ =	sdelay $0x4  }
0x387: {  	vm12 =	vge.f32 v0, v2  }
0x388: {  	v0 =	vnsel vm12, $0x0, v0  }
0x389: {  	v61 =	vld [tilespmem:$0x1FFD0];
	[tilespmem:v60+s7+$0x0] =	vst.idx.msk $0xffff, v0  }
0x38a: {  	v0 =	vld [tilespmem:$0x9E80];
	_ =	sdelay $0x4  }
0x38b: {  	vm13 =	vge.f32 v0, v2  }
0x38c: {  	v0 =	vnsel vm13, $0x0, v0  }
0x38d: {  	v62 =	vld [tilespmem:$0x1FFE0];
	[tilespmem:v61+s7+$0x0] =	vst.idx.msk $0xffff, v0  }
0x38e: {  	v0 =	vld [tilespmem:$0x9F00];
	_ =	sdelay $0x4  }
0x38f: {  	vm14 =	vge.f32 v0, v2  }
0x390: {  	v0 =	vnsel vm14, $0x0, v0  }
0x391: {  	v63 =	vld [tilespmem:$0x1FFF0];
	[tilespmem:v62+s7+$0x0] =	vst.idx.msk $0xffff, v0  }
0x392: {  	v0 =	vld [tilespmem:$0x9F80];
	_ =	sdelay $0x1  }
0x393: {  	p0 =	sne.s32 s9, $0x3C3F  }
.Ltmp0:
0x394: {  	_ = 	snop;
	(pc) =	sbr.rel @p0 .LBB2_2-.Ltmp0, $4  }
0x395: {  	_ = 	snop  }
0x396: {  	vm15 =	vge.f32 v0, v2  }
0x397: {  	v0 =	vnsel vm15, $0x0, v0  }
0x398: {  	s9 =	sadd.s32 $0x400, s9;
	[tilespmem:v63+s7+$0x0] =	vst.idx.msk $0xffff, v0  }
0x399: {  	s8 =	sadd.s32 $0x1, s8  }
0x39a: {  	p0 =	sne.s32 s8, s5  }
.Ltmp1:
0x39b: {  	_ = 	snop;
	(pc) =	sbr.rel @p0 .LBB2_1-.Ltmp1, $4  }
0x39c: {  	[hbm4b:s4+s2] =	stream.linear.scatter [tilespmem:s7], [sflag:$0x1], $0x4000, $0x38;
	[tilespmem:$0xA000] =	vst v63  }
0x39d: {  	_ =	swait.ge [sflag:s6], $0x4000  }
0x39e: {  	[sflag:s6] =	ssyncset.done $0x0  }
0x39f: {  	[sflag:s6] =	ssyncadd.s32 $0xFFFFC000  }
0x3a0: {  	_ =	sfence.sel $0x180000  }
0x3a1: {  	[bflag:$0x0] =	sbarrier.arrive $0xFFFF  }
0x3a2: {  	p0 =	sne.s32 s1, $0x0;
	_ =	strace $0x90000047  }
0x3a3: {  	s0 =	sadd.s32 @!p0 $0x100000, s0;
	[bflag:$0x2] =	sbarrier.arrive $0xFFFF  }
0x3a4: {  	[sflag:s0] =	ssyncadd.tile.s32 @!p0 $0x1;
	_ =	shalt  }
.Lfunc_end2:
_tile_overlayer_lowered:
.L_overlay_start_2:
0x3a5: {  	(tag) =	ssettag $0x2  }
0x3a6: {  	s0 =	rddreg [dreg:$0x0];
	s2 =	stileid.u32  }
0x3a7: {  	s1 =	rddreg [dreg:$0x1];
	p0 =	sne.s32 s2, $0x0  }
0x3a8: {  	s3 =	rddreg [dreg:$0x2];
	[bflag:$0x3] =	sbarrier.arrive $0xFFFF;
	s2 =	simm.s32 @!p0 $0x1C01  }
0x3a9: {  	[timem:s3], [sflag:s2] =	dma.local @!p0 [hbm:s0], s1  }
0x3aa: {  	s0 =	simm.s32 @!p0 $0x1  }
0x3ab: {  	_ =	swait.ge @!p0 [sflag:s0], s1  }
0x3ac: {  	s1 =	ssub.s32 @!p0 $0x0, s1;
	[sflag:s0] =	ssyncset.done @!p0 $0x0  }
0x3ad: {  	[sflag:s0] =	ssyncadd.s32 @!p0 s1  }
0x3ae: {  	[bflag:$0x3] =	sbarrier.arrive $0xFFFF  }
0x3af: {  	_ =	shalt  }

</sc_bundles>
